<compile_context>
chip_gen: v7x
topology: tpu7x:2x2x1
jax: 0.10.2.dev20260603
libtpu: 0.0.44.dev20260713+nightly
codegen_flags: <defaults>
</compile_context>

<pallas_src>
import functools

import jax
import jax.numpy as jnp
from jax import lax
from jax.experimental import pallas as pl
from jax.experimental.pallas import tpu as pltpu
from jax.experimental.pallas import tpu_sc as plsc

NIMG = 255
H = 128
W = 128
HW = H * W
NCELLS = NIMG * HW
LAM_NOOBJ = 0.5

NLAB = 100_000
NPAD = 100_352
WIN = 2048
NWIN = NPAD // WIN
CHUNK = 4 * HW
NW = 32
SUB = 8192
BLK = 128
LANES = 16


def _dense_obj_sq(output):
    def body(x_ref, o_ref):
        i = pl.program_id(0)

        @pl.when(i == 0)
        def _():
            o_ref[...] = jnp.zeros_like(o_ref)

        v = x_ref[...]
        o_ref[...] += jnp.sum(v * v)

    out = pl.pallas_call(
        body,
        grid=(NIMG,),
        in_specs=[pl.BlockSpec((1, 1, H, W), lambda i: (i, 4, 0, 0))],
        out_specs=pl.BlockSpec((8, 128), lambda i: (0, 0)),
        out_shape=jax.ShapeDtypeStruct((8, 128), jnp.float32),
    )(output)
    return out[0, 0]


def _sc_partials_kernel():
    mesh = plsc.VectorSubcoreMesh(core_axis_name="c", subcore_axis_name="s")
    scratch = [
        pltpu.VMEM((CHUNK,), jnp.int32),
        pltpu.VMEM((WIN, 16), jnp.int32),
        pltpu.VMEM((SUB,), jnp.int32),
        pltpu.VMEM((SUB,), jnp.int32),
        pltpu.VMEM((4 * LANES,), jnp.float32),
        pltpu.VMEM((64,), jnp.float32),
        pltpu.VMEM((BLK,), jnp.int32),
        pltpu.VMEM((5 * BLK,), jnp.int32),
        pltpu.VMEM((BLK, 16), jnp.int32),
        pltpu.VMEM((5 * BLK,), jnp.float32),
        pltpu.SemaphoreType.DMA,
    ]

    @functools.partial(
        pl.kernel,
        out_type=jax.ShapeDtypeStruct((NW, 64), jnp.float32),
        mesh=mesh,
        scratch_types=scratch,
        compiler_params=pltpu.CompilerParams(needs_layout_passes=False, use_tc_tiling_on_sc=False),
    )
    def k(labels_hbm, outT_hbm, out_hbm, wbuf, win, lst_r, lst_f, accs,
          res, ixr, ixf, dlab, dout, sem):
        wid = lax.axis_index("s") * 2 + lax.axis_index("c")
        lanes = lax.iota(jnp.int32, 16)

        for q in range(4):
            accs[pl.ds(q * LANES, LANES)] = jnp.zeros((LANES,), jnp.float32)

        def chunk_body(t, _):
            cid = wid + t * NW
            lo = cid * CHUNK
            clen = jnp.minimum(NCELLS - lo, CHUNK)
            hi = lo + clen

            def zb(i, _):
                z = jnp.zeros((LANES,), jnp.int32)
                for u in range(4):
                    off = pl.multiple_of(i * (4 * LANES) + u * LANES, LANES)
                    wbuf[pl.ds(off, LANES)] = z
                return 0

            lax.fori_loop(0, CHUNK // (4 * LANES), zb, 0)

            def win_body(w, _):
                off = pl.multiple_of(w * WIN, 8)
                pltpu.sync_copy(labels_hbm.at[pl.ds(off, WIN)], win)

                def vec_body(j, _):
                    rows_l = j * LANES + lanes
                    x = plsc.load_gather(win, [rows_l, lanes * 0])
                    y = plsc.load_gather(win, [rows_l, lanes * 0 + 1])
                    img = plsc.load_gather(win, [rows_l, lanes * 0 + 9])
                    f = (img - 1) * HW + (y >> 1) * W + (x >> 1)
                    m = (img >= 1) & (f >= lo) & (f < hi)
                    fl = jnp.where(m, f - lo, 0)
                    rowp1 = w * WIN + j * LANES + lanes + 1
                    g = plsc.load_gather(wbuf, [fl], mask=m)
                    need = m & (rowp1 > jnp.where(m, g, rowp1))

                    def cond(nd):
                        return jnp.any(nd)

                    def body(nd):
                        plsc.store_scatter(wbuf, [fl], rowp1, mask=nd)
                        g2 = plsc.load_gather(wbuf, [fl], mask=m)
                        return m & (rowp1 > jnp.where(m, g2, rowp1))

                    lax.while_loop(cond, body, need)
                    return 0

                lax.fori_loop(0, WIN // LANES, vec_body, 0)
                return 0

            lax.fori_loop(0, NWIN, win_body, 0)

            def sub_body(si, _):
                sub_base = si * SUB

                def ex_body(j, cnt):
                    off = pl.multiple_of(sub_base + j * LANES, LANES)
                    wv = wbuf[pl.ds(off, LANES)]
                    m = wv > 0
                    ones = jnp.where(m, 1, 0)
                    pos = plsc.cumsum(ones) - 1 + cnt
                    posc = jnp.where(m, pos, 0)
                    fvec = lo + off + lanes
                    plsc.store_scatter(lst_r, [posc], wv - 1, mask=m)
                    plsc.store_scatter(lst_f, [posc], fvec, mask=m)
                    return cnt + jnp.sum(ones)

                cnt = lax.fori_loop(0, SUB // LANES, ex_body, 0)
                nblk = (cnt + (BLK - 1)) // BLK

                def blk_body(b, _):
                    for kk in range(BLK // LANES):
                        off = pl.multiple_of(b * BLK + kk * LANES, LANES)
                        lid = b * BLK + kk * LANES + lanes
                        ok = lid < cnt
                        so = pl.ds(kk * LANES, LANES)
                        ixr[so] = jnp.where(ok, lst_r[pl.ds(off, LANES)], 0)
                        fv = jnp.where(ok, lst_f[pl.ds(off, LANES)], 0)
                        e0 = fv + (fv >> 14) * (4 * HW)
                        for q in range(5):
                            ixf[pl.ds(q * BLK + kk * LANES, LANES)] = e0 + q * HW
                    d1 = pltpu.async_copy(outT_hbm.at[ixf], dout, sem)
                    d2 = pltpu.async_copy(labels_hbm.at[ixr], dlab, sem)
                    d1.wait()
                    d2.wait()
                    for kk in range(BLK // LANES):
                        rows = kk * LANES + lanes
                        so = pl.ds(kk * LANES, LANES)
                        lid = b * BLK + kk * LANES + lanes
                        okf = jnp.where(lid < cnt, 1.0, 0.0).astype(jnp.float32)
                        po = dout[pl.ds(4 * BLK + kk * LANES, LANES)]
                        dd = []
                        for c in range(4):
                            p = dout[pl.ds(c * BLK + kk * LANES, LANES)]
                            v = plsc.load_gather(
                                dlab, [rows, lanes * 0 + 4 + c]
                            ).astype(jnp.float32)
                            dd.append(p - v)
                        accs[pl.ds(0, LANES)] += okf * po * po
                        accs[pl.ds(LANES, LANES)] += okf * (
                            dd[0] * dd[0] + dd[1] * dd[1])
                        accs[pl.ds(2 * LANES, LANES)] += okf * (
                            dd[2] * dd[2] + dd[3] * dd[3])
                        accs[pl.ds(3 * LANES, LANES)] += okf
                    return 0

                lax.fori_loop(0, nblk, blk_body, 0)
                return 0

            lax.fori_loop(0, clen // SUB, sub_body, 0)
            return 0

        lax.fori_loop(0, 2, chunk_body, 0)

        for q in range(4):
            res[pl.ds(q * LANES, LANES)] = accs[pl.ds(q * LANES, LANES)]
        pltpu.sync_copy(res, out_hbm.at[wid])

    return k


_SC_KERNEL = _sc_partials_kernel()


def kernel(output, train_labels):
    s_all = _dense_obj_sq(output)

    labels2d = jnp.pad(train_labels, ((0, NPAD - NLAB), (0, 6)))
    outT = output.reshape(-1)
    partials = _SC_KERNEL(labels2d, outT)

    sums = partials.reshape(NW, 4, LANES).sum(axis=(0, 2))
    s_obj, s_vel, s_acc, cntf = sums[0], sums[1], sums[2], sums[3]
    noobj_cnt = NCELLS - cntf
    noobj = (s_all - s_obj) / jnp.maximum(noobj_cnt, 1.0)
    vel = s_vel / jnp.maximum(2.0 * cntf, 1.0)
    acc = s_acc / jnp.maximum(2.0 * cntf, 1.0)
    return LAM_NOOBJ * noobj + vel + acc

# --- scband reference (transcript-rebuilt; emitter-appended) ---
"""Pipeline reference for scband-lstm-loss-2241972928638 (READ-ONLY COPY).

The authoritative reference and input builder live on the scoring server;
editing this copy changes nothing except your own understanding.
"""

import jax, jax.numpy as jnp
import numpy as np

B = 256
H = 128
W = 128
RES = 2
N_LABELS = 100000
LAM_NOOBJ = 0.5
LAM_ACCEL = 1.0
LAM_VEL = 1.0


def setup_inputs(seed: int = 0):
    key = jax.random.key(seed)
    k1, k2 = jax.random.split(key)
    output = jax.random.normal(k1, (B - 1, 5, H, W), dtype=jnp.float32)
    train_labels = jax.random.randint(k2, (N_LABELS, 10), 0, B, dtype=jnp.int32)
    return {"output": output, "train_labels": train_labels}


def _transform(labels):
    # Vectorized, faithful version of transform_LSTM_train.
    # Image indices are 0..B-1 (all present w.h.p. given N_LABELS >> B);
    # torch.unique sorts them so image_idxs[i] == i, and image idx 0 is skipped.
    # Within an image, rows are written in order so the LAST row targeting a
    # given cell wins -> emulate with segment_max over original row index.
    img = labels[:, -1]
    x = labels[:, 0].astype(jnp.float32)
    y = labels[:, 1].astype(jnp.float32)
    xcell = jnp.floor(x / RES).astype(jnp.int32)
    ycell = jnp.floor(y / RES).astype(jnp.int32)
    valid = img >= 1
    slot = img - 1
    n_cells = (B - 1) * H * W
    flat = slot * (H * W) + ycell * W + xcell
    flat = jnp.where(valid, flat, n_cells)  # dump invalid rows into extra slot
    row = jnp.arange(labels.shape[0], dtype=jnp.int32)
    winner = jax.ops.segment_max(row, flat, num_segments=n_cells + 1)
    has = winner >= 0  # empty segments get iinfo.min
    safe = jnp.where(has, winner, 0)
    traj_vals = labels[:, 4:8].astype(jnp.float32)
    traj_flat = jnp.where(has[:, None], traj_vals[safe], 0.0)
    trajectory = traj_flat[:n_cells].reshape(B - 1, H, W, 4).transpose(0, 3, 1, 2)
    obj_present = has[:n_cells].astype(jnp.float32).reshape(B - 1, 1, H, W)
    return trajectory, obj_present


def reference(output, train_labels):
    trajectory, o_m = _transform(train_labels)
    train_vel = trajectory[:, :2, :, :]
    train_accel = trajectory[:, 2:, :, :]
    obj_mask = o_m > 0
    noobj_mask = o_m == 0
    pred_vel = output[:, :2, :, :]
    pred_accel = output[:, 2:4, :, :]
    pred_obj = output[:, 4:5, :, :]
    noobj_cnt = jnp.sum(noobj_mask)
    noobj_loss = jnp.sum(jnp.where(noobj_mask, (pred_obj - o_m) ** 2, 0.0)) / jnp.maximum(noobj_cnt, 1)
    obj_cnt = jnp.sum(obj_mask)
    vel_loss = jnp.sum(jnp.where(obj_mask, (pred_vel - train_vel) ** 2, 0.0)) / jnp.maximum(2 * obj_cnt, 1)
    accel_loss = jnp.sum(jnp.where(obj_mask, (pred_accel - train_accel) ** 2, 0.0)) / jnp.maximum(2 * obj_cnt, 1)
    full = LAM_NOOBJ * noobj_loss + LAM_VEL * vel_loss + LAM_ACCEL * accel_loss
    return jnp.where(obj_cnt == 0, LAM_NOOBJ * noobj_loss, full)

if __name__ == "__main__":
    import jax
    _d = setup_inputs()
    print(jax.jit(kernel)(*tuple(_d.values())))

</pallas_src>

<mosaic_0001>
#map = affine_map<(d0, d1) -> (0, 0)>
#map1 = affine_map<(d0, d1) -> (0)>
module attributes {stable_mosaic.version = 14 : i64} {
  func.func @k(%arg0: i32, %arg1: i32, %arg2: memref<100352x16xi32, #tpu.memory_space<hbm>>, %arg3: memref<20889600xf32, #tpu.memory_space<hbm>>, %arg4: memref<32x64xf32, #tpu.memory_space<hbm>>, %arg5: memref<65536xi32, #tpu.memory_space<vmem>>, %arg6: memref<2048x16xi32, #tpu.memory_space<vmem>>, %arg7: memref<8192xi32, #tpu.memory_space<vmem>>, %arg8: memref<8192xi32, #tpu.memory_space<vmem>>, %arg9: memref<64xf32, #tpu.memory_space<vmem>>, %arg10: memref<64xf32, #tpu.memory_space<vmem>>, %arg11: memref<128xi32, #tpu.memory_space<vmem>>, %arg12: memref<640xi32, #tpu.memory_space<vmem>>, %arg13: memref<128x16xi32, #tpu.memory_space<vmem>>, %arg14: memref<640xf32, #tpu.memory_space<vmem>>, %arg15: memref<!tpu.dma_semaphore, #tpu.memory_space<semaphore_mem>>) attributes {dimension_semantics = [#tpu.dimension_semantics<core_parallel>, #tpu.dimension_semantics<subcore_parallel>], iteration_bounds = array<i64: 2, 16>, scalar_prefetch = 0 : i64, scratch_operands = 11 : i64, tpu.core_type = #tpu.core_type<sc_vector_subcore>, window_params = [{transform_indices = #map}, {transform_indices = #map1}, {transform_indices = #map}]} {
    %mul3A = arith.constant 2 : i32
    %mul3A_0 = arith.muli %arg1, %mul3A : i32
    %add3A = arith.addi %mul3A_0, %arg0 : i32
    %iota3A = tpu.iota {dimensions = array<i32: 0>} : vector<16xi32>
    %broadcast_in_dim3A = arith.constant 0.000000e+00 : f32
    %broadcast_in_dim3A_1 = vector.broadcast %broadcast_in_dim3A : f32 to vector<16xf32>
    %swap3A = arith.constant 0 : index
    %swap3A_2 = tpu.vector_load %arg9[%swap3A] {strides = array<i32>} : memref<64xf32, #tpu.memory_space<vmem>>, vector<16xf32>,
    tpu.vector_store %arg9[%swap3A], %broadcast_in_dim3A_1 {strides = array<i32>} : memref<64xf32, #tpu.memory_space<vmem>>, vector<16xf32>,
    %broadcast_in_dim3A_3 = arith.constant 0.000000e+00 : f32
    %broadcast_in_dim3A_4 = vector.broadcast %broadcast_in_dim3A_3 : f32 to vector<16xf32>
    %swap3A_5 = arith.constant 16 : index
    %swap3A_6 = tpu.vector_load %arg9[%swap3A_5] {strides = array<i32>} : memref<64xf32, #tpu.memory_space<vmem>>, vector<16xf32>,
    tpu.vector_store %arg9[%swap3A_5], %broadcast_in_dim3A_4 {strides = array<i32>} : memref<64xf32, #tpu.memory_space<vmem>>, vector<16xf32>,
    %broadcast_in_dim3A_7 = arith.constant 0.000000e+00 : f32
    %broadcast_in_dim3A_8 = vector.broadcast %broadcast_in_dim3A_7 : f32 to vector<16xf32>
    %swap3A_9 = arith.constant 32 : index
    %swap3A_10 = tpu.vector_load %arg9[%swap3A_9] {strides = array<i32>} : memref<64xf32, #tpu.memory_space<vmem>>, vector<16xf32>,
    tpu.vector_store %arg9[%swap3A_9], %broadcast_in_dim3A_8 {strides = array<i32>} : memref<64xf32, #tpu.memory_space<vmem>>, vector<16xf32>,
    %broadcast_in_dim3A_11 = arith.constant 0.000000e+00 : f32
    %broadcast_in_dim3A_12 = vector.broadcast %broadcast_in_dim3A_11 : f32 to vector<16xf32>
    %swap3A_13 = arith.constant 48 : index
    %swap3A_14 = tpu.vector_load %arg9[%swap3A_13] {strides = array<i32>} : memref<64xf32, #tpu.memory_space<vmem>>, vector<16xf32>,
    tpu.vector_store %arg9[%swap3A_13], %broadcast_in_dim3A_12 {strides = array<i32>} : memref<64xf32, #tpu.memory_space<vmem>>, vector<16xf32>,
    %scan3A = arith.constant 0 : i32
    %scan3A_15 = arith.constant 0 : i32
    %scan3A_16 = arith.constant 2 : i32
    %scan3A_17 = arith.addi %scan3A_15, %scan3A_16 : i32
    %scan3A_18 = arith.constant 1 : i32
    %scan3A_19 = scf.for %scan3A_36 = %scan3A_15 to %scan3A_17 step %scan3A_18 iter_args(%scan3A_37 = %scan3A) -> (i32)  : i32 {
      %mul3A_38 = arith.constant 32 : i32
      %mul3A_39 = arith.muli %scan3A_36, %mul3A_38 : i32
      %add3A_40 = arith.addi %add3A, %mul3A_39 : i32
      %mul3A_41 = arith.constant 65536 : i32
      %mul3A_42 = arith.muli %add3A_40, %mul3A_41 : i32
      %sub3A = arith.constant 4177920 : i32
      %sub3A_43 = arith.subi %sub3A, %mul3A_42 : i32
      %min3A = arith.constant 65536 : i32
      %min3A_44 = arith.minsi %sub3A_43, %min3A : i32
      %add3A_45 = arith.addi %mul3A_42, %min3A_44 : i32
      %scan3A_46 = arith.constant 0 : i32
      %scan3A_47 = arith.constant 0 : i32
      %scan3A_48 = arith.constant 1024 : i32
      %scan3A_49 = arith.addi %scan3A_47, %scan3A_48 : i32
      %scan3A_50 = arith.constant 1 : i32
      %scan3A_51 = scf.for %scan3A_89 = %scan3A_47 to %scan3A_49 step %scan3A_50 iter_args(%scan3A_90 = %scan3A_46) -> (i32)  : i32 {
        %broadcast_in_dim3A_91 = arith.constant 0 : i32
        %broadcast_in_dim3A_92 = vector.broadcast %broadcast_in_dim3A_91 : i32 to vector<16xi32>
        %mul3A_93 = arith.constant 64 : i32
        %mul3A_94 = arith.muli %scan3A_89, %mul3A_93 : i32
        %add3A_95 = arith.constant 0 : i32
        %add3A_96 = arith.addi %mul3A_94, %add3A_95 : i32
        %multiple_of3A = tpu.assume_multiple %add3A_96, 16 : i32
        %swap3A_97 = arith.index_cast %multiple_of3A : i32 to index
        %swap3A_98 = tpu.vector_load %arg5[%swap3A_97] {strides = array<i32>} : memref<65536xi32, #tpu.memory_space<vmem>>, vector<16xi32>,
        tpu.vector_store %arg5[%swap3A_97], %broadcast_in_dim3A_92 {strides = array<i32>} : memref<65536xi32, #tpu.memory_space<vmem>>, vector<16xi32>,
        %mul3A_99 = arith.constant 64 : i32
        %mul3A_100 = arith.muli %scan3A_89, %mul3A_99 : i32
        %add3A_101 = arith.constant 16 : i32
        %add3A_102 = arith.addi %mul3A_100, %add3A_101 : i32
        %multiple_of3A_103 = tpu.assume_multiple %add3A_102, 16 : i32
        %swap3A_104 = arith.index_cast %multiple_of3A_103 : i32 to index
        %swap3A_105 = tpu.vector_load %arg5[%swap3A_104] {strides = array<i32>} : memref<65536xi32, #tpu.memory_space<vmem>>, vector<16xi32>,
        tpu.vector_store %arg5[%swap3A_104], %broadcast_in_dim3A_92 {strides = array<i32>} : memref<65536xi32, #tpu.memory_space<vmem>>, vector<16xi32>,
        %mul3A_106 = arith.constant 64 : i32
        %mul3A_107 = arith.muli %scan3A_89, %mul3A_106 : i32
        %add3A_108 = arith.constant 32 : i32
        %add3A_109 = arith.addi %mul3A_107, %add3A_108 : i32
        %multiple_of3A_110 = tpu.assume_multiple %add3A_109, 16 : i32
        %swap3A_111 = arith.index_cast %multiple_of3A_110 : i32 to index
        %swap3A_112 = tpu.vector_load %arg5[%swap3A_111] {strides = array<i32>} : memref<65536xi32, #tpu.memory_space<vmem>>, vector<16xi32>,
        tpu.vector_store %arg5[%swap3A_111], %broadcast_in_dim3A_92 {strides = array<i32>} : memref<65536xi32, #tpu.memory_space<vmem>>, vector<16xi32>,
        %mul3A_113 = arith.constant 64 : i32
        %mul3A_114 = arith.muli %scan3A_89, %mul3A_113 : i32
        %add3A_115 = arith.constant 48 : i32
        %add3A_116 = arith.addi %mul3A_114, %add3A_115 : i32
        %multiple_of3A_117 = tpu.assume_multiple %add3A_116, 16 : i32
        %swap3A_118 = arith.index_cast %multiple_of3A_117 : i32 to index
        %swap3A_119 = tpu.vector_load %arg5[%swap3A_118] {strides = array<i32>} : memref<65536xi32, #tpu.memory_space<vmem>>, vector<16xi32>,
        tpu.vector_store %arg5[%swap3A_118], %broadcast_in_dim3A_92 {strides = array<i32>} : memref<65536xi32, #tpu.memory_space<vmem>>, vector<16xi32>,
        %scan3A_120 = arith.constant 0 : i32
        scf.yield %scan3A_120 : i32
      }
      %scan3A_52 = arith.constant 1024 : i32
      %scan3A_53 = arith.constant 0 : i32
      %scan3A_54 = arith.constant 0 : i32
      %scan3A_55 = arith.constant 49 : i32
      %scan3A_56 = arith.addi %scan3A_54, %scan3A_55 : i32
      %scan3A_57 = arith.constant 1 : i32
      %scan3A_58 = scf.for %scan3A_89 = %scan3A_54 to %scan3A_56 step %scan3A_57 iter_args(%scan3A_90 = %scan3A_53) -> (i32)  : i32 {
        %mul3A_91 = arith.constant 2048 : i32
        %mul3A_92 = arith.muli %scan3A_89, %mul3A_91 : i32
        %multiple_of3A = tpu.assume_multiple %mul3A_92, 8 : i32
        "tpu.region"() ({
          %run_scoped3A = tpu.sem_alloc : memref<!tpu.dma_semaphore, #tpu.memory_space<semaphore_mem>>
          %dma_start3A = arith.constant 0 : i32
          %dma_start3A_101 = tpu.memref_slice %arg2[%multiple_of3A, %dma_start3A] : memref<100352x16xi32, #tpu.memory_space<hbm>> -> memref<2048x16xi32, #tpu.memory_space<hbm>>
          %dma_start3A_102 = arith.constant 0 : i32
          %dma_start3A_103 = tpu.memref_slice %arg2[%multiple_of3A, %dma_start3A_102] : memref<100352x16xi32, #tpu.memory_space<hbm>> -> memref<2048x16xi32, #tpu.memory_space<hbm>>
          tpu.enqueue_dma source(%dma_start3A_103 : memref<2048x16xi32, #tpu.memory_space<hbm>>) target(%arg6 : memref<2048x16xi32, #tpu.memory_space<vmem>>) target_semaphore(%run_scoped3A : memref<!tpu.dma_semaphore, #tpu.memory_space<semaphore_mem>>)
          %dma_wait3A = arith.constant 0 : i32
          %dma_wait3A_104 = tpu.memref_slice %arg2[%multiple_of3A, %dma_wait3A] : memref<100352x16xi32, #tpu.memory_space<hbm>> -> memref<2048x16xi32, #tpu.memory_space<hbm>>
          %dma_wait3A_105 = arith.constant 0 : i32
          %dma_wait3A_106 = tpu.memref_slice %arg2[%multiple_of3A, %dma_wait3A_105] : memref<100352x16xi32, #tpu.memory_space<hbm>> -> memref<2048x16xi32, #tpu.memory_space<hbm>>
          tpu.wait_dma2 semaphore(%run_scoped3A : memref<!tpu.dma_semaphore, #tpu.memory_space<semaphore_mem>>) src(%dma_wait3A_106 : memref<2048x16xi32, #tpu.memory_space<hbm>>) dst(%arg6 : memref<2048x16xi32, #tpu.memory_space<vmem>>)
          tpu.yield
        }) : () -> ()
        %scan3A_93 = arith.constant 0 : i32
        %scan3A_94 = arith.constant 0 : i32
        %scan3A_95 = arith.constant 128 : i32
        %scan3A_96 = arith.addi %scan3A_94, %scan3A_95 : i32
        %scan3A_97 = arith.constant 1 : i32
        %scan3A_98 = scf.for %scan3A_101 = %scan3A_94 to %scan3A_96 step %scan3A_97 iter_args(%scan3A_102 = %scan3A_93) -> (i32)  : i32 {
          %mul3A_103 = arith.constant 16 : i32
          %mul3A_104 = arith.muli %scan3A_101, %mul3A_103 : i32
          %add3A_105 = vector.broadcast %mul3A_104 : i32 to vector<16xi32>
          %add3A_106 = arith.addi %add3A_105, %iota3A : vector<16xi32>
          %mul3A_107 = arith.constant 0 : i32
          %mul3A_108 = vector.broadcast %mul3A_107 : i32 to vector<16xi32>
          %mul3A_109 = arith.muli %iota3A, %mul3A_108 : vector<16xi32>
          %gather3A = tpu.vector_load_idx %arg6[%add3A_106, %mul3A_109] : memref<2048x16xi32, #tpu.memory_space<vmem>>[vector<16xi32>, vector<16xi32>], vector<16xi32>,
          %mul3A_110 = arith.constant 0 : i32
          %mul3A_111 = vector.broadcast %mul3A_110 : i32 to vector<16xi32>
          %mul3A_112 = arith.muli %iota3A, %mul3A_111 : vector<16xi32>
          %add3A_113 = arith.constant 1 : i32
          %add3A_114 = vector.broadcast %add3A_113 : i32 to vector<16xi32>
          %add3A_115 = arith.addi %mul3A_112, %add3A_114 : vector<16xi32>
          %gather3A_116 = tpu.vector_load_idx %arg6[%add3A_106, %add3A_115] : memref<2048x16xi32, #tpu.memory_space<vmem>>[vector<16xi32>, vector<16xi32>], vector<16xi32>,
          %mul3A_117 = arith.constant 0 : i32
          %mul3A_118 = vector.broadcast %mul3A_117 : i32 to vector<16xi32>
          %mul3A_119 = arith.muli %iota3A, %mul3A_118 : vector<16xi32>
          %add3A_120 = arith.constant 9 : i32
          %add3A_121 = vector.broadcast %add3A_120 : i32 to vector<16xi32>
          %add3A_122 = arith.addi %mul3A_119, %add3A_121 : vector<16xi32>
          %gather3A_123 = tpu.vector_load_idx %arg6[%add3A_106, %add3A_122] : memref<2048x16xi32, #tpu.memory_space<vmem>>[vector<16xi32>, vector<16xi32>], vector<16xi32>,
          %sub3A_124 = arith.constant 1 : i32
          %sub3A_125 = vector.broadcast %sub3A_124 : i32 to vector<16xi32>
          %sub3A_126 = arith.subi %gather3A_123, %sub3A_125 : vector<16xi32>
          %mul3A_127 = arith.constant 16384 : i32
          %mul3A_128 = vector.broadcast %mul3A_127 : i32 to vector<16xi32>
          %mul3A_129 = arith.muli %sub3A_126, %mul3A_128 : vector<16xi32>
          %shift_right_arithmetic3A = arith.constant 1 : i32
          %shift_right_arithmetic3A_130 = vector.broadcast %shift_right_arithmetic3A : i32 to vector<16xi32>
          %shift_right_arithmetic3A_131 = arith.shrsi %gather3A_116, %shift_right_arithmetic3A_130 : vector<16xi32>
          %mul3A_132 = arith.constant 128 : i32
          %mul3A_133 = vector.broadcast %mul3A_132 : i32 to vector<16xi32>
          %mul3A_134 = arith.muli %shift_right_arithmetic3A_131, %mul3A_133 : vector<16xi32>
          %add3A_135 = arith.addi %mul3A_129, %mul3A_134 : vector<16xi32>
          %shift_right_arithmetic3A_136 = arith.constant 1 : i32
          %shift_right_arithmetic3A_137 = vector.broadcast %shift_right_arithmetic3A_136 : i32 to vector<16xi32>
          %shift_right_arithmetic3A_138 = arith.shrsi %gather3A, %shift_right_arithmetic3A_137 : vector<16xi32>
          %add3A_139 = arith.addi %add3A_135, %shift_right_arithmetic3A_138 : vector<16xi32>
          %ge3A = arith.constant 1 : i32
          %ge3A_140 = vector.broadcast %ge3A : i32 to vector<16xi32>
          %ge3A_141 = arith.cmpi sge, %gather3A_123, %ge3A_140 : vector<16xi32>
          %ge3A_142 = vector.broadcast %mul3A_42 : i32 to vector<16xi32>
          %ge3A_143 = arith.cmpi sge, %add3A_139, %ge3A_142 : vector<16xi32>
          %and3A_144 = arith.andi %ge3A_141, %ge3A_143 : vector<16xi1>
          %lt3A = vector.broadcast %add3A_45 : i32 to vector<16xi32>
          %lt3A_145 = arith.cmpi slt, %add3A_139, %lt3A : vector<16xi32>
          %and3A_146 = arith.andi %and3A_144, %lt3A_145 : vector<16xi1>
          %sub3A_147 = vector.broadcast %mul3A_42 : i32 to vector<16xi32>
          %sub3A_148 = arith.subi %add3A_139, %sub3A_147 : vector<16xi32>
          %jit3A_149 = arith.constant 0 : i32
          %broadcast_in_dim3A_150 = vector.broadcast %jit3A_149 : i32 to vector<16xi32>
          %select_n3A_151 = arith.select %and3A_146, %sub3A_148, %broadcast_in_dim3A_150 : vector<16xi1>, vector<16xi32>
          %mul3A_152 = arith.constant 2048 : i32
          %mul3A_153 = arith.muli %scan3A_89, %mul3A_152 : i32
          %mul3A_154 = arith.constant 16 : i32
          %mul3A_155 = arith.muli %scan3A_101, %mul3A_154 : i32
          %add3A_156 = arith.addi %mul3A_153, %mul3A_155 : i32
          %add3A_157 = vector.broadcast %add3A_156 : i32 to vector<16xi32>
          %add3A_158 = arith.addi %add3A_157, %iota3A : vector<16xi32>
          %add3A_159 = arith.constant 1 : i32
          %add3A_160 = vector.broadcast %add3A_159 : i32 to vector<16xi32>
          %add3A_161 = arith.addi %add3A_158, %add3A_160 : vector<16xi32>
          %gather3A_162 = tpu.vector_load_idx %arg5[%select_n3A_151] masked %and3A_146 : memref<65536xi32, #tpu.memory_space<vmem>>[vector<16xi32>], vector<16xi32>, vector<16xi1>
          %select_n3A_163 = arith.select %and3A_146, %gather3A_162, %add3A_161 : vector<16xi1>, vector<16xi32>
          %gt3A = arith.cmpi sgt, %add3A_161, %select_n3A_163 : vector<16xi32>
          %and3A_164 = arith.andi %and3A_146, %gt3A : vector<16xi1>
          %while3A_165 = scf.while (%while3A_167 = %and3A_164) : (vector<16xi1>) -> vector<16xi1> {
            %reduce_or3A = arith.constant 1.000000e+00 : f32
            %reduce_or3A_168 = arith.constant 0.000000e+00 : f32
            %reduce_or3A_169 = vector.broadcast %reduce_or3A : f32 to vector<16xf32>
            %reduce_or3A_170 = vector.broadcast %reduce_or3A_168 : f32 to vector<16xf32>
            %reduce_or3A_171 = arith.select %while3A_167, %reduce_or3A_169, %reduce_or3A_170 : vector<16xi1>, vector<16xf32>
            %reduce_or3A_172 = arith.constant true
            %reduce_or3A_173 = vector.broadcast %reduce_or3A_172 : i1 to vector<16xi1>
            %reduce_or3A_174 = tpu.scan <max>, %reduce_or3A_171 masked %reduce_or3A_173 : vector<16xf32>, vector<16xi1> -> vector<16xf32>
            %reduce_or3A_175 = vector.extract %reduce_or3A_174[15] : f32 from vector<16xf32>
            %reduce_or3A_176 = arith.constant 0.000000e+00 : f32
            %reduce_or3A_177 = arith.cmpf ogt, %reduce_or3A_175, %reduce_or3A_176 : f32
            scf.condition(%reduce_or3A_177) %while3A_167 : vector<16xi1>
          } do {
          ^bb0(%while3A_167: vector<16xi1>):
            tpu.vector_store_idx %arg5[%select_n3A_151], %add3A_161 masked %while3A_167 : memref<65536xi32, #tpu.memory_space<vmem>>[vector<16xi32>], vector<16xi32>, vector<16xi1>
            %gather3A_168 = tpu.vector_load_idx %arg5[%select_n3A_151] masked %and3A_146 : memref<65536xi32, #tpu.memory_space<vmem>>[vector<16xi32>], vector<16xi32>, vector<16xi1>
            %select_n3A_169 = arith.select %and3A_146, %gather3A_168, %add3A_161 : vector<16xi1>, vector<16xi32>
            %gt3A_170 = arith.cmpi sgt, %add3A_161, %select_n3A_169 : vector<16xi32>
            %and3A_171 = arith.andi %and3A_146, %gt3A_170 : vector<16xi1>
            scf.yield %and3A_171 : vector<16xi1>
          }
          %scan3A_166 = arith.constant 0 : i32
          scf.yield %scan3A_166 : i32
        }
        %scan3A_99 = arith.constant 128 : i32
        %scan3A_100 = arith.constant 0 : i32
        scf.yield %scan3A_100 : i32
      }
      %scan3A_59 = arith.constant 49 : i32
      %jit3A = arith.constant 8192 : i32
      %div3A = arith.divsi %min3A_44, %jit3A : i32
      %sign3A = arith.constant 0 : i32
      %sign3A_60 = arith.cmpi sgt, %min3A_44, %sign3A : i32
      %sign3A_61 = arith.extui %sign3A_60 : i1 to i32
      %sign3A_62 = arith.constant 0 : i32
      %sign3A_63 = arith.cmpi slt, %min3A_44, %sign3A_62 : i32
      %sign3A_64 = arith.extui %sign3A_63 : i1 to i32
      %sign3A_65 = arith.subi %sign3A_61, %sign3A_64 : i32
      %sign3A_66 = arith.constant 0 : i32
      %sign3A_67 = arith.cmpi sgt, %jit3A, %sign3A_66 : i32
      %sign3A_68 = arith.extui %sign3A_67 : i1 to i32
      %sign3A_69 = arith.constant 0 : i32
      %sign3A_70 = arith.cmpi slt, %jit3A, %sign3A_69 : i32
      %sign3A_71 = arith.extui %sign3A_70 : i1 to i32
      %sign3A_72 = arith.subi %sign3A_68, %sign3A_71 : i32
      %ne3A = arith.cmpi ne, %sign3A_65, %sign3A_72 : i32
      %rem3A = arith.remsi %min3A_44, %jit3A : i32
      %ne3A_73 = arith.constant 0 : i32
      %ne3A_74 = arith.cmpi ne, %rem3A, %ne3A_73 : i32
      %and3A = arith.andi %ne3A, %ne3A_74 : i1
      %sub3A_75 = arith.constant 1 : i32
      %sub3A_76 = arith.subi %div3A, %sub3A_75 : i32
      %select_n3A = arith.select %and3A, %sub3A_76, %div3A : i32
      %while3A = arith.constant 0 : i32
      %while3A_77 = arith.constant 0 : i32
      %while3A_78 = arith.subi %select_n3A, %while3A : i32
      %while3A_79 = arith.addi %while3A, %while3A_78 : i32
      %while3A_80 = arith.constant 1 : i32
      %while3A_81 = arith.divsi %while3A_78, %while3A_80 : i32
      %while3A_82 = arith.muli %while3A_81, %while3A_80 : i32
      %while3A_83 = arith.addi %while3A, %while3A_82 : i32
      %while3A_84 = arith.constant 1 : i32
      %while3A_85 = scf.for %while3A_89 = %while3A to %while3A_83 step %while3A_84 iter_args(%while3A_90 = %while3A_77) -> (i32)  : i32 {
        %mul3A_91 = arith.constant 8192 : i32
        %mul3A_92 = arith.muli %while3A_89, %mul3A_91 : i32
        %scan3A_93 = arith.constant 0 : i32
        %scan3A_94 = arith.constant 0 : i32
        %scan3A_95 = arith.constant 512 : i32
        %scan3A_96 = arith.addi %scan3A_94, %scan3A_95 : i32
        %scan3A_97 = arith.constant 1 : i32
        %scan3A_98 = scf.for %scan3A_139 = %scan3A_94 to %scan3A_96 step %scan3A_97 iter_args(%scan3A_140 = %scan3A_93) -> (i32)  : i32 {
          %mul3A_141 = arith.constant 16 : i32
          %mul3A_142 = arith.muli %scan3A_139, %mul3A_141 : i32
          %add3A_143 = arith.addi %mul3A_92, %mul3A_142 : i32
          %multiple_of3A = tpu.assume_multiple %add3A_143, 16 : i32
          %get3A_144 = arith.index_cast %multiple_of3A : i32 to index
          %get3A_145 = tpu.vector_load %arg5[%get3A_144] {strides = array<i32>} : memref<65536xi32, #tpu.memory_space<vmem>>, vector<16xi32>,
          %gt3A = arith.constant 0 : i32
          %gt3A_146 = vector.broadcast %gt3A : i32 to vector<16xi32>
          %gt3A_147 = arith.cmpi sgt, %get3A_145, %gt3A_146 : vector<16xi32>
          %jit3A_148 = arith.constant 1 : i32
          %jit3A_149 = arith.constant 0 : i32
          %broadcast_in_dim3A_150 = vector.broadcast %jit3A_148 : i32 to vector<16xi32>
          %broadcast_in_dim3A_151 = vector.broadcast %jit3A_149 : i32 to vector<16xi32>
          %select_n3A_152 = arith.select %gt3A_147, %broadcast_in_dim3A_150, %broadcast_in_dim3A_151 : vector<16xi1>, vector<16xi32>
          %broadcast_in_dim3A_153 = arith.constant true
          %broadcast_in_dim3A_154 = vector.broadcast %broadcast_in_dim3A_153 : i1 to vector<16xi1>
          %masked_cumsum3A = tpu.scan <sum>, %select_n3A_152 masked %broadcast_in_dim3A_154 : vector<16xi32>, vector<16xi1> -> vector<16xi32>
          %sub3A_155 = arith.constant 1 : i32
          %sub3A_156 = vector.broadcast %sub3A_155 : i32 to vector<16xi32>
          %sub3A_157 = arith.subi %masked_cumsum3A, %sub3A_156 : vector<16xi32>
          %add3A_158 = vector.broadcast %scan3A_140 : i32 to vector<16xi32>
          %add3A_159 = arith.addi %sub3A_157, %add3A_158 : vector<16xi32>
          %jit3A_160 = arith.constant 0 : i32
          %broadcast_in_dim3A_161 = vector.broadcast %jit3A_160 : i32 to vector<16xi32>
          %select_n3A_162 = arith.select %gt3A_147, %add3A_159, %broadcast_in_dim3A_161 : vector<16xi1>, vector<16xi32>
          %add3A_163 = arith.addi %mul3A_42, %multiple_of3A : i32
          %add3A_164 = vector.broadcast %add3A_163 : i32 to vector<16xi32>
          %add3A_165 = arith.addi %add3A_164, %iota3A : vector<16xi32>
          %sub3A_166 = arith.constant 1 : i32
          %sub3A_167 = vector.broadcast %sub3A_166 : i32 to vector<16xi32>
          %sub3A_168 = arith.subi %get3A_145, %sub3A_167 : vector<16xi32>
          tpu.vector_store_idx %arg7[%select_n3A_162], %sub3A_168 masked %gt3A_147 : memref<8192xi32, #tpu.memory_space<vmem>>[vector<16xi32>], vector<16xi32>, vector<16xi1>
          tpu.vector_store_idx %arg8[%select_n3A_162], %add3A_165 masked %gt3A_147 : memref<8192xi32, #tpu.memory_space<vmem>>[vector<16xi32>], vector<16xi32>, vector<16xi1>
          %reduce_sum3A = arith.constant true
          %reduce_sum3A_169 = vector.broadcast %reduce_sum3A : i1 to vector<16xi1>
          %reduce_sum3A_170 = tpu.scan <sum>, %select_n3A_152 masked %reduce_sum3A_169 : vector<16xi32>, vector<16xi1> -> vector<16xi32>
          %reduce_sum3A_171 = vector.extract %reduce_sum3A_170[15] : i32 from vector<16xi32>
          %add3A_172 = arith.addi %scan3A_140, %reduce_sum3A_171 : i32
          scf.yield %add3A_172 : i32
        }
        %scan3A_99 = arith.constant 512 : i32
        %add3A_100 = arith.constant 127 : i32
        %add3A_101 = arith.addi %scan3A_98, %add3A_100 : i32
        %jit3A_102 = arith.constant 128 : i32
        %div3A_103 = arith.divsi %add3A_101, %jit3A_102 : i32
        %sign3A_104 = arith.constant 0 : i32
        %sign3A_105 = arith.cmpi sgt, %add3A_101, %sign3A_104 : i32
        %sign3A_106 = arith.extui %sign3A_105 : i1 to i32
        %sign3A_107 = arith.constant 0 : i32
        %sign3A_108 = arith.cmpi slt, %add3A_101, %sign3A_107 : i32
        %sign3A_109 = arith.extui %sign3A_108 : i1 to i32
        %sign3A_110 = arith.subi %sign3A_106, %sign3A_109 : i32
        %sign3A_111 = arith.constant 0 : i32
        %sign3A_112 = arith.cmpi sgt, %jit3A_102, %sign3A_111 : i32
        %sign3A_113 = arith.extui %sign3A_112 : i1 to i32
        %sign3A_114 = arith.constant 0 : i32
        %sign3A_115 = arith.cmpi slt, %jit3A_102, %sign3A_114 : i32
        %sign3A_116 = arith.extui %sign3A_115 : i1 to i32
        %sign3A_117 = arith.subi %sign3A_113, %sign3A_116 : i32
        %ne3A_118 = arith.cmpi ne, %sign3A_110, %sign3A_117 : i32
        %rem3A_119 = arith.remsi %add3A_101, %jit3A_102 : i32
        %ne3A_120 = arith.constant 0 : i32
        %ne3A_121 = arith.cmpi ne, %rem3A_119, %ne3A_120 : i32
        %and3A_122 = arith.andi %ne3A_118, %ne3A_121 : i1
        %sub3A_123 = arith.constant 1 : i32
        %sub3A_124 = arith.subi %div3A_103, %sub3A_123 : i32
        %select_n3A_125 = arith.select %and3A_122, %sub3A_124, %div3A_103 : i32
        %while3A_126 = arith.constant 0 : i32
        %while3A_127 = arith.constant 0 : i32
        %while3A_128 = arith.subi %select_n3A_125, %while3A_126 : i32
        %while3A_129 = arith.addi %while3A_126, %while3A_128 : i32
        %while3A_130 = arith.constant 1 : i32
        %while3A_131 = arith.divsi %while3A_128, %while3A_130 : i32
        %while3A_132 = arith.muli %while3A_131, %while3A_130 : i32
        %while3A_133 = arith.addi %while3A_126, %while3A_132 : i32
        %while3A_134 = arith.constant 1 : i32
        %while3A_135 = scf.for %while3A_139 = %while3A_126 to %while3A_133 step %while3A_134 iter_args(%while3A_140 = %while3A_127) -> (i32)  : i32 {
          %mul3A_141 = arith.constant 128 : i32
          %mul3A_142 = arith.muli %while3A_139, %mul3A_141 : i32
          %add3A_143 = arith.constant 0 : i32
          %add3A_144 = arith.addi %mul3A_142, %add3A_143 : i32
          %multiple_of3A = tpu.assume_multiple %add3A_144, 16 : i32
          %mul3A_145 = arith.constant 128 : i32
          %mul3A_146 = arith.muli %while3A_139, %mul3A_145 : i32
          %add3A_147 = arith.constant 0 : i32
          %add3A_148 = arith.addi %mul3A_146, %add3A_147 : i32
          %add3A_149 = vector.broadcast %add3A_148 : i32 to vector<16xi32>
          %add3A_150 = arith.addi %add3A_149, %iota3A : vector<16xi32>
          %lt3A = vector.broadcast %scan3A_98 : i32 to vector<16xi32>
          %lt3A_151 = arith.cmpi slt, %add3A_150, %lt3A : vector<16xi32>
          %get3A_152 = arith.index_cast %multiple_of3A : i32 to index
          %get3A_153 = tpu.vector_load %arg7[%get3A_152] {strides = array<i32>} : memref<8192xi32, #tpu.memory_space<vmem>>, vector<16xi32>,
          %jit3A_154 = arith.constant 0 : i32
          %broadcast_in_dim3A_155 = vector.broadcast %jit3A_154 : i32 to vector<16xi32>
          %select_n3A_156 = arith.select %lt3A_151, %get3A_153, %broadcast_in_dim3A_155 : vector<16xi1>, vector<16xi32>
          %swap3A_157 = arith.constant 0 : index
          %swap3A_158 = tpu.vector_load %arg11[%swap3A_157] {strides = array<i32>} : memref<128xi32, #tpu.memory_space<vmem>>, vector<16xi32>,
          tpu.vector_store %arg11[%swap3A_157], %select_n3A_156 {strides = array<i32>} : memref<128xi32, #tpu.memory_space<vmem>>, vector<16xi32>,
          %get3A_159 = arith.index_cast %multiple_of3A : i32 to index
          %get3A_160 = tpu.vector_load %arg8[%get3A_159] {strides = array<i32>} : memref<8192xi32, #tpu.memory_space<vmem>>, vector<16xi32>,
          %jit3A_161 = arith.constant 0 : i32
          %broadcast_in_dim3A_162 = vector.broadcast %jit3A_161 : i32 to vector<16xi32>
          %select_n3A_163 = arith.select %lt3A_151, %get3A_160, %broadcast_in_dim3A_162 : vector<16xi1>, vector<16xi32>
          %shift_right_arithmetic3A = arith.constant 14 : i32
          %shift_right_arithmetic3A_164 = vector.broadcast %shift_right_arithmetic3A : i32 to vector<16xi32>
          %shift_right_arithmetic3A_165 = arith.shrsi %select_n3A_163, %shift_right_arithmetic3A_164 : vector<16xi32>
          %mul3A_166 = arith.constant 65536 : i32
          %mul3A_167 = vector.broadcast %mul3A_166 : i32 to vector<16xi32>
          %mul3A_168 = arith.muli %shift_right_arithmetic3A_165, %mul3A_167 : vector<16xi32>
          %add3A_169 = arith.addi %select_n3A_163, %mul3A_168 : vector<16xi32>
          %add3A_170 = arith.constant 0 : i32
          %add3A_171 = vector.broadcast %add3A_170 : i32 to vector<16xi32>
          %add3A_172 = arith.addi %add3A_169, %add3A_171 : vector<16xi32>
          %swap3A_173 = arith.constant 0 : index
          %swap3A_174 = tpu.vector_load %arg12[%swap3A_173] {strides = array<i32>} : memref<640xi32, #tpu.memory_space<vmem>>, vector<16xi32>,
          tpu.vector_store %arg12[%swap3A_173], %add3A_172 {strides = array<i32>} : memref<640xi32, #tpu.memory_space<vmem>>, vector<16xi32>,
          %add3A_175 = arith.constant 16384 : i32
          %add3A_176 = vector.broadcast %add3A_175 : i32 to vector<16xi32>
          %add3A_177 = arith.addi %add3A_169, %add3A_176 : vector<16xi32>
          %swap3A_178 = arith.constant 128 : index
          %swap3A_179 = tpu.vector_load %arg12[%swap3A_178] {strides = array<i32>} : memref<640xi32, #tpu.memory_space<vmem>>, vector<16xi32>,
          tpu.vector_store %arg12[%swap3A_178], %add3A_177 {strides = array<i32>} : memref<640xi32, #tpu.memory_space<vmem>>, vector<16xi32>,
          %add3A_180 = arith.constant 32768 : i32
          %add3A_181 = vector.broadcast %add3A_180 : i32 to vector<16xi32>
          %add3A_182 = arith.addi %add3A_169, %add3A_181 : vector<16xi32>
          %swap3A_183 = arith.constant 256 : index
          %swap3A_184 = tpu.vector_load %arg12[%swap3A_183] {strides = array<i32>} : memref<640xi32, #tpu.memory_space<vmem>>, vector<16xi32>,
          tpu.vector_store %arg12[%swap3A_183], %add3A_182 {strides = array<i32>} : memref<640xi32, #tpu.memory_space<vmem>>, vector<16xi32>,
          %add3A_185 = arith.constant 49152 : i32
          %add3A_186 = vector.broadcast %add3A_185 : i32 to vector<16xi32>
          %add3A_187 = arith.addi %add3A_169, %add3A_186 : vector<16xi32>
          %swap3A_188 = arith.constant 384 : index
          %swap3A_189 = tpu.vector_load %arg12[%swap3A_188] {strides = array<i32>} : memref<640xi32, #tpu.memory_space<vmem>>, vector<16xi32>,
          tpu.vector_store %arg12[%swap3A_188], %add3A_187 {strides = array<i32>} : memref<640xi32, #tpu.memory_space<vmem>>, vector<16xi32>,
          %add3A_190 = arith.constant 65536 : i32
          %add3A_191 = vector.broadcast %add3A_190 : i32 to vector<16xi32>
          %add3A_192 = arith.addi %add3A_169, %add3A_191 : vector<16xi32>
          %swap3A_193 = arith.constant 512 : index
          %swap3A_194 = tpu.vector_load %arg12[%swap3A_193] {strides = array<i32>} : memref<640xi32, #tpu.memory_space<vmem>>, vector<16xi32>,
          tpu.vector_store %arg12[%swap3A_193], %add3A_192 {strides = array<i32>} : memref<640xi32, #tpu.memory_space<vmem>>, vector<16xi32>,
          %mul3A_195 = arith.constant 128 : i32
          %mul3A_196 = arith.muli %while3A_139, %mul3A_195 : i32
          %add3A_197 = arith.constant 16 : i32
          %add3A_198 = arith.addi %mul3A_196, %add3A_197 : i32
          %multiple_of3A_199 = tpu.assume_multiple %add3A_198, 16 : i32
          %mul3A_200 = arith.constant 128 : i32
          %mul3A_201 = arith.muli %while3A_139, %mul3A_200 : i32
          %add3A_202 = arith.constant 16 : i32
          %add3A_203 = arith.addi %mul3A_201, %add3A_202 : i32
          %add3A_204 = vector.broadcast %add3A_203 : i32 to vector<16xi32>
          %add3A_205 = arith.addi %add3A_204, %iota3A : vector<16xi32>
          %lt3A_206 = vector.broadcast %scan3A_98 : i32 to vector<16xi32>
          %lt3A_207 = arith.cmpi slt, %add3A_205, %lt3A_206 : vector<16xi32>
          %get3A_208 = arith.index_cast %multiple_of3A_199 : i32 to index
          %get3A_209 = tpu.vector_load %arg7[%get3A_208] {strides = array<i32>} : memref<8192xi32, #tpu.memory_space<vmem>>, vector<16xi32>,
          %jit3A_210 = arith.constant 0 : i32
          %broadcast_in_dim3A_211 = vector.broadcast %jit3A_210 : i32 to vector<16xi32>
          %select_n3A_212 = arith.select %lt3A_207, %get3A_209, %broadcast_in_dim3A_211 : vector<16xi1>, vector<16xi32>
          %swap3A_213 = arith.constant 16 : index
          %swap3A_214 = tpu.vector_load %arg11[%swap3A_213] {strides = array<i32>} : memref<128xi32, #tpu.memory_space<vmem>>, vector<16xi32>,
          tpu.vector_store %arg11[%swap3A_213], %select_n3A_212 {strides = array<i32>} : memref<128xi32, #tpu.memory_space<vmem>>, vector<16xi32>,
          %get3A_215 = arith.index_cast %multiple_of3A_199 : i32 to index
          %get3A_216 = tpu.vector_load %arg8[%get3A_215] {strides = array<i32>} : memref<8192xi32, #tpu.memory_space<vmem>>, vector<16xi32>,
          %jit3A_217 = arith.constant 0 : i32
          %broadcast_in_dim3A_218 = vector.broadcast %jit3A_217 : i32 to vector<16xi32>
          %select_n3A_219 = arith.select %lt3A_207, %get3A_216, %broadcast_in_dim3A_218 : vector<16xi1>, vector<16xi32>
          %shift_right_arithmetic3A_220 = arith.constant 14 : i32
          %shift_right_arithmetic3A_221 = vector.broadcast %shift_right_arithmetic3A_220 : i32 to vector<16xi32>
          %shift_right_arithmetic3A_222 = arith.shrsi %select_n3A_219, %shift_right_arithmetic3A_221 : vector<16xi32>
          %mul3A_223 = arith.constant 65536 : i32
          %mul3A_224 = vector.broadcast %mul3A_223 : i32 to vector<16xi32>
          %mul3A_225 = arith.muli %shift_right_arithmetic3A_222, %mul3A_224 : vector<16xi32>
          %add3A_226 = arith.addi %select_n3A_219, %mul3A_225 : vector<16xi32>
          %add3A_227 = arith.constant 0 : i32
          %add3A_228 = vector.broadcast %add3A_227 : i32 to vector<16xi32>
          %add3A_229 = arith.addi %add3A_226, %add3A_228 : vector<16xi32>
          %swap3A_230 = arith.constant 16 : index
          %swap3A_231 = tpu.vector_load %arg12[%swap3A_230] {strides = array<i32>} : memref<640xi32, #tpu.memory_space<vmem>>, vector<16xi32>,
          tpu.vector_store %arg12[%swap3A_230], %add3A_229 {strides = array<i32>} : memref<640xi32, #tpu.memory_space<vmem>>, vector<16xi32>,
          %add3A_232 = arith.constant 16384 : i32
          %add3A_233 = vector.broadcast %add3A_232 : i32 to vector<16xi32>
          %add3A_234 = arith.addi %add3A_226, %add3A_233 : vector<16xi32>
          %swap3A_235 = arith.constant 144 : index
          %swap3A_236 = tpu.vector_load %arg12[%swap3A_235] {strides = array<i32>} : memref<640xi32, #tpu.memory_space<vmem>>, vector<16xi32>,
          tpu.vector_store %arg12[%swap3A_235], %add3A_234 {strides = array<i32>} : memref<640xi32, #tpu.memory_space<vmem>>, vector<16xi32>,
          %add3A_237 = arith.constant 32768 : i32
          %add3A_238 = vector.broadcast %add3A_237 : i32 to vector<16xi32>
          %add3A_239 = arith.addi %add3A_226, %add3A_238 : vector<16xi32>
          %swap3A_240 = arith.constant 272 : index
          %swap3A_241 = tpu.vector_load %arg12[%swap3A_240] {strides = array<i32>} : memref<640xi32, #tpu.memory_space<vmem>>, vector<16xi32>,
          tpu.vector_store %arg12[%swap3A_240], %add3A_239 {strides = array<i32>} : memref<640xi32, #tpu.memory_space<vmem>>, vector<16xi32>,
          %add3A_242 = arith.constant 49152 : i32
          %add3A_243 = vector.broadcast %add3A_242 : i32 to vector<16xi32>
          %add3A_244 = arith.addi %add3A_226, %add3A_243 : vector<16xi32>
          %swap3A_245 = arith.constant 400 : index
          %swap3A_246 = tpu.vector_load %arg12[%swap3A_245] {strides = array<i32>} : memref<640xi32, #tpu.memory_space<vmem>>, vector<16xi32>,
          tpu.vector_store %arg12[%swap3A_245], %add3A_244 {strides = array<i32>} : memref<640xi32, #tpu.memory_space<vmem>>, vector<16xi32>,
          %add3A_247 = arith.constant 65536 : i32
          %add3A_248 = vector.broadcast %add3A_247 : i32 to vector<16xi32>
          %add3A_249 = arith.addi %add3A_226, %add3A_248 : vector<16xi32>
          %swap3A_250 = arith.constant 528 : index
          %swap3A_251 = tpu.vector_load %arg12[%swap3A_250] {strides = array<i32>} : memref<640xi32, #tpu.memory_space<vmem>>, vector<16xi32>,
          tpu.vector_store %arg12[%swap3A_250], %add3A_249 {strides = array<i32>} : memref<640xi32, #tpu.memory_space<vmem>>, vector<16xi32>,
          %mul3A_252 = arith.constant 128 : i32
          %mul3A_253 = arith.muli %while3A_139, %mul3A_252 : i32
          %add3A_254 = arith.constant 32 : i32
          %add3A_255 = arith.addi %mul3A_253, %add3A_254 : i32
          %multiple_of3A_256 = tpu.assume_multiple %add3A_255, 16 : i32
          %mul3A_257 = arith.constant 128 : i32
          %mul3A_258 = arith.muli %while3A_139, %mul3A_257 : i32
          %add3A_259 = arith.constant 32 : i32
          %add3A_260 = arith.addi %mul3A_258, %add3A_259 : i32
          %add3A_261 = vector.broadcast %add3A_260 : i32 to vector<16xi32>
          %add3A_262 = arith.addi %add3A_261, %iota3A : vector<16xi32>
          %lt3A_263 = vector.broadcast %scan3A_98 : i32 to vector<16xi32>
          %lt3A_264 = arith.cmpi slt, %add3A_262, %lt3A_263 : vector<16xi32>
          %get3A_265 = arith.index_cast %multiple_of3A_256 : i32 to index
          %get3A_266 = tpu.vector_load %arg7[%get3A_265] {strides = array<i32>} : memref<8192xi32, #tpu.memory_space<vmem>>, vector<16xi32>,
          %jit3A_267 = arith.constant 0 : i32
          %broadcast_in_dim3A_268 = vector.broadcast %jit3A_267 : i32 to vector<16xi32>
          %select_n3A_269 = arith.select %lt3A_264, %get3A_266, %broadcast_in_dim3A_268 : vector<16xi1>, vector<16xi32>
          %swap3A_270 = arith.constant 32 : index
          %swap3A_271 = tpu.vector_load %arg11[%swap3A_270] {strides = array<i32>} : memref<128xi32, #tpu.memory_space<vmem>>, vector<16xi32>,
          tpu.vector_store %arg11[%swap3A_270], %select_n3A_269 {strides = array<i32>} : memref<128xi32, #tpu.memory_space<vmem>>, vector<16xi32>,
          %get3A_272 = arith.index_cast %multiple_of3A_256 : i32 to index
          %get3A_273 = tpu.vector_load %arg8[%get3A_272] {strides = array<i32>} : memref<8192xi32, #tpu.memory_space<vmem>>, vector<16xi32>,
          %jit3A_274 = arith.constant 0 : i32
          %broadcast_in_dim3A_275 = vector.broadcast %jit3A_274 : i32 to vector<16xi32>
          %select_n3A_276 = arith.select %lt3A_264, %get3A_273, %broadcast_in_dim3A_275 : vector<16xi1>, vector<16xi32>
          %shift_right_arithmetic3A_277 = arith.constant 14 : i32
          %shift_right_arithmetic3A_278 = vector.broadcast %shift_right_arithmetic3A_277 : i32 to vector<16xi32>
          %shift_right_arithmetic3A_279 = arith.shrsi %select_n3A_276, %shift_right_arithmetic3A_278 : vector<16xi32>
          %mul3A_280 = arith.constant 65536 : i32
          %mul3A_281 = vector.broadcast %mul3A_280 : i32 to vector<16xi32>
          %mul3A_282 = arith.muli %shift_right_arithmetic3A_279, %mul3A_281 : vector<16xi32>
          %add3A_283 = arith.addi %select_n3A_276, %mul3A_282 : vector<16xi32>
          %add3A_284 = arith.constant 0 : i32
          %add3A_285 = vector.broadcast %add3A_284 : i32 to vector<16xi32>
          %add3A_286 = arith.addi %add3A_283, %add3A_285 : vector<16xi32>
          %swap3A_287 = arith.constant 32 : index
          %swap3A_288 = tpu.vector_load %arg12[%swap3A_287] {strides = array<i32>} : memref<640xi32, #tpu.memory_space<vmem>>, vector<16xi32>,
          tpu.vector_store %arg12[%swap3A_287], %add3A_286 {strides = array<i32>} : memref<640xi32, #tpu.memory_space<vmem>>, vector<16xi32>,
          %add3A_289 = arith.constant 16384 : i32
          %add3A_290 = vector.broadcast %add3A_289 : i32 to vector<16xi32>
          %add3A_291 = arith.addi %add3A_283, %add3A_290 : vector<16xi32>
          %swap3A_292 = arith.constant 160 : index
          %swap3A_293 = tpu.vector_load %arg12[%swap3A_292] {strides = array<i32>} : memref<640xi32, #tpu.memory_space<vmem>>, vector<16xi32>,
          tpu.vector_store %arg12[%swap3A_292], %add3A_291 {strides = array<i32>} : memref<640xi32, #tpu.memory_space<vmem>>, vector<16xi32>,
          %add3A_294 = arith.constant 32768 : i32
          %add3A_295 = vector.broadcast %add3A_294 : i32 to vector<16xi32>
          %add3A_296 = arith.addi %add3A_283, %add3A_295 : vector<16xi32>
          %swap3A_297 = arith.constant 288 : index
          %swap3A_298 = tpu.vector_load %arg12[%swap3A_297] {strides = array<i32>} : memref<640xi32, #tpu.memory_space<vmem>>, vector<16xi32>,
          tpu.vector_store %arg12[%swap3A_297], %add3A_296 {strides = array<i32>} : memref<640xi32, #tpu.memory_space<vmem>>, vector<16xi32>,
          %add3A_299 = arith.constant 49152 : i32
          %add3A_300 = vector.broadcast %add3A_299 : i32 to vector<16xi32>
          %add3A_301 = arith.addi %add3A_283, %add3A_300 : vector<16xi32>
          %swap3A_302 = arith.constant 416 : index
          %swap3A_303 = tpu.vector_load %arg12[%swap3A_302] {strides = array<i32>} : memref<640xi32, #tpu.memory_space<vmem>>, vector<16xi32>,
          tpu.vector_store %arg12[%swap3A_302], %add3A_301 {strides = array<i32>} : memref<640xi32, #tpu.memory_space<vmem>>, vector<16xi32>,
          %add3A_304 = arith.constant 65536 : i32
          %add3A_305 = vector.broadcast %add3A_304 : i32 to vector<16xi32>
          %add3A_306 = arith.addi %add3A_283, %add3A_305 : vector<16xi32>
          %swap3A_307 = arith.constant 544 : index
          %swap3A_308 = tpu.vector_load %arg12[%swap3A_307] {strides = array<i32>} : memref<640xi32, #tpu.memory_space<vmem>>, vector<16xi32>,
          tpu.vector_store %arg12[%swap3A_307], %add3A_306 {strides = array<i32>} : memref<640xi32, #tpu.memory_space<vmem>>, vector<16xi32>,
          %mul3A_309 = arith.constant 128 : i32
          %mul3A_310 = arith.muli %while3A_139, %mul3A_309 : i32
          %add3A_311 = arith.constant 48 : i32
          %add3A_312 = arith.addi %mul3A_310, %add3A_311 : i32
          %multiple_of3A_313 = tpu.assume_multiple %add3A_312, 16 : i32
          %mul3A_314 = arith.constant 128 : i32
          %mul3A_315 = arith.muli %while3A_139, %mul3A_314 : i32
          %add3A_316 = arith.constant 48 : i32
          %add3A_317 = arith.addi %mul3A_315, %add3A_316 : i32
          %add3A_318 = vector.broadcast %add3A_317 : i32 to vector<16xi32>
          %add3A_319 = arith.addi %add3A_318, %iota3A : vector<16xi32>
          %lt3A_320 = vector.broadcast %scan3A_98 : i32 to vector<16xi32>
          %lt3A_321 = arith.cmpi slt, %add3A_319, %lt3A_320 : vector<16xi32>
          %get3A_322 = arith.index_cast %multiple_of3A_313 : i32 to index
          %get3A_323 = tpu.vector_load %arg7[%get3A_322] {strides = array<i32>} : memref<8192xi32, #tpu.memory_space<vmem>>, vector<16xi32>,
          %jit3A_324 = arith.constant 0 : i32
          %broadcast_in_dim3A_325 = vector.broadcast %jit3A_324 : i32 to vector<16xi32>
          %select_n3A_326 = arith.select %lt3A_321, %get3A_323, %broadcast_in_dim3A_325 : vector<16xi1>, vector<16xi32>
          %swap3A_327 = arith.constant 48 : index
          %swap3A_328 = tpu.vector_load %arg11[%swap3A_327] {strides = array<i32>} : memref<128xi32, #tpu.memory_space<vmem>>, vector<16xi32>,
          tpu.vector_store %arg11[%swap3A_327], %select_n3A_326 {strides = array<i32>} : memref<128xi32, #tpu.memory_space<vmem>>, vector<16xi32>,
          %get3A_329 = arith.index_cast %multiple_of3A_313 : i32 to index
          %get3A_330 = tpu.vector_load %arg8[%get3A_329] {strides = array<i32>} : memref<8192xi32, #tpu.memory_space<vmem>>, vector<16xi32>,
          %jit3A_331 = arith.constant 0 : i32
          %broadcast_in_dim3A_332 = vector.broadcast %jit3A_331 : i32 to vector<16xi32>
          %select_n3A_333 = arith.select %lt3A_321, %get3A_330, %broadcast_in_dim3A_332 : vector<16xi1>, vector<16xi32>
          %shift_right_arithmetic3A_334 = arith.constant 14 : i32
          %shift_right_arithmetic3A_335 = vector.broadcast %shift_right_arithmetic3A_334 : i32 to vector<16xi32>
          %shift_right_arithmetic3A_336 = arith.shrsi %select_n3A_333, %shift_right_arithmetic3A_335 : vector<16xi32>
          %mul3A_337 = arith.constant 65536 : i32
          %mul3A_338 = vector.broadcast %mul3A_337 : i32 to vector<16xi32>
          %mul3A_339 = arith.muli %shift_right_arithmetic3A_336, %mul3A_338 : vector<16xi32>
          %add3A_340 = arith.addi %select_n3A_333, %mul3A_339 : vector<16xi32>
          %add3A_341 = arith.constant 0 : i32
          %add3A_342 = vector.broadcast %add3A_341 : i32 to vector<16xi32>
          %add3A_343 = arith.addi %add3A_340, %add3A_342 : vector<16xi32>
          %swap3A_344 = arith.constant 48 : index
          %swap3A_345 = tpu.vector_load %arg12[%swap3A_344] {strides = array<i32>} : memref<640xi32, #tpu.memory_space<vmem>>, vector<16xi32>,
          tpu.vector_store %arg12[%swap3A_344], %add3A_343 {strides = array<i32>} : memref<640xi32, #tpu.memory_space<vmem>>, vector<16xi32>,
          %add3A_346 = arith.constant 16384 : i32
          %add3A_347 = vector.broadcast %add3A_346 : i32 to vector<16xi32>
          %add3A_348 = arith.addi %add3A_340, %add3A_347 : vector<16xi32>
          %swap3A_349 = arith.constant 176 : index
          %swap3A_350 = tpu.vector_load %arg12[%swap3A_349] {strides = array<i32>} : memref<640xi32, #tpu.memory_space<vmem>>, vector<16xi32>,
          tpu.vector_store %arg12[%swap3A_349], %add3A_348 {strides = array<i32>} : memref<640xi32, #tpu.memory_space<vmem>>, vector<16xi32>,
          %add3A_351 = arith.constant 32768 : i32
          %add3A_352 = vector.broadcast %add3A_351 : i32 to vector<16xi32>
          %add3A_353 = arith.addi %add3A_340, %add3A_352 : vector<16xi32>
          %swap3A_354 = arith.constant 304 : index
          %swap3A_355 = tpu.vector_load %arg12[%swap3A_354] {strides = array<i32>} : memref<640xi32, #tpu.memory_space<vmem>>, vector<16xi32>,
          tpu.vector_store %arg12[%swap3A_354], %add3A_353 {strides = array<i32>} : memref<640xi32, #tpu.memory_space<vmem>>, vector<16xi32>,
          %add3A_356 = arith.constant 49152 : i32
          %add3A_357 = vector.broadcast %add3A_356 : i32 to vector<16xi32>
          %add3A_358 = arith.addi %add3A_340, %add3A_357 : vector<16xi32>
          %swap3A_359 = arith.constant 432 : index
          %swap3A_360 = tpu.vector_load %arg12[%swap3A_359] {strides = array<i32>} : memref<640xi32, #tpu.memory_space<vmem>>, vector<16xi32>,
          tpu.vector_store %arg12[%swap3A_359], %add3A_358 {strides = array<i32>} : memref<640xi32, #tpu.memory_space<vmem>>, vector<16xi32>,
          %add3A_361 = arith.constant 65536 : i32
          %add3A_362 = vector.broadcast %add3A_361 : i32 to vector<16xi32>
          %add3A_363 = arith.addi %add3A_340, %add3A_362 : vector<16xi32>
          %swap3A_364 = arith.constant 560 : index
          %swap3A_365 = tpu.vector_load %arg12[%swap3A_364] {strides = array<i32>} : memref<640xi32, #tpu.memory_space<vmem>>, vector<16xi32>,
          tpu.vector_store %arg12[%swap3A_364], %add3A_363 {strides = array<i32>} : memref<640xi32, #tpu.memory_space<vmem>>, vector<16xi32>,
          %mul3A_366 = arith.constant 128 : i32
          %mul3A_367 = arith.muli %while3A_139, %mul3A_366 : i32
          %add3A_368 = arith.constant 64 : i32
          %add3A_369 = arith.addi %mul3A_367, %add3A_368 : i32
          %multiple_of3A_370 = tpu.assume_multiple %add3A_369, 16 : i32
          %mul3A_371 = arith.constant 128 : i32
          %mul3A_372 = arith.muli %while3A_139, %mul3A_371 : i32
          %add3A_373 = arith.constant 64 : i32
          %add3A_374 = arith.addi %mul3A_372, %add3A_373 : i32
          %add3A_375 = vector.broadcast %add3A_374 : i32 to vector<16xi32>
          %add3A_376 = arith.addi %add3A_375, %iota3A : vector<16xi32>
          %lt3A_377 = vector.broadcast %scan3A_98 : i32 to vector<16xi32>
          %lt3A_378 = arith.cmpi slt, %add3A_376, %lt3A_377 : vector<16xi32>
          %get3A_379 = arith.index_cast %multiple_of3A_370 : i32 to index
          %get3A_380 = tpu.vector_load %arg7[%get3A_379] {strides = array<i32>} : memref<8192xi32, #tpu.memory_space<vmem>>, vector<16xi32>,
          %jit3A_381 = arith.constant 0 : i32
          %broadcast_in_dim3A_382 = vector.broadcast %jit3A_381 : i32 to vector<16xi32>
          %select_n3A_383 = arith.select %lt3A_378, %get3A_380, %broadcast_in_dim3A_382 : vector<16xi1>, vector<16xi32>
          %swap3A_384 = arith.constant 64 : index
          %swap3A_385 = tpu.vector_load %arg11[%swap3A_384] {strides = array<i32>} : memref<128xi32, #tpu.memory_space<vmem>>, vector<16xi32>,
          tpu.vector_store %arg11[%swap3A_384], %select_n3A_383 {strides = array<i32>} : memref<128xi32, #tpu.memory_space<vmem>>, vector<16xi32>,
          %get3A_386 = arith.index_cast %multiple_of3A_370 : i32 to index
          %get3A_387 = tpu.vector_load %arg8[%get3A_386] {strides = array<i32>} : memref<8192xi32, #tpu.memory_space<vmem>>, vector<16xi32>,
          %jit3A_388 = arith.constant 0 : i32
          %broadcast_in_dim3A_389 = vector.broadcast %jit3A_388 : i32 to vector<16xi32>
          %select_n3A_390 = arith.select %lt3A_378, %get3A_387, %broadcast_in_dim3A_389 : vector<16xi1>, vector<16xi32>
          %shift_right_arithmetic3A_391 = arith.constant 14 : i32
          %shift_right_arithmetic3A_392 = vector.broadcast %shift_right_arithmetic3A_391 : i32 to vector<16xi32>
          %shift_right_arithmetic3A_393 = arith.shrsi %select_n3A_390, %shift_right_arithmetic3A_392 : vector<16xi32>
          %mul3A_394 = arith.constant 65536 : i32
          %mul3A_395 = vector.broadcast %mul3A_394 : i32 to vector<16xi32>
          %mul3A_396 = arith.muli %shift_right_arithmetic3A_393, %mul3A_395 : vector<16xi32>
          %add3A_397 = arith.addi %select_n3A_390, %mul3A_396 : vector<16xi32>
          %add3A_398 = arith.constant 0 : i32
          %add3A_399 = vector.broadcast %add3A_398 : i32 to vector<16xi32>
          %add3A_400 = arith.addi %add3A_397, %add3A_399 : vector<16xi32>
          %swap3A_401 = arith.constant 64 : index
          %swap3A_402 = tpu.vector_load %arg12[%swap3A_401] {strides = array<i32>} : memref<640xi32, #tpu.memory_space<vmem>>, vector<16xi32>,
          tpu.vector_store %arg12[%swap3A_401], %add3A_400 {strides = array<i32>} : memref<640xi32, #tpu.memory_space<vmem>>, vector<16xi32>,
          %add3A_403 = arith.constant 16384 : i32
          %add3A_404 = vector.broadcast %add3A_403 : i32 to vector<16xi32>
          %add3A_405 = arith.addi %add3A_397, %add3A_404 : vector<16xi32>
          %swap3A_406 = arith.constant 192 : index
          %swap3A_407 = tpu.vector_load %arg12[%swap3A_406] {strides = array<i32>} : memref<640xi32, #tpu.memory_space<vmem>>, vector<16xi32>,
          tpu.vector_store %arg12[%swap3A_406], %add3A_405 {strides = array<i32>} : memref<640xi32, #tpu.memory_space<vmem>>, vector<16xi32>,
          %add3A_408 = arith.constant 32768 : i32
          %add3A_409 = vector.broadcast %add3A_408 : i32 to vector<16xi32>
          %add3A_410 = arith.addi %add3A_397, %add3A_409 : vector<16xi32>
          %swap3A_411 = arith.constant 320 : index
          %swap3A_412 = tpu.vector_load %arg12[%swap3A_411] {strides = array<i32>} : memref<640xi32, #tpu.memory_space<vmem>>, vector<16xi32>,
          tpu.vector_store %arg12[%swap3A_411], %add3A_410 {strides = array<i32>} : memref<640xi32, #tpu.memory_space<vmem>>, vector<16xi32>,
          %add3A_413 = arith.constant 49152 : i32
          %add3A_414 = vector.broadcast %add3A_413 : i32 to vector<16xi32>
          %add3A_415 = arith.addi %add3A_397, %add3A_414 : vector<16xi32>
          %swap3A_416 = arith.constant 448 : index
          %swap3A_417 = tpu.vector_load %arg12[%swap3A_416] {strides = array<i32>} : memref<640xi32, #tpu.memory_space<vmem>>, vector<16xi32>,
          tpu.vector_store %arg12[%swap3A_416], %add3A_415 {strides = array<i32>} : memref<640xi32, #tpu.memory_space<vmem>>, vector<16xi32>,
          %add3A_418 = arith.constant 65536 : i32
          %add3A_419 = vector.broadcast %add3A_418 : i32 to vector<16xi32>
          %add3A_420 = arith.addi %add3A_397, %add3A_419 : vector<16xi32>
          %swap3A_421 = arith.constant 576 : index
          %swap3A_422 = tpu.vector_load %arg12[%swap3A_421] {strides = array<i32>} : memref<640xi32, #tpu.memory_space<vmem>>, vector<16xi32>,
          tpu.vector_store %arg12[%swap3A_421], %add3A_420 {strides = array<i32>} : memref<640xi32, #tpu.memory_space<vmem>>, vector<16xi32>,
          %mul3A_423 = arith.constant 128 : i32
          %mul3A_424 = arith.muli %while3A_139, %mul3A_423 : i32
          %add3A_425 = arith.constant 80 : i32
          %add3A_426 = arith.addi %mul3A_424, %add3A_425 : i32
          %multiple_of3A_427 = tpu.assume_multiple %add3A_426, 16 : i32
          %mul3A_428 = arith.constant 128 : i32
          %mul3A_429 = arith.muli %while3A_139, %mul3A_428 : i32
          %add3A_430 = arith.constant 80 : i32
          %add3A_431 = arith.addi %mul3A_429, %add3A_430 : i32
          %add3A_432 = vector.broadcast %add3A_431 : i32 to vector<16xi32>
          %add3A_433 = arith.addi %add3A_432, %iota3A : vector<16xi32>
          %lt3A_434 = vector.broadcast %scan3A_98 : i32 to vector<16xi32>
          %lt3A_435 = arith.cmpi slt, %add3A_433, %lt3A_434 : vector<16xi32>
          %get3A_436 = arith.index_cast %multiple_of3A_427 : i32 to index
          %get3A_437 = tpu.vector_load %arg7[%get3A_436] {strides = array<i32>} : memref<8192xi32, #tpu.memory_space<vmem>>, vector<16xi32>,
          %jit3A_438 = arith.constant 0 : i32
          %broadcast_in_dim3A_439 = vector.broadcast %jit3A_438 : i32 to vector<16xi32>
          %select_n3A_440 = arith.select %lt3A_435, %get3A_437, %broadcast_in_dim3A_439 : vector<16xi1>, vector<16xi32>
          %swap3A_441 = arith.constant 80 : index
          %swap3A_442 = tpu.vector_load %arg11[%swap3A_441] {strides = array<i32>} : memref<128xi32, #tpu.memory_space<vmem>>, vector<16xi32>,
          tpu.vector_store %arg11[%swap3A_441], %select_n3A_440 {strides = array<i32>} : memref<128xi32, #tpu.memory_space<vmem>>, vector<16xi32>,
          %get3A_443 = arith.index_cast %multiple_of3A_427 : i32 to index
          %get3A_444 = tpu.vector_load %arg8[%get3A_443] {strides = array<i32>} : memref<8192xi32, #tpu.memory_space<vmem>>, vector<16xi32>,
          %jit3A_445 = arith.constant 0 : i32
          %broadcast_in_dim3A_446 = vector.broadcast %jit3A_445 : i32 to vector<16xi32>
          %select_n3A_447 = arith.select %lt3A_435, %get3A_444, %broadcast_in_dim3A_446 : vector<16xi1>, vector<16xi32>
          %shift_right_arithmetic3A_448 = arith.constant 14 : i32
          %shift_right_arithmetic3A_449 = vector.broadcast %shift_right_arithmetic3A_448 : i32 to vector<16xi32>
          %shift_right_arithmetic3A_450 = arith.shrsi %select_n3A_447, %shift_right_arithmetic3A_449 : vector<16xi32>
          %mul3A_451 = arith.constant 65536 : i32
          %mul3A_452 = vector.broadcast %mul3A_451 : i32 to vector<16xi32>
          %mul3A_453 = arith.muli %shift_right_arithmetic3A_450, %mul3A_452 : vector<16xi32>
          %add3A_454 = arith.addi %select_n3A_447, %mul3A_453 : vector<16xi32>
          %add3A_455 = arith.constant 0 : i32
          %add3A_456 = vector.broadcast %add3A_455 : i32 to vector<16xi32>
          %add3A_457 = arith.addi %add3A_454, %add3A_456 : vector<16xi32>
          %swap3A_458 = arith.constant 80 : index
          %swap3A_459 = tpu.vector_load %arg12[%swap3A_458] {strides = array<i32>} : memref<640xi32, #tpu.memory_space<vmem>>, vector<16xi32>,
          tpu.vector_store %arg12[%swap3A_458], %add3A_457 {strides = array<i32>} : memref<640xi32, #tpu.memory_space<vmem>>, vector<16xi32>,
          %add3A_460 = arith.constant 16384 : i32
          %add3A_461 = vector.broadcast %add3A_460 : i32 to vector<16xi32>
          %add3A_462 = arith.addi %add3A_454, %add3A_461 : vector<16xi32>
          %swap3A_463 = arith.constant 208 : index
          %swap3A_464 = tpu.vector_load %arg12[%swap3A_463] {strides = array<i32>} : memref<640xi32, #tpu.memory_space<vmem>>, vector<16xi32>,
          tpu.vector_store %arg12[%swap3A_463], %add3A_462 {strides = array<i32>} : memref<640xi32, #tpu.memory_space<vmem>>, vector<16xi32>,
          %add3A_465 = arith.constant 32768 : i32
          %add3A_466 = vector.broadcast %add3A_465 : i32 to vector<16xi32>
          %add3A_467 = arith.addi %add3A_454, %add3A_466 : vector<16xi32>
          %swap3A_468 = arith.constant 336 : index
          %swap3A_469 = tpu.vector_load %arg12[%swap3A_468] {strides = array<i32>} : memref<640xi32, #tpu.memory_space<vmem>>, vector<16xi32>,
          tpu.vector_store %arg12[%swap3A_468], %add3A_467 {strides = array<i32>} : memref<640xi32, #tpu.memory_space<vmem>>, vector<16xi32>,
          %add3A_470 = arith.constant 49152 : i32
          %add3A_471 = vector.broadcast %add3A_470 : i32 to vector<16xi32>
          %add3A_472 = arith.addi %add3A_454, %add3A_471 : vector<16xi32>
          %swap3A_473 = arith.constant 464 : index
          %swap3A_474 = tpu.vector_load %arg12[%swap3A_473] {strides = array<i32>} : memref<640xi32, #tpu.memory_space<vmem>>, vector<16xi32>,
          tpu.vector_store %arg12[%swap3A_473], %add3A_472 {strides = array<i32>} : memref<640xi32, #tpu.memory_space<vmem>>, vector<16xi32>,
          %add3A_475 = arith.constant 65536 : i32
          %add3A_476 = vector.broadcast %add3A_475 : i32 to vector<16xi32>
          %add3A_477 = arith.addi %add3A_454, %add3A_476 : vector<16xi32>
          %swap3A_478 = arith.constant 592 : index
          %swap3A_479 = tpu.vector_load %arg12[%swap3A_478] {strides = array<i32>} : memref<640xi32, #tpu.memory_space<vmem>>, vector<16xi32>,
          tpu.vector_store %arg12[%swap3A_478], %add3A_477 {strides = array<i32>} : memref<640xi32, #tpu.memory_space<vmem>>, vector<16xi32>,
          %mul3A_480 = arith.constant 128 : i32
          %mul3A_481 = arith.muli %while3A_139, %mul3A_480 : i32
          %add3A_482 = arith.constant 96 : i32
          %add3A_483 = arith.addi %mul3A_481, %add3A_482 : i32
          %multiple_of3A_484 = tpu.assume_multiple %add3A_483, 16 : i32
          %mul3A_485 = arith.constant 128 : i32
          %mul3A_486 = arith.muli %while3A_139, %mul3A_485 : i32
          %add3A_487 = arith.constant 96 : i32
          %add3A_488 = arith.addi %mul3A_486, %add3A_487 : i32
          %add3A_489 = vector.broadcast %add3A_488 : i32 to vector<16xi32>
          %add3A_490 = arith.addi %add3A_489, %iota3A : vector<16xi32>
          %lt3A_491 = vector.broadcast %scan3A_98 : i32 to vector<16xi32>
          %lt3A_492 = arith.cmpi slt, %add3A_490, %lt3A_491 : vector<16xi32>
          %get3A_493 = arith.index_cast %multiple_of3A_484 : i32 to index
          %get3A_494 = tpu.vector_load %arg7[%get3A_493] {strides = array<i32>} : memref<8192xi32, #tpu.memory_space<vmem>>, vector<16xi32>,
          %jit3A_495 = arith.constant 0 : i32
          %broadcast_in_dim3A_496 = vector.broadcast %jit3A_495 : i32 to vector<16xi32>
          %select_n3A_497 = arith.select %lt3A_492, %get3A_494, %broadcast_in_dim3A_496 : vector<16xi1>, vector<16xi32>
          %swap3A_498 = arith.constant 96 : index
          %swap3A_499 = tpu.vector_load %arg11[%swap3A_498] {strides = array<i32>} : memref<128xi32, #tpu.memory_space<vmem>>, vector<16xi32>,
          tpu.vector_store %arg11[%swap3A_498], %select_n3A_497 {strides = array<i32>} : memref<128xi32, #tpu.memory_space<vmem>>, vector<16xi32>,
          %get3A_500 = arith.index_cast %multiple_of3A_484 : i32 to index
          %get3A_501 = tpu.vector_load %arg8[%get3A_500] {strides = array<i32>} : memref<8192xi32, #tpu.memory_space<vmem>>, vector<16xi32>,
          %jit3A_502 = arith.constant 0 : i32
          %broadcast_in_dim3A_503 = vector.broadcast %jit3A_502 : i32 to vector<16xi32>
          %select_n3A_504 = arith.select %lt3A_492, %get3A_501, %broadcast_in_dim3A_503 : vector<16xi1>, vector<16xi32>
          %shift_right_arithmetic3A_505 = arith.constant 14 : i32
          %shift_right_arithmetic3A_506 = vector.broadcast %shift_right_arithmetic3A_505 : i32 to vector<16xi32>
          %shift_right_arithmetic3A_507 = arith.shrsi %select_n3A_504, %shift_right_arithmetic3A_506 : vector<16xi32>
          %mul3A_508 = arith.constant 65536 : i32
          %mul3A_509 = vector.broadcast %mul3A_508 : i32 to vector<16xi32>
          %mul3A_510 = arith.muli %shift_right_arithmetic3A_507, %mul3A_509 : vector<16xi32>
          %add3A_511 = arith.addi %select_n3A_504, %mul3A_510 : vector<16xi32>
          %add3A_512 = arith.constant 0 : i32
          %add3A_513 = vector.broadcast %add3A_512 : i32 to vector<16xi32>
          %add3A_514 = arith.addi %add3A_511, %add3A_513 : vector<16xi32>
          %swap3A_515 = arith.constant 96 : index
          %swap3A_516 = tpu.vector_load %arg12[%swap3A_515] {strides = array<i32>} : memref<640xi32, #tpu.memory_space<vmem>>, vector<16xi32>,
          tpu.vector_store %arg12[%swap3A_515], %add3A_514 {strides = array<i32>} : memref<640xi32, #tpu.memory_space<vmem>>, vector<16xi32>,
          %add3A_517 = arith.constant 16384 : i32
          %add3A_518 = vector.broadcast %add3A_517 : i32 to vector<16xi32>
          %add3A_519 = arith.addi %add3A_511, %add3A_518 : vector<16xi32>
          %swap3A_520 = arith.constant 224 : index
          %swap3A_521 = tpu.vector_load %arg12[%swap3A_520] {strides = array<i32>} : memref<640xi32, #tpu.memory_space<vmem>>, vector<16xi32>,
          tpu.vector_store %arg12[%swap3A_520], %add3A_519 {strides = array<i32>} : memref<640xi32, #tpu.memory_space<vmem>>, vector<16xi32>,
          %add3A_522 = arith.constant 32768 : i32
          %add3A_523 = vector.broadcast %add3A_522 : i32 to vector<16xi32>
          %add3A_524 = arith.addi %add3A_511, %add3A_523 : vector<16xi32>
          %swap3A_525 = arith.constant 352 : index
          %swap3A_526 = tpu.vector_load %arg12[%swap3A_525] {strides = array<i32>} : memref<640xi32, #tpu.memory_space<vmem>>, vector<16xi32>,
          tpu.vector_store %arg12[%swap3A_525], %add3A_524 {strides = array<i32>} : memref<640xi32, #tpu.memory_space<vmem>>, vector<16xi32>,
          %add3A_527 = arith.constant 49152 : i32
          %add3A_528 = vector.broadcast %add3A_527 : i32 to vector<16xi32>
          %add3A_529 = arith.addi %add3A_511, %add3A_528 : vector<16xi32>
          %swap3A_530 = arith.constant 480 : index
          %swap3A_531 = tpu.vector_load %arg12[%swap3A_530] {strides = array<i32>} : memref<640xi32, #tpu.memory_space<vmem>>, vector<16xi32>,
          tpu.vector_store %arg12[%swap3A_530], %add3A_529 {strides = array<i32>} : memref<640xi32, #tpu.memory_space<vmem>>, vector<16xi32>,
          %add3A_532 = arith.constant 65536 : i32
          %add3A_533 = vector.broadcast %add3A_532 : i32 to vector<16xi32>
          %add3A_534 = arith.addi %add3A_511, %add3A_533 : vector<16xi32>
          %swap3A_535 = arith.constant 608 : index
          %swap3A_536 = tpu.vector_load %arg12[%swap3A_535] {strides = array<i32>} : memref<640xi32, #tpu.memory_space<vmem>>, vector<16xi32>,
          tpu.vector_store %arg12[%swap3A_535], %add3A_534 {strides = array<i32>} : memref<640xi32, #tpu.memory_space<vmem>>, vector<16xi32>,
          %mul3A_537 = arith.constant 128 : i32
          %mul3A_538 = arith.muli %while3A_139, %mul3A_537 : i32
          %add3A_539 = arith.constant 112 : i32
          %add3A_540 = arith.addi %mul3A_538, %add3A_539 : i32
          %multiple_of3A_541 = tpu.assume_multiple %add3A_540, 16 : i32
          %mul3A_542 = arith.constant 128 : i32
          %mul3A_543 = arith.muli %while3A_139, %mul3A_542 : i32
          %add3A_544 = arith.constant 112 : i32
          %add3A_545 = arith.addi %mul3A_543, %add3A_544 : i32
          %add3A_546 = vector.broadcast %add3A_545 : i32 to vector<16xi32>
          %add3A_547 = arith.addi %add3A_546, %iota3A : vector<16xi32>
          %lt3A_548 = vector.broadcast %scan3A_98 : i32 to vector<16xi32>
          %lt3A_549 = arith.cmpi slt, %add3A_547, %lt3A_548 : vector<16xi32>
          %get3A_550 = arith.index_cast %multiple_of3A_541 : i32 to index
          %get3A_551 = tpu.vector_load %arg7[%get3A_550] {strides = array<i32>} : memref<8192xi32, #tpu.memory_space<vmem>>, vector<16xi32>,
          %jit3A_552 = arith.constant 0 : i32
          %broadcast_in_dim3A_553 = vector.broadcast %jit3A_552 : i32 to vector<16xi32>
          %select_n3A_554 = arith.select %lt3A_549, %get3A_551, %broadcast_in_dim3A_553 : vector<16xi1>, vector<16xi32>
          %swap3A_555 = arith.constant 112 : index
          %swap3A_556 = tpu.vector_load %arg11[%swap3A_555] {strides = array<i32>} : memref<128xi32, #tpu.memory_space<vmem>>, vector<16xi32>,
          tpu.vector_store %arg11[%swap3A_555], %select_n3A_554 {strides = array<i32>} : memref<128xi32, #tpu.memory_space<vmem>>, vector<16xi32>,
          %get3A_557 = arith.index_cast %multiple_of3A_541 : i32 to index
          %get3A_558 = tpu.vector_load %arg8[%get3A_557] {strides = array<i32>} : memref<8192xi32, #tpu.memory_space<vmem>>, vector<16xi32>,
          %jit3A_559 = arith.constant 0 : i32
          %broadcast_in_dim3A_560 = vector.broadcast %jit3A_559 : i32 to vector<16xi32>
          %select_n3A_561 = arith.select %lt3A_549, %get3A_558, %broadcast_in_dim3A_560 : vector<16xi1>, vector<16xi32>
          %shift_right_arithmetic3A_562 = arith.constant 14 : i32
          %shift_right_arithmetic3A_563 = vector.broadcast %shift_right_arithmetic3A_562 : i32 to vector<16xi32>
          %shift_right_arithmetic3A_564 = arith.shrsi %select_n3A_561, %shift_right_arithmetic3A_563 : vector<16xi32>
          %mul3A_565 = arith.constant 65536 : i32
          %mul3A_566 = vector.broadcast %mul3A_565 : i32 to vector<16xi32>
          %mul3A_567 = arith.muli %shift_right_arithmetic3A_564, %mul3A_566 : vector<16xi32>
          %add3A_568 = arith.addi %select_n3A_561, %mul3A_567 : vector<16xi32>
          %add3A_569 = arith.constant 0 : i32
          %add3A_570 = vector.broadcast %add3A_569 : i32 to vector<16xi32>
          %add3A_571 = arith.addi %add3A_568, %add3A_570 : vector<16xi32>
          %swap3A_572 = arith.constant 112 : index
          %swap3A_573 = tpu.vector_load %arg12[%swap3A_572] {strides = array<i32>} : memref<640xi32, #tpu.memory_space<vmem>>, vector<16xi32>,
          tpu.vector_store %arg12[%swap3A_572], %add3A_571 {strides = array<i32>} : memref<640xi32, #tpu.memory_space<vmem>>, vector<16xi32>,
          %add3A_574 = arith.constant 16384 : i32
          %add3A_575 = vector.broadcast %add3A_574 : i32 to vector<16xi32>
          %add3A_576 = arith.addi %add3A_568, %add3A_575 : vector<16xi32>
          %swap3A_577 = arith.constant 240 : index
          %swap3A_578 = tpu.vector_load %arg12[%swap3A_577] {strides = array<i32>} : memref<640xi32, #tpu.memory_space<vmem>>, vector<16xi32>,
          tpu.vector_store %arg12[%swap3A_577], %add3A_576 {strides = array<i32>} : memref<640xi32, #tpu.memory_space<vmem>>, vector<16xi32>,
          %add3A_579 = arith.constant 32768 : i32
          %add3A_580 = vector.broadcast %add3A_579 : i32 to vector<16xi32>
          %add3A_581 = arith.addi %add3A_568, %add3A_580 : vector<16xi32>
          %swap3A_582 = arith.constant 368 : index
          %swap3A_583 = tpu.vector_load %arg12[%swap3A_582] {strides = array<i32>} : memref<640xi32, #tpu.memory_space<vmem>>, vector<16xi32>,
          tpu.vector_store %arg12[%swap3A_582], %add3A_581 {strides = array<i32>} : memref<640xi32, #tpu.memory_space<vmem>>, vector<16xi32>,
          %add3A_584 = arith.constant 49152 : i32
          %add3A_585 = vector.broadcast %add3A_584 : i32 to vector<16xi32>
          %add3A_586 = arith.addi %add3A_568, %add3A_585 : vector<16xi32>
          %swap3A_587 = arith.constant 496 : index
          %swap3A_588 = tpu.vector_load %arg12[%swap3A_587] {strides = array<i32>} : memref<640xi32, #tpu.memory_space<vmem>>, vector<16xi32>,
          tpu.vector_store %arg12[%swap3A_587], %add3A_586 {strides = array<i32>} : memref<640xi32, #tpu.memory_space<vmem>>, vector<16xi32>,
          %add3A_589 = arith.constant 65536 : i32
          %add3A_590 = vector.broadcast %add3A_589 : i32 to vector<16xi32>
          %add3A_591 = arith.addi %add3A_568, %add3A_590 : vector<16xi32>
          %swap3A_592 = arith.constant 624 : index
          %swap3A_593 = tpu.vector_load %arg12[%swap3A_592] {strides = array<i32>} : memref<640xi32, #tpu.memory_space<vmem>>, vector<16xi32>,
          tpu.vector_store %arg12[%swap3A_592], %add3A_591 {strides = array<i32>} : memref<640xi32, #tpu.memory_space<vmem>>, vector<16xi32>,
          %dma_start3A = arith.constant 0 : i32
          %dma_start3A_594 = tpu.memref_slice %arg3[%dma_start3A] : memref<20889600xf32, #tpu.memory_space<hbm>> -> memref<20889600xf32, #tpu.memory_space<hbm>>
          tpu.enqueue_indirect_dma source(%dma_start3A_594 : memref<20889600xf32, #tpu.memory_space<hbm>>) target(%arg14 : memref<640xf32, #tpu.memory_space<vmem>>) offsets(%arg12 : memref<640xi32, #tpu.memory_space<vmem>>) semaphore(%arg15 : memref<!tpu.dma_semaphore, #tpu.memory_space<semaphore_mem>>)
          %dma_start3A_595 = arith.constant 0 : i32
          %dma_start3A_596 = arith.constant 0 : i32
          %dma_start3A_597 = tpu.memref_slice %arg2[%dma_start3A_595, %dma_start3A_596] : memref<100352x16xi32, #tpu.memory_space<hbm>> -> memref<100352x16xi32, #tpu.memory_space<hbm>>
          tpu.enqueue_indirect_dma source(%dma_start3A_597 : memref<100352x16xi32, #tpu.memory_space<hbm>>) target(%arg13 : memref<128x16xi32, #tpu.memory_space<vmem>>) offsets(%arg11 : memref<128xi32, #tpu.memory_space<vmem>>) semaphore(%arg15 : memref<!tpu.dma_semaphore, #tpu.memory_space<semaphore_mem>>)
          %dma_wait3A = arith.constant 0 : i32
          %dma_wait3A_598 = tpu.memref_slice %arg3[%dma_wait3A] : memref<20889600xf32, #tpu.memory_space<hbm>> -> memref<20889600xf32, #tpu.memory_space<hbm>>
          tpu.wait_indirect_dma semaphore(%arg15 : memref<!tpu.dma_semaphore, #tpu.memory_space<semaphore_mem>>) src(%dma_wait3A_598 : memref<20889600xf32, #tpu.memory_space<hbm>>) dst(%arg14 : memref<640xf32, #tpu.memory_space<vmem>>)
          %dma_wait3A_599 = arith.constant 0 : i32
          %dma_wait3A_600 = arith.constant 0 : i32
          %dma_wait3A_601 = tpu.memref_slice %arg2[%dma_wait3A_599, %dma_wait3A_600] : memref<100352x16xi32, #tpu.memory_space<hbm>> -> memref<100352x16xi32, #tpu.memory_space<hbm>>
          tpu.wait_indirect_dma semaphore(%arg15 : memref<!tpu.dma_semaphore, #tpu.memory_space<semaphore_mem>>) src(%dma_wait3A_601 : memref<100352x16xi32, #tpu.memory_space<hbm>>) dst(%arg13 : memref<128x16xi32, #tpu.memory_space<vmem>>)
          %add3A_602 = arith.constant 0 : i32
          %add3A_603 = vector.broadcast %add3A_602 : i32 to vector<16xi32>
          %add3A_604 = arith.addi %add3A_603, %iota3A : vector<16xi32>
          %mul3A_605 = arith.constant 128 : i32
          %mul3A_606 = arith.muli %while3A_139, %mul3A_605 : i32
          %add3A_607 = arith.constant 0 : i32
          %add3A_608 = arith.addi %mul3A_606, %add3A_607 : i32
          %add3A_609 = vector.broadcast %add3A_608 : i32 to vector<16xi32>
          %add3A_610 = arith.addi %add3A_609, %iota3A : vector<16xi32>
          %lt3A_611 = vector.broadcast %scan3A_98 : i32 to vector<16xi32>
          %lt3A_612 = arith.cmpi slt, %add3A_610, %lt3A_611 : vector<16xi32>
          %jit3A_613 = arith.constant 1.000000e+00 : f32
          %jit3A_614 = arith.constant 0.000000e+00 : f32
          %broadcast_in_dim3A_615 = vector.broadcast %jit3A_613 : f32 to vector<16xf32>
          %broadcast_in_dim3A_616 = vector.broadcast %jit3A_614 : f32 to vector<16xf32>
          %select_n3A_617 = arith.select %lt3A_612, %broadcast_in_dim3A_615, %broadcast_in_dim3A_616 : vector<16xi1>, vector<16xf32>
          %get3A_618 = arith.constant 512 : index
          %get3A_619 = tpu.vector_load %arg14[%get3A_618] {strides = array<i32>} : memref<640xf32, #tpu.memory_space<vmem>>, vector<16xf32>,
          %get3A_620 = arith.constant 0 : index
          %get3A_621 = tpu.vector_load %arg14[%get3A_620] {strides = array<i32>} : memref<640xf32, #tpu.memory_space<vmem>>, vector<16xf32>,
          %mul3A_622 = arith.constant 0 : i32
          %mul3A_623 = vector.broadcast %mul3A_622 : i32 to vector<16xi32>
          %mul3A_624 = arith.muli %iota3A, %mul3A_623 : vector<16xi32>
          %add3A_625 = arith.constant 4 : i32
          %add3A_626 = vector.broadcast %add3A_625 : i32 to vector<16xi32>
          %add3A_627 = arith.addi %mul3A_624, %add3A_626 : vector<16xi32>
          %add3A_628 = arith.constant 0 : i32
          %add3A_629 = vector.broadcast %add3A_628 : i32 to vector<16xi32>
          %add3A_630 = arith.addi %add3A_627, %add3A_629 : vector<16xi32>
          %gather3A = tpu.vector_load_idx %arg13[%add3A_604, %add3A_630] : memref<128x16xi32, #tpu.memory_space<vmem>>[vector<16xi32>, vector<16xi32>], vector<16xi32>,
          %convert_element_type3A = arith.sitofp %gather3A : vector<16xi32> to vector<16xf32>
          %sub3A_631 = arith.subf %get3A_621, %convert_element_type3A : vector<16xf32>
          %get3A_632 = arith.constant 128 : index
          %get3A_633 = tpu.vector_load %arg14[%get3A_632] {strides = array<i32>} : memref<640xf32, #tpu.memory_space<vmem>>, vector<16xf32>,
          %mul3A_634 = arith.constant 0 : i32
          %mul3A_635 = vector.broadcast %mul3A_634 : i32 to vector<16xi32>
          %mul3A_636 = arith.muli %iota3A, %mul3A_635 : vector<16xi32>
          %add3A_637 = arith.constant 4 : i32
          %add3A_638 = vector.broadcast %add3A_637 : i32 to vector<16xi32>
          %add3A_639 = arith.addi %mul3A_636, %add3A_638 : vector<16xi32>
          %add3A_640 = arith.constant 1 : i32
          %add3A_641 = vector.broadcast %add3A_640 : i32 to vector<16xi32>
          %add3A_642 = arith.addi %add3A_639, %add3A_641 : vector<16xi32>
          %gather3A_643 = tpu.vector_load_idx %arg13[%add3A_604, %add3A_642] : memref<128x16xi32, #tpu.memory_space<vmem>>[vector<16xi32>, vector<16xi32>], vector<16xi32>,
          %convert_element_type3A_644 = arith.sitofp %gather3A_643 : vector<16xi32> to vector<16xf32>
          %sub3A_645 = arith.subf %get3A_633, %convert_element_type3A_644 : vector<16xf32>
          %get3A_646 = arith.constant 256 : index
          %get3A_647 = tpu.vector_load %arg14[%get3A_646] {strides = array<i32>} : memref<640xf32, #tpu.memory_space<vmem>>, vector<16xf32>,
          %mul3A_648 = arith.constant 0 : i32
          %mul3A_649 = vector.broadcast %mul3A_648 : i32 to vector<16xi32>
          %mul3A_650 = arith.muli %iota3A, %mul3A_649 : vector<16xi32>
          %add3A_651 = arith.constant 4 : i32
          %add3A_652 = vector.broadcast %add3A_651 : i32 to vector<16xi32>
          %add3A_653 = arith.addi %mul3A_650, %add3A_652 : vector<16xi32>
          %add3A_654 = arith.constant 2 : i32
          %add3A_655 = vector.broadcast %add3A_654 : i32 to vector<16xi32>
          %add3A_656 = arith.addi %add3A_653, %add3A_655 : vector<16xi32>
          %gather3A_657 = tpu.vector_load_idx %arg13[%add3A_604, %add3A_656] : memref<128x16xi32, #tpu.memory_space<vmem>>[vector<16xi32>, vector<16xi32>], vector<16xi32>,
          %convert_element_type3A_658 = arith.sitofp %gather3A_657 : vector<16xi32> to vector<16xf32>
          %sub3A_659 = arith.subf %get3A_647, %convert_element_type3A_658 : vector<16xf32>
          %get3A_660 = arith.constant 384 : index
          %get3A_661 = tpu.vector_load %arg14[%get3A_660] {strides = array<i32>} : memref<640xf32, #tpu.memory_space<vmem>>, vector<16xf32>,
          %mul3A_662 = arith.constant 0 : i32
          %mul3A_663 = vector.broadcast %mul3A_662 : i32 to vector<16xi32>
          %mul3A_664 = arith.muli %iota3A, %mul3A_663 : vector<16xi32>
          %add3A_665 = arith.constant 4 : i32
          %add3A_666 = vector.broadcast %add3A_665 : i32 to vector<16xi32>
          %add3A_667 = arith.addi %mul3A_664, %add3A_666 : vector<16xi32>
          %add3A_668 = arith.constant 3 : i32
          %add3A_669 = vector.broadcast %add3A_668 : i32 to vector<16xi32>
          %add3A_670 = arith.addi %add3A_667, %add3A_669 : vector<16xi32>
          %gather3A_671 = tpu.vector_load_idx %arg13[%add3A_604, %add3A_670] : memref<128x16xi32, #tpu.memory_space<vmem>>[vector<16xi32>, vector<16xi32>], vector<16xi32>,
          %convert_element_type3A_672 = arith.sitofp %gather3A_671 : vector<16xi32> to vector<16xf32>
          %sub3A_673 = arith.subf %get3A_661, %convert_element_type3A_672 : vector<16xf32>
          %get3A_674 = arith.constant 0 : index
          %get3A_675 = tpu.vector_load %arg9[%get3A_674] {strides = array<i32>} : memref<64xf32, #tpu.memory_space<vmem>>, vector<16xf32>,
          %mul3A_676 = arith.mulf %select_n3A_617, %get3A_619 : vector<16xf32>
          %mul3A_677 = arith.mulf %mul3A_676, %get3A_619 : vector<16xf32>
          %add3A_678 = arith.addf %get3A_675, %mul3A_677 : vector<16xf32>
          %swap3A_679 = arith.constant 0 : index
          %swap3A_680 = tpu.vector_load %arg9[%swap3A_679] {strides = array<i32>} : memref<64xf32, #tpu.memory_space<vmem>>, vector<16xf32>,
          tpu.vector_store %arg9[%swap3A_679], %add3A_678 {strides = array<i32>} : memref<64xf32, #tpu.memory_space<vmem>>, vector<16xf32>,
          %get3A_681 = arith.constant 16 : index
          %get3A_682 = tpu.vector_load %arg9[%get3A_681] {strides = array<i32>} : memref<64xf32, #tpu.memory_space<vmem>>, vector<16xf32>,
          %mul3A_683 = arith.mulf %sub3A_631, %sub3A_631 : vector<16xf32>
          %mul3A_684 = arith.mulf %sub3A_645, %sub3A_645 : vector<16xf32>
          %add3A_685 = arith.addf %mul3A_683, %mul3A_684 : vector<16xf32>
          %mul3A_686 = arith.mulf %select_n3A_617, %add3A_685 : vector<16xf32>
          %add3A_687 = arith.addf %get3A_682, %mul3A_686 : vector<16xf32>
          %swap3A_688 = arith.constant 16 : index
          %swap3A_689 = tpu.vector_load %arg9[%swap3A_688] {strides = array<i32>} : memref<64xf32, #tpu.memory_space<vmem>>, vector<16xf32>,
          tpu.vector_store %arg9[%swap3A_688], %add3A_687 {strides = array<i32>} : memref<64xf32, #tpu.memory_space<vmem>>, vector<16xf32>,
          %get3A_690 = arith.constant 32 : index
          %get3A_691 = tpu.vector_load %arg9[%get3A_690] {strides = array<i32>} : memref<64xf32, #tpu.memory_space<vmem>>, vector<16xf32>,
          %mul3A_692 = arith.mulf %sub3A_659, %sub3A_659 : vector<16xf32>
          %mul3A_693 = arith.mulf %sub3A_673, %sub3A_673 : vector<16xf32>
          %add3A_694 = arith.addf %mul3A_692, %mul3A_693 : vector<16xf32>
          %mul3A_695 = arith.mulf %select_n3A_617, %add3A_694 : vector<16xf32>
          %add3A_696 = arith.addf %get3A_691, %mul3A_695 : vector<16xf32>
          %swap3A_697 = arith.constant 32 : index
          %swap3A_698 = tpu.vector_load %arg9[%swap3A_697] {strides = array<i32>} : memref<64xf32, #tpu.memory_space<vmem>>, vector<16xf32>,
          tpu.vector_store %arg9[%swap3A_697], %add3A_696 {strides = array<i32>} : memref<64xf32, #tpu.memory_space<vmem>>, vector<16xf32>,
          %get3A_699 = arith.constant 48 : index
          %get3A_700 = tpu.vector_load %arg9[%get3A_699] {strides = array<i32>} : memref<64xf32, #tpu.memory_space<vmem>>, vector<16xf32>,
          %add3A_701 = arith.addf %get3A_700, %select_n3A_617 : vector<16xf32>
          %swap3A_702 = arith.constant 48 : index
          %swap3A_703 = tpu.vector_load %arg9[%swap3A_702] {strides = array<i32>} : memref<64xf32, #tpu.memory_space<vmem>>, vector<16xf32>,
          tpu.vector_store %arg9[%swap3A_702], %add3A_701 {strides = array<i32>} : memref<64xf32, #tpu.memory_space<vmem>>, vector<16xf32>,
          %add3A_704 = arith.constant 16 : i32
          %add3A_705 = vector.broadcast %add3A_704 : i32 to vector<16xi32>
          %add3A_706 = arith.addi %add3A_705, %iota3A : vector<16xi32>
          %mul3A_707 = arith.constant 128 : i32
          %mul3A_708 = arith.muli %while3A_139, %mul3A_707 : i32
          %add3A_709 = arith.constant 16 : i32
          %add3A_710 = arith.addi %mul3A_708, %add3A_709 : i32
          %add3A_711 = vector.broadcast %add3A_710 : i32 to vector<16xi32>
          %add3A_712 = arith.addi %add3A_711, %iota3A : vector<16xi32>
          %lt3A_713 = vector.broadcast %scan3A_98 : i32 to vector<16xi32>
          %lt3A_714 = arith.cmpi slt, %add3A_712, %lt3A_713 : vector<16xi32>
          %jit3A_715 = arith.constant 1.000000e+00 : f32
          %jit3A_716 = arith.constant 0.000000e+00 : f32
          %broadcast_in_dim3A_717 = vector.broadcast %jit3A_715 : f32 to vector<16xf32>
          %broadcast_in_dim3A_718 = vector.broadcast %jit3A_716 : f32 to vector<16xf32>
          %select_n3A_719 = arith.select %lt3A_714, %broadcast_in_dim3A_717, %broadcast_in_dim3A_718 : vector<16xi1>, vector<16xf32>
          %get3A_720 = arith.constant 528 : index
          %get3A_721 = tpu.vector_load %arg14[%get3A_720] {strides = array<i32>} : memref<640xf32, #tpu.memory_space<vmem>>, vector<16xf32>,
          %get3A_722 = arith.constant 16 : index
          %get3A_723 = tpu.vector_load %arg14[%get3A_722] {strides = array<i32>} : memref<640xf32, #tpu.memory_space<vmem>>, vector<16xf32>,
          %mul3A_724 = arith.constant 0 : i32
          %mul3A_725 = vector.broadcast %mul3A_724 : i32 to vector<16xi32>
          %mul3A_726 = arith.muli %iota3A, %mul3A_725 : vector<16xi32>
          %add3A_727 = arith.constant 4 : i32
          %add3A_728 = vector.broadcast %add3A_727 : i32 to vector<16xi32>
          %add3A_729 = arith.addi %mul3A_726, %add3A_728 : vector<16xi32>
          %add3A_730 = arith.constant 0 : i32
          %add3A_731 = vector.broadcast %add3A_730 : i32 to vector<16xi32>
          %add3A_732 = arith.addi %add3A_729, %add3A_731 : vector<16xi32>
          %gather3A_733 = tpu.vector_load_idx %arg13[%add3A_706, %add3A_732] : memref<128x16xi32, #tpu.memory_space<vmem>>[vector<16xi32>, vector<16xi32>], vector<16xi32>,
          %convert_element_type3A_734 = arith.sitofp %gather3A_733 : vector<16xi32> to vector<16xf32>
          %sub3A_735 = arith.subf %get3A_723, %convert_element_type3A_734 : vector<16xf32>
          %get3A_736 = arith.constant 144 : index
          %get3A_737 = tpu.vector_load %arg14[%get3A_736] {strides = array<i32>} : memref<640xf32, #tpu.memory_space<vmem>>, vector<16xf32>,
          %mul3A_738 = arith.constant 0 : i32
          %mul3A_739 = vector.broadcast %mul3A_738 : i32 to vector<16xi32>
          %mul3A_740 = arith.muli %iota3A, %mul3A_739 : vector<16xi32>
          %add3A_741 = arith.constant 4 : i32
          %add3A_742 = vector.broadcast %add3A_741 : i32 to vector<16xi32>
          %add3A_743 = arith.addi %mul3A_740, %add3A_742 : vector<16xi32>
          %add3A_744 = arith.constant 1 : i32
          %add3A_745 = vector.broadcast %add3A_744 : i32 to vector<16xi32>
          %add3A_746 = arith.addi %add3A_743, %add3A_745 : vector<16xi32>
          %gather3A_747 = tpu.vector_load_idx %arg13[%add3A_706, %add3A_746] : memref<128x16xi32, #tpu.memory_space<vmem>>[vector<16xi32>, vector<16xi32>], vector<16xi32>,
          %convert_element_type3A_748 = arith.sitofp %gather3A_747 : vector<16xi32> to vector<16xf32>
          %sub3A_749 = arith.subf %get3A_737, %convert_element_type3A_748 : vector<16xf32>
          %get3A_750 = arith.constant 272 : index
          %get3A_751 = tpu.vector_load %arg14[%get3A_750] {strides = array<i32>} : memref<640xf32, #tpu.memory_space<vmem>>, vector<16xf32>,
          %mul3A_752 = arith.constant 0 : i32
          %mul3A_753 = vector.broadcast %mul3A_752 : i32 to vector<16xi32>
          %mul3A_754 = arith.muli %iota3A, %mul3A_753 : vector<16xi32>
          %add3A_755 = arith.constant 4 : i32
          %add3A_756 = vector.broadcast %add3A_755 : i32 to vector<16xi32>
          %add3A_757 = arith.addi %mul3A_754, %add3A_756 : vector<16xi32>
          %add3A_758 = arith.constant 2 : i32
          %add3A_759 = vector.broadcast %add3A_758 : i32 to vector<16xi32>
          %add3A_760 = arith.addi %add3A_757, %add3A_759 : vector<16xi32>
          %gather3A_761 = tpu.vector_load_idx %arg13[%add3A_706, %add3A_760] : memref<128x16xi32, #tpu.memory_space<vmem>>[vector<16xi32>, vector<16xi32>], vector<16xi32>,
          %convert_element_type3A_762 = arith.sitofp %gather3A_761 : vector<16xi32> to vector<16xf32>
          %sub3A_763 = arith.subf %get3A_751, %convert_element_type3A_762 : vector<16xf32>
          %get3A_764 = arith.constant 400 : index
          %get3A_765 = tpu.vector_load %arg14[%get3A_764] {strides = array<i32>} : memref<640xf32, #tpu.memory_space<vmem>>, vector<16xf32>,
          %mul3A_766 = arith.constant 0 : i32
          %mul3A_767 = vector.broadcast %mul3A_766 : i32 to vector<16xi32>
          %mul3A_768 = arith.muli %iota3A, %mul3A_767 : vector<16xi32>
          %add3A_769 = arith.constant 4 : i32
          %add3A_770 = vector.broadcast %add3A_769 : i32 to vector<16xi32>
          %add3A_771 = arith.addi %mul3A_768, %add3A_770 : vector<16xi32>
          %add3A_772 = arith.constant 3 : i32
          %add3A_773 = vector.broadcast %add3A_772 : i32 to vector<16xi32>
          %add3A_774 = arith.addi %add3A_771, %add3A_773 : vector<16xi32>
          %gather3A_775 = tpu.vector_load_idx %arg13[%add3A_706, %add3A_774] : memref<128x16xi32, #tpu.memory_space<vmem>>[vector<16xi32>, vector<16xi32>], vector<16xi32>,
          %convert_element_type3A_776 = arith.sitofp %gather3A_775 : vector<16xi32> to vector<16xf32>
          %sub3A_777 = arith.subf %get3A_765, %convert_element_type3A_776 : vector<16xf32>
          %get3A_778 = arith.constant 0 : index
          %get3A_779 = tpu.vector_load %arg9[%get3A_778] {strides = array<i32>} : memref<64xf32, #tpu.memory_space<vmem>>, vector<16xf32>,
          %mul3A_780 = arith.mulf %select_n3A_719, %get3A_721 : vector<16xf32>
          %mul3A_781 = arith.mulf %mul3A_780, %get3A_721 : vector<16xf32>
          %add3A_782 = arith.addf %get3A_779, %mul3A_781 : vector<16xf32>
          %swap3A_783 = arith.constant 0 : index
          %swap3A_784 = tpu.vector_load %arg9[%swap3A_783] {strides = array<i32>} : memref<64xf32, #tpu.memory_space<vmem>>, vector<16xf32>,
          tpu.vector_store %arg9[%swap3A_783], %add3A_782 {strides = array<i32>} : memref<64xf32, #tpu.memory_space<vmem>>, vector<16xf32>,
          %get3A_785 = arith.constant 16 : index
          %get3A_786 = tpu.vector_load %arg9[%get3A_785] {strides = array<i32>} : memref<64xf32, #tpu.memory_space<vmem>>, vector<16xf32>,
          %mul3A_787 = arith.mulf %sub3A_735, %sub3A_735 : vector<16xf32>
          %mul3A_788 = arith.mulf %sub3A_749, %sub3A_749 : vector<16xf32>
          %add3A_789 = arith.addf %mul3A_787, %mul3A_788 : vector<16xf32>
          %mul3A_790 = arith.mulf %select_n3A_719, %add3A_789 : vector<16xf32>
          %add3A_791 = arith.addf %get3A_786, %mul3A_790 : vector<16xf32>
          %swap3A_792 = arith.constant 16 : index
          %swap3A_793 = tpu.vector_load %arg9[%swap3A_792] {strides = array<i32>} : memref<64xf32, #tpu.memory_space<vmem>>, vector<16xf32>,
          tpu.vector_store %arg9[%swap3A_792], %add3A_791 {strides = array<i32>} : memref<64xf32, #tpu.memory_space<vmem>>, vector<16xf32>,
          %get3A_794 = arith.constant 32 : index
          %get3A_795 = tpu.vector_load %arg9[%get3A_794] {strides = array<i32>} : memref<64xf32, #tpu.memory_space<vmem>>, vector<16xf32>,
          %mul3A_796 = arith.mulf %sub3A_763, %sub3A_763 : vector<16xf32>
          %mul3A_797 = arith.mulf %sub3A_777, %sub3A_777 : vector<16xf32>
          %add3A_798 = arith.addf %mul3A_796, %mul3A_797 : vector<16xf32>
          %mul3A_799 = arith.mulf %select_n3A_719, %add3A_798 : vector<16xf32>
          %add3A_800 = arith.addf %get3A_795, %mul3A_799 : vector<16xf32>
          %swap3A_801 = arith.constant 32 : index
          %swap3A_802 = tpu.vector_load %arg9[%swap3A_801] {strides = array<i32>} : memref<64xf32, #tpu.memory_space<vmem>>, vector<16xf32>,
          tpu.vector_store %arg9[%swap3A_801], %add3A_800 {strides = array<i32>} : memref<64xf32, #tpu.memory_space<vmem>>, vector<16xf32>,
          %get3A_803 = arith.constant 48 : index
          %get3A_804 = tpu.vector_load %arg9[%get3A_803] {strides = array<i32>} : memref<64xf32, #tpu.memory_space<vmem>>, vector<16xf32>,
          %add3A_805 = arith.addf %get3A_804, %select_n3A_719 : vector<16xf32>
          %swap3A_806 = arith.constant 48 : index
          %swap3A_807 = tpu.vector_load %arg9[%swap3A_806] {strides = array<i32>} : memref<64xf32, #tpu.memory_space<vmem>>, vector<16xf32>,
          tpu.vector_store %arg9[%swap3A_806], %add3A_805 {strides = array<i32>} : memref<64xf32, #tpu.memory_space<vmem>>, vector<16xf32>,
          %add3A_808 = arith.constant 32 : i32
          %add3A_809 = vector.broadcast %add3A_808 : i32 to vector<16xi32>
          %add3A_810 = arith.addi %add3A_809, %iota3A : vector<16xi32>
          %mul3A_811 = arith.constant 128 : i32
          %mul3A_812 = arith.muli %while3A_139, %mul3A_811 : i32
          %add3A_813 = arith.constant 32 : i32
          %add3A_814 = arith.addi %mul3A_812, %add3A_813 : i32
          %add3A_815 = vector.broadcast %add3A_814 : i32 to vector<16xi32>
          %add3A_816 = arith.addi %add3A_815, %iota3A : vector<16xi32>
          %lt3A_817 = vector.broadcast %scan3A_98 : i32 to vector<16xi32>
          %lt3A_818 = arith.cmpi slt, %add3A_816, %lt3A_817 : vector<16xi32>
          %jit3A_819 = arith.constant 1.000000e+00 : f32
          %jit3A_820 = arith.constant 0.000000e+00 : f32
          %broadcast_in_dim3A_821 = vector.broadcast %jit3A_819 : f32 to vector<16xf32>
          %broadcast_in_dim3A_822 = vector.broadcast %jit3A_820 : f32 to vector<16xf32>
          %select_n3A_823 = arith.select %lt3A_818, %broadcast_in_dim3A_821, %broadcast_in_dim3A_822 : vector<16xi1>, vector<16xf32>
          %get3A_824 = arith.constant 544 : index
          %get3A_825 = tpu.vector_load %arg14[%get3A_824] {strides = array<i32>} : memref<640xf32, #tpu.memory_space<vmem>>, vector<16xf32>,
          %get3A_826 = arith.constant 32 : index
          %get3A_827 = tpu.vector_load %arg14[%get3A_826] {strides = array<i32>} : memref<640xf32, #tpu.memory_space<vmem>>, vector<16xf32>,
          %mul3A_828 = arith.constant 0 : i32
          %mul3A_829 = vector.broadcast %mul3A_828 : i32 to vector<16xi32>
          %mul3A_830 = arith.muli %iota3A, %mul3A_829 : vector<16xi32>
          %add3A_831 = arith.constant 4 : i32
          %add3A_832 = vector.broadcast %add3A_831 : i32 to vector<16xi32>
          %add3A_833 = arith.addi %mul3A_830, %add3A_832 : vector<16xi32>
          %add3A_834 = arith.constant 0 : i32
          %add3A_835 = vector.broadcast %add3A_834 : i32 to vector<16xi32>
          %add3A_836 = arith.addi %add3A_833, %add3A_835 : vector<16xi32>
          %gather3A_837 = tpu.vector_load_idx %arg13[%add3A_810, %add3A_836] : memref<128x16xi32, #tpu.memory_space<vmem>>[vector<16xi32>, vector<16xi32>], vector<16xi32>,
          %convert_element_type3A_838 = arith.sitofp %gather3A_837 : vector<16xi32> to vector<16xf32>
          %sub3A_839 = arith.subf %get3A_827, %convert_element_type3A_838 : vector<16xf32>
          %get3A_840 = arith.constant 160 : index
          %get3A_841 = tpu.vector_load %arg14[%get3A_840] {strides = array<i32>} : memref<640xf32, #tpu.memory_space<vmem>>, vector<16xf32>,
          %mul3A_842 = arith.constant 0 : i32
          %mul3A_843 = vector.broadcast %mul3A_842 : i32 to vector<16xi32>
          %mul3A_844 = arith.muli %iota3A, %mul3A_843 : vector<16xi32>
          %add3A_845 = arith.constant 4 : i32
          %add3A_846 = vector.broadcast %add3A_845 : i32 to vector<16xi32>
          %add3A_847 = arith.addi %mul3A_844, %add3A_846 : vector<16xi32>
          %add3A_848 = arith.constant 1 : i32
          %add3A_849 = vector.broadcast %add3A_848 : i32 to vector<16xi32>
          %add3A_850 = arith.addi %add3A_847, %add3A_849 : vector<16xi32>
          %gather3A_851 = tpu.vector_load_idx %arg13[%add3A_810, %add3A_850] : memref<128x16xi32, #tpu.memory_space<vmem>>[vector<16xi32>, vector<16xi32>], vector<16xi32>,
          %convert_element_type3A_852 = arith.sitofp %gather3A_851 : vector<16xi32> to vector<16xf32>
          %sub3A_853 = arith.subf %get3A_841, %convert_element_type3A_852 : vector<16xf32>
          %get3A_854 = arith.constant 288 : index
          %get3A_855 = tpu.vector_load %arg14[%get3A_854] {strides = array<i32>} : memref<640xf32, #tpu.memory_space<vmem>>, vector<16xf32>,
          %mul3A_856 = arith.constant 0 : i32
          %mul3A_857 = vector.broadcast %mul3A_856 : i32 to vector<16xi32>
          %mul3A_858 = arith.muli %iota3A, %mul3A_857 : vector<16xi32>
          %add3A_859 = arith.constant 4 : i32
          %add3A_860 = vector.broadcast %add3A_859 : i32 to vector<16xi32>
          %add3A_861 = arith.addi %mul3A_858, %add3A_860 : vector<16xi32>
          %add3A_862 = arith.constant 2 : i32
          %add3A_863 = vector.broadcast %add3A_862 : i32 to vector<16xi32>
          %add3A_864 = arith.addi %add3A_861, %add3A_863 : vector<16xi32>
          %gather3A_865 = tpu.vector_load_idx %arg13[%add3A_810, %add3A_864] : memref<128x16xi32, #tpu.memory_space<vmem>>[vector<16xi32>, vector<16xi32>], vector<16xi32>,
          %convert_element_type3A_866 = arith.sitofp %gather3A_865 : vector<16xi32> to vector<16xf32>
          %sub3A_867 = arith.subf %get3A_855, %convert_element_type3A_866 : vector<16xf32>
          %get3A_868 = arith.constant 416 : index
          %get3A_869 = tpu.vector_load %arg14[%get3A_868] {strides = array<i32>} : memref<640xf32, #tpu.memory_space<vmem>>, vector<16xf32>,
          %mul3A_870 = arith.constant 0 : i32
          %mul3A_871 = vector.broadcast %mul3A_870 : i32 to vector<16xi32>
          %mul3A_872 = arith.muli %iota3A, %mul3A_871 : vector<16xi32>
          %add3A_873 = arith.constant 4 : i32
          %add3A_874 = vector.broadcast %add3A_873 : i32 to vector<16xi32>
          %add3A_875 = arith.addi %mul3A_872, %add3A_874 : vector<16xi32>
          %add3A_876 = arith.constant 3 : i32
          %add3A_877 = vector.broadcast %add3A_876 : i32 to vector<16xi32>
          %add3A_878 = arith.addi %add3A_875, %add3A_877 : vector<16xi32>
          %gather3A_879 = tpu.vector_load_idx %arg13[%add3A_810, %add3A_878] : memref<128x16xi32, #tpu.memory_space<vmem>>[vector<16xi32>, vector<16xi32>], vector<16xi32>,
          %convert_element_type3A_880 = arith.sitofp %gather3A_879 : vector<16xi32> to vector<16xf32>
          %sub3A_881 = arith.subf %get3A_869, %convert_element_type3A_880 : vector<16xf32>
          %get3A_882 = arith.constant 0 : index
          %get3A_883 = tpu.vector_load %arg9[%get3A_882] {strides = array<i32>} : memref<64xf32, #tpu.memory_space<vmem>>, vector<16xf32>,
          %mul3A_884 = arith.mulf %select_n3A_823, %get3A_825 : vector<16xf32>
          %mul3A_885 = arith.mulf %mul3A_884, %get3A_825 : vector<16xf32>
          %add3A_886 = arith.addf %get3A_883, %mul3A_885 : vector<16xf32>
          %swap3A_887 = arith.constant 0 : index
          %swap3A_888 = tpu.vector_load %arg9[%swap3A_887] {strides = array<i32>} : memref<64xf32, #tpu.memory_space<vmem>>, vector<16xf32>,
          tpu.vector_store %arg9[%swap3A_887], %add3A_886 {strides = array<i32>} : memref<64xf32, #tpu.memory_space<vmem>>, vector<16xf32>,
          %get3A_889 = arith.constant 16 : index
          %get3A_890 = tpu.vector_load %arg9[%get3A_889] {strides = array<i32>} : memref<64xf32, #tpu.memory_space<vmem>>, vector<16xf32>,
          %mul3A_891 = arith.mulf %sub3A_839, %sub3A_839 : vector<16xf32>
          %mul3A_892 = arith.mulf %sub3A_853, %sub3A_853 : vector<16xf32>
          %add3A_893 = arith.addf %mul3A_891, %mul3A_892 : vector<16xf32>
          %mul3A_894 = arith.mulf %select_n3A_823, %add3A_893 : vector<16xf32>
          %add3A_895 = arith.addf %get3A_890, %mul3A_894 : vector<16xf32>
          %swap3A_896 = arith.constant 16 : index
          %swap3A_897 = tpu.vector_load %arg9[%swap3A_896] {strides = array<i32>} : memref<64xf32, #tpu.memory_space<vmem>>, vector<16xf32>,
          tpu.vector_store %arg9[%swap3A_896], %add3A_895 {strides = array<i32>} : memref<64xf32, #tpu.memory_space<vmem>>, vector<16xf32>,
          %get3A_898 = arith.constant 32 : index
          %get3A_899 = tpu.vector_load %arg9[%get3A_898] {strides = array<i32>} : memref<64xf32, #tpu.memory_space<vmem>>, vector<16xf32>,
          %mul3A_900 = arith.mulf %sub3A_867, %sub3A_867 : vector<16xf32>
          %mul3A_901 = arith.mulf %sub3A_881, %sub3A_881 : vector<16xf32>
          %add3A_902 = arith.addf %mul3A_900, %mul3A_901 : vector<16xf32>
          %mul3A_903 = arith.mulf %select_n3A_823, %add3A_902 : vector<16xf32>
          %add3A_904 = arith.addf %get3A_899, %mul3A_903 : vector<16xf32>
          %swap3A_905 = arith.constant 32 : index
          %swap3A_906 = tpu.vector_load %arg9[%swap3A_905] {strides = array<i32>} : memref<64xf32, #tpu.memory_space<vmem>>, vector<16xf32>,
          tpu.vector_store %arg9[%swap3A_905], %add3A_904 {strides = array<i32>} : memref<64xf32, #tpu.memory_space<vmem>>, vector<16xf32>,
          %get3A_907 = arith.constant 48 : index
          %get3A_908 = tpu.vector_load %arg9[%get3A_907] {strides = array<i32>} : memref<64xf32, #tpu.memory_space<vmem>>, vector<16xf32>,
          %add3A_909 = arith.addf %get3A_908, %select_n3A_823 : vector<16xf32>
          %swap3A_910 = arith.constant 48 : index
          %swap3A_911 = tpu.vector_load %arg9[%swap3A_910] {strides = array<i32>} : memref<64xf32, #tpu.memory_space<vmem>>, vector<16xf32>,
          tpu.vector_store %arg9[%swap3A_910], %add3A_909 {strides = array<i32>} : memref<64xf32, #tpu.memory_space<vmem>>, vector<16xf32>,
          %add3A_912 = arith.constant 48 : i32
          %add3A_913 = vector.broadcast %add3A_912 : i32 to vector<16xi32>
          %add3A_914 = arith.addi %add3A_913, %iota3A : vector<16xi32>
          %mul3A_915 = arith.constant 128 : i32
          %mul3A_916 = arith.muli %while3A_139, %mul3A_915 : i32
          %add3A_917 = arith.constant 48 : i32
          %add3A_918 = arith.addi %mul3A_916, %add3A_917 : i32
          %add3A_919 = vector.broadcast %add3A_918 : i32 to vector<16xi32>
          %add3A_920 = arith.addi %add3A_919, %iota3A : vector<16xi32>
          %lt3A_921 = vector.broadcast %scan3A_98 : i32 to vector<16xi32>
          %lt3A_922 = arith.cmpi slt, %add3A_920, %lt3A_921 : vector<16xi32>
          %jit3A_923 = arith.constant 1.000000e+00 : f32
          %jit3A_924 = arith.constant 0.000000e+00 : f32
          %broadcast_in_dim3A_925 = vector.broadcast %jit3A_923 : f32 to vector<16xf32>
          %broadcast_in_dim3A_926 = vector.broadcast %jit3A_924 : f32 to vector<16xf32>
          %select_n3A_927 = arith.select %lt3A_922, %broadcast_in_dim3A_925, %broadcast_in_dim3A_926 : vector<16xi1>, vector<16xf32>
          %get3A_928 = arith.constant 560 : index
          %get3A_929 = tpu.vector_load %arg14[%get3A_928] {strides = array<i32>} : memref<640xf32, #tpu.memory_space<vmem>>, vector<16xf32>,
          %get3A_930 = arith.constant 48 : index
          %get3A_931 = tpu.vector_load %arg14[%get3A_930] {strides = array<i32>} : memref<640xf32, #tpu.memory_space<vmem>>, vector<16xf32>,
          %mul3A_932 = arith.constant 0 : i32
          %mul3A_933 = vector.broadcast %mul3A_932 : i32 to vector<16xi32>
          %mul3A_934 = arith.muli %iota3A, %mul3A_933 : vector<16xi32>
          %add3A_935 = arith.constant 4 : i32
          %add3A_936 = vector.broadcast %add3A_935 : i32 to vector<16xi32>
          %add3A_937 = arith.addi %mul3A_934, %add3A_936 : vector<16xi32>
          %add3A_938 = arith.constant 0 : i32
          %add3A_939 = vector.broadcast %add3A_938 : i32 to vector<16xi32>
          %add3A_940 = arith.addi %add3A_937, %add3A_939 : vector<16xi32>
          %gather3A_941 = tpu.vector_load_idx %arg13[%add3A_914, %add3A_940] : memref<128x16xi32, #tpu.memory_space<vmem>>[vector<16xi32>, vector<16xi32>], vector<16xi32>,
          %convert_element_type3A_942 = arith.sitofp %gather3A_941 : vector<16xi32> to vector<16xf32>
          %sub3A_943 = arith.subf %get3A_931, %convert_element_type3A_942 : vector<16xf32>
          %get3A_944 = arith.constant 176 : index
          %get3A_945 = tpu.vector_load %arg14[%get3A_944] {strides = array<i32>} : memref<640xf32, #tpu.memory_space<vmem>>, vector<16xf32>,
          %mul3A_946 = arith.constant 0 : i32
          %mul3A_947 = vector.broadcast %mul3A_946 : i32 to vector<16xi32>
          %mul3A_948 = arith.muli %iota3A, %mul3A_947 : vector<16xi32>
          %add3A_949 = arith.constant 4 : i32
          %add3A_950 = vector.broadcast %add3A_949 : i32 to vector<16xi32>
          %add3A_951 = arith.addi %mul3A_948, %add3A_950 : vector<16xi32>
          %add3A_952 = arith.constant 1 : i32
          %add3A_953 = vector.broadcast %add3A_952 : i32 to vector<16xi32>
          %add3A_954 = arith.addi %add3A_951, %add3A_953 : vector<16xi32>
          %gather3A_955 = tpu.vector_load_idx %arg13[%add3A_914, %add3A_954] : memref<128x16xi32, #tpu.memory_space<vmem>>[vector<16xi32>, vector<16xi32>], vector<16xi32>,
          %convert_element_type3A_956 = arith.sitofp %gather3A_955 : vector<16xi32> to vector<16xf32>
          %sub3A_957 = arith.subf %get3A_945, %convert_element_type3A_956 : vector<16xf32>
          %get3A_958 = arith.constant 304 : index
          %get3A_959 = tpu.vector_load %arg14[%get3A_958] {strides = array<i32>} : memref<640xf32, #tpu.memory_space<vmem>>, vector<16xf32>,
          %mul3A_960 = arith.constant 0 : i32
          %mul3A_961 = vector.broadcast %mul3A_960 : i32 to vector<16xi32>
          %mul3A_962 = arith.muli %iota3A, %mul3A_961 : vector<16xi32>
          %add3A_963 = arith.constant 4 : i32
          %add3A_964 = vector.broadcast %add3A_963 : i32 to vector<16xi32>
          %add3A_965 = arith.addi %mul3A_962, %add3A_964 : vector<16xi32>
          %add3A_966 = arith.constant 2 : i32
          %add3A_967 = vector.broadcast %add3A_966 : i32 to vector<16xi32>
          %add3A_968 = arith.addi %add3A_965, %add3A_967 : vector<16xi32>
          %gather3A_969 = tpu.vector_load_idx %arg13[%add3A_914, %add3A_968] : memref<128x16xi32, #tpu.memory_space<vmem>>[vector<16xi32>, vector<16xi32>], vector<16xi32>,
          %convert_element_type3A_970 = arith.sitofp %gather3A_969 : vector<16xi32> to vector<16xf32>
          %sub3A_971 = arith.subf %get3A_959, %convert_element_type3A_970 : vector<16xf32>
          %get3A_972 = arith.constant 432 : index
          %get3A_973 = tpu.vector_load %arg14[%get3A_972] {strides = array<i32>} : memref<640xf32, #tpu.memory_space<vmem>>, vector<16xf32>,
          %mul3A_974 = arith.constant 0 : i32
          %mul3A_975 = vector.broadcast %mul3A_974 : i32 to vector<16xi32>
          %mul3A_976 = arith.muli %iota3A, %mul3A_975 : vector<16xi32>
          %add3A_977 = arith.constant 4 : i32
          %add3A_978 = vector.broadcast %add3A_977 : i32 to vector<16xi32>
          %add3A_979 = arith.addi %mul3A_976, %add3A_978 : vector<16xi32>
          %add3A_980 = arith.constant 3 : i32
          %add3A_981 = vector.broadcast %add3A_980 : i32 to vector<16xi32>
          %add3A_982 = arith.addi %add3A_979, %add3A_981 : vector<16xi32>
          %gather3A_983 = tpu.vector_load_idx %arg13[%add3A_914, %add3A_982] : memref<128x16xi32, #tpu.memory_space<vmem>>[vector<16xi32>, vector<16xi32>], vector<16xi32>,
          %convert_element_type3A_984 = arith.sitofp %gather3A_983 : vector<16xi32> to vector<16xf32>
          %sub3A_985 = arith.subf %get3A_973, %convert_element_type3A_984 : vector<16xf32>
          %get3A_986 = arith.constant 0 : index
          %get3A_987 = tpu.vector_load %arg9[%get3A_986] {strides = array<i32>} : memref<64xf32, #tpu.memory_space<vmem>>, vector<16xf32>,
          %mul3A_988 = arith.mulf %select_n3A_927, %get3A_929 : vector<16xf32>
          %mul3A_989 = arith.mulf %mul3A_988, %get3A_929 : vector<16xf32>
          %add3A_990 = arith.addf %get3A_987, %mul3A_989 : vector<16xf32>
          %swap3A_991 = arith.constant 0 : index
          %swap3A_992 = tpu.vector_load %arg9[%swap3A_991] {strides = array<i32>} : memref<64xf32, #tpu.memory_space<vmem>>, vector<16xf32>,
          tpu.vector_store %arg9[%swap3A_991], %add3A_990 {strides = array<i32>} : memref<64xf32, #tpu.memory_space<vmem>>, vector<16xf32>,
          %get3A_993 = arith.constant 16 : index
          %get3A_994 = tpu.vector_load %arg9[%get3A_993] {strides = array<i32>} : memref<64xf32, #tpu.memory_space<vmem>>, vector<16xf32>,
          %mul3A_995 = arith.mulf %sub3A_943, %sub3A_943 : vector<16xf32>
          %mul3A_996 = arith.mulf %sub3A_957, %sub3A_957 : vector<16xf32>
          %add3A_997 = arith.addf %mul3A_995, %mul3A_996 : vector<16xf32>
          %mul3A_998 = arith.mulf %select_n3A_927, %add3A_997 : vector<16xf32>
          %add3A_999 = arith.addf %get3A_994, %mul3A_998 : vector<16xf32>
          %swap3A_1000 = arith.constant 16 : index
          %swap3A_1001 = tpu.vector_load %arg9[%swap3A_1000] {strides = array<i32>} : memref<64xf32, #tpu.memory_space<vmem>>, vector<16xf32>,
          tpu.vector_store %arg9[%swap3A_1000], %add3A_999 {strides = array<i32>} : memref<64xf32, #tpu.memory_space<vmem>>, vector<16xf32>,
          %get3A_1002 = arith.constant 32 : index
          %get3A_1003 = tpu.vector_load %arg9[%get3A_1002] {strides = array<i32>} : memref<64xf32, #tpu.memory_space<vmem>>, vector<16xf32>,
          %mul3A_1004 = arith.mulf %sub3A_971, %sub3A_971 : vector<16xf32>
          %mul3A_1005 = arith.mulf %sub3A_985, %sub3A_985 : vector<16xf32>
          %add3A_1006 = arith.addf %mul3A_1004, %mul3A_1005 : vector<16xf32>
          %mul3A_1007 = arith.mulf %select_n3A_927, %add3A_1006 : vector<16xf32>
          %add3A_1008 = arith.addf %get3A_1003, %mul3A_1007 : vector<16xf32>
          %swap3A_1009 = arith.constant 32 : index
          %swap3A_1010 = tpu.vector_load %arg9[%swap3A_1009] {strides = array<i32>} : memref<64xf32, #tpu.memory_space<vmem>>, vector<16xf32>,
          tpu.vector_store %arg9[%swap3A_1009], %add3A_1008 {strides = array<i32>} : memref<64xf32, #tpu.memory_space<vmem>>, vector<16xf32>,
          %get3A_1011 = arith.constant 48 : index
          %get3A_1012 = tpu.vector_load %arg9[%get3A_1011] {strides = array<i32>} : memref<64xf32, #tpu.memory_space<vmem>>, vector<16xf32>,
          %add3A_1013 = arith.addf %get3A_1012, %select_n3A_927 : vector<16xf32>
          %swap3A_1014 = arith.constant 48 : index
          %swap3A_1015 = tpu.vector_load %arg9[%swap3A_1014] {strides = array<i32>} : memref<64xf32, #tpu.memory_space<vmem>>, vector<16xf32>,
          tpu.vector_store %arg9[%swap3A_1014], %add3A_1013 {strides = array<i32>} : memref<64xf32, #tpu.memory_space<vmem>>, vector<16xf32>,
          %add3A_1016 = arith.constant 64 : i32
          %add3A_1017 = vector.broadcast %add3A_1016 : i32 to vector<16xi32>
          %add3A_1018 = arith.addi %add3A_1017, %iota3A : vector<16xi32>
          %mul3A_1019 = arith.constant 128 : i32
          %mul3A_1020 = arith.muli %while3A_139, %mul3A_1019 : i32
          %add3A_1021 = arith.constant 64 : i32
          %add3A_1022 = arith.addi %mul3A_1020, %add3A_1021 : i32
          %add3A_1023 = vector.broadcast %add3A_1022 : i32 to vector<16xi32>
          %add3A_1024 = arith.addi %add3A_1023, %iota3A : vector<16xi32>
          %lt3A_1025 = vector.broadcast %scan3A_98 : i32 to vector<16xi32>
          %lt3A_1026 = arith.cmpi slt, %add3A_1024, %lt3A_1025 : vector<16xi32>
          %jit3A_1027 = arith.constant 1.000000e+00 : f32
          %jit3A_1028 = arith.constant 0.000000e+00 : f32
          %broadcast_in_dim3A_1029 = vector.broadcast %jit3A_1027 : f32 to vector<16xf32>
          %broadcast_in_dim3A_1030 = vector.broadcast %jit3A_1028 : f32 to vector<16xf32>
          %select_n3A_1031 = arith.select %lt3A_1026, %broadcast_in_dim3A_1029, %broadcast_in_dim3A_1030 : vector<16xi1>, vector<16xf32>
          %get3A_1032 = arith.constant 576 : index
          %get3A_1033 = tpu.vector_load %arg14[%get3A_1032] {strides = array<i32>} : memref<640xf32, #tpu.memory_space<vmem>>, vector<16xf32>,
          %get3A_1034 = arith.constant 64 : index
          %get3A_1035 = tpu.vector_load %arg14[%get3A_1034] {strides = array<i32>} : memref<640xf32, #tpu.memory_space<vmem>>, vector<16xf32>,
          %mul3A_1036 = arith.constant 0 : i32
          %mul3A_1037 = vector.broadcast %mul3A_1036 : i32 to vector<16xi32>
          %mul3A_1038 = arith.muli %iota3A, %mul3A_1037 : vector<16xi32>
          %add3A_1039 = arith.constant 4 : i32
          %add3A_1040 = vector.broadcast %add3A_1039 : i32 to vector<16xi32>
          %add3A_1041 = arith.addi %mul3A_1038, %add3A_1040 : vector<16xi32>
          %add3A_1042 = arith.constant 0 : i32
          %add3A_1043 = vector.broadcast %add3A_1042 : i32 to vector<16xi32>
          %add3A_1044 = arith.addi %add3A_1041, %add3A_1043 : vector<16xi32>
          %gather3A_1045 = tpu.vector_load_idx %arg13[%add3A_1018, %add3A_1044] : memref<128x16xi32, #tpu.memory_space<vmem>>[vector<16xi32>, vector<16xi32>], vector<16xi32>,
          %convert_element_type3A_1046 = arith.sitofp %gather3A_1045 : vector<16xi32> to vector<16xf32>
          %sub3A_1047 = arith.subf %get3A_1035, %convert_element_type3A_1046 : vector<16xf32>
          %get3A_1048 = arith.constant 192 : index
          %get3A_1049 = tpu.vector_load %arg14[%get3A_1048] {strides = array<i32>} : memref<640xf32, #tpu.memory_space<vmem>>, vector<16xf32>,
          %mul3A_1050 = arith.constant 0 : i32
          %mul3A_1051 = vector.broadcast %mul3A_1050 : i32 to vector<16xi32>
          %mul3A_1052 = arith.muli %iota3A, %mul3A_1051 : vector<16xi32>
          %add3A_1053 = arith.constant 4 : i32
          %add3A_1054 = vector.broadcast %add3A_1053 : i32 to vector<16xi32>
          %add3A_1055 = arith.addi %mul3A_1052, %add3A_1054 : vector<16xi32>
          %add3A_1056 = arith.constant 1 : i32
          %add3A_1057 = vector.broadcast %add3A_1056 : i32 to vector<16xi32>
          %add3A_1058 = arith.addi %add3A_1055, %add3A_1057 : vector<16xi32>
          %gather3A_1059 = tpu.vector_load_idx %arg13[%add3A_1018, %add3A_1058] : memref<128x16xi32, #tpu.memory_space<vmem>>[vector<16xi32>, vector<16xi32>], vector<16xi32>,
          %convert_element_type3A_1060 = arith.sitofp %gather3A_1059 : vector<16xi32> to vector<16xf32>
          %sub3A_1061 = arith.subf %get3A_1049, %convert_element_type3A_1060 : vector<16xf32>
          %get3A_1062 = arith.constant 320 : index
          %get3A_1063 = tpu.vector_load %arg14[%get3A_1062] {strides = array<i32>} : memref<640xf32, #tpu.memory_space<vmem>>, vector<16xf32>,
          %mul3A_1064 = arith.constant 0 : i32
          %mul3A_1065 = vector.broadcast %mul3A_1064 : i32 to vector<16xi32>
          %mul3A_1066 = arith.muli %iota3A, %mul3A_1065 : vector<16xi32>
          %add3A_1067 = arith.constant 4 : i32
          %add3A_1068 = vector.broadcast %add3A_1067 : i32 to vector<16xi32>
          %add3A_1069 = arith.addi %mul3A_1066, %add3A_1068 : vector<16xi32>
          %add3A_1070 = arith.constant 2 : i32
          %add3A_1071 = vector.broadcast %add3A_1070 : i32 to vector<16xi32>
          %add3A_1072 = arith.addi %add3A_1069, %add3A_1071 : vector<16xi32>
          %gather3A_1073 = tpu.vector_load_idx %arg13[%add3A_1018, %add3A_1072] : memref<128x16xi32, #tpu.memory_space<vmem>>[vector<16xi32>, vector<16xi32>], vector<16xi32>,
          %convert_element_type3A_1074 = arith.sitofp %gather3A_1073 : vector<16xi32> to vector<16xf32>
          %sub3A_1075 = arith.subf %get3A_1063, %convert_element_type3A_1074 : vector<16xf32>
          %get3A_1076 = arith.constant 448 : index
          %get3A_1077 = tpu.vector_load %arg14[%get3A_1076] {strides = array<i32>} : memref<640xf32, #tpu.memory_space<vmem>>, vector<16xf32>,
          %mul3A_1078 = arith.constant 0 : i32
          %mul3A_1079 = vector.broadcast %mul3A_1078 : i32 to vector<16xi32>
          %mul3A_1080 = arith.muli %iota3A, %mul3A_1079 : vector<16xi32>
          %add3A_1081 = arith.constant 4 : i32
          %add3A_1082 = vector.broadcast %add3A_1081 : i32 to vector<16xi32>
          %add3A_1083 = arith.addi %mul3A_1080, %add3A_1082 : vector<16xi32>
          %add3A_1084 = arith.constant 3 : i32
          %add3A_1085 = vector.broadcast %add3A_1084 : i32 to vector<16xi32>
          %add3A_1086 = arith.addi %add3A_1083, %add3A_1085 : vector<16xi32>
          %gather3A_1087 = tpu.vector_load_idx %arg13[%add3A_1018, %add3A_1086] : memref<128x16xi32, #tpu.memory_space<vmem>>[vector<16xi32>, vector<16xi32>], vector<16xi32>,
          %convert_element_type3A_1088 = arith.sitofp %gather3A_1087 : vector<16xi32> to vector<16xf32>
          %sub3A_1089 = arith.subf %get3A_1077, %convert_element_type3A_1088 : vector<16xf32>
          %get3A_1090 = arith.constant 0 : index
          %get3A_1091 = tpu.vector_load %arg9[%get3A_1090] {strides = array<i32>} : memref<64xf32, #tpu.memory_space<vmem>>, vector<16xf32>,
          %mul3A_1092 = arith.mulf %select_n3A_1031, %get3A_1033 : vector<16xf32>
          %mul3A_1093 = arith.mulf %mul3A_1092, %get3A_1033 : vector<16xf32>
          %add3A_1094 = arith.addf %get3A_1091, %mul3A_1093 : vector<16xf32>
          %swap3A_1095 = arith.constant 0 : index
          %swap3A_1096 = tpu.vector_load %arg9[%swap3A_1095] {strides = array<i32>} : memref<64xf32, #tpu.memory_space<vmem>>, vector<16xf32>,
          tpu.vector_store %arg9[%swap3A_1095], %add3A_1094 {strides = array<i32>} : memref<64xf32, #tpu.memory_space<vmem>>, vector<16xf32>,
          %get3A_1097 = arith.constant 16 : index
          %get3A_1098 = tpu.vector_load %arg9[%get3A_1097] {strides = array<i32>} : memref<64xf32, #tpu.memory_space<vmem>>, vector<16xf32>,
          %mul3A_1099 = arith.mulf %sub3A_1047, %sub3A_1047 : vector<16xf32>
          %mul3A_1100 = arith.mulf %sub3A_1061, %sub3A_1061 : vector<16xf32>
          %add3A_1101 = arith.addf %mul3A_1099, %mul3A_1100 : vector<16xf32>
          %mul3A_1102 = arith.mulf %select_n3A_1031, %add3A_1101 : vector<16xf32>
          %add3A_1103 = arith.addf %get3A_1098, %mul3A_1102 : vector<16xf32>
          %swap3A_1104 = arith.constant 16 : index
          %swap3A_1105 = tpu.vector_load %arg9[%swap3A_1104] {strides = array<i32>} : memref<64xf32, #tpu.memory_space<vmem>>, vector<16xf32>,
          tpu.vector_store %arg9[%swap3A_1104], %add3A_1103 {strides = array<i32>} : memref<64xf32, #tpu.memory_space<vmem>>, vector<16xf32>,
          %get3A_1106 = arith.constant 32 : index
          %get3A_1107 = tpu.vector_load %arg9[%get3A_1106] {strides = array<i32>} : memref<64xf32, #tpu.memory_space<vmem>>, vector<16xf32>,
          %mul3A_1108 = arith.mulf %sub3A_1075, %sub3A_1075 : vector<16xf32>
          %mul3A_1109 = arith.mulf %sub3A_1089, %sub3A_1089 : vector<16xf32>
          %add3A_1110 = arith.addf %mul3A_1108, %mul3A_1109 : vector<16xf32>
          %mul3A_1111 = arith.mulf %select_n3A_1031, %add3A_1110 : vector<16xf32>
          %add3A_1112 = arith.addf %get3A_1107, %mul3A_1111 : vector<16xf32>
          %swap3A_1113 = arith.constant 32 : index
          %swap3A_1114 = tpu.vector_load %arg9[%swap3A_1113] {strides = array<i32>} : memref<64xf32, #tpu.memory_space<vmem>>, vector<16xf32>,
          tpu.vector_store %arg9[%swap3A_1113], %add3A_1112 {strides = array<i32>} : memref<64xf32, #tpu.memory_space<vmem>>, vector<16xf32>,
          %get3A_1115 = arith.constant 48 : index
          %get3A_1116 = tpu.vector_load %arg9[%get3A_1115] {strides = array<i32>} : memref<64xf32, #tpu.memory_space<vmem>>, vector<16xf32>,
          %add3A_1117 = arith.addf %get3A_1116, %select_n3A_1031 : vector<16xf32>
          %swap3A_1118 = arith.constant 48 : index
          %swap3A_1119 = tpu.vector_load %arg9[%swap3A_1118] {strides = array<i32>} : memref<64xf32, #tpu.memory_space<vmem>>, vector<16xf32>,
          tpu.vector_store %arg9[%swap3A_1118], %add3A_1117 {strides = array<i32>} : memref<64xf32, #tpu.memory_space<vmem>>, vector<16xf32>,
          %add3A_1120 = arith.constant 80 : i32
          %add3A_1121 = vector.broadcast %add3A_1120 : i32 to vector<16xi32>
          %add3A_1122 = arith.addi %add3A_1121, %iota3A : vector<16xi32>
          %mul3A_1123 = arith.constant 128 : i32
          %mul3A_1124 = arith.muli %while3A_139, %mul3A_1123 : i32
          %add3A_1125 = arith.constant 80 : i32
          %add3A_1126 = arith.addi %mul3A_1124, %add3A_1125 : i32
          %add3A_1127 = vector.broadcast %add3A_1126 : i32 to vector<16xi32>
          %add3A_1128 = arith.addi %add3A_1127, %iota3A : vector<16xi32>
          %lt3A_1129 = vector.broadcast %scan3A_98 : i32 to vector<16xi32>
          %lt3A_1130 = arith.cmpi slt, %add3A_1128, %lt3A_1129 : vector<16xi32>
          %jit3A_1131 = arith.constant 1.000000e+00 : f32
          %jit3A_1132 = arith.constant 0.000000e+00 : f32
          %broadcast_in_dim3A_1133 = vector.broadcast %jit3A_1131 : f32 to vector<16xf32>
          %broadcast_in_dim3A_1134 = vector.broadcast %jit3A_1132 : f32 to vector<16xf32>
          %select_n3A_1135 = arith.select %lt3A_1130, %broadcast_in_dim3A_1133, %broadcast_in_dim3A_1134 : vector<16xi1>, vector<16xf32>
          %get3A_1136 = arith.constant 592 : index
          %get3A_1137 = tpu.vector_load %arg14[%get3A_1136] {strides = array<i32>} : memref<640xf32, #tpu.memory_space<vmem>>, vector<16xf32>,
          %get3A_1138 = arith.constant 80 : index
          %get3A_1139 = tpu.vector_load %arg14[%get3A_1138] {strides = array<i32>} : memref<640xf32, #tpu.memory_space<vmem>>, vector<16xf32>,
          %mul3A_1140 = arith.constant 0 : i32
          %mul3A_1141 = vector.broadcast %mul3A_1140 : i32 to vector<16xi32>
          %mul3A_1142 = arith.muli %iota3A, %mul3A_1141 : vector<16xi32>
          %add3A_1143 = arith.constant 4 : i32
          %add3A_1144 = vector.broadcast %add3A_1143 : i32 to vector<16xi32>
          %add3A_1145 = arith.addi %mul3A_1142, %add3A_1144 : vector<16xi32>
          %add3A_1146 = arith.constant 0 : i32
          %add3A_1147 = vector.broadcast %add3A_1146 : i32 to vector<16xi32>
          %add3A_1148 = arith.addi %add3A_1145, %add3A_1147 : vector<16xi32>
          %gather3A_1149 = tpu.vector_load_idx %arg13[%add3A_1122, %add3A_1148] : memref<128x16xi32, #tpu.memory_space<vmem>>[vector<16xi32>, vector<16xi32>], vector<16xi32>,
          %convert_element_type3A_1150 = arith.sitofp %gather3A_1149 : vector<16xi32> to vector<16xf32>
          %sub3A_1151 = arith.subf %get3A_1139, %convert_element_type3A_1150 : vector<16xf32>
          %get3A_1152 = arith.constant 208 : index
          %get3A_1153 = tpu.vector_load %arg14[%get3A_1152] {strides = array<i32>} : memref<640xf32, #tpu.memory_space<vmem>>, vector<16xf32>,
          %mul3A_1154 = arith.constant 0 : i32
          %mul3A_1155 = vector.broadcast %mul3A_1154 : i32 to vector<16xi32>
          %mul3A_1156 = arith.muli %iota3A, %mul3A_1155 : vector<16xi32>
          %add3A_1157 = arith.constant 4 : i32
          %add3A_1158 = vector.broadcast %add3A_1157 : i32 to vector<16xi32>
          %add3A_1159 = arith.addi %mul3A_1156, %add3A_1158 : vector<16xi32>
          %add3A_1160 = arith.constant 1 : i32
          %add3A_1161 = vector.broadcast %add3A_1160 : i32 to vector<16xi32>
          %add3A_1162 = arith.addi %add3A_1159, %add3A_1161 : vector<16xi32>
          %gather3A_1163 = tpu.vector_load_idx %arg13[%add3A_1122, %add3A_1162] : memref<128x16xi32, #tpu.memory_space<vmem>>[vector<16xi32>, vector<16xi32>], vector<16xi32>,
          %convert_element_type3A_1164 = arith.sitofp %gather3A_1163 : vector<16xi32> to vector<16xf32>
          %sub3A_1165 = arith.subf %get3A_1153, %convert_element_type3A_1164 : vector<16xf32>
          %get3A_1166 = arith.constant 336 : index
          %get3A_1167 = tpu.vector_load %arg14[%get3A_1166] {strides = array<i32>} : memref<640xf32, #tpu.memory_space<vmem>>, vector<16xf32>,
          %mul3A_1168 = arith.constant 0 : i32
          %mul3A_1169 = vector.broadcast %mul3A_1168 : i32 to vector<16xi32>
          %mul3A_1170 = arith.muli %iota3A, %mul3A_1169 : vector<16xi32>
          %add3A_1171 = arith.constant 4 : i32
          %add3A_1172 = vector.broadcast %add3A_1171 : i32 to vector<16xi32>
          %add3A_1173 = arith.addi %mul3A_1170, %add3A_1172 : vector<16xi32>
          %add3A_1174 = arith.constant 2 : i32
          %add3A_1175 = vector.broadcast %add3A_1174 : i32 to vector<16xi32>
          %add3A_1176 = arith.addi %add3A_1173, %add3A_1175 : vector<16xi32>
          %gather3A_1177 = tpu.vector_load_idx %arg13[%add3A_1122, %add3A_1176] : memref<128x16xi32, #tpu.memory_space<vmem>>[vector<16xi32>, vector<16xi32>], vector<16xi32>,
          %convert_element_type3A_1178 = arith.sitofp %gather3A_1177 : vector<16xi32> to vector<16xf32>
          %sub3A_1179 = arith.subf %get3A_1167, %convert_element_type3A_1178 : vector<16xf32>
          %get3A_1180 = arith.constant 464 : index
          %get3A_1181 = tpu.vector_load %arg14[%get3A_1180] {strides = array<i32>} : memref<640xf32, #tpu.memory_space<vmem>>, vector<16xf32>,
          %mul3A_1182 = arith.constant 0 : i32
          %mul3A_1183 = vector.broadcast %mul3A_1182 : i32 to vector<16xi32>
          %mul3A_1184 = arith.muli %iota3A, %mul3A_1183 : vector<16xi32>
          %add3A_1185 = arith.constant 4 : i32
          %add3A_1186 = vector.broadcast %add3A_1185 : i32 to vector<16xi32>
          %add3A_1187 = arith.addi %mul3A_1184, %add3A_1186 : vector<16xi32>
          %add3A_1188 = arith.constant 3 : i32
          %add3A_1189 = vector.broadcast %add3A_1188 : i32 to vector<16xi32>
          %add3A_1190 = arith.addi %add3A_1187, %add3A_1189 : vector<16xi32>
          %gather3A_1191 = tpu.vector_load_idx %arg13[%add3A_1122, %add3A_1190] : memref<128x16xi32, #tpu.memory_space<vmem>>[vector<16xi32>, vector<16xi32>], vector<16xi32>,
          %convert_element_type3A_1192 = arith.sitofp %gather3A_1191 : vector<16xi32> to vector<16xf32>
          %sub3A_1193 = arith.subf %get3A_1181, %convert_element_type3A_1192 : vector<16xf32>
          %get3A_1194 = arith.constant 0 : index
          %get3A_1195 = tpu.vector_load %arg9[%get3A_1194] {strides = array<i32>} : memref<64xf32, #tpu.memory_space<vmem>>, vector<16xf32>,
          %mul3A_1196 = arith.mulf %select_n3A_1135, %get3A_1137 : vector<16xf32>
          %mul3A_1197 = arith.mulf %mul3A_1196, %get3A_1137 : vector<16xf32>
          %add3A_1198 = arith.addf %get3A_1195, %mul3A_1197 : vector<16xf32>
          %swap3A_1199 = arith.constant 0 : index
          %swap3A_1200 = tpu.vector_load %arg9[%swap3A_1199] {strides = array<i32>} : memref<64xf32, #tpu.memory_space<vmem>>, vector<16xf32>,
          tpu.vector_store %arg9[%swap3A_1199], %add3A_1198 {strides = array<i32>} : memref<64xf32, #tpu.memory_space<vmem>>, vector<16xf32>,
          %get3A_1201 = arith.constant 16 : index
          %get3A_1202 = tpu.vector_load %arg9[%get3A_1201] {strides = array<i32>} : memref<64xf32, #tpu.memory_space<vmem>>, vector<16xf32>,
          %mul3A_1203 = arith.mulf %sub3A_1151, %sub3A_1151 : vector<16xf32>
          %mul3A_1204 = arith.mulf %sub3A_1165, %sub3A_1165 : vector<16xf32>
          %add3A_1205 = arith.addf %mul3A_1203, %mul3A_1204 : vector<16xf32>
          %mul3A_1206 = arith.mulf %select_n3A_1135, %add3A_1205 : vector<16xf32>
          %add3A_1207 = arith.addf %get3A_1202, %mul3A_1206 : vector<16xf32>
          %swap3A_1208 = arith.constant 16 : index
          %swap3A_1209 = tpu.vector_load %arg9[%swap3A_1208] {strides = array<i32>} : memref<64xf32, #tpu.memory_space<vmem>>, vector<16xf32>,
          tpu.vector_store %arg9[%swap3A_1208], %add3A_1207 {strides = array<i32>} : memref<64xf32, #tpu.memory_space<vmem>>, vector<16xf32>,
          %get3A_1210 = arith.constant 32 : index
          %get3A_1211 = tpu.vector_load %arg9[%get3A_1210] {strides = array<i32>} : memref<64xf32, #tpu.memory_space<vmem>>, vector<16xf32>,
          %mul3A_1212 = arith.mulf %sub3A_1179, %sub3A_1179 : vector<16xf32>
          %mul3A_1213 = arith.mulf %sub3A_1193, %sub3A_1193 : vector<16xf32>
          %add3A_1214 = arith.addf %mul3A_1212, %mul3A_1213 : vector<16xf32>
          %mul3A_1215 = arith.mulf %select_n3A_1135, %add3A_1214 : vector<16xf32>
          %add3A_1216 = arith.addf %get3A_1211, %mul3A_1215 : vector<16xf32>
          %swap3A_1217 = arith.constant 32 : index
          %swap3A_1218 = tpu.vector_load %arg9[%swap3A_1217] {strides = array<i32>} : memref<64xf32, #tpu.memory_space<vmem>>, vector<16xf32>,
          tpu.vector_store %arg9[%swap3A_1217], %add3A_1216 {strides = array<i32>} : memref<64xf32, #tpu.memory_space<vmem>>, vector<16xf32>,
          %get3A_1219 = arith.constant 48 : index
          %get3A_1220 = tpu.vector_load %arg9[%get3A_1219] {strides = array<i32>} : memref<64xf32, #tpu.memory_space<vmem>>, vector<16xf32>,
          %add3A_1221 = arith.addf %get3A_1220, %select_n3A_1135 : vector<16xf32>
          %swap3A_1222 = arith.constant 48 : index
          %swap3A_1223 = tpu.vector_load %arg9[%swap3A_1222] {strides = array<i32>} : memref<64xf32, #tpu.memory_space<vmem>>, vector<16xf32>,
          tpu.vector_store %arg9[%swap3A_1222], %add3A_1221 {strides = array<i32>} : memref<64xf32, #tpu.memory_space<vmem>>, vector<16xf32>,
          %add3A_1224 = arith.constant 96 : i32
          %add3A_1225 = vector.broadcast %add3A_1224 : i32 to vector<16xi32>
          %add3A_1226 = arith.addi %add3A_1225, %iota3A : vector<16xi32>
          %mul3A_1227 = arith.constant 128 : i32
          %mul3A_1228 = arith.muli %while3A_139, %mul3A_1227 : i32
          %add3A_1229 = arith.constant 96 : i32
          %add3A_1230 = arith.addi %mul3A_1228, %add3A_1229 : i32
          %add3A_1231 = vector.broadcast %add3A_1230 : i32 to vector<16xi32>
          %add3A_1232 = arith.addi %add3A_1231, %iota3A : vector<16xi32>
          %lt3A_1233 = vector.broadcast %scan3A_98 : i32 to vector<16xi32>
          %lt3A_1234 = arith.cmpi slt, %add3A_1232, %lt3A_1233 : vector<16xi32>
          %jit3A_1235 = arith.constant 1.000000e+00 : f32
          %jit3A_1236 = arith.constant 0.000000e+00 : f32
          %broadcast_in_dim3A_1237 = vector.broadcast %jit3A_1235 : f32 to vector<16xf32>
          %broadcast_in_dim3A_1238 = vector.broadcast %jit3A_1236 : f32 to vector<16xf32>
          %select_n3A_1239 = arith.select %lt3A_1234, %broadcast_in_dim3A_1237, %broadcast_in_dim3A_1238 : vector<16xi1>, vector<16xf32>
          %get3A_1240 = arith.constant 608 : index
          %get3A_1241 = tpu.vector_load %arg14[%get3A_1240] {strides = array<i32>} : memref<640xf32, #tpu.memory_space<vmem>>, vector<16xf32>,
          %get3A_1242 = arith.constant 96 : index
          %get3A_1243 = tpu.vector_load %arg14[%get3A_1242] {strides = array<i32>} : memref<640xf32, #tpu.memory_space<vmem>>, vector<16xf32>,
          %mul3A_1244 = arith.constant 0 : i32
          %mul3A_1245 = vector.broadcast %mul3A_1244 : i32 to vector<16xi32>
          %mul3A_1246 = arith.muli %iota3A, %mul3A_1245 : vector<16xi32>
          %add3A_1247 = arith.constant 4 : i32
          %add3A_1248 = vector.broadcast %add3A_1247 : i32 to vector<16xi32>
          %add3A_1249 = arith.addi %mul3A_1246, %add3A_1248 : vector<16xi32>
          %add3A_1250 = arith.constant 0 : i32
          %add3A_1251 = vector.broadcast %add3A_1250 : i32 to vector<16xi32>
          %add3A_1252 = arith.addi %add3A_1249, %add3A_1251 : vector<16xi32>
          %gather3A_1253 = tpu.vector_load_idx %arg13[%add3A_1226, %add3A_1252] : memref<128x16xi32, #tpu.memory_space<vmem>>[vector<16xi32>, vector<16xi32>], vector<16xi32>,
          %convert_element_type3A_1254 = arith.sitofp %gather3A_1253 : vector<16xi32> to vector<16xf32>
          %sub3A_1255 = arith.subf %get3A_1243, %convert_element_type3A_1254 : vector<16xf32>
          %get3A_1256 = arith.constant 224 : index
          %get3A_1257 = tpu.vector_load %arg14[%get3A_1256] {strides = array<i32>} : memref<640xf32, #tpu.memory_space<vmem>>, vector<16xf32>,
          %mul3A_1258 = arith.constant 0 : i32
          %mul3A_1259 = vector.broadcast %mul3A_1258 : i32 to vector<16xi32>
          %mul3A_1260 = arith.muli %iota3A, %mul3A_1259 : vector<16xi32>
          %add3A_1261 = arith.constant 4 : i32
          %add3A_1262 = vector.broadcast %add3A_1261 : i32 to vector<16xi32>
          %add3A_1263 = arith.addi %mul3A_1260, %add3A_1262 : vector<16xi32>
          %add3A_1264 = arith.constant 1 : i32
          %add3A_1265 = vector.broadcast %add3A_1264 : i32 to vector<16xi32>
          %add3A_1266 = arith.addi %add3A_1263, %add3A_1265 : vector<16xi32>
          %gather3A_1267 = tpu.vector_load_idx %arg13[%add3A_1226, %add3A_1266] : memref<128x16xi32, #tpu.memory_space<vmem>>[vector<16xi32>, vector<16xi32>], vector<16xi32>,
          %convert_element_type3A_1268 = arith.sitofp %gather3A_1267 : vector<16xi32> to vector<16xf32>
          %sub3A_1269 = arith.subf %get3A_1257, %convert_element_type3A_1268 : vector<16xf32>
          %get3A_1270 = arith.constant 352 : index
          %get3A_1271 = tpu.vector_load %arg14[%get3A_1270] {strides = array<i32>} : memref<640xf32, #tpu.memory_space<vmem>>, vector<16xf32>,
          %mul3A_1272 = arith.constant 0 : i32
          %mul3A_1273 = vector.broadcast %mul3A_1272 : i32 to vector<16xi32>
          %mul3A_1274 = arith.muli %iota3A, %mul3A_1273 : vector<16xi32>
          %add3A_1275 = arith.constant 4 : i32
          %add3A_1276 = vector.broadcast %add3A_1275 : i32 to vector<16xi32>
          %add3A_1277 = arith.addi %mul3A_1274, %add3A_1276 : vector<16xi32>
          %add3A_1278 = arith.constant 2 : i32
          %add3A_1279 = vector.broadcast %add3A_1278 : i32 to vector<16xi32>
          %add3A_1280 = arith.addi %add3A_1277, %add3A_1279 : vector<16xi32>
          %gather3A_1281 = tpu.vector_load_idx %arg13[%add3A_1226, %add3A_1280] : memref<128x16xi32, #tpu.memory_space<vmem>>[vector<16xi32>, vector<16xi32>], vector<16xi32>,
          %convert_element_type3A_1282 = arith.sitofp %gather3A_1281 : vector<16xi32> to vector<16xf32>
          %sub3A_1283 = arith.subf %get3A_1271, %convert_element_type3A_1282 : vector<16xf32>
          %get3A_1284 = arith.constant 480 : index
          %get3A_1285 = tpu.vector_load %arg14[%get3A_1284] {strides = array<i32>} : memref<640xf32, #tpu.memory_space<vmem>>, vector<16xf32>,
          %mul3A_1286 = arith.constant 0 : i32
          %mul3A_1287 = vector.broadcast %mul3A_1286 : i32 to vector<16xi32>
          %mul3A_1288 = arith.muli %iota3A, %mul3A_1287 : vector<16xi32>
          %add3A_1289 = arith.constant 4 : i32
          %add3A_1290 = vector.broadcast %add3A_1289 : i32 to vector<16xi32>
          %add3A_1291 = arith.addi %mul3A_1288, %add3A_1290 : vector<16xi32>
          %add3A_1292 = arith.constant 3 : i32
          %add3A_1293 = vector.broadcast %add3A_1292 : i32 to vector<16xi32>
          %add3A_1294 = arith.addi %add3A_1291, %add3A_1293 : vector<16xi32>
          %gather3A_1295 = tpu.vector_load_idx %arg13[%add3A_1226, %add3A_1294] : memref<128x16xi32, #tpu.memory_space<vmem>>[vector<16xi32>, vector<16xi32>], vector<16xi32>,
          %convert_element_type3A_1296 = arith.sitofp %gather3A_1295 : vector<16xi32> to vector<16xf32>
          %sub3A_1297 = arith.subf %get3A_1285, %convert_element_type3A_1296 : vector<16xf32>
          %get3A_1298 = arith.constant 0 : index
          %get3A_1299 = tpu.vector_load %arg9[%get3A_1298] {strides = array<i32>} : memref<64xf32, #tpu.memory_space<vmem>>, vector<16xf32>,
          %mul3A_1300 = arith.mulf %select_n3A_1239, %get3A_1241 : vector<16xf32>
          %mul3A_1301 = arith.mulf %mul3A_1300, %get3A_1241 : vector<16xf32>
          %add3A_1302 = arith.addf %get3A_1299, %mul3A_1301 : vector<16xf32>
          %swap3A_1303 = arith.constant 0 : index
          %swap3A_1304 = tpu.vector_load %arg9[%swap3A_1303] {strides = array<i32>} : memref<64xf32, #tpu.memory_space<vmem>>, vector<16xf32>,
          tpu.vector_store %arg9[%swap3A_1303], %add3A_1302 {strides = array<i32>} : memref<64xf32, #tpu.memory_space<vmem>>, vector<16xf32>,
          %get3A_1305 = arith.constant 16 : index
          %get3A_1306 = tpu.vector_load %arg9[%get3A_1305] {strides = array<i32>} : memref<64xf32, #tpu.memory_space<vmem>>, vector<16xf32>,
          %mul3A_1307 = arith.mulf %sub3A_1255, %sub3A_1255 : vector<16xf32>
          %mul3A_1308 = arith.mulf %sub3A_1269, %sub3A_1269 : vector<16xf32>
          %add3A_1309 = arith.addf %mul3A_1307, %mul3A_1308 : vector<16xf32>
          %mul3A_1310 = arith.mulf %select_n3A_1239, %add3A_1309 : vector<16xf32>
          %add3A_1311 = arith.addf %get3A_1306, %mul3A_1310 : vector<16xf32>
          %swap3A_1312 = arith.constant 16 : index
          %swap3A_1313 = tpu.vector_load %arg9[%swap3A_1312] {strides = array<i32>} : memref<64xf32, #tpu.memory_space<vmem>>, vector<16xf32>,
          tpu.vector_store %arg9[%swap3A_1312], %add3A_1311 {strides = array<i32>} : memref<64xf32, #tpu.memory_space<vmem>>, vector<16xf32>,
          %get3A_1314 = arith.constant 32 : index
          %get3A_1315 = tpu.vector_load %arg9[%get3A_1314] {strides = array<i32>} : memref<64xf32, #tpu.memory_space<vmem>>, vector<16xf32>,
          %mul3A_1316 = arith.mulf %sub3A_1283, %sub3A_1283 : vector<16xf32>
          %mul3A_1317 = arith.mulf %sub3A_1297, %sub3A_1297 : vector<16xf32>
          %add3A_1318 = arith.addf %mul3A_1316, %mul3A_1317 : vector<16xf32>
          %mul3A_1319 = arith.mulf %select_n3A_1239, %add3A_1318 : vector<16xf32>
          %add3A_1320 = arith.addf %get3A_1315, %mul3A_1319 : vector<16xf32>
          %swap3A_1321 = arith.constant 32 : index
          %swap3A_1322 = tpu.vector_load %arg9[%swap3A_1321] {strides = array<i32>} : memref<64xf32, #tpu.memory_space<vmem>>, vector<16xf32>,
          tpu.vector_store %arg9[%swap3A_1321], %add3A_1320 {strides = array<i32>} : memref<64xf32, #tpu.memory_space<vmem>>, vector<16xf32>,
          %get3A_1323 = arith.constant 48 : index
          %get3A_1324 = tpu.vector_load %arg9[%get3A_1323] {strides = array<i32>} : memref<64xf32, #tpu.memory_space<vmem>>, vector<16xf32>,
          %add3A_1325 = arith.addf %get3A_1324, %select_n3A_1239 : vector<16xf32>
          %swap3A_1326 = arith.constant 48 : index
          %swap3A_1327 = tpu.vector_load %arg9[%swap3A_1326] {strides = array<i32>} : memref<64xf32, #tpu.memory_space<vmem>>, vector<16xf32>,
          tpu.vector_store %arg9[%swap3A_1326], %add3A_1325 {strides = array<i32>} : memref<64xf32, #tpu.memory_space<vmem>>, vector<16xf32>,
          %add3A_1328 = arith.constant 112 : i32
          %add3A_1329 = vector.broadcast %add3A_1328 : i32 to vector<16xi32>
          %add3A_1330 = arith.addi %add3A_1329, %iota3A : vector<16xi32>
          %mul3A_1331 = arith.constant 128 : i32
          %mul3A_1332 = arith.muli %while3A_139, %mul3A_1331 : i32
          %add3A_1333 = arith.constant 112 : i32
          %add3A_1334 = arith.addi %mul3A_1332, %add3A_1333 : i32
          %add3A_1335 = vector.broadcast %add3A_1334 : i32 to vector<16xi32>
          %add3A_1336 = arith.addi %add3A_1335, %iota3A : vector<16xi32>
          %lt3A_1337 = vector.broadcast %scan3A_98 : i32 to vector<16xi32>
          %lt3A_1338 = arith.cmpi slt, %add3A_1336, %lt3A_1337 : vector<16xi32>
          %jit3A_1339 = arith.constant 1.000000e+00 : f32
          %jit3A_1340 = arith.constant 0.000000e+00 : f32
          %broadcast_in_dim3A_1341 = vector.broadcast %jit3A_1339 : f32 to vector<16xf32>
          %broadcast_in_dim3A_1342 = vector.broadcast %jit3A_1340 : f32 to vector<16xf32>
          %select_n3A_1343 = arith.select %lt3A_1338, %broadcast_in_dim3A_1341, %broadcast_in_dim3A_1342 : vector<16xi1>, vector<16xf32>
          %get3A_1344 = arith.constant 624 : index
          %get3A_1345 = tpu.vector_load %arg14[%get3A_1344] {strides = array<i32>} : memref<640xf32, #tpu.memory_space<vmem>>, vector<16xf32>,
          %get3A_1346 = arith.constant 112 : index
          %get3A_1347 = tpu.vector_load %arg14[%get3A_1346] {strides = array<i32>} : memref<640xf32, #tpu.memory_space<vmem>>, vector<16xf32>,
          %mul3A_1348 = arith.constant 0 : i32
          %mul3A_1349 = vector.broadcast %mul3A_1348 : i32 to vector<16xi32>
          %mul3A_1350 = arith.muli %iota3A, %mul3A_1349 : vector<16xi32>
          %add3A_1351 = arith.constant 4 : i32
          %add3A_1352 = vector.broadcast %add3A_1351 : i32 to vector<16xi32>
          %add3A_1353 = arith.addi %mul3A_1350, %add3A_1352 : vector<16xi32>
          %add3A_1354 = arith.constant 0 : i32
          %add3A_1355 = vector.broadcast %add3A_1354 : i32 to vector<16xi32>
          %add3A_1356 = arith.addi %add3A_1353, %add3A_1355 : vector<16xi32>
          %gather3A_1357 = tpu.vector_load_idx %arg13[%add3A_1330, %add3A_1356] : memref<128x16xi32, #tpu.memory_space<vmem>>[vector<16xi32>, vector<16xi32>], vector<16xi32>,
          %convert_element_type3A_1358 = arith.sitofp %gather3A_1357 : vector<16xi32> to vector<16xf32>
          %sub3A_1359 = arith.subf %get3A_1347, %convert_element_type3A_1358 : vector<16xf32>
          %get3A_1360 = arith.constant 240 : index
          %get3A_1361 = tpu.vector_load %arg14[%get3A_1360] {strides = array<i32>} : memref<640xf32, #tpu.memory_space<vmem>>, vector<16xf32>,
          %mul3A_1362 = arith.constant 0 : i32
          %mul3A_1363 = vector.broadcast %mul3A_1362 : i32 to vector<16xi32>
          %mul3A_1364 = arith.muli %iota3A, %mul3A_1363 : vector<16xi32>
          %add3A_1365 = arith.constant 4 : i32
          %add3A_1366 = vector.broadcast %add3A_1365 : i32 to vector<16xi32>
          %add3A_1367 = arith.addi %mul3A_1364, %add3A_1366 : vector<16xi32>
          %add3A_1368 = arith.constant 1 : i32
          %add3A_1369 = vector.broadcast %add3A_1368 : i32 to vector<16xi32>
          %add3A_1370 = arith.addi %add3A_1367, %add3A_1369 : vector<16xi32>
          %gather3A_1371 = tpu.vector_load_idx %arg13[%add3A_1330, %add3A_1370] : memref<128x16xi32, #tpu.memory_space<vmem>>[vector<16xi32>, vector<16xi32>], vector<16xi32>,
          %convert_element_type3A_1372 = arith.sitofp %gather3A_1371 : vector<16xi32> to vector<16xf32>
          %sub3A_1373 = arith.subf %get3A_1361, %convert_element_type3A_1372 : vector<16xf32>
          %get3A_1374 = arith.constant 368 : index
          %get3A_1375 = tpu.vector_load %arg14[%get3A_1374] {strides = array<i32>} : memref<640xf32, #tpu.memory_space<vmem>>, vector<16xf32>,
          %mul3A_1376 = arith.constant 0 : i32
          %mul3A_1377 = vector.broadcast %mul3A_1376 : i32 to vector<16xi32>
          %mul3A_1378 = arith.muli %iota3A, %mul3A_1377 : vector<16xi32>
          %add3A_1379 = arith.constant 4 : i32
          %add3A_1380 = vector.broadcast %add3A_1379 : i32 to vector<16xi32>
          %add3A_1381 = arith.addi %mul3A_1378, %add3A_1380 : vector<16xi32>
          %add3A_1382 = arith.constant 2 : i32
          %add3A_1383 = vector.broadcast %add3A_1382 : i32 to vector<16xi32>
          %add3A_1384 = arith.addi %add3A_1381, %add3A_1383 : vector<16xi32>
          %gather3A_1385 = tpu.vector_load_idx %arg13[%add3A_1330, %add3A_1384] : memref<128x16xi32, #tpu.memory_space<vmem>>[vector<16xi32>, vector<16xi32>], vector<16xi32>,
          %convert_element_type3A_1386 = arith.sitofp %gather3A_1385 : vector<16xi32> to vector<16xf32>
          %sub3A_1387 = arith.subf %get3A_1375, %convert_element_type3A_1386 : vector<16xf32>
          %get3A_1388 = arith.constant 496 : index
          %get3A_1389 = tpu.vector_load %arg14[%get3A_1388] {strides = array<i32>} : memref<640xf32, #tpu.memory_space<vmem>>, vector<16xf32>,
          %mul3A_1390 = arith.constant 0 : i32
          %mul3A_1391 = vector.broadcast %mul3A_1390 : i32 to vector<16xi32>
          %mul3A_1392 = arith.muli %iota3A, %mul3A_1391 : vector<16xi32>
          %add3A_1393 = arith.constant 4 : i32
          %add3A_1394 = vector.broadcast %add3A_1393 : i32 to vector<16xi32>
          %add3A_1395 = arith.addi %mul3A_1392, %add3A_1394 : vector<16xi32>
          %add3A_1396 = arith.constant 3 : i32
          %add3A_1397 = vector.broadcast %add3A_1396 : i32 to vector<16xi32>
          %add3A_1398 = arith.addi %add3A_1395, %add3A_1397 : vector<16xi32>
          %gather3A_1399 = tpu.vector_load_idx %arg13[%add3A_1330, %add3A_1398] : memref<128x16xi32, #tpu.memory_space<vmem>>[vector<16xi32>, vector<16xi32>], vector<16xi32>,
          %convert_element_type3A_1400 = arith.sitofp %gather3A_1399 : vector<16xi32> to vector<16xf32>
          %sub3A_1401 = arith.subf %get3A_1389, %convert_element_type3A_1400 : vector<16xf32>
          %get3A_1402 = arith.constant 0 : index
          %get3A_1403 = tpu.vector_load %arg9[%get3A_1402] {strides = array<i32>} : memref<64xf32, #tpu.memory_space<vmem>>, vector<16xf32>,
          %mul3A_1404 = arith.mulf %select_n3A_1343, %get3A_1345 : vector<16xf32>
          %mul3A_1405 = arith.mulf %mul3A_1404, %get3A_1345 : vector<16xf32>
          %add3A_1406 = arith.addf %get3A_1403, %mul3A_1405 : vector<16xf32>
          %swap3A_1407 = arith.constant 0 : index
          %swap3A_1408 = tpu.vector_load %arg9[%swap3A_1407] {strides = array<i32>} : memref<64xf32, #tpu.memory_space<vmem>>, vector<16xf32>,
          tpu.vector_store %arg9[%swap3A_1407], %add3A_1406 {strides = array<i32>} : memref<64xf32, #tpu.memory_space<vmem>>, vector<16xf32>,
          %get3A_1409 = arith.constant 16 : index
          %get3A_1410 = tpu.vector_load %arg9[%get3A_1409] {strides = array<i32>} : memref<64xf32, #tpu.memory_space<vmem>>, vector<16xf32>,
          %mul3A_1411 = arith.mulf %sub3A_1359, %sub3A_1359 : vector<16xf32>
          %mul3A_1412 = arith.mulf %sub3A_1373, %sub3A_1373 : vector<16xf32>
          %add3A_1413 = arith.addf %mul3A_1411, %mul3A_1412 : vector<16xf32>
          %mul3A_1414 = arith.mulf %select_n3A_1343, %add3A_1413 : vector<16xf32>
          %add3A_1415 = arith.addf %get3A_1410, %mul3A_1414 : vector<16xf32>
          %swap3A_1416 = arith.constant 16 : index
          %swap3A_1417 = tpu.vector_load %arg9[%swap3A_1416] {strides = array<i32>} : memref<64xf32, #tpu.memory_space<vmem>>, vector<16xf32>,
          tpu.vector_store %arg9[%swap3A_1416], %add3A_1415 {strides = array<i32>} : memref<64xf32, #tpu.memory_space<vmem>>, vector<16xf32>,
          %get3A_1418 = arith.constant 32 : index
          %get3A_1419 = tpu.vector_load %arg9[%get3A_1418] {strides = array<i32>} : memref<64xf32, #tpu.memory_space<vmem>>, vector<16xf32>,
          %mul3A_1420 = arith.mulf %sub3A_1387, %sub3A_1387 : vector<16xf32>
          %mul3A_1421 = arith.mulf %sub3A_1401, %sub3A_1401 : vector<16xf32>
          %add3A_1422 = arith.addf %mul3A_1420, %mul3A_1421 : vector<16xf32>
          %mul3A_1423 = arith.mulf %select_n3A_1343, %add3A_1422 : vector<16xf32>
          %add3A_1424 = arith.addf %get3A_1419, %mul3A_1423 : vector<16xf32>
          %swap3A_1425 = arith.constant 32 : index
          %swap3A_1426 = tpu.vector_load %arg9[%swap3A_1425] {strides = array<i32>} : memref<64xf32, #tpu.memory_space<vmem>>, vector<16xf32>,
          tpu.vector_store %arg9[%swap3A_1425], %add3A_1424 {strides = array<i32>} : memref<64xf32, #tpu.memory_space<vmem>>, vector<16xf32>,
          %get3A_1427 = arith.constant 48 : index
          %get3A_1428 = tpu.vector_load %arg9[%get3A_1427] {strides = array<i32>} : memref<64xf32, #tpu.memory_space<vmem>>, vector<16xf32>,
          %add3A_1429 = arith.addf %get3A_1428, %select_n3A_1343 : vector<16xf32>
          %swap3A_1430 = arith.constant 48 : index
          %swap3A_1431 = tpu.vector_load %arg9[%swap3A_1430] {strides = array<i32>} : memref<64xf32, #tpu.memory_space<vmem>>, vector<16xf32>,
          tpu.vector_store %arg9[%swap3A_1430], %add3A_1429 {strides = array<i32>} : memref<64xf32, #tpu.memory_space<vmem>>, vector<16xf32>,
          %while3A_1432 = arith.constant 0 : i32
          scf.yield %while3A_1432 : i32
        }
        %while3A_136 = arith.constant 1 : i32
        %while3A_137 = scf.for %while3A_139 = %while3A_133 to %while3A_129 step %while3A_136 iter_args(%while3A_140 = %while3A_135) -> (i32)  : i32 {
          %mul3A_141 = arith.constant 128 : i32
          %mul3A_142 = arith.muli %while3A_139, %mul3A_141 : i32
          %add3A_143 = arith.constant 0 : i32
          %add3A_144 = arith.addi %mul3A_142, %add3A_143 : i32
          %multiple_of3A = tpu.assume_multiple %add3A_144, 16 : i32
          %mul3A_145 = arith.constant 128 : i32
          %mul3A_146 = arith.muli %while3A_139, %mul3A_145 : i32
          %add3A_147 = arith.constant 0 : i32
          %add3A_148 = arith.addi %mul3A_146, %add3A_147 : i32
          %add3A_149 = vector.broadcast %add3A_148 : i32 to vector<16xi32>
          %add3A_150 = arith.addi %add3A_149, %iota3A : vector<16xi32>
          %lt3A = vector.broadcast %scan3A_98 : i32 to vector<16xi32>
          %lt3A_151 = arith.cmpi slt, %add3A_150, %lt3A : vector<16xi32>
          %get3A_152 = arith.index_cast %multiple_of3A : i32 to index
          %get3A_153 = tpu.vector_load %arg7[%get3A_152] {strides = array<i32>} : memref<8192xi32, #tpu.memory_space<vmem>>, vector<16xi32>,
          %jit3A_154 = arith.constant 0 : i32
          %broadcast_in_dim3A_155 = vector.broadcast %jit3A_154 : i32 to vector<16xi32>
          %select_n3A_156 = arith.select %lt3A_151, %get3A_153, %broadcast_in_dim3A_155 : vector<16xi1>, vector<16xi32>
          %swap3A_157 = arith.constant 0 : index
          %swap3A_158 = tpu.vector_load %arg11[%swap3A_157] {strides = array<i32>} : memref<128xi32, #tpu.memory_space<vmem>>, vector<16xi32>,
          tpu.vector_store %arg11[%swap3A_157], %select_n3A_156 {strides = array<i32>} : memref<128xi32, #tpu.memory_space<vmem>>, vector<16xi32>,
          %get3A_159 = arith.index_cast %multiple_of3A : i32 to index
          %get3A_160 = tpu.vector_load %arg8[%get3A_159] {strides = array<i32>} : memref<8192xi32, #tpu.memory_space<vmem>>, vector<16xi32>,
          %jit3A_161 = arith.constant 0 : i32
          %broadcast_in_dim3A_162 = vector.broadcast %jit3A_161 : i32 to vector<16xi32>
          %select_n3A_163 = arith.select %lt3A_151, %get3A_160, %broadcast_in_dim3A_162 : vector<16xi1>, vector<16xi32>
          %shift_right_arithmetic3A = arith.constant 14 : i32
          %shift_right_arithmetic3A_164 = vector.broadcast %shift_right_arithmetic3A : i32 to vector<16xi32>
          %shift_right_arithmetic3A_165 = arith.shrsi %select_n3A_163, %shift_right_arithmetic3A_164 : vector<16xi32>
          %mul3A_166 = arith.constant 65536 : i32
          %mul3A_167 = vector.broadcast %mul3A_166 : i32 to vector<16xi32>
          %mul3A_168 = arith.muli %shift_right_arithmetic3A_165, %mul3A_167 : vector<16xi32>
          %add3A_169 = arith.addi %select_n3A_163, %mul3A_168 : vector<16xi32>
          %add3A_170 = arith.constant 0 : i32
          %add3A_171 = vector.broadcast %add3A_170 : i32 to vector<16xi32>
          %add3A_172 = arith.addi %add3A_169, %add3A_171 : vector<16xi32>
          %swap3A_173 = arith.constant 0 : index
          %swap3A_174 = tpu.vector_load %arg12[%swap3A_173] {strides = array<i32>} : memref<640xi32, #tpu.memory_space<vmem>>, vector<16xi32>,
          tpu.vector_store %arg12[%swap3A_173], %add3A_172 {strides = array<i32>} : memref<640xi32, #tpu.memory_space<vmem>>, vector<16xi32>,
          %add3A_175 = arith.constant 16384 : i32
          %add3A_176 = vector.broadcast %add3A_175 : i32 to vector<16xi32>
          %add3A_177 = arith.addi %add3A_169, %add3A_176 : vector<16xi32>
          %swap3A_178 = arith.constant 128 : index
          %swap3A_179 = tpu.vector_load %arg12[%swap3A_178] {strides = array<i32>} : memref<640xi32, #tpu.memory_space<vmem>>, vector<16xi32>,
          tpu.vector_store %arg12[%swap3A_178], %add3A_177 {strides = array<i32>} : memref<640xi32, #tpu.memory_space<vmem>>, vector<16xi32>,
          %add3A_180 = arith.constant 32768 : i32
          %add3A_181 = vector.broadcast %add3A_180 : i32 to vector<16xi32>
          %add3A_182 = arith.addi %add3A_169, %add3A_181 : vector<16xi32>
          %swap3A_183 = arith.constant 256 : index
          %swap3A_184 = tpu.vector_load %arg12[%swap3A_183] {strides = array<i32>} : memref<640xi32, #tpu.memory_space<vmem>>, vector<16xi32>,
          tpu.vector_store %arg12[%swap3A_183], %add3A_182 {strides = array<i32>} : memref<640xi32, #tpu.memory_space<vmem>>, vector<16xi32>,
          %add3A_185 = arith.constant 49152 : i32
          %add3A_186 = vector.broadcast %add3A_185 : i32 to vector<16xi32>
          %add3A_187 = arith.addi %add3A_169, %add3A_186 : vector<16xi32>
          %swap3A_188 = arith.constant 384 : index
          %swap3A_189 = tpu.vector_load %arg12[%swap3A_188] {strides = array<i32>} : memref<640xi32, #tpu.memory_space<vmem>>, vector<16xi32>,
          tpu.vector_store %arg12[%swap3A_188], %add3A_187 {strides = array<i32>} : memref<640xi32, #tpu.memory_space<vmem>>, vector<16xi32>,
          %add3A_190 = arith.constant 65536 : i32
          %add3A_191 = vector.broadcast %add3A_190 : i32 to vector<16xi32>
          %add3A_192 = arith.addi %add3A_169, %add3A_191 : vector<16xi32>
          %swap3A_193 = arith.constant 512 : index
          %swap3A_194 = tpu.vector_load %arg12[%swap3A_193] {strides = array<i32>} : memref<640xi32, #tpu.memory_space<vmem>>, vector<16xi32>,
          tpu.vector_store %arg12[%swap3A_193], %add3A_192 {strides = array<i32>} : memref<640xi32, #tpu.memory_space<vmem>>, vector<16xi32>,
          %mul3A_195 = arith.constant 128 : i32
          %mul3A_196 = arith.muli %while3A_139, %mul3A_195 : i32
          %add3A_197 = arith.constant 16 : i32
          %add3A_198 = arith.addi %mul3A_196, %add3A_197 : i32
          %multiple_of3A_199 = tpu.assume_multiple %add3A_198, 16 : i32
          %mul3A_200 = arith.constant 128 : i32
          %mul3A_201 = arith.muli %while3A_139, %mul3A_200 : i32
          %add3A_202 = arith.constant 16 : i32
          %add3A_203 = arith.addi %mul3A_201, %add3A_202 : i32
          %add3A_204 = vector.broadcast %add3A_203 : i32 to vector<16xi32>
          %add3A_205 = arith.addi %add3A_204, %iota3A : vector<16xi32>
          %lt3A_206 = vector.broadcast %scan3A_98 : i32 to vector<16xi32>
          %lt3A_207 = arith.cmpi slt, %add3A_205, %lt3A_206 : vector<16xi32>
          %get3A_208 = arith.index_cast %multiple_of3A_199 : i32 to index
          %get3A_209 = tpu.vector_load %arg7[%get3A_208] {strides = array<i32>} : memref<8192xi32, #tpu.memory_space<vmem>>, vector<16xi32>,
          %jit3A_210 = arith.constant 0 : i32
          %broadcast_in_dim3A_211 = vector.broadcast %jit3A_210 : i32 to vector<16xi32>
          %select_n3A_212 = arith.select %lt3A_207, %get3A_209, %broadcast_in_dim3A_211 : vector<16xi1>, vector<16xi32>
          %swap3A_213 = arith.constant 16 : index
          %swap3A_214 = tpu.vector_load %arg11[%swap3A_213] {strides = array<i32>} : memref<128xi32, #tpu.memory_space<vmem>>, vector<16xi32>,
          tpu.vector_store %arg11[%swap3A_213], %select_n3A_212 {strides = array<i32>} : memref<128xi32, #tpu.memory_space<vmem>>, vector<16xi32>,
          %get3A_215 = arith.index_cast %multiple_of3A_199 : i32 to index
          %get3A_216 = tpu.vector_load %arg8[%get3A_215] {strides = array<i32>} : memref<8192xi32, #tpu.memory_space<vmem>>, vector<16xi32>,
          %jit3A_217 = arith.constant 0 : i32
          %broadcast_in_dim3A_218 = vector.broadcast %jit3A_217 : i32 to vector<16xi32>
          %select_n3A_219 = arith.select %lt3A_207, %get3A_216, %broadcast_in_dim3A_218 : vector<16xi1>, vector<16xi32>
          %shift_right_arithmetic3A_220 = arith.constant 14 : i32
          %shift_right_arithmetic3A_221 = vector.broadcast %shift_right_arithmetic3A_220 : i32 to vector<16xi32>
          %shift_right_arithmetic3A_222 = arith.shrsi %select_n3A_219, %shift_right_arithmetic3A_221 : vector<16xi32>
          %mul3A_223 = arith.constant 65536 : i32
          %mul3A_224 = vector.broadcast %mul3A_223 : i32 to vector<16xi32>
          %mul3A_225 = arith.muli %shift_right_arithmetic3A_222, %mul3A_224 : vector<16xi32>
          %add3A_226 = arith.addi %select_n3A_219, %mul3A_225 : vector<16xi32>
          %add3A_227 = arith.constant 0 : i32
          %add3A_228 = vector.broadcast %add3A_227 : i32 to vector<16xi32>
          %add3A_229 = arith.addi %add3A_226, %add3A_228 : vector<16xi32>
          %swap3A_230 = arith.constant 16 : index
          %swap3A_231 = tpu.vector_load %arg12[%swap3A_230] {strides = array<i32>} : memref<640xi32, #tpu.memory_space<vmem>>, vector<16xi32>,
          tpu.vector_store %arg12[%swap3A_230], %add3A_229 {strides = array<i32>} : memref<640xi32, #tpu.memory_space<vmem>>, vector<16xi32>,
          %add3A_232 = arith.constant 16384 : i32
          %add3A_233 = vector.broadcast %add3A_232 : i32 to vector<16xi32>
          %add3A_234 = arith.addi %add3A_226, %add3A_233 : vector<16xi32>
          %swap3A_235 = arith.constant 144 : index
          %swap3A_236 = tpu.vector_load %arg12[%swap3A_235] {strides = array<i32>} : memref<640xi32, #tpu.memory_space<vmem>>, vector<16xi32>,
          tpu.vector_store %arg12[%swap3A_235], %add3A_234 {strides = array<i32>} : memref<640xi32, #tpu.memory_space<vmem>>, vector<16xi32>,
          %add3A_237 = arith.constant 32768 : i32
          %add3A_238 = vector.broadcast %add3A_237 : i32 to vector<16xi32>
          %add3A_239 = arith.addi %add3A_226, %add3A_238 : vector<16xi32>
          %swap3A_240 = arith.constant 272 : index
          %swap3A_241 = tpu.vector_load %arg12[%swap3A_240] {strides = array<i32>} : memref<640xi32, #tpu.memory_space<vmem>>, vector<16xi32>,
          tpu.vector_store %arg12[%swap3A_240], %add3A_239 {strides = array<i32>} : memref<640xi32, #tpu.memory_space<vmem>>, vector<16xi32>,
          %add3A_242 = arith.constant 49152 : i32
          %add3A_243 = vector.broadcast %add3A_242 : i32 to vector<16xi32>
          %add3A_244 = arith.addi %add3A_226, %add3A_243 : vector<16xi32>
          %swap3A_245 = arith.constant 400 : index
          %swap3A_246 = tpu.vector_load %arg12[%swap3A_245] {strides = array<i32>} : memref<640xi32, #tpu.memory_space<vmem>>, vector<16xi32>,
          tpu.vector_store %arg12[%swap3A_245], %add3A_244 {strides = array<i32>} : memref<640xi32, #tpu.memory_space<vmem>>, vector<16xi32>,
          %add3A_247 = arith.constant 65536 : i32
          %add3A_248 = vector.broadcast %add3A_247 : i32 to vector<16xi32>
          %add3A_249 = arith.addi %add3A_226, %add3A_248 : vector<16xi32>
          %swap3A_250 = arith.constant 528 : index
          %swap3A_251 = tpu.vector_load %arg12[%swap3A_250] {strides = array<i32>} : memref<640xi32, #tpu.memory_space<vmem>>, vector<16xi32>,
          tpu.vector_store %arg12[%swap3A_250], %add3A_249 {strides = array<i32>} : memref<640xi32, #tpu.memory_space<vmem>>, vector<16xi32>,
          %mul3A_252 = arith.constant 128 : i32
          %mul3A_253 = arith.muli %while3A_139, %mul3A_252 : i32
          %add3A_254 = arith.constant 32 : i32
          %add3A_255 = arith.addi %mul3A_253, %add3A_254 : i32
          %multiple_of3A_256 = tpu.assume_multiple %add3A_255, 16 : i32
          %mul3A_257 = arith.constant 128 : i32
          %mul3A_258 = arith.muli %while3A_139, %mul3A_257 : i32
          %add3A_259 = arith.constant 32 : i32
          %add3A_260 = arith.addi %mul3A_258, %add3A_259 : i32
          %add3A_261 = vector.broadcast %add3A_260 : i32 to vector<16xi32>
          %add3A_262 = arith.addi %add3A_261, %iota3A : vector<16xi32>
          %lt3A_263 = vector.broadcast %scan3A_98 : i32 to vector<16xi32>
          %lt3A_264 = arith.cmpi slt, %add3A_262, %lt3A_263 : vector<16xi32>
          %get3A_265 = arith.index_cast %multiple_of3A_256 : i32 to index
          %get3A_266 = tpu.vector_load %arg7[%get3A_265] {strides = array<i32>} : memref<8192xi32, #tpu.memory_space<vmem>>, vector<16xi32>,
          %jit3A_267 = arith.constant 0 : i32
          %broadcast_in_dim3A_268 = vector.broadcast %jit3A_267 : i32 to vector<16xi32>
          %select_n3A_269 = arith.select %lt3A_264, %get3A_266, %broadcast_in_dim3A_268 : vector<16xi1>, vector<16xi32>
          %swap3A_270 = arith.constant 32 : index
          %swap3A_271 = tpu.vector_load %arg11[%swap3A_270] {strides = array<i32>} : memref<128xi32, #tpu.memory_space<vmem>>, vector<16xi32>,
          tpu.vector_store %arg11[%swap3A_270], %select_n3A_269 {strides = array<i32>} : memref<128xi32, #tpu.memory_space<vmem>>, vector<16xi32>,
          %get3A_272 = arith.index_cast %multiple_of3A_256 : i32 to index
          %get3A_273 = tpu.vector_load %arg8[%get3A_272] {strides = array<i32>} : memref<8192xi32, #tpu.memory_space<vmem>>, vector<16xi32>,
          %jit3A_274 = arith.constant 0 : i32
          %broadcast_in_dim3A_275 = vector.broadcast %jit3A_274 : i32 to vector<16xi32>
          %select_n3A_276 = arith.select %lt3A_264, %get3A_273, %broadcast_in_dim3A_275 : vector<16xi1>, vector<16xi32>
          %shift_right_arithmetic3A_277 = arith.constant 14 : i32
          %shift_right_arithmetic3A_278 = vector.broadcast %shift_right_arithmetic3A_277 : i32 to vector<16xi32>
          %shift_right_arithmetic3A_279 = arith.shrsi %select_n3A_276, %shift_right_arithmetic3A_278 : vector<16xi32>
          %mul3A_280 = arith.constant 65536 : i32
          %mul3A_281 = vector.broadcast %mul3A_280 : i32 to vector<16xi32>
          %mul3A_282 = arith.muli %shift_right_arithmetic3A_279, %mul3A_281 : vector<16xi32>
          %add3A_283 = arith.addi %select_n3A_276, %mul3A_282 : vector<16xi32>
          %add3A_284 = arith.constant 0 : i32
          %add3A_285 = vector.broadcast %add3A_284 : i32 to vector<16xi32>
          %add3A_286 = arith.addi %add3A_283, %add3A_285 : vector<16xi32>
          %swap3A_287 = arith.constant 32 : index
          %swap3A_288 = tpu.vector_load %arg12[%swap3A_287] {strides = array<i32>} : memref<640xi32, #tpu.memory_space<vmem>>, vector<16xi32>,
          tpu.vector_store %arg12[%swap3A_287], %add3A_286 {strides = array<i32>} : memref<640xi32, #tpu.memory_space<vmem>>, vector<16xi32>,
          %add3A_289 = arith.constant 16384 : i32
          %add3A_290 = vector.broadcast %add3A_289 : i32 to vector<16xi32>
          %add3A_291 = arith.addi %add3A_283, %add3A_290 : vector<16xi32>
          %swap3A_292 = arith.constant 160 : index
          %swap3A_293 = tpu.vector_load %arg12[%swap3A_292] {strides = array<i32>} : memref<640xi32, #tpu.memory_space<vmem>>, vector<16xi32>,
          tpu.vector_store %arg12[%swap3A_292], %add3A_291 {strides = array<i32>} : memref<640xi32, #tpu.memory_space<vmem>>, vector<16xi32>,
          %add3A_294 = arith.constant 32768 : i32
          %add3A_295 = vector.broadcast %add3A_294 : i32 to vector<16xi32>
          %add3A_296 = arith.addi %add3A_283, %add3A_295 : vector<16xi32>
          %swap3A_297 = arith.constant 288 : index
          %swap3A_298 = tpu.vector_load %arg12[%swap3A_297] {strides = array<i32>} : memref<640xi32, #tpu.memory_space<vmem>>, vector<16xi32>,
          tpu.vector_store %arg12[%swap3A_297], %add3A_296 {strides = array<i32>} : memref<640xi32, #tpu.memory_space<vmem>>, vector<16xi32>,
          %add3A_299 = arith.constant 49152 : i32
          %add3A_300 = vector.broadcast %add3A_299 : i32 to vector<16xi32>
          %add3A_301 = arith.addi %add3A_283, %add3A_300 : vector<16xi32>
          %swap3A_302 = arith.constant 416 : index
          %swap3A_303 = tpu.vector_load %arg12[%swap3A_302] {strides = array<i32>} : memref<640xi32, #tpu.memory_space<vmem>>, vector<16xi32>,
          tpu.vector_store %arg12[%swap3A_302], %add3A_301 {strides = array<i32>} : memref<640xi32, #tpu.memory_space<vmem>>, vector<16xi32>,
          %add3A_304 = arith.constant 65536 : i32
          %add3A_305 = vector.broadcast %add3A_304 : i32 to vector<16xi32>
          %add3A_306 = arith.addi %add3A_283, %add3A_305 : vector<16xi32>
          %swap3A_307 = arith.constant 544 : index
          %swap3A_308 = tpu.vector_load %arg12[%swap3A_307] {strides = array<i32>} : memref<640xi32, #tpu.memory_space<vmem>>, vector<16xi32>,
          tpu.vector_store %arg12[%swap3A_307], %add3A_306 {strides = array<i32>} : memref<640xi32, #tpu.memory_space<vmem>>, vector<16xi32>,
          %mul3A_309 = arith.constant 128 : i32
          %mul3A_310 = arith.muli %while3A_139, %mul3A_309 : i32
          %add3A_311 = arith.constant 48 : i32
          %add3A_312 = arith.addi %mul3A_310, %add3A_311 : i32
          %multiple_of3A_313 = tpu.assume_multiple %add3A_312, 16 : i32
          %mul3A_314 = arith.constant 128 : i32
          %mul3A_315 = arith.muli %while3A_139, %mul3A_314 : i32
          %add3A_316 = arith.constant 48 : i32
          %add3A_317 = arith.addi %mul3A_315, %add3A_316 : i32
          %add3A_318 = vector.broadcast %add3A_317 : i32 to vector<16xi32>
          %add3A_319 = arith.addi %add3A_318, %iota3A : vector<16xi32>
          %lt3A_320 = vector.broadcast %scan3A_98 : i32 to vector<16xi32>
          %lt3A_321 = arith.cmpi slt, %add3A_319, %lt3A_320 : vector<16xi32>
          %get3A_322 = arith.index_cast %multiple_of3A_313 : i32 to index
          %get3A_323 = tpu.vector_load %arg7[%get3A_322] {strides = array<i32>} : memref<8192xi32, #tpu.memory_space<vmem>>, vector<16xi32>,
          %jit3A_324 = arith.constant 0 : i32
          %broadcast_in_dim3A_325 = vector.broadcast %jit3A_324 : i32 to vector<16xi32>
          %select_n3A_326 = arith.select %lt3A_321, %get3A_323, %broadcast_in_dim3A_325 : vector<16xi1>, vector<16xi32>
          %swap3A_327 = arith.constant 48 : index
          %swap3A_328 = tpu.vector_load %arg11[%swap3A_327] {strides = array<i32>} : memref<128xi32, #tpu.memory_space<vmem>>, vector<16xi32>,
          tpu.vector_store %arg11[%swap3A_327], %select_n3A_326 {strides = array<i32>} : memref<128xi32, #tpu.memory_space<vmem>>, vector<16xi32>,
          %get3A_329 = arith.index_cast %multiple_of3A_313 : i32 to index
          %get3A_330 = tpu.vector_load %arg8[%get3A_329] {strides = array<i32>} : memref<8192xi32, #tpu.memory_space<vmem>>, vector<16xi32>,
          %jit3A_331 = arith.constant 0 : i32
          %broadcast_in_dim3A_332 = vector.broadcast %jit3A_331 : i32 to vector<16xi32>
          %select_n3A_333 = arith.select %lt3A_321, %get3A_330, %broadcast_in_dim3A_332 : vector<16xi1>, vector<16xi32>
          %shift_right_arithmetic3A_334 = arith.constant 14 : i32
          %shift_right_arithmetic3A_335 = vector.broadcast %shift_right_arithmetic3A_334 : i32 to vector<16xi32>
          %shift_right_arithmetic3A_336 = arith.shrsi %select_n3A_333, %shift_right_arithmetic3A_335 : vector<16xi32>
          %mul3A_337 = arith.constant 65536 : i32
          %mul3A_338 = vector.broadcast %mul3A_337 : i32 to vector<16xi32>
          %mul3A_339 = arith.muli %shift_right_arithmetic3A_336, %mul3A_338 : vector<16xi32>
          %add3A_340 = arith.addi %select_n3A_333, %mul3A_339 : vector<16xi32>
          %add3A_341 = arith.constant 0 : i32
          %add3A_342 = vector.broadcast %add3A_341 : i32 to vector<16xi32>
          %add3A_343 = arith.addi %add3A_340, %add3A_342 : vector<16xi32>
          %swap3A_344 = arith.constant 48 : index
          %swap3A_345 = tpu.vector_load %arg12[%swap3A_344] {strides = array<i32>} : memref<640xi32, #tpu.memory_space<vmem>>, vector<16xi32>,
          tpu.vector_store %arg12[%swap3A_344], %add3A_343 {strides = array<i32>} : memref<640xi32, #tpu.memory_space<vmem>>, vector<16xi32>,
          %add3A_346 = arith.constant 16384 : i32
          %add3A_347 = vector.broadcast %add3A_346 : i32 to vector<16xi32>
          %add3A_348 = arith.addi %add3A_340, %add3A_347 : vector<16xi32>
          %swap3A_349 = arith.constant 176 : index
          %swap3A_350 = tpu.vector_load %arg12[%swap3A_349] {strides = array<i32>} : memref<640xi32, #tpu.memory_space<vmem>>, vector<16xi32>,
          tpu.vector_store %arg12[%swap3A_349], %add3A_348 {strides = array<i32>} : memref<640xi32, #tpu.memory_space<vmem>>, vector<16xi32>,
          %add3A_351 = arith.constant 32768 : i32
          %add3A_352 = vector.broadcast %add3A_351 : i32 to vector<16xi32>
          %add3A_353 = arith.addi %add3A_340, %add3A_352 : vector<16xi32>
          %swap3A_354 = arith.constant 304 : index
          %swap3A_355 = tpu.vector_load %arg12[%swap3A_354] {strides = array<i32>} : memref<640xi32, #tpu.memory_space<vmem>>, vector<16xi32>,
          tpu.vector_store %arg12[%swap3A_354], %add3A_353 {strides = array<i32>} : memref<640xi32, #tpu.memory_space<vmem>>, vector<16xi32>,
          %add3A_356 = arith.constant 49152 : i32
          %add3A_357 = vector.broadcast %add3A_356 : i32 to vector<16xi32>
          %add3A_358 = arith.addi %add3A_340, %add3A_357 : vector<16xi32>
          %swap3A_359 = arith.constant 432 : index
          %swap3A_360 = tpu.vector_load %arg12[%swap3A_359] {strides = array<i32>} : memref<640xi32, #tpu.memory_space<vmem>>, vector<16xi32>,
          tpu.vector_store %arg12[%swap3A_359], %add3A_358 {strides = array<i32>} : memref<640xi32, #tpu.memory_space<vmem>>, vector<16xi32>,
          %add3A_361 = arith.constant 65536 : i32
          %add3A_362 = vector.broadcast %add3A_361 : i32 to vector<16xi32>
          %add3A_363 = arith.addi %add3A_340, %add3A_362 : vector<16xi32>
          %swap3A_364 = arith.constant 560 : index
          %swap3A_365 = tpu.vector_load %arg12[%swap3A_364] {strides = array<i32>} : memref<640xi32, #tpu.memory_space<vmem>>, vector<16xi32>,
          tpu.vector_store %arg12[%swap3A_364], %add3A_363 {strides = array<i32>} : memref<640xi32, #tpu.memory_space<vmem>>, vector<16xi32>,
          %mul3A_366 = arith.constant 128 : i32
          %mul3A_367 = arith.muli %while3A_139, %mul3A_366 : i32
          %add3A_368 = arith.constant 64 : i32
          %add3A_369 = arith.addi %mul3A_367, %add3A_368 : i32
          %multiple_of3A_370 = tpu.assume_multiple %add3A_369, 16 : i32
          %mul3A_371 = arith.constant 128 : i32
          %mul3A_372 = arith.muli %while3A_139, %mul3A_371 : i32
          %add3A_373 = arith.constant 64 : i32
          %add3A_374 = arith.addi %mul3A_372, %add3A_373 : i32
          %add3A_375 = vector.broadcast %add3A_374 : i32 to vector<16xi32>
          %add3A_376 = arith.addi %add3A_375, %iota3A : vector<16xi32>
          %lt3A_377 = vector.broadcast %scan3A_98 : i32 to vector<16xi32>
          %lt3A_378 = arith.cmpi slt, %add3A_376, %lt3A_377 : vector<16xi32>
          %get3A_379 = arith.index_cast %multiple_of3A_370 : i32 to index
          %get3A_380 = tpu.vector_load %arg7[%get3A_379] {strides = array<i32>} : memref<8192xi32, #tpu.memory_space<vmem>>, vector<16xi32>,
          %jit3A_381 = arith.constant 0 : i32
          %broadcast_in_dim3A_382 = vector.broadcast %jit3A_381 : i32 to vector<16xi32>
          %select_n3A_383 = arith.select %lt3A_378, %get3A_380, %broadcast_in_dim3A_382 : vector<16xi1>, vector<16xi32>
          %swap3A_384 = arith.constant 64 : index
          %swap3A_385 = tpu.vector_load %arg11[%swap3A_384] {strides = array<i32>} : memref<128xi32, #tpu.memory_space<vmem>>, vector<16xi32>,
          tpu.vector_store %arg11[%swap3A_384], %select_n3A_383 {strides = array<i32>} : memref<128xi32, #tpu.memory_space<vmem>>, vector<16xi32>,
          %get3A_386 = arith.index_cast %multiple_of3A_370 : i32 to index
          %get3A_387 = tpu.vector_load %arg8[%get3A_386] {strides = array<i32>} : memref<8192xi32, #tpu.memory_space<vmem>>, vector<16xi32>,
          %jit3A_388 = arith.constant 0 : i32
          %broadcast_in_dim3A_389 = vector.broadcast %jit3A_388 : i32 to vector<16xi32>
          %select_n3A_390 = arith.select %lt3A_378, %get3A_387, %broadcast_in_dim3A_389 : vector<16xi1>, vector<16xi32>
          %shift_right_arithmetic3A_391 = arith.constant 14 : i32
          %shift_right_arithmetic3A_392 = vector.broadcast %shift_right_arithmetic3A_391 : i32 to vector<16xi32>
          %shift_right_arithmetic3A_393 = arith.shrsi %select_n3A_390, %shift_right_arithmetic3A_392 : vector<16xi32>
          %mul3A_394 = arith.constant 65536 : i32
          %mul3A_395 = vector.broadcast %mul3A_394 : i32 to vector<16xi32>
          %mul3A_396 = arith.muli %shift_right_arithmetic3A_393, %mul3A_395 : vector<16xi32>
          %add3A_397 = arith.addi %select_n3A_390, %mul3A_396 : vector<16xi32>
          %add3A_398 = arith.constant 0 : i32
          %add3A_399 = vector.broadcast %add3A_398 : i32 to vector<16xi32>
          %add3A_400 = arith.addi %add3A_397, %add3A_399 : vector<16xi32>
          %swap3A_401 = arith.constant 64 : index
          %swap3A_402 = tpu.vector_load %arg12[%swap3A_401] {strides = array<i32>} : memref<640xi32, #tpu.memory_space<vmem>>, vector<16xi32>,
          tpu.vector_store %arg12[%swap3A_401], %add3A_400 {strides = array<i32>} : memref<640xi32, #tpu.memory_space<vmem>>, vector<16xi32>,
          %add3A_403 = arith.constant 16384 : i32
          %add3A_404 = vector.broadcast %add3A_403 : i32 to vector<16xi32>
          %add3A_405 = arith.addi %add3A_397, %add3A_404 : vector<16xi32>
          %swap3A_406 = arith.constant 192 : index
          %swap3A_407 = tpu.vector_load %arg12[%swap3A_406] {strides = array<i32>} : memref<640xi32, #tpu.memory_space<vmem>>, vector<16xi32>,
          tpu.vector_store %arg12[%swap3A_406], %add3A_405 {strides = array<i32>} : memref<640xi32, #tpu.memory_space<vmem>>, vector<16xi32>,
          %add3A_408 = arith.constant 32768 : i32
          %add3A_409 = vector.broadcast %add3A_408 : i32 to vector<16xi32>
          %add3A_410 = arith.addi %add3A_397, %add3A_409 : vector<16xi32>
          %swap3A_411 = arith.constant 320 : index
          %swap3A_412 = tpu.vector_load %arg12[%swap3A_411] {strides = array<i32>} : memref<640xi32, #tpu.memory_space<vmem>>, vector<16xi32>,
          tpu.vector_store %arg12[%swap3A_411], %add3A_410 {strides = array<i32>} : memref<640xi32, #tpu.memory_space<vmem>>, vector<16xi32>,
          %add3A_413 = arith.constant 49152 : i32
          %add3A_414 = vector.broadcast %add3A_413 : i32 to vector<16xi32>
          %add3A_415 = arith.addi %add3A_397, %add3A_414 : vector<16xi32>
          %swap3A_416 = arith.constant 448 : index
          %swap3A_417 = tpu.vector_load %arg12[%swap3A_416] {strides = array<i32>} : memref<640xi32, #tpu.memory_space<vmem>>, vector<16xi32>,
          tpu.vector_store %arg12[%swap3A_416], %add3A_415 {strides = array<i32>} : memref<640xi32, #tpu.memory_space<vmem>>, vector<16xi32>,
          %add3A_418 = arith.constant 65536 : i32
          %add3A_419 = vector.broadcast %add3A_418 : i32 to vector<16xi32>
          %add3A_420 = arith.addi %add3A_397, %add3A_419 : vector<16xi32>
          %swap3A_421 = arith.constant 576 : index
          %swap3A_422 = tpu.vector_load %arg12[%swap3A_421] {strides = array<i32>} : memref<640xi32, #tpu.memory_space<vmem>>, vector<16xi32>,
          tpu.vector_store %arg12[%swap3A_421], %add3A_420 {strides = array<i32>} : memref<640xi32, #tpu.memory_space<vmem>>, vector<16xi32>,
          %mul3A_423 = arith.constant 128 : i32
          %mul3A_424 = arith.muli %while3A_139, %mul3A_423 : i32
          %add3A_425 = arith.constant 80 : i32
          %add3A_426 = arith.addi %mul3A_424, %add3A_425 : i32
          %multiple_of3A_427 = tpu.assume_multiple %add3A_426, 16 : i32
          %mul3A_428 = arith.constant 128 : i32
          %mul3A_429 = arith.muli %while3A_139, %mul3A_428 : i32
          %add3A_430 = arith.constant 80 : i32
          %add3A_431 = arith.addi %mul3A_429, %add3A_430 : i32
          %add3A_432 = vector.broadcast %add3A_431 : i32 to vector<16xi32>
          %add3A_433 = arith.addi %add3A_432, %iota3A : vector<16xi32>
          %lt3A_434 = vector.broadcast %scan3A_98 : i32 to vector<16xi32>
          %lt3A_435 = arith.cmpi slt, %add3A_433, %lt3A_434 : vector<16xi32>
          %get3A_436 = arith.index_cast %multiple_of3A_427 : i32 to index
          %get3A_437 = tpu.vector_load %arg7[%get3A_436] {strides = array<i32>} : memref<8192xi32, #tpu.memory_space<vmem>>, vector<16xi32>,
          %jit3A_438 = arith.constant 0 : i32
          %broadcast_in_dim3A_439 = vector.broadcast %jit3A_438 : i32 to vector<16xi32>
          %select_n3A_440 = arith.select %lt3A_435, %get3A_437, %broadcast_in_dim3A_439 : vector<16xi1>, vector<16xi32>
          %swap3A_441 = arith.constant 80 : index
          %swap3A_442 = tpu.vector_load %arg11[%swap3A_441] {strides = array<i32>} : memref<128xi32, #tpu.memory_space<vmem>>, vector<16xi32>,
          tpu.vector_store %arg11[%swap3A_441], %select_n3A_440 {strides = array<i32>} : memref<128xi32, #tpu.memory_space<vmem>>, vector<16xi32>,
          %get3A_443 = arith.index_cast %multiple_of3A_427 : i32 to index
          %get3A_444 = tpu.vector_load %arg8[%get3A_443] {strides = array<i32>} : memref<8192xi32, #tpu.memory_space<vmem>>, vector<16xi32>,
          %jit3A_445 = arith.constant 0 : i32
          %broadcast_in_dim3A_446 = vector.broadcast %jit3A_445 : i32 to vector<16xi32>
          %select_n3A_447 = arith.select %lt3A_435, %get3A_444, %broadcast_in_dim3A_446 : vector<16xi1>, vector<16xi32>
          %shift_right_arithmetic3A_448 = arith.constant 14 : i32
          %shift_right_arithmetic3A_449 = vector.broadcast %shift_right_arithmetic3A_448 : i32 to vector<16xi32>
          %shift_right_arithmetic3A_450 = arith.shrsi %select_n3A_447, %shift_right_arithmetic3A_449 : vector<16xi32>
          %mul3A_451 = arith.constant 65536 : i32
          %mul3A_452 = vector.broadcast %mul3A_451 : i32 to vector<16xi32>
          %mul3A_453 = arith.muli %shift_right_arithmetic3A_450, %mul3A_452 : vector<16xi32>
          %add3A_454 = arith.addi %select_n3A_447, %mul3A_453 : vector<16xi32>
          %add3A_455 = arith.constant 0 : i32
          %add3A_456 = vector.broadcast %add3A_455 : i32 to vector<16xi32>
          %add3A_457 = arith.addi %add3A_454, %add3A_456 : vector<16xi32>
          %swap3A_458 = arith.constant 80 : index
          %swap3A_459 = tpu.vector_load %arg12[%swap3A_458] {strides = array<i32>} : memref<640xi32, #tpu.memory_space<vmem>>, vector<16xi32>,
          tpu.vector_store %arg12[%swap3A_458], %add3A_457 {strides = array<i32>} : memref<640xi32, #tpu.memory_space<vmem>>, vector<16xi32>,
          %add3A_460 = arith.constant 16384 : i32
          %add3A_461 = vector.broadcast %add3A_460 : i32 to vector<16xi32>
          %add3A_462 = arith.addi %add3A_454, %add3A_461 : vector<16xi32>
          %swap3A_463 = arith.constant 208 : index
          %swap3A_464 = tpu.vector_load %arg12[%swap3A_463] {strides = array<i32>} : memref<640xi32, #tpu.memory_space<vmem>>, vector<16xi32>,
          tpu.vector_store %arg12[%swap3A_463], %add3A_462 {strides = array<i32>} : memref<640xi32, #tpu.memory_space<vmem>>, vector<16xi32>,
          %add3A_465 = arith.constant 32768 : i32
          %add3A_466 = vector.broadcast %add3A_465 : i32 to vector<16xi32>
          %add3A_467 = arith.addi %add3A_454, %add3A_466 : vector<16xi32>
          %swap3A_468 = arith.constant 336 : index
          %swap3A_469 = tpu.vector_load %arg12[%swap3A_468] {strides = array<i32>} : memref<640xi32, #tpu.memory_space<vmem>>, vector<16xi32>,
          tpu.vector_store %arg12[%swap3A_468], %add3A_467 {strides = array<i32>} : memref<640xi32, #tpu.memory_space<vmem>>, vector<16xi32>,
          %add3A_470 = arith.constant 49152 : i32
          %add3A_471 = vector.broadcast %add3A_470 : i32 to vector<16xi32>
          %add3A_472 = arith.addi %add3A_454, %add3A_471 : vector<16xi32>
          %swap3A_473 = arith.constant 464 : index
          %swap3A_474 = tpu.vector_load %arg12[%swap3A_473] {strides = array<i32>} : memref<640xi32, #tpu.memory_space<vmem>>, vector<16xi32>,
          tpu.vector_store %arg12[%swap3A_473], %add3A_472 {strides = array<i32>} : memref<640xi32, #tpu.memory_space<vmem>>, vector<16xi32>,
          %add3A_475 = arith.constant 65536 : i32
          %add3A_476 = vector.broadcast %add3A_475 : i32 to vector<16xi32>
          %add3A_477 = arith.addi %add3A_454, %add3A_476 : vector<16xi32>
          %swap3A_478 = arith.constant 592 : index
          %swap3A_479 = tpu.vector_load %arg12[%swap3A_478] {strides = array<i32>} : memref<640xi32, #tpu.memory_space<vmem>>, vector<16xi32>,
          tpu.vector_store %arg12[%swap3A_478], %add3A_477 {strides = array<i32>} : memref<640xi32, #tpu.memory_space<vmem>>, vector<16xi32>,
          %mul3A_480 = arith.constant 128 : i32
          %mul3A_481 = arith.muli %while3A_139, %mul3A_480 : i32
          %add3A_482 = arith.constant 96 : i32
          %add3A_483 = arith.addi %mul3A_481, %add3A_482 : i32
          %multiple_of3A_484 = tpu.assume_multiple %add3A_483, 16 : i32
          %mul3A_485 = arith.constant 128 : i32
          %mul3A_486 = arith.muli %while3A_139, %mul3A_485 : i32
          %add3A_487 = arith.constant 96 : i32
          %add3A_488 = arith.addi %mul3A_486, %add3A_487 : i32
          %add3A_489 = vector.broadcast %add3A_488 : i32 to vector<16xi32>
          %add3A_490 = arith.addi %add3A_489, %iota3A : vector<16xi32>
          %lt3A_491 = vector.broadcast %scan3A_98 : i32 to vector<16xi32>
          %lt3A_492 = arith.cmpi slt, %add3A_490, %lt3A_491 : vector<16xi32>
          %get3A_493 = arith.index_cast %multiple_of3A_484 : i32 to index
          %get3A_494 = tpu.vector_load %arg7[%get3A_493] {strides = array<i32>} : memref<8192xi32, #tpu.memory_space<vmem>>, vector<16xi32>,
          %jit3A_495 = arith.constant 0 : i32
          %broadcast_in_dim3A_496 = vector.broadcast %jit3A_495 : i32 to vector<16xi32>
          %select_n3A_497 = arith.select %lt3A_492, %get3A_494, %broadcast_in_dim3A_496 : vector<16xi1>, vector<16xi32>
          %swap3A_498 = arith.constant 96 : index
          %swap3A_499 = tpu.vector_load %arg11[%swap3A_498] {strides = array<i32>} : memref<128xi32, #tpu.memory_space<vmem>>, vector<16xi32>,
          tpu.vector_store %arg11[%swap3A_498], %select_n3A_497 {strides = array<i32>} : memref<128xi32, #tpu.memory_space<vmem>>, vector<16xi32>,
          %get3A_500 = arith.index_cast %multiple_of3A_484 : i32 to index
          %get3A_501 = tpu.vector_load %arg8[%get3A_500] {strides = array<i32>} : memref<8192xi32, #tpu.memory_space<vmem>>, vector<16xi32>,
          %jit3A_502 = arith.constant 0 : i32
          %broadcast_in_dim3A_503 = vector.broadcast %jit3A_502 : i32 to vector<16xi32>
          %select_n3A_504 = arith.select %lt3A_492, %get3A_501, %broadcast_in_dim3A_503 : vector<16xi1>, vector<16xi32>
          %shift_right_arithmetic3A_505 = arith.constant 14 : i32
          %shift_right_arithmetic3A_506 = vector.broadcast %shift_right_arithmetic3A_505 : i32 to vector<16xi32>
          %shift_right_arithmetic3A_507 = arith.shrsi %select_n3A_504, %shift_right_arithmetic3A_506 : vector<16xi32>
          %mul3A_508 = arith.constant 65536 : i32
          %mul3A_509 = vector.broadcast %mul3A_508 : i32 to vector<16xi32>
          %mul3A_510 = arith.muli %shift_right_arithmetic3A_507, %mul3A_509 : vector<16xi32>
          %add3A_511 = arith.addi %select_n3A_504, %mul3A_510 : vector<16xi32>
          %add3A_512 = arith.constant 0 : i32
          %add3A_513 = vector.broadcast %add3A_512 : i32 to vector<16xi32>
          %add3A_514 = arith.addi %add3A_511, %add3A_513 : vector<16xi32>
          %swap3A_515 = arith.constant 96 : index
          %swap3A_516 = tpu.vector_load %arg12[%swap3A_515] {strides = array<i32>} : memref<640xi32, #tpu.memory_space<vmem>>, vector<16xi32>,
          tpu.vector_store %arg12[%swap3A_515], %add3A_514 {strides = array<i32>} : memref<640xi32, #tpu.memory_space<vmem>>, vector<16xi32>,
          %add3A_517 = arith.constant 16384 : i32
          %add3A_518 = vector.broadcast %add3A_517 : i32 to vector<16xi32>
          %add3A_519 = arith.addi %add3A_511, %add3A_518 : vector<16xi32>
          %swap3A_520 = arith.constant 224 : index
          %swap3A_521 = tpu.vector_load %arg12[%swap3A_520] {strides = array<i32>} : memref<640xi32, #tpu.memory_space<vmem>>, vector<16xi32>,
          tpu.vector_store %arg12[%swap3A_520], %add3A_519 {strides = array<i32>} : memref<640xi32, #tpu.memory_space<vmem>>, vector<16xi32>,
          %add3A_522 = arith.constant 32768 : i32
          %add3A_523 = vector.broadcast %add3A_522 : i32 to vector<16xi32>
          %add3A_524 = arith.addi %add3A_511, %add3A_523 : vector<16xi32>
          %swap3A_525 = arith.constant 352 : index
          %swap3A_526 = tpu.vector_load %arg12[%swap3A_525] {strides = array<i32>} : memref<640xi32, #tpu.memory_space<vmem>>, vector<16xi32>,
          tpu.vector_store %arg12[%swap3A_525], %add3A_524 {strides = array<i32>} : memref<640xi32, #tpu.memory_space<vmem>>, vector<16xi32>,
          %add3A_527 = arith.constant 49152 : i32
          %add3A_528 = vector.broadcast %add3A_527 : i32 to vector<16xi32>
          %add3A_529 = arith.addi %add3A_511, %add3A_528 : vector<16xi32>
          %swap3A_530 = arith.constant 480 : index
          %swap3A_531 = tpu.vector_load %arg12[%swap3A_530] {strides = array<i32>} : memref<640xi32, #tpu.memory_space<vmem>>, vector<16xi32>,
          tpu.vector_store %arg12[%swap3A_530], %add3A_529 {strides = array<i32>} : memref<640xi32, #tpu.memory_space<vmem>>, vector<16xi32>,
          %add3A_532 = arith.constant 65536 : i32
          %add3A_533 = vector.broadcast %add3A_532 : i32 to vector<16xi32>
          %add3A_534 = arith.addi %add3A_511, %add3A_533 : vector<16xi32>
          %swap3A_535 = arith.constant 608 : index
          %swap3A_536 = tpu.vector_load %arg12[%swap3A_535] {strides = array<i32>} : memref<640xi32, #tpu.memory_space<vmem>>, vector<16xi32>,
          tpu.vector_store %arg12[%swap3A_535], %add3A_534 {strides = array<i32>} : memref<640xi32, #tpu.memory_space<vmem>>, vector<16xi32>,
          %mul3A_537 = arith.constant 128 : i32
          %mul3A_538 = arith.muli %while3A_139, %mul3A_537 : i32
          %add3A_539 = arith.constant 112 : i32
          %add3A_540 = arith.addi %mul3A_538, %add3A_539 : i32
          %multiple_of3A_541 = tpu.assume_multiple %add3A_540, 16 : i32
          %mul3A_542 = arith.constant 128 : i32
          %mul3A_543 = arith.muli %while3A_139, %mul3A_542 : i32
          %add3A_544 = arith.constant 112 : i32
          %add3A_545 = arith.addi %mul3A_543, %add3A_544 : i32
          %add3A_546 = vector.broadcast %add3A_545 : i32 to vector<16xi32>
          %add3A_547 = arith.addi %add3A_546, %iota3A : vector<16xi32>
          %lt3A_548 = vector.broadcast %scan3A_98 : i32 to vector<16xi32>
          %lt3A_549 = arith.cmpi slt, %add3A_547, %lt3A_548 : vector<16xi32>
          %get3A_550 = arith.index_cast %multiple_of3A_541 : i32 to index
          %get3A_551 = tpu.vector_load %arg7[%get3A_550] {strides = array<i32>} : memref<8192xi32, #tpu.memory_space<vmem>>, vector<16xi32>,
          %jit3A_552 = arith.constant 0 : i32
          %broadcast_in_dim3A_553 = vector.broadcast %jit3A_552 : i32 to vector<16xi32>
          %select_n3A_554 = arith.select %lt3A_549, %get3A_551, %broadcast_in_dim3A_553 : vector<16xi1>, vector<16xi32>
          %swap3A_555 = arith.constant 112 : index
          %swap3A_556 = tpu.vector_load %arg11[%swap3A_555] {strides = array<i32>} : memref<128xi32, #tpu.memory_space<vmem>>, vector<16xi32>,
          tpu.vector_store %arg11[%swap3A_555], %select_n3A_554 {strides = array<i32>} : memref<128xi32, #tpu.memory_space<vmem>>, vector<16xi32>,
          %get3A_557 = arith.index_cast %multiple_of3A_541 : i32 to index
          %get3A_558 = tpu.vector_load %arg8[%get3A_557] {strides = array<i32>} : memref<8192xi32, #tpu.memory_space<vmem>>, vector<16xi32>,
          %jit3A_559 = arith.constant 0 : i32
          %broadcast_in_dim3A_560 = vector.broadcast %jit3A_559 : i32 to vector<16xi32>
          %select_n3A_561 = arith.select %lt3A_549, %get3A_558, %broadcast_in_dim3A_560 : vector<16xi1>, vector<16xi32>
          %shift_right_arithmetic3A_562 = arith.constant 14 : i32
          %shift_right_arithmetic3A_563 = vector.broadcast %shift_right_arithmetic3A_562 : i32 to vector<16xi32>
          %shift_right_arithmetic3A_564 = arith.shrsi %select_n3A_561, %shift_right_arithmetic3A_563 : vector<16xi32>
          %mul3A_565 = arith.constant 65536 : i32
          %mul3A_566 = vector.broadcast %mul3A_565 : i32 to vector<16xi32>
          %mul3A_567 = arith.muli %shift_right_arithmetic3A_564, %mul3A_566 : vector<16xi32>
          %add3A_568 = arith.addi %select_n3A_561, %mul3A_567 : vector<16xi32>
          %add3A_569 = arith.constant 0 : i32
          %add3A_570 = vector.broadcast %add3A_569 : i32 to vector<16xi32>
          %add3A_571 = arith.addi %add3A_568, %add3A_570 : vector<16xi32>
          %swap3A_572 = arith.constant 112 : index
          %swap3A_573 = tpu.vector_load %arg12[%swap3A_572] {strides = array<i32>} : memref<640xi32, #tpu.memory_space<vmem>>, vector<16xi32>,
          tpu.vector_store %arg12[%swap3A_572], %add3A_571 {strides = array<i32>} : memref<640xi32, #tpu.memory_space<vmem>>, vector<16xi32>,
          %add3A_574 = arith.constant 16384 : i32
          %add3A_575 = vector.broadcast %add3A_574 : i32 to vector<16xi32>
          %add3A_576 = arith.addi %add3A_568, %add3A_575 : vector<16xi32>
          %swap3A_577 = arith.constant 240 : index
          %swap3A_578 = tpu.vector_load %arg12[%swap3A_577] {strides = array<i32>} : memref<640xi32, #tpu.memory_space<vmem>>, vector<16xi32>,
          tpu.vector_store %arg12[%swap3A_577], %add3A_576 {strides = array<i32>} : memref<640xi32, #tpu.memory_space<vmem>>, vector<16xi32>,
          %add3A_579 = arith.constant 32768 : i32
          %add3A_580 = vector.broadcast %add3A_579 : i32 to vector<16xi32>
          %add3A_581 = arith.addi %add3A_568, %add3A_580 : vector<16xi32>
          %swap3A_582 = arith.constant 368 : index
          %swap3A_583 = tpu.vector_load %arg12[%swap3A_582] {strides = array<i32>} : memref<640xi32, #tpu.memory_space<vmem>>, vector<16xi32>,
          tpu.vector_store %arg12[%swap3A_582], %add3A_581 {strides = array<i32>} : memref<640xi32, #tpu.memory_space<vmem>>, vector<16xi32>,
          %add3A_584 = arith.constant 49152 : i32
          %add3A_585 = vector.broadcast %add3A_584 : i32 to vector<16xi32>
          %add3A_586 = arith.addi %add3A_568, %add3A_585 : vector<16xi32>
          %swap3A_587 = arith.constant 496 : index
          %swap3A_588 = tpu.vector_load %arg12[%swap3A_587] {strides = array<i32>} : memref<640xi32, #tpu.memory_space<vmem>>, vector<16xi32>,
          tpu.vector_store %arg12[%swap3A_587], %add3A_586 {strides = array<i32>} : memref<640xi32, #tpu.memory_space<vmem>>, vector<16xi32>,
          %add3A_589 = arith.constant 65536 : i32
          %add3A_590 = vector.broadcast %add3A_589 : i32 to vector<16xi32>
          %add3A_591 = arith.addi %add3A_568, %add3A_590 : vector<16xi32>
          %swap3A_592 = arith.constant 624 : index
          %swap3A_593 = tpu.vector_load %arg12[%swap3A_592] {strides = array<i32>} : memref<640xi32, #tpu.memory_space<vmem>>, vector<16xi32>,
          tpu.vector_store %arg12[%swap3A_592], %add3A_591 {strides = array<i32>} : memref<640xi32, #tpu.memory_space<vmem>>, vector<16xi32>,
          %dma_start3A = arith.constant 0 : i32
          %dma_start3A_594 = tpu.memref_slice %arg3[%dma_start3A] : memref<20889600xf32, #tpu.memory_space<hbm>> -> memref<20889600xf32, #tpu.memory_space<hbm>>
          tpu.enqueue_indirect_dma source(%dma_start3A_594 : memref<20889600xf32, #tpu.memory_space<hbm>>) target(%arg14 : memref<640xf32, #tpu.memory_space<vmem>>) offsets(%arg12 : memref<640xi32, #tpu.memory_space<vmem>>) semaphore(%arg15 : memref<!tpu.dma_semaphore, #tpu.memory_space<semaphore_mem>>)
          %dma_start3A_595 = arith.constant 0 : i32
          %dma_start3A_596 = arith.constant 0 : i32
          %dma_start3A_597 = tpu.memref_slice %arg2[%dma_start3A_595, %dma_start3A_596] : memref<100352x16xi32, #tpu.memory_space<hbm>> -> memref<100352x16xi32, #tpu.memory_space<hbm>>
          tpu.enqueue_indirect_dma source(%dma_start3A_597 : memref<100352x16xi32, #tpu.memory_space<hbm>>) target(%arg13 : memref<128x16xi32, #tpu.memory_space<vmem>>) offsets(%arg11 : memref<128xi32, #tpu.memory_space<vmem>>) semaphore(%arg15 : memref<!tpu.dma_semaphore, #tpu.memory_space<semaphore_mem>>)
          %dma_wait3A = arith.constant 0 : i32
          %dma_wait3A_598 = tpu.memref_slice %arg3[%dma_wait3A] : memref<20889600xf32, #tpu.memory_space<hbm>> -> memref<20889600xf32, #tpu.memory_space<hbm>>
          tpu.wait_indirect_dma semaphore(%arg15 : memref<!tpu.dma_semaphore, #tpu.memory_space<semaphore_mem>>) src(%dma_wait3A_598 : memref<20889600xf32, #tpu.memory_space<hbm>>) dst(%arg14 : memref<640xf32, #tpu.memory_space<vmem>>)
          %dma_wait3A_599 = arith.constant 0 : i32
          %dma_wait3A_600 = arith.constant 0 : i32
          %dma_wait3A_601 = tpu.memref_slice %arg2[%dma_wait3A_599, %dma_wait3A_600] : memref<100352x16xi32, #tpu.memory_space<hbm>> -> memref<100352x16xi32, #tpu.memory_space<hbm>>
          tpu.wait_indirect_dma semaphore(%arg15 : memref<!tpu.dma_semaphore, #tpu.memory_space<semaphore_mem>>) src(%dma_wait3A_601 : memref<100352x16xi32, #tpu.memory_space<hbm>>) dst(%arg13 : memref<128x16xi32, #tpu.memory_space<vmem>>)
          %add3A_602 = arith.constant 0 : i32
          %add3A_603 = vector.broadcast %add3A_602 : i32 to vector<16xi32>
          %add3A_604 = arith.addi %add3A_603, %iota3A : vector<16xi32>
          %mul3A_605 = arith.constant 128 : i32
          %mul3A_606 = arith.muli %while3A_139, %mul3A_605 : i32
          %add3A_607 = arith.constant 0 : i32
          %add3A_608 = arith.addi %mul3A_606, %add3A_607 : i32
          %add3A_609 = vector.broadcast %add3A_608 : i32 to vector<16xi32>
          %add3A_610 = arith.addi %add3A_609, %iota3A : vector<16xi32>
          %lt3A_611 = vector.broadcast %scan3A_98 : i32 to vector<16xi32>
          %lt3A_612 = arith.cmpi slt, %add3A_610, %lt3A_611 : vector<16xi32>
          %jit3A_613 = arith.constant 1.000000e+00 : f32
          %jit3A_614 = arith.constant 0.000000e+00 : f32
          %broadcast_in_dim3A_615 = vector.broadcast %jit3A_613 : f32 to vector<16xf32>
          %broadcast_in_dim3A_616 = vector.broadcast %jit3A_614 : f32 to vector<16xf32>
          %select_n3A_617 = arith.select %lt3A_612, %broadcast_in_dim3A_615, %broadcast_in_dim3A_616 : vector<16xi1>, vector<16xf32>
          %get3A_618 = arith.constant 512 : index
          %get3A_619 = tpu.vector_load %arg14[%get3A_618] {strides = array<i32>} : memref<640xf32, #tpu.memory_space<vmem>>, vector<16xf32>,
          %get3A_620 = arith.constant 0 : index
          %get3A_621 = tpu.vector_load %arg14[%get3A_620] {strides = array<i32>} : memref<640xf32, #tpu.memory_space<vmem>>, vector<16xf32>,
          %mul3A_622 = arith.constant 0 : i32
          %mul3A_623 = vector.broadcast %mul3A_622 : i32 to vector<16xi32>
          %mul3A_624 = arith.muli %iota3A, %mul3A_623 : vector<16xi32>
          %add3A_625 = arith.constant 4 : i32
          %add3A_626 = vector.broadcast %add3A_625 : i32 to vector<16xi32>
          %add3A_627 = arith.addi %mul3A_624, %add3A_626 : vector<16xi32>
          %add3A_628 = arith.constant 0 : i32
          %add3A_629 = vector.broadcast %add3A_628 : i32 to vector<16xi32>
          %add3A_630 = arith.addi %add3A_627, %add3A_629 : vector<16xi32>
          %gather3A = tpu.vector_load_idx %arg13[%add3A_604, %add3A_630] : memref<128x16xi32, #tpu.memory_space<vmem>>[vector<16xi32>, vector<16xi32>], vector<16xi32>,
          %convert_element_type3A = arith.sitofp %gather3A : vector<16xi32> to vector<16xf32>
          %sub3A_631 = arith.subf %get3A_621, %convert_element_type3A : vector<16xf32>
          %get3A_632 = arith.constant 128 : index
          %get3A_633 = tpu.vector_load %arg14[%get3A_632] {strides = array<i32>} : memref<640xf32, #tpu.memory_space<vmem>>, vector<16xf32>,
          %mul3A_634 = arith.constant 0 : i32
          %mul3A_635 = vector.broadcast %mul3A_634 : i32 to vector<16xi32>
          %mul3A_636 = arith.muli %iota3A, %mul3A_635 : vector<16xi32>
          %add3A_637 = arith.constant 4 : i32
          %add3A_638 = vector.broadcast %add3A_637 : i32 to vector<16xi32>
          %add3A_639 = arith.addi %mul3A_636, %add3A_638 : vector<16xi32>
          %add3A_640 = arith.constant 1 : i32
          %add3A_641 = vector.broadcast %add3A_640 : i32 to vector<16xi32>
          %add3A_642 = arith.addi %add3A_639, %add3A_641 : vector<16xi32>
          %gather3A_643 = tpu.vector_load_idx %arg13[%add3A_604, %add3A_642] : memref<128x16xi32, #tpu.memory_space<vmem>>[vector<16xi32>, vector<16xi32>], vector<16xi32>,
          %convert_element_type3A_644 = arith.sitofp %gather3A_643 : vector<16xi32> to vector<16xf32>
          %sub3A_645 = arith.subf %get3A_633, %convert_element_type3A_644 : vector<16xf32>
          %get3A_646 = arith.constant 256 : index
          %get3A_647 = tpu.vector_load %arg14[%get3A_646] {strides = array<i32>} : memref<640xf32, #tpu.memory_space<vmem>>, vector<16xf32>,
          %mul3A_648 = arith.constant 0 : i32
          %mul3A_649 = vector.broadcast %mul3A_648 : i32 to vector<16xi32>
          %mul3A_650 = arith.muli %iota3A, %mul3A_649 : vector<16xi32>
          %add3A_651 = arith.constant 4 : i32
          %add3A_652 = vector.broadcast %add3A_651 : i32 to vector<16xi32>
          %add3A_653 = arith.addi %mul3A_650, %add3A_652 : vector<16xi32>
          %add3A_654 = arith.constant 2 : i32
          %add3A_655 = vector.broadcast %add3A_654 : i32 to vector<16xi32>
          %add3A_656 = arith.addi %add3A_653, %add3A_655 : vector<16xi32>
          %gather3A_657 = tpu.vector_load_idx %arg13[%add3A_604, %add3A_656] : memref<128x16xi32, #tpu.memory_space<vmem>>[vector<16xi32>, vector<16xi32>], vector<16xi32>,
          %convert_element_type3A_658 = arith.sitofp %gather3A_657 : vector<16xi32> to vector<16xf32>
          %sub3A_659 = arith.subf %get3A_647, %convert_element_type3A_658 : vector<16xf32>
          %get3A_660 = arith.constant 384 : index
          %get3A_661 = tpu.vector_load %arg14[%get3A_660] {strides = array<i32>} : memref<640xf32, #tpu.memory_space<vmem>>, vector<16xf32>,
          %mul3A_662 = arith.constant 0 : i32
          %mul3A_663 = vector.broadcast %mul3A_662 : i32 to vector<16xi32>
          %mul3A_664 = arith.muli %iota3A, %mul3A_663 : vector<16xi32>
          %add3A_665 = arith.constant 4 : i32
          %add3A_666 = vector.broadcast %add3A_665 : i32 to vector<16xi32>
          %add3A_667 = arith.addi %mul3A_664, %add3A_666 : vector<16xi32>
          %add3A_668 = arith.constant 3 : i32
          %add3A_669 = vector.broadcast %add3A_668 : i32 to vector<16xi32>
          %add3A_670 = arith.addi %add3A_667, %add3A_669 : vector<16xi32>
          %gather3A_671 = tpu.vector_load_idx %arg13[%add3A_604, %add3A_670] : memref<128x16xi32, #tpu.memory_space<vmem>>[vector<16xi32>, vector<16xi32>], vector<16xi32>,
          %convert_element_type3A_672 = arith.sitofp %gather3A_671 : vector<16xi32> to vector<16xf32>
          %sub3A_673 = arith.subf %get3A_661, %convert_element_type3A_672 : vector<16xf32>
          %get3A_674 = arith.constant 0 : index
          %get3A_675 = tpu.vector_load %arg9[%get3A_674] {strides = array<i32>} : memref<64xf32, #tpu.memory_space<vmem>>, vector<16xf32>,
          %mul3A_676 = arith.mulf %select_n3A_617, %get3A_619 : vector<16xf32>
          %mul3A_677 = arith.mulf %mul3A_676, %get3A_619 : vector<16xf32>
          %add3A_678 = arith.addf %get3A_675, %mul3A_677 : vector<16xf32>
          %swap3A_679 = arith.constant 0 : index
          %swap3A_680 = tpu.vector_load %arg9[%swap3A_679] {strides = array<i32>} : memref<64xf32, #tpu.memory_space<vmem>>, vector<16xf32>,
          tpu.vector_store %arg9[%swap3A_679], %add3A_678 {strides = array<i32>} : memref<64xf32, #tpu.memory_space<vmem>>, vector<16xf32>,
          %get3A_681 = arith.constant 16 : index
          %get3A_682 = tpu.vector_load %arg9[%get3A_681] {strides = array<i32>} : memref<64xf32, #tpu.memory_space<vmem>>, vector<16xf32>,
          %mul3A_683 = arith.mulf %sub3A_631, %sub3A_631 : vector<16xf32>
          %mul3A_684 = arith.mulf %sub3A_645, %sub3A_645 : vector<16xf32>
          %add3A_685 = arith.addf %mul3A_683, %mul3A_684 : vector<16xf32>
          %mul3A_686 = arith.mulf %select_n3A_617, %add3A_685 : vector<16xf32>
          %add3A_687 = arith.addf %get3A_682, %mul3A_686 : vector<16xf32>
          %swap3A_688 = arith.constant 16 : index
          %swap3A_689 = tpu.vector_load %arg9[%swap3A_688] {strides = array<i32>} : memref<64xf32, #tpu.memory_space<vmem>>, vector<16xf32>,
          tpu.vector_store %arg9[%swap3A_688], %add3A_687 {strides = array<i32>} : memref<64xf32, #tpu.memory_space<vmem>>, vector<16xf32>,
          %get3A_690 = arith.constant 32 : index
          %get3A_691 = tpu.vector_load %arg9[%get3A_690] {strides = array<i32>} : memref<64xf32, #tpu.memory_space<vmem>>, vector<16xf32>,
          %mul3A_692 = arith.mulf %sub3A_659, %sub3A_659 : vector<16xf32>
          %mul3A_693 = arith.mulf %sub3A_673, %sub3A_673 : vector<16xf32>
          %add3A_694 = arith.addf %mul3A_692, %mul3A_693 : vector<16xf32>
          %mul3A_695 = arith.mulf %select_n3A_617, %add3A_694 : vector<16xf32>
          %add3A_696 = arith.addf %get3A_691, %mul3A_695 : vector<16xf32>
          %swap3A_697 = arith.constant 32 : index
          %swap3A_698 = tpu.vector_load %arg9[%swap3A_697] {strides = array<i32>} : memref<64xf32, #tpu.memory_space<vmem>>, vector<16xf32>,
          tpu.vector_store %arg9[%swap3A_697], %add3A_696 {strides = array<i32>} : memref<64xf32, #tpu.memory_space<vmem>>, vector<16xf32>,
          %get3A_699 = arith.constant 48 : index
          %get3A_700 = tpu.vector_load %arg9[%get3A_699] {strides = array<i32>} : memref<64xf32, #tpu.memory_space<vmem>>, vector<16xf32>,
          %add3A_701 = arith.addf %get3A_700, %select_n3A_617 : vector<16xf32>
          %swap3A_702 = arith.constant 48 : index
          %swap3A_703 = tpu.vector_load %arg9[%swap3A_702] {strides = array<i32>} : memref<64xf32, #tpu.memory_space<vmem>>, vector<16xf32>,
          tpu.vector_store %arg9[%swap3A_702], %add3A_701 {strides = array<i32>} : memref<64xf32, #tpu.memory_space<vmem>>, vector<16xf32>,
          %add3A_704 = arith.constant 16 : i32
          %add3A_705 = vector.broadcast %add3A_704 : i32 to vector<16xi32>
          %add3A_706 = arith.addi %add3A_705, %iota3A : vector<16xi32>
          %mul3A_707 = arith.constant 128 : i32
          %mul3A_708 = arith.muli %while3A_139, %mul3A_707 : i32
          %add3A_709 = arith.constant 16 : i32
          %add3A_710 = arith.addi %mul3A_708, %add3A_709 : i32
          %add3A_711 = vector.broadcast %add3A_710 : i32 to vector<16xi32>
          %add3A_712 = arith.addi %add3A_711, %iota3A : vector<16xi32>
          %lt3A_713 = vector.broadcast %scan3A_98 : i32 to vector<16xi32>
          %lt3A_714 = arith.cmpi slt, %add3A_712, %lt3A_713 : vector<16xi32>
          %jit3A_715 = arith.constant 1.000000e+00 : f32
          %jit3A_716 = arith.constant 0.000000e+00 : f32
          %broadcast_in_dim3A_717 = vector.broadcast %jit3A_715 : f32 to vector<16xf32>
          %broadcast_in_dim3A_718 = vector.broadcast %jit3A_716 : f32 to vector<16xf32>
          %select_n3A_719 = arith.select %lt3A_714, %broadcast_in_dim3A_717, %broadcast_in_dim3A_718 : vector<16xi1>, vector<16xf32>
          %get3A_720 = arith.constant 528 : index
          %get3A_721 = tpu.vector_load %arg14[%get3A_720] {strides = array<i32>} : memref<640xf32, #tpu.memory_space<vmem>>, vector<16xf32>,
          %get3A_722 = arith.constant 16 : index
          %get3A_723 = tpu.vector_load %arg14[%get3A_722] {strides = array<i32>} : memref<640xf32, #tpu.memory_space<vmem>>, vector<16xf32>,
          %mul3A_724 = arith.constant 0 : i32
          %mul3A_725 = vector.broadcast %mul3A_724 : i32 to vector<16xi32>
          %mul3A_726 = arith.muli %iota3A, %mul3A_725 : vector<16xi32>
          %add3A_727 = arith.constant 4 : i32
          %add3A_728 = vector.broadcast %add3A_727 : i32 to vector<16xi32>
          %add3A_729 = arith.addi %mul3A_726, %add3A_728 : vector<16xi32>
          %add3A_730 = arith.constant 0 : i32
          %add3A_731 = vector.broadcast %add3A_730 : i32 to vector<16xi32>
          %add3A_732 = arith.addi %add3A_729, %add3A_731 : vector<16xi32>
          %gather3A_733 = tpu.vector_load_idx %arg13[%add3A_706, %add3A_732] : memref<128x16xi32, #tpu.memory_space<vmem>>[vector<16xi32>, vector<16xi32>], vector<16xi32>,
          %convert_element_type3A_734 = arith.sitofp %gather3A_733 : vector<16xi32> to vector<16xf32>
          %sub3A_735 = arith.subf %get3A_723, %convert_element_type3A_734 : vector<16xf32>
          %get3A_736 = arith.constant 144 : index
          %get3A_737 = tpu.vector_load %arg14[%get3A_736] {strides = array<i32>} : memref<640xf32, #tpu.memory_space<vmem>>, vector<16xf32>,
          %mul3A_738 = arith.constant 0 : i32
          %mul3A_739 = vector.broadcast %mul3A_738 : i32 to vector<16xi32>
          %mul3A_740 = arith.muli %iota3A, %mul3A_739 : vector<16xi32>
          %add3A_741 = arith.constant 4 : i32
          %add3A_742 = vector.broadcast %add3A_741 : i32 to vector<16xi32>
          %add3A_743 = arith.addi %mul3A_740, %add3A_742 : vector<16xi32>
          %add3A_744 = arith.constant 1 : i32
          %add3A_745 = vector.broadcast %add3A_744 : i32 to vector<16xi32>
          %add3A_746 = arith.addi %add3A_743, %add3A_745 : vector<16xi32>
          %gather3A_747 = tpu.vector_load_idx %arg13[%add3A_706, %add3A_746] : memref<128x16xi32, #tpu.memory_space<vmem>>[vector<16xi32>, vector<16xi32>], vector<16xi32>,
          %convert_element_type3A_748 = arith.sitofp %gather3A_747 : vector<16xi32> to vector<16xf32>
          %sub3A_749 = arith.subf %get3A_737, %convert_element_type3A_748 : vector<16xf32>
          %get3A_750 = arith.constant 272 : index
          %get3A_751 = tpu.vector_load %arg14[%get3A_750] {strides = array<i32>} : memref<640xf32, #tpu.memory_space<vmem>>, vector<16xf32>,
          %mul3A_752 = arith.constant 0 : i32
          %mul3A_753 = vector.broadcast %mul3A_752 : i32 to vector<16xi32>
          %mul3A_754 = arith.muli %iota3A, %mul3A_753 : vector<16xi32>
          %add3A_755 = arith.constant 4 : i32
          %add3A_756 = vector.broadcast %add3A_755 : i32 to vector<16xi32>
          %add3A_757 = arith.addi %mul3A_754, %add3A_756 : vector<16xi32>
          %add3A_758 = arith.constant 2 : i32
          %add3A_759 = vector.broadcast %add3A_758 : i32 to vector<16xi32>
          %add3A_760 = arith.addi %add3A_757, %add3A_759 : vector<16xi32>
          %gather3A_761 = tpu.vector_load_idx %arg13[%add3A_706, %add3A_760] : memref<128x16xi32, #tpu.memory_space<vmem>>[vector<16xi32>, vector<16xi32>], vector<16xi32>,
          %convert_element_type3A_762 = arith.sitofp %gather3A_761 : vector<16xi32> to vector<16xf32>
          %sub3A_763 = arith.subf %get3A_751, %convert_element_type3A_762 : vector<16xf32>
          %get3A_764 = arith.constant 400 : index
          %get3A_765 = tpu.vector_load %arg14[%get3A_764] {strides = array<i32>} : memref<640xf32, #tpu.memory_space<vmem>>, vector<16xf32>,
          %mul3A_766 = arith.constant 0 : i32
          %mul3A_767 = vector.broadcast %mul3A_766 : i32 to vector<16xi32>
          %mul3A_768 = arith.muli %iota3A, %mul3A_767 : vector<16xi32>
          %add3A_769 = arith.constant 4 : i32
          %add3A_770 = vector.broadcast %add3A_769 : i32 to vector<16xi32>
          %add3A_771 = arith.addi %mul3A_768, %add3A_770 : vector<16xi32>
          %add3A_772 = arith.constant 3 : i32
          %add3A_773 = vector.broadcast %add3A_772 : i32 to vector<16xi32>
          %add3A_774 = arith.addi %add3A_771, %add3A_773 : vector<16xi32>
          %gather3A_775 = tpu.vector_load_idx %arg13[%add3A_706, %add3A_774] : memref<128x16xi32, #tpu.memory_space<vmem>>[vector<16xi32>, vector<16xi32>], vector<16xi32>,
          %convert_element_type3A_776 = arith.sitofp %gather3A_775 : vector<16xi32> to vector<16xf32>
          %sub3A_777 = arith.subf %get3A_765, %convert_element_type3A_776 : vector<16xf32>
          %get3A_778 = arith.constant 0 : index
          %get3A_779 = tpu.vector_load %arg9[%get3A_778] {strides = array<i32>} : memref<64xf32, #tpu.memory_space<vmem>>, vector<16xf32>,
          %mul3A_780 = arith.mulf %select_n3A_719, %get3A_721 : vector<16xf32>
          %mul3A_781 = arith.mulf %mul3A_780, %get3A_721 : vector<16xf32>
          %add3A_782 = arith.addf %get3A_779, %mul3A_781 : vector<16xf32>
          %swap3A_783 = arith.constant 0 : index
          %swap3A_784 = tpu.vector_load %arg9[%swap3A_783] {strides = array<i32>} : memref<64xf32, #tpu.memory_space<vmem>>, vector<16xf32>,
          tpu.vector_store %arg9[%swap3A_783], %add3A_782 {strides = array<i32>} : memref<64xf32, #tpu.memory_space<vmem>>, vector<16xf32>,
          %get3A_785 = arith.constant 16 : index
          %get3A_786 = tpu.vector_load %arg9[%get3A_785] {strides = array<i32>} : memref<64xf32, #tpu.memory_space<vmem>>, vector<16xf32>,
          %mul3A_787 = arith.mulf %sub3A_735, %sub3A_735 : vector<16xf32>
          %mul3A_788 = arith.mulf %sub3A_749, %sub3A_749 : vector<16xf32>
          %add3A_789 = arith.addf %mul3A_787, %mul3A_788 : vector<16xf32>
          %mul3A_790 = arith.mulf %select_n3A_719, %add3A_789 : vector<16xf32>
          %add3A_791 = arith.addf %get3A_786, %mul3A_790 : vector<16xf32>
          %swap3A_792 = arith.constant 16 : index
          %swap3A_793 = tpu.vector_load %arg9[%swap3A_792] {strides = array<i32>} : memref<64xf32, #tpu.memory_space<vmem>>, vector<16xf32>,
          tpu.vector_store %arg9[%swap3A_792], %add3A_791 {strides = array<i32>} : memref<64xf32, #tpu.memory_space<vmem>>, vector<16xf32>,
          %get3A_794 = arith.constant 32 : index
          %get3A_795 = tpu.vector_load %arg9[%get3A_794] {strides = array<i32>} : memref<64xf32, #tpu.memory_space<vmem>>, vector<16xf32>,
          %mul3A_796 = arith.mulf %sub3A_763, %sub3A_763 : vector<16xf32>
          %mul3A_797 = arith.mulf %sub3A_777, %sub3A_777 : vector<16xf32>
          %add3A_798 = arith.addf %mul3A_796, %mul3A_797 : vector<16xf32>
          %mul3A_799 = arith.mulf %select_n3A_719, %add3A_798 : vector<16xf32>
          %add3A_800 = arith.addf %get3A_795, %mul3A_799 : vector<16xf32>
          %swap3A_801 = arith.constant 32 : index
          %swap3A_802 = tpu.vector_load %arg9[%swap3A_801] {strides = array<i32>} : memref<64xf32, #tpu.memory_space<vmem>>, vector<16xf32>,
          tpu.vector_store %arg9[%swap3A_801], %add3A_800 {strides = array<i32>} : memref<64xf32, #tpu.memory_space<vmem>>, vector<16xf32>,
          %get3A_803 = arith.constant 48 : index
          %get3A_804 = tpu.vector_load %arg9[%get3A_803] {strides = array<i32>} : memref<64xf32, #tpu.memory_space<vmem>>, vector<16xf32>,
          %add3A_805 = arith.addf %get3A_804, %select_n3A_719 : vector<16xf32>
          %swap3A_806 = arith.constant 48 : index
          %swap3A_807 = tpu.vector_load %arg9[%swap3A_806] {strides = array<i32>} : memref<64xf32, #tpu.memory_space<vmem>>, vector<16xf32>,
          tpu.vector_store %arg9[%swap3A_806], %add3A_805 {strides = array<i32>} : memref<64xf32, #tpu.memory_space<vmem>>, vector<16xf32>,
          %add3A_808 = arith.constant 32 : i32
          %add3A_809 = vector.broadcast %add3A_808 : i32 to vector<16xi32>
          %add3A_810 = arith.addi %add3A_809, %iota3A : vector<16xi32>
          %mul3A_811 = arith.constant 128 : i32
          %mul3A_812 = arith.muli %while3A_139, %mul3A_811 : i32
          %add3A_813 = arith.constant 32 : i32
          %add3A_814 = arith.addi %mul3A_812, %add3A_813 : i32
          %add3A_815 = vector.broadcast %add3A_814 : i32 to vector<16xi32>
          %add3A_816 = arith.addi %add3A_815, %iota3A : vector<16xi32>
          %lt3A_817 = vector.broadcast %scan3A_98 : i32 to vector<16xi32>
          %lt3A_818 = arith.cmpi slt, %add3A_816, %lt3A_817 : vector<16xi32>
          %jit3A_819 = arith.constant 1.000000e+00 : f32
          %jit3A_820 = arith.constant 0.000000e+00 : f32
          %broadcast_in_dim3A_821 = vector.broadcast %jit3A_819 : f32 to vector<16xf32>
          %broadcast_in_dim3A_822 = vector.broadcast %jit3A_820 : f32 to vector<16xf32>
          %select_n3A_823 = arith.select %lt3A_818, %broadcast_in_dim3A_821, %broadcast_in_dim3A_822 : vector<16xi1>, vector<16xf32>
          %get3A_824 = arith.constant 544 : index
          %get3A_825 = tpu.vector_load %arg14[%get3A_824] {strides = array<i32>} : memref<640xf32, #tpu.memory_space<vmem>>, vector<16xf32>,
          %get3A_826 = arith.constant 32 : index
          %get3A_827 = tpu.vector_load %arg14[%get3A_826] {strides = array<i32>} : memref<640xf32, #tpu.memory_space<vmem>>, vector<16xf32>,
          %mul3A_828 = arith.constant 0 : i32
          %mul3A_829 = vector.broadcast %mul3A_828 : i32 to vector<16xi32>
          %mul3A_830 = arith.muli %iota3A, %mul3A_829 : vector<16xi32>
          %add3A_831 = arith.constant 4 : i32
          %add3A_832 = vector.broadcast %add3A_831 : i32 to vector<16xi32>
          %add3A_833 = arith.addi %mul3A_830, %add3A_832 : vector<16xi32>
          %add3A_834 = arith.constant 0 : i32
          %add3A_835 = vector.broadcast %add3A_834 : i32 to vector<16xi32>
          %add3A_836 = arith.addi %add3A_833, %add3A_835 : vector<16xi32>
          %gather3A_837 = tpu.vector_load_idx %arg13[%add3A_810, %add3A_836] : memref<128x16xi32, #tpu.memory_space<vmem>>[vector<16xi32>, vector<16xi32>], vector<16xi32>,
          %convert_element_type3A_838 = arith.sitofp %gather3A_837 : vector<16xi32> to vector<16xf32>
          %sub3A_839 = arith.subf %get3A_827, %convert_element_type3A_838 : vector<16xf32>
          %get3A_840 = arith.constant 160 : index
          %get3A_841 = tpu.vector_load %arg14[%get3A_840] {strides = array<i32>} : memref<640xf32, #tpu.memory_space<vmem>>, vector<16xf32>,
          %mul3A_842 = arith.constant 0 : i32
          %mul3A_843 = vector.broadcast %mul3A_842 : i32 to vector<16xi32>
          %mul3A_844 = arith.muli %iota3A, %mul3A_843 : vector<16xi32>
          %add3A_845 = arith.constant 4 : i32
          %add3A_846 = vector.broadcast %add3A_845 : i32 to vector<16xi32>
          %add3A_847 = arith.addi %mul3A_844, %add3A_846 : vector<16xi32>
          %add3A_848 = arith.constant 1 : i32
          %add3A_849 = vector.broadcast %add3A_848 : i32 to vector<16xi32>
          %add3A_850 = arith.addi %add3A_847, %add3A_849 : vector<16xi32>
          %gather3A_851 = tpu.vector_load_idx %arg13[%add3A_810, %add3A_850] : memref<128x16xi32, #tpu.memory_space<vmem>>[vector<16xi32>, vector<16xi32>], vector<16xi32>,
          %convert_element_type3A_852 = arith.sitofp %gather3A_851 : vector<16xi32> to vector<16xf32>
          %sub3A_853 = arith.subf %get3A_841, %convert_element_type3A_852 : vector<16xf32>
          %get3A_854 = arith.constant 288 : index
          %get3A_855 = tpu.vector_load %arg14[%get3A_854] {strides = array<i32>} : memref<640xf32, #tpu.memory_space<vmem>>, vector<16xf32>,
          %mul3A_856 = arith.constant 0 : i32
          %mul3A_857 = vector.broadcast %mul3A_856 : i32 to vector<16xi32>
          %mul3A_858 = arith.muli %iota3A, %mul3A_857 : vector<16xi32>
          %add3A_859 = arith.constant 4 : i32
          %add3A_860 = vector.broadcast %add3A_859 : i32 to vector<16xi32>
          %add3A_861 = arith.addi %mul3A_858, %add3A_860 : vector<16xi32>
          %add3A_862 = arith.constant 2 : i32
          %add3A_863 = vector.broadcast %add3A_862 : i32 to vector<16xi32>
          %add3A_864 = arith.addi %add3A_861, %add3A_863 : vector<16xi32>
          %gather3A_865 = tpu.vector_load_idx %arg13[%add3A_810, %add3A_864] : memref<128x16xi32, #tpu.memory_space<vmem>>[vector<16xi32>, vector<16xi32>], vector<16xi32>,
          %convert_element_type3A_866 = arith.sitofp %gather3A_865 : vector<16xi32> to vector<16xf32>
          %sub3A_867 = arith.subf %get3A_855, %convert_element_type3A_866 : vector<16xf32>
          %get3A_868 = arith.constant 416 : index
          %get3A_869 = tpu.vector_load %arg14[%get3A_868] {strides = array<i32>} : memref<640xf32, #tpu.memory_space<vmem>>, vector<16xf32>,
          %mul3A_870 = arith.constant 0 : i32
          %mul3A_871 = vector.broadcast %mul3A_870 : i32 to vector<16xi32>
          %mul3A_872 = arith.muli %iota3A, %mul3A_871 : vector<16xi32>
          %add3A_873 = arith.constant 4 : i32
          %add3A_874 = vector.broadcast %add3A_873 : i32 to vector<16xi32>
          %add3A_875 = arith.addi %mul3A_872, %add3A_874 : vector<16xi32>
          %add3A_876 = arith.constant 3 : i32
          %add3A_877 = vector.broadcast %add3A_876 : i32 to vector<16xi32>
          %add3A_878 = arith.addi %add3A_875, %add3A_877 : vector<16xi32>
          %gather3A_879 = tpu.vector_load_idx %arg13[%add3A_810, %add3A_878] : memref<128x16xi32, #tpu.memory_space<vmem>>[vector<16xi32>, vector<16xi32>], vector<16xi32>,
          %convert_element_type3A_880 = arith.sitofp %gather3A_879 : vector<16xi32> to vector<16xf32>
          %sub3A_881 = arith.subf %get3A_869, %convert_element_type3A_880 : vector<16xf32>
          %get3A_882 = arith.constant 0 : index
          %get3A_883 = tpu.vector_load %arg9[%get3A_882] {strides = array<i32>} : memref<64xf32, #tpu.memory_space<vmem>>, vector<16xf32>,
          %mul3A_884 = arith.mulf %select_n3A_823, %get3A_825 : vector<16xf32>
          %mul3A_885 = arith.mulf %mul3A_884, %get3A_825 : vector<16xf32>
          %add3A_886 = arith.addf %get3A_883, %mul3A_885 : vector<16xf32>
          %swap3A_887 = arith.constant 0 : index
          %swap3A_888 = tpu.vector_load %arg9[%swap3A_887] {strides = array<i32>} : memref<64xf32, #tpu.memory_space<vmem>>, vector<16xf32>,
          tpu.vector_store %arg9[%swap3A_887], %add3A_886 {strides = array<i32>} : memref<64xf32, #tpu.memory_space<vmem>>, vector<16xf32>,
          %get3A_889 = arith.constant 16 : index
          %get3A_890 = tpu.vector_load %arg9[%get3A_889] {strides = array<i32>} : memref<64xf32, #tpu.memory_space<vmem>>, vector<16xf32>,
          %mul3A_891 = arith.mulf %sub3A_839, %sub3A_839 : vector<16xf32>
          %mul3A_892 = arith.mulf %sub3A_853, %sub3A_853 : vector<16xf32>
          %add3A_893 = arith.addf %mul3A_891, %mul3A_892 : vector<16xf32>
          %mul3A_894 = arith.mulf %select_n3A_823, %add3A_893 : vector<16xf32>
          %add3A_895 = arith.addf %get3A_890, %mul3A_894 : vector<16xf32>
          %swap3A_896 = arith.constant 16 : index
          %swap3A_897 = tpu.vector_load %arg9[%swap3A_896] {strides = array<i32>} : memref<64xf32, #tpu.memory_space<vmem>>, vector<16xf32>,
          tpu.vector_store %arg9[%swap3A_896], %add3A_895 {strides = array<i32>} : memref<64xf32, #tpu.memory_space<vmem>>, vector<16xf32>,
          %get3A_898 = arith.constant 32 : index
          %get3A_899 = tpu.vector_load %arg9[%get3A_898] {strides = array<i32>} : memref<64xf32, #tpu.memory_space<vmem>>, vector<16xf32>,
          %mul3A_900 = arith.mulf %sub3A_867, %sub3A_867 : vector<16xf32>
          %mul3A_901 = arith.mulf %sub3A_881, %sub3A_881 : vector<16xf32>
          %add3A_902 = arith.addf %mul3A_900, %mul3A_901 : vector<16xf32>
          %mul3A_903 = arith.mulf %select_n3A_823, %add3A_902 : vector<16xf32>
          %add3A_904 = arith.addf %get3A_899, %mul3A_903 : vector<16xf32>
          %swap3A_905 = arith.constant 32 : index
          %swap3A_906 = tpu.vector_load %arg9[%swap3A_905] {strides = array<i32>} : memref<64xf32, #tpu.memory_space<vmem>>, vector<16xf32>,
          tpu.vector_store %arg9[%swap3A_905], %add3A_904 {strides = array<i32>} : memref<64xf32, #tpu.memory_space<vmem>>, vector<16xf32>,
          %get3A_907 = arith.constant 48 : index
          %get3A_908 = tpu.vector_load %arg9[%get3A_907] {strides = array<i32>} : memref<64xf32, #tpu.memory_space<vmem>>, vector<16xf32>,
          %add3A_909 = arith.addf %get3A_908, %select_n3A_823 : vector<16xf32>
          %swap3A_910 = arith.constant 48 : index
          %swap3A_911 = tpu.vector_load %arg9[%swap3A_910] {strides = array<i32>} : memref<64xf32, #tpu.memory_space<vmem>>, vector<16xf32>,
          tpu.vector_store %arg9[%swap3A_910], %add3A_909 {strides = array<i32>} : memref<64xf32, #tpu.memory_space<vmem>>, vector<16xf32>,
          %add3A_912 = arith.constant 48 : i32
          %add3A_913 = vector.broadcast %add3A_912 : i32 to vector<16xi32>
          %add3A_914 = arith.addi %add3A_913, %iota3A : vector<16xi32>
          %mul3A_915 = arith.constant 128 : i32
          %mul3A_916 = arith.muli %while3A_139, %mul3A_915 : i32
          %add3A_917 = arith.constant 48 : i32
          %add3A_918 = arith.addi %mul3A_916, %add3A_917 : i32
          %add3A_919 = vector.broadcast %add3A_918 : i32 to vector<16xi32>
          %add3A_920 = arith.addi %add3A_919, %iota3A : vector<16xi32>
          %lt3A_921 = vector.broadcast %scan3A_98 : i32 to vector<16xi32>
          %lt3A_922 = arith.cmpi slt, %add3A_920, %lt3A_921 : vector<16xi32>
          %jit3A_923 = arith.constant 1.000000e+00 : f32
          %jit3A_924 = arith.constant 0.000000e+00 : f32
          %broadcast_in_dim3A_925 = vector.broadcast %jit3A_923 : f32 to vector<16xf32>
          %broadcast_in_dim3A_926 = vector.broadcast %jit3A_924 : f32 to vector<16xf32>
          %select_n3A_927 = arith.select %lt3A_922, %broadcast_in_dim3A_925, %broadcast_in_dim3A_926 : vector<16xi1>, vector<16xf32>
          %get3A_928 = arith.constant 560 : index
          %get3A_929 = tpu.vector_load %arg14[%get3A_928] {strides = array<i32>} : memref<640xf32, #tpu.memory_space<vmem>>, vector<16xf32>,
          %get3A_930 = arith.constant 48 : index
          %get3A_931 = tpu.vector_load %arg14[%get3A_930] {strides = array<i32>} : memref<640xf32, #tpu.memory_space<vmem>>, vector<16xf32>,
          %mul3A_932 = arith.constant 0 : i32
          %mul3A_933 = vector.broadcast %mul3A_932 : i32 to vector<16xi32>
          %mul3A_934 = arith.muli %iota3A, %mul3A_933 : vector<16xi32>
          %add3A_935 = arith.constant 4 : i32
          %add3A_936 = vector.broadcast %add3A_935 : i32 to vector<16xi32>
          %add3A_937 = arith.addi %mul3A_934, %add3A_936 : vector<16xi32>
          %add3A_938 = arith.constant 0 : i32
          %add3A_939 = vector.broadcast %add3A_938 : i32 to vector<16xi32>
          %add3A_940 = arith.addi %add3A_937, %add3A_939 : vector<16xi32>
          %gather3A_941 = tpu.vector_load_idx %arg13[%add3A_914, %add3A_940] : memref<128x16xi32, #tpu.memory_space<vmem>>[vector<16xi32>, vector<16xi32>], vector<16xi32>,
          %convert_element_type3A_942 = arith.sitofp %gather3A_941 : vector<16xi32> to vector<16xf32>
          %sub3A_943 = arith.subf %get3A_931, %convert_element_type3A_942 : vector<16xf32>
          %get3A_944 = arith.constant 176 : index
          %get3A_945 = tpu.vector_load %arg14[%get3A_944] {strides = array<i32>} : memref<640xf32, #tpu.memory_space<vmem>>, vector<16xf32>,
          %mul3A_946 = arith.constant 0 : i32
          %mul3A_947 = vector.broadcast %mul3A_946 : i32 to vector<16xi32>
          %mul3A_948 = arith.muli %iota3A, %mul3A_947 : vector<16xi32>
          %add3A_949 = arith.constant 4 : i32
          %add3A_950 = vector.broadcast %add3A_949 : i32 to vector<16xi32>
          %add3A_951 = arith.addi %mul3A_948, %add3A_950 : vector<16xi32>
          %add3A_952 = arith.constant 1 : i32
          %add3A_953 = vector.broadcast %add3A_952 : i32 to vector<16xi32>
          %add3A_954 = arith.addi %add3A_951, %add3A_953 : vector<16xi32>
          %gather3A_955 = tpu.vector_load_idx %arg13[%add3A_914, %add3A_954] : memref<128x16xi32, #tpu.memory_space<vmem>>[vector<16xi32>, vector<16xi32>], vector<16xi32>,
          %convert_element_type3A_956 = arith.sitofp %gather3A_955 : vector<16xi32> to vector<16xf32>
          %sub3A_957 = arith.subf %get3A_945, %convert_element_type3A_956 : vector<16xf32>
          %get3A_958 = arith.constant 304 : index
          %get3A_959 = tpu.vector_load %arg14[%get3A_958] {strides = array<i32>} : memref<640xf32, #tpu.memory_space<vmem>>, vector<16xf32>,
          %mul3A_960 = arith.constant 0 : i32
          %mul3A_961 = vector.broadcast %mul3A_960 : i32 to vector<16xi32>
          %mul3A_962 = arith.muli %iota3A, %mul3A_961 : vector<16xi32>
          %add3A_963 = arith.constant 4 : i32
          %add3A_964 = vector.broadcast %add3A_963 : i32 to vector<16xi32>
          %add3A_965 = arith.addi %mul3A_962, %add3A_964 : vector<16xi32>
          %add3A_966 = arith.constant 2 : i32
          %add3A_967 = vector.broadcast %add3A_966 : i32 to vector<16xi32>
          %add3A_968 = arith.addi %add3A_965, %add3A_967 : vector<16xi32>
          %gather3A_969 = tpu.vector_load_idx %arg13[%add3A_914, %add3A_968] : memref<128x16xi32, #tpu.memory_space<vmem>>[vector<16xi32>, vector<16xi32>], vector<16xi32>,
          %convert_element_type3A_970 = arith.sitofp %gather3A_969 : vector<16xi32> to vector<16xf32>
          %sub3A_971 = arith.subf %get3A_959, %convert_element_type3A_970 : vector<16xf32>
          %get3A_972 = arith.constant 432 : index
          %get3A_973 = tpu.vector_load %arg14[%get3A_972] {strides = array<i32>} : memref<640xf32, #tpu.memory_space<vmem>>, vector<16xf32>,
          %mul3A_974 = arith.constant 0 : i32
          %mul3A_975 = vector.broadcast %mul3A_974 : i32 to vector<16xi32>
          %mul3A_976 = arith.muli %iota3A, %mul3A_975 : vector<16xi32>
          %add3A_977 = arith.constant 4 : i32
          %add3A_978 = vector.broadcast %add3A_977 : i32 to vector<16xi32>
          %add3A_979 = arith.addi %mul3A_976, %add3A_978 : vector<16xi32>
          %add3A_980 = arith.constant 3 : i32
          %add3A_981 = vector.broadcast %add3A_980 : i32 to vector<16xi32>
          %add3A_982 = arith.addi %add3A_979, %add3A_981 : vector<16xi32>
          %gather3A_983 = tpu.vector_load_idx %arg13[%add3A_914, %add3A_982] : memref<128x16xi32, #tpu.memory_space<vmem>>[vector<16xi32>, vector<16xi32>], vector<16xi32>,
          %convert_element_type3A_984 = arith.sitofp %gather3A_983 : vector<16xi32> to vector<16xf32>
          %sub3A_985 = arith.subf %get3A_973, %convert_element_type3A_984 : vector<16xf32>
          %get3A_986 = arith.constant 0 : index
          %get3A_987 = tpu.vector_load %arg9[%get3A_986] {strides = array<i32>} : memref<64xf32, #tpu.memory_space<vmem>>, vector<16xf32>,
          %mul3A_988 = arith.mulf %select_n3A_927, %get3A_929 : vector<16xf32>
          %mul3A_989 = arith.mulf %mul3A_988, %get3A_929 : vector<16xf32>
          %add3A_990 = arith.addf %get3A_987, %mul3A_989 : vector<16xf32>
          %swap3A_991 = arith.constant 0 : index
          %swap3A_992 = tpu.vector_load %arg9[%swap3A_991] {strides = array<i32>} : memref<64xf32, #tpu.memory_space<vmem>>, vector<16xf32>,
          tpu.vector_store %arg9[%swap3A_991], %add3A_990 {strides = array<i32>} : memref<64xf32, #tpu.memory_space<vmem>>, vector<16xf32>,
          %get3A_993 = arith.constant 16 : index
          %get3A_994 = tpu.vector_load %arg9[%get3A_993] {strides = array<i32>} : memref<64xf32, #tpu.memory_space<vmem>>, vector<16xf32>,
          %mul3A_995 = arith.mulf %sub3A_943, %sub3A_943 : vector<16xf32>
          %mul3A_996 = arith.mulf %sub3A_957, %sub3A_957 : vector<16xf32>
          %add3A_997 = arith.addf %mul3A_995, %mul3A_996 : vector<16xf32>
          %mul3A_998 = arith.mulf %select_n3A_927, %add3A_997 : vector<16xf32>
          %add3A_999 = arith.addf %get3A_994, %mul3A_998 : vector<16xf32>
          %swap3A_1000 = arith.constant 16 : index
          %swap3A_1001 = tpu.vector_load %arg9[%swap3A_1000] {strides = array<i32>} : memref<64xf32, #tpu.memory_space<vmem>>, vector<16xf32>,
          tpu.vector_store %arg9[%swap3A_1000], %add3A_999 {strides = array<i32>} : memref<64xf32, #tpu.memory_space<vmem>>, vector<16xf32>,
          %get3A_1002 = arith.constant 32 : index
          %get3A_1003 = tpu.vector_load %arg9[%get3A_1002] {strides = array<i32>} : memref<64xf32, #tpu.memory_space<vmem>>, vector<16xf32>,
          %mul3A_1004 = arith.mulf %sub3A_971, %sub3A_971 : vector<16xf32>
          %mul3A_1005 = arith.mulf %sub3A_985, %sub3A_985 : vector<16xf32>
          %add3A_1006 = arith.addf %mul3A_1004, %mul3A_1005 : vector<16xf32>
          %mul3A_1007 = arith.mulf %select_n3A_927, %add3A_1006 : vector<16xf32>
          %add3A_1008 = arith.addf %get3A_1003, %mul3A_1007 : vector<16xf32>
          %swap3A_1009 = arith.constant 32 : index
          %swap3A_1010 = tpu.vector_load %arg9[%swap3A_1009] {strides = array<i32>} : memref<64xf32, #tpu.memory_space<vmem>>, vector<16xf32>,
          tpu.vector_store %arg9[%swap3A_1009], %add3A_1008 {strides = array<i32>} : memref<64xf32, #tpu.memory_space<vmem>>, vector<16xf32>,
          %get3A_1011 = arith.constant 48 : index
          %get3A_1012 = tpu.vector_load %arg9[%get3A_1011] {strides = array<i32>} : memref<64xf32, #tpu.memory_space<vmem>>, vector<16xf32>,
          %add3A_1013 = arith.addf %get3A_1012, %select_n3A_927 : vector<16xf32>
          %swap3A_1014 = arith.constant 48 : index
          %swap3A_1015 = tpu.vector_load %arg9[%swap3A_1014] {strides = array<i32>} : memref<64xf32, #tpu.memory_space<vmem>>, vector<16xf32>,
          tpu.vector_store %arg9[%swap3A_1014], %add3A_1013 {strides = array<i32>} : memref<64xf32, #tpu.memory_space<vmem>>, vector<16xf32>,
          %add3A_1016 = arith.constant 64 : i32
          %add3A_1017 = vector.broadcast %add3A_1016 : i32 to vector<16xi32>
          %add3A_1018 = arith.addi %add3A_1017, %iota3A : vector<16xi32>
          %mul3A_1019 = arith.constant 128 : i32
          %mul3A_1020 = arith.muli %while3A_139, %mul3A_1019 : i32
          %add3A_1021 = arith.constant 64 : i32
          %add3A_1022 = arith.addi %mul3A_1020, %add3A_1021 : i32
          %add3A_1023 = vector.broadcast %add3A_1022 : i32 to vector<16xi32>
          %add3A_1024 = arith.addi %add3A_1023, %iota3A : vector<16xi32>
          %lt3A_1025 = vector.broadcast %scan3A_98 : i32 to vector<16xi32>
          %lt3A_1026 = arith.cmpi slt, %add3A_1024, %lt3A_1025 : vector<16xi32>
          %jit3A_1027 = arith.constant 1.000000e+00 : f32
          %jit3A_1028 = arith.constant 0.000000e+00 : f32
          %broadcast_in_dim3A_1029 = vector.broadcast %jit3A_1027 : f32 to vector<16xf32>
          %broadcast_in_dim3A_1030 = vector.broadcast %jit3A_1028 : f32 to vector<16xf32>
          %select_n3A_1031 = arith.select %lt3A_1026, %broadcast_in_dim3A_1029, %broadcast_in_dim3A_1030 : vector<16xi1>, vector<16xf32>
          %get3A_1032 = arith.constant 576 : index
          %get3A_1033 = tpu.vector_load %arg14[%get3A_1032] {strides = array<i32>} : memref<640xf32, #tpu.memory_space<vmem>>, vector<16xf32>,
          %get3A_1034 = arith.constant 64 : index
          %get3A_1035 = tpu.vector_load %arg14[%get3A_1034] {strides = array<i32>} : memref<640xf32, #tpu.memory_space<vmem>>, vector<16xf32>,
          %mul3A_1036 = arith.constant 0 : i32
          %mul3A_1037 = vector.broadcast %mul3A_1036 : i32 to vector<16xi32>
          %mul3A_1038 = arith.muli %iota3A, %mul3A_1037 : vector<16xi32>
          %add3A_1039 = arith.constant 4 : i32
          %add3A_1040 = vector.broadcast %add3A_1039 : i32 to vector<16xi32>
          %add3A_1041 = arith.addi %mul3A_1038, %add3A_1040 : vector<16xi32>
          %add3A_1042 = arith.constant 0 : i32
          %add3A_1043 = vector.broadcast %add3A_1042 : i32 to vector<16xi32>
          %add3A_1044 = arith.addi %add3A_1041, %add3A_1043 : vector<16xi32>
          %gather3A_1045 = tpu.vector_load_idx %arg13[%add3A_1018, %add3A_1044] : memref<128x16xi32, #tpu.memory_space<vmem>>[vector<16xi32>, vector<16xi32>], vector<16xi32>,
          %convert_element_type3A_1046 = arith.sitofp %gather3A_1045 : vector<16xi32> to vector<16xf32>
          %sub3A_1047 = arith.subf %get3A_1035, %convert_element_type3A_1046 : vector<16xf32>
          %get3A_1048 = arith.constant 192 : index
          %get3A_1049 = tpu.vector_load %arg14[%get3A_1048] {strides = array<i32>} : memref<640xf32, #tpu.memory_space<vmem>>, vector<16xf32>,
          %mul3A_1050 = arith.constant 0 : i32
          %mul3A_1051 = vector.broadcast %mul3A_1050 : i32 to vector<16xi32>
          %mul3A_1052 = arith.muli %iota3A, %mul3A_1051 : vector<16xi32>
          %add3A_1053 = arith.constant 4 : i32
          %add3A_1054 = vector.broadcast %add3A_1053 : i32 to vector<16xi32>
          %add3A_1055 = arith.addi %mul3A_1052, %add3A_1054 : vector<16xi32>
          %add3A_1056 = arith.constant 1 : i32
          %add3A_1057 = vector.broadcast %add3A_1056 : i32 to vector<16xi32>
          %add3A_1058 = arith.addi %add3A_1055, %add3A_1057 : vector<16xi32>
          %gather3A_1059 = tpu.vector_load_idx %arg13[%add3A_1018, %add3A_1058] : memref<128x16xi32, #tpu.memory_space<vmem>>[vector<16xi32>, vector<16xi32>], vector<16xi32>,
          %convert_element_type3A_1060 = arith.sitofp %gather3A_1059 : vector<16xi32> to vector<16xf32>
          %sub3A_1061 = arith.subf %get3A_1049, %convert_element_type3A_1060 : vector<16xf32>
          %get3A_1062 = arith.constant 320 : index
          %get3A_1063 = tpu.vector_load %arg14[%get3A_1062] {strides = array<i32>} : memref<640xf32, #tpu.memory_space<vmem>>, vector<16xf32>,
          %mul3A_1064 = arith.constant 0 : i32
          %mul3A_1065 = vector.broadcast %mul3A_1064 : i32 to vector<16xi32>
          %mul3A_1066 = arith.muli %iota3A, %mul3A_1065 : vector<16xi32>
          %add3A_1067 = arith.constant 4 : i32
          %add3A_1068 = vector.broadcast %add3A_1067 : i32 to vector<16xi32>
          %add3A_1069 = arith.addi %mul3A_1066, %add3A_1068 : vector<16xi32>
          %add3A_1070 = arith.constant 2 : i32
          %add3A_1071 = vector.broadcast %add3A_1070 : i32 to vector<16xi32>
          %add3A_1072 = arith.addi %add3A_1069, %add3A_1071 : vector<16xi32>
          %gather3A_1073 = tpu.vector_load_idx %arg13[%add3A_1018, %add3A_1072] : memref<128x16xi32, #tpu.memory_space<vmem>>[vector<16xi32>, vector<16xi32>], vector<16xi32>,
          %convert_element_type3A_1074 = arith.sitofp %gather3A_1073 : vector<16xi32> to vector<16xf32>
          %sub3A_1075 = arith.subf %get3A_1063, %convert_element_type3A_1074 : vector<16xf32>
          %get3A_1076 = arith.constant 448 : index
          %get3A_1077 = tpu.vector_load %arg14[%get3A_1076] {strides = array<i32>} : memref<640xf32, #tpu.memory_space<vmem>>, vector<16xf32>,
          %mul3A_1078 = arith.constant 0 : i32
          %mul3A_1079 = vector.broadcast %mul3A_1078 : i32 to vector<16xi32>
          %mul3A_1080 = arith.muli %iota3A, %mul3A_1079 : vector<16xi32>
          %add3A_1081 = arith.constant 4 : i32
          %add3A_1082 = vector.broadcast %add3A_1081 : i32 to vector<16xi32>
          %add3A_1083 = arith.addi %mul3A_1080, %add3A_1082 : vector<16xi32>
          %add3A_1084 = arith.constant 3 : i32
          %add3A_1085 = vector.broadcast %add3A_1084 : i32 to vector<16xi32>
          %add3A_1086 = arith.addi %add3A_1083, %add3A_1085 : vector<16xi32>
          %gather3A_1087 = tpu.vector_load_idx %arg13[%add3A_1018, %add3A_1086] : memref<128x16xi32, #tpu.memory_space<vmem>>[vector<16xi32>, vector<16xi32>], vector<16xi32>,
          %convert_element_type3A_1088 = arith.sitofp %gather3A_1087 : vector<16xi32> to vector<16xf32>
          %sub3A_1089 = arith.subf %get3A_1077, %convert_element_type3A_1088 : vector<16xf32>
          %get3A_1090 = arith.constant 0 : index
          %get3A_1091 = tpu.vector_load %arg9[%get3A_1090] {strides = array<i32>} : memref<64xf32, #tpu.memory_space<vmem>>, vector<16xf32>,
          %mul3A_1092 = arith.mulf %select_n3A_1031, %get3A_1033 : vector<16xf32>
          %mul3A_1093 = arith.mulf %mul3A_1092, %get3A_1033 : vector<16xf32>
          %add3A_1094 = arith.addf %get3A_1091, %mul3A_1093 : vector<16xf32>
          %swap3A_1095 = arith.constant 0 : index
          %swap3A_1096 = tpu.vector_load %arg9[%swap3A_1095] {strides = array<i32>} : memref<64xf32, #tpu.memory_space<vmem>>, vector<16xf32>,
          tpu.vector_store %arg9[%swap3A_1095], %add3A_1094 {strides = array<i32>} : memref<64xf32, #tpu.memory_space<vmem>>, vector<16xf32>,
          %get3A_1097 = arith.constant 16 : index
          %get3A_1098 = tpu.vector_load %arg9[%get3A_1097] {strides = array<i32>} : memref<64xf32, #tpu.memory_space<vmem>>, vector<16xf32>,
          %mul3A_1099 = arith.mulf %sub3A_1047, %sub3A_1047 : vector<16xf32>
          %mul3A_1100 = arith.mulf %sub3A_1061, %sub3A_1061 : vector<16xf32>
          %add3A_1101 = arith.addf %mul3A_1099, %mul3A_1100 : vector<16xf32>
          %mul3A_1102 = arith.mulf %select_n3A_1031, %add3A_1101 : vector<16xf32>
          %add3A_1103 = arith.addf %get3A_1098, %mul3A_1102 : vector<16xf32>
          %swap3A_1104 = arith.constant 16 : index
          %swap3A_1105 = tpu.vector_load %arg9[%swap3A_1104] {strides = array<i32>} : memref<64xf32, #tpu.memory_space<vmem>>, vector<16xf32>,
          tpu.vector_store %arg9[%swap3A_1104], %add3A_1103 {strides = array<i32>} : memref<64xf32, #tpu.memory_space<vmem>>, vector<16xf32>,
          %get3A_1106 = arith.constant 32 : index
          %get3A_1107 = tpu.vector_load %arg9[%get3A_1106] {strides = array<i32>} : memref<64xf32, #tpu.memory_space<vmem>>, vector<16xf32>,
          %mul3A_1108 = arith.mulf %sub3A_1075, %sub3A_1075 : vector<16xf32>
          %mul3A_1109 = arith.mulf %sub3A_1089, %sub3A_1089 : vector<16xf32>
          %add3A_1110 = arith.addf %mul3A_1108, %mul3A_1109 : vector<16xf32>
          %mul3A_1111 = arith.mulf %select_n3A_1031, %add3A_1110 : vector<16xf32>
          %add3A_1112 = arith.addf %get3A_1107, %mul3A_1111 : vector<16xf32>
          %swap3A_1113 = arith.constant 32 : index
          %swap3A_1114 = tpu.vector_load %arg9[%swap3A_1113] {strides = array<i32>} : memref<64xf32, #tpu.memory_space<vmem>>, vector<16xf32>,
          tpu.vector_store %arg9[%swap3A_1113], %add3A_1112 {strides = array<i32>} : memref<64xf32, #tpu.memory_space<vmem>>, vector<16xf32>,
          %get3A_1115 = arith.constant 48 : index
          %get3A_1116 = tpu.vector_load %arg9[%get3A_1115] {strides = array<i32>} : memref<64xf32, #tpu.memory_space<vmem>>, vector<16xf32>,
          %add3A_1117 = arith.addf %get3A_1116, %select_n3A_1031 : vector<16xf32>
          %swap3A_1118 = arith.constant 48 : index
          %swap3A_1119 = tpu.vector_load %arg9[%swap3A_1118] {strides = array<i32>} : memref<64xf32, #tpu.memory_space<vmem>>, vector<16xf32>,
          tpu.vector_store %arg9[%swap3A_1118], %add3A_1117 {strides = array<i32>} : memref<64xf32, #tpu.memory_space<vmem>>, vector<16xf32>,
          %add3A_1120 = arith.constant 80 : i32
          %add3A_1121 = vector.broadcast %add3A_1120 : i32 to vector<16xi32>
          %add3A_1122 = arith.addi %add3A_1121, %iota3A : vector<16xi32>
          %mul3A_1123 = arith.constant 128 : i32
          %mul3A_1124 = arith.muli %while3A_139, %mul3A_1123 : i32
          %add3A_1125 = arith.constant 80 : i32
          %add3A_1126 = arith.addi %mul3A_1124, %add3A_1125 : i32
          %add3A_1127 = vector.broadcast %add3A_1126 : i32 to vector<16xi32>
          %add3A_1128 = arith.addi %add3A_1127, %iota3A : vector<16xi32>
          %lt3A_1129 = vector.broadcast %scan3A_98 : i32 to vector<16xi32>
          %lt3A_1130 = arith.cmpi slt, %add3A_1128, %lt3A_1129 : vector<16xi32>
          %jit3A_1131 = arith.constant 1.000000e+00 : f32
          %jit3A_1132 = arith.constant 0.000000e+00 : f32
          %broadcast_in_dim3A_1133 = vector.broadcast %jit3A_1131 : f32 to vector<16xf32>
          %broadcast_in_dim3A_1134 = vector.broadcast %jit3A_1132 : f32 to vector<16xf32>
          %select_n3A_1135 = arith.select %lt3A_1130, %broadcast_in_dim3A_1133, %broadcast_in_dim3A_1134 : vector<16xi1>, vector<16xf32>
          %get3A_1136 = arith.constant 592 : index
          %get3A_1137 = tpu.vector_load %arg14[%get3A_1136] {strides = array<i32>} : memref<640xf32, #tpu.memory_space<vmem>>, vector<16xf32>,
          %get3A_1138 = arith.constant 80 : index
          %get3A_1139 = tpu.vector_load %arg14[%get3A_1138] {strides = array<i32>} : memref<640xf32, #tpu.memory_space<vmem>>, vector<16xf32>,
          %mul3A_1140 = arith.constant 0 : i32
          %mul3A_1141 = vector.broadcast %mul3A_1140 : i32 to vector<16xi32>
          %mul3A_1142 = arith.muli %iota3A, %mul3A_1141 : vector<16xi32>
          %add3A_1143 = arith.constant 4 : i32
          %add3A_1144 = vector.broadcast %add3A_1143 : i32 to vector<16xi32>
          %add3A_1145 = arith.addi %mul3A_1142, %add3A_1144 : vector<16xi32>
          %add3A_1146 = arith.constant 0 : i32
          %add3A_1147 = vector.broadcast %add3A_1146 : i32 to vector<16xi32>
          %add3A_1148 = arith.addi %add3A_1145, %add3A_1147 : vector<16xi32>
          %gather3A_1149 = tpu.vector_load_idx %arg13[%add3A_1122, %add3A_1148] : memref<128x16xi32, #tpu.memory_space<vmem>>[vector<16xi32>, vector<16xi32>], vector<16xi32>,
          %convert_element_type3A_1150 = arith.sitofp %gather3A_1149 : vector<16xi32> to vector<16xf32>
          %sub3A_1151 = arith.subf %get3A_1139, %convert_element_type3A_1150 : vector<16xf32>
          %get3A_1152 = arith.constant 208 : index
          %get3A_1153 = tpu.vector_load %arg14[%get3A_1152] {strides = array<i32>} : memref<640xf32, #tpu.memory_space<vmem>>, vector<16xf32>,
          %mul3A_1154 = arith.constant 0 : i32
          %mul3A_1155 = vector.broadcast %mul3A_1154 : i32 to vector<16xi32>
          %mul3A_1156 = arith.muli %iota3A, %mul3A_1155 : vector<16xi32>
          %add3A_1157 = arith.constant 4 : i32
          %add3A_1158 = vector.broadcast %add3A_1157 : i32 to vector<16xi32>
          %add3A_1159 = arith.addi %mul3A_1156, %add3A_1158 : vector<16xi32>
          %add3A_1160 = arith.constant 1 : i32
          %add3A_1161 = vector.broadcast %add3A_1160 : i32 to vector<16xi32>
          %add3A_1162 = arith.addi %add3A_1159, %add3A_1161 : vector<16xi32>
          %gather3A_1163 = tpu.vector_load_idx %arg13[%add3A_1122, %add3A_1162] : memref<128x16xi32, #tpu.memory_space<vmem>>[vector<16xi32>, vector<16xi32>], vector<16xi32>,
          %convert_element_type3A_1164 = arith.sitofp %gather3A_1163 : vector<16xi32> to vector<16xf32>
          %sub3A_1165 = arith.subf %get3A_1153, %convert_element_type3A_1164 : vector<16xf32>
          %get3A_1166 = arith.constant 336 : index
          %get3A_1167 = tpu.vector_load %arg14[%get3A_1166] {strides = array<i32>} : memref<640xf32, #tpu.memory_space<vmem>>, vector<16xf32>,
          %mul3A_1168 = arith.constant 0 : i32
          %mul3A_1169 = vector.broadcast %mul3A_1168 : i32 to vector<16xi32>
          %mul3A_1170 = arith.muli %iota3A, %mul3A_1169 : vector<16xi32>
          %add3A_1171 = arith.constant 4 : i32
          %add3A_1172 = vector.broadcast %add3A_1171 : i32 to vector<16xi32>
          %add3A_1173 = arith.addi %mul3A_1170, %add3A_1172 : vector<16xi32>
          %add3A_1174 = arith.constant 2 : i32
          %add3A_1175 = vector.broadcast %add3A_1174 : i32 to vector<16xi32>
          %add3A_1176 = arith.addi %add3A_1173, %add3A_1175 : vector<16xi32>
          %gather3A_1177 = tpu.vector_load_idx %arg13[%add3A_1122, %add3A_1176] : memref<128x16xi32, #tpu.memory_space<vmem>>[vector<16xi32>, vector<16xi32>], vector<16xi32>,
          %convert_element_type3A_1178 = arith.sitofp %gather3A_1177 : vector<16xi32> to vector<16xf32>
          %sub3A_1179 = arith.subf %get3A_1167, %convert_element_type3A_1178 : vector<16xf32>
          %get3A_1180 = arith.constant 464 : index
          %get3A_1181 = tpu.vector_load %arg14[%get3A_1180] {strides = array<i32>} : memref<640xf32, #tpu.memory_space<vmem>>, vector<16xf32>,
          %mul3A_1182 = arith.constant 0 : i32
          %mul3A_1183 = vector.broadcast %mul3A_1182 : i32 to vector<16xi32>
          %mul3A_1184 = arith.muli %iota3A, %mul3A_1183 : vector<16xi32>
          %add3A_1185 = arith.constant 4 : i32
          %add3A_1186 = vector.broadcast %add3A_1185 : i32 to vector<16xi32>
          %add3A_1187 = arith.addi %mul3A_1184, %add3A_1186 : vector<16xi32>
          %add3A_1188 = arith.constant 3 : i32
          %add3A_1189 = vector.broadcast %add3A_1188 : i32 to vector<16xi32>
          %add3A_1190 = arith.addi %add3A_1187, %add3A_1189 : vector<16xi32>
          %gather3A_1191 = tpu.vector_load_idx %arg13[%add3A_1122, %add3A_1190] : memref<128x16xi32, #tpu.memory_space<vmem>>[vector<16xi32>, vector<16xi32>], vector<16xi32>,
          %convert_element_type3A_1192 = arith.sitofp %gather3A_1191 : vector<16xi32> to vector<16xf32>
          %sub3A_1193 = arith.subf %get3A_1181, %convert_element_type3A_1192 : vector<16xf32>
          %get3A_1194 = arith.constant 0 : index
          %get3A_1195 = tpu.vector_load %arg9[%get3A_1194] {strides = array<i32>} : memref<64xf32, #tpu.memory_space<vmem>>, vector<16xf32>,
          %mul3A_1196 = arith.mulf %select_n3A_1135, %get3A_1137 : vector<16xf32>
          %mul3A_1197 = arith.mulf %mul3A_1196, %get3A_1137 : vector<16xf32>
          %add3A_1198 = arith.addf %get3A_1195, %mul3A_1197 : vector<16xf32>
          %swap3A_1199 = arith.constant 0 : index
          %swap3A_1200 = tpu.vector_load %arg9[%swap3A_1199] {strides = array<i32>} : memref<64xf32, #tpu.memory_space<vmem>>, vector<16xf32>,
          tpu.vector_store %arg9[%swap3A_1199], %add3A_1198 {strides = array<i32>} : memref<64xf32, #tpu.memory_space<vmem>>, vector<16xf32>,
          %get3A_1201 = arith.constant 16 : index
          %get3A_1202 = tpu.vector_load %arg9[%get3A_1201] {strides = array<i32>} : memref<64xf32, #tpu.memory_space<vmem>>, vector<16xf32>,
          %mul3A_1203 = arith.mulf %sub3A_1151, %sub3A_1151 : vector<16xf32>
          %mul3A_1204 = arith.mulf %sub3A_1165, %sub3A_1165 : vector<16xf32>
          %add3A_1205 = arith.addf %mul3A_1203, %mul3A_1204 : vector<16xf32>
          %mul3A_1206 = arith.mulf %select_n3A_1135, %add3A_1205 : vector<16xf32>
          %add3A_1207 = arith.addf %get3A_1202, %mul3A_1206 : vector<16xf32>
          %swap3A_1208 = arith.constant 16 : index
          %swap3A_1209 = tpu.vector_load %arg9[%swap3A_1208] {strides = array<i32>} : memref<64xf32, #tpu.memory_space<vmem>>, vector<16xf32>,
          tpu.vector_store %arg9[%swap3A_1208], %add3A_1207 {strides = array<i32>} : memref<64xf32, #tpu.memory_space<vmem>>, vector<16xf32>,
          %get3A_1210 = arith.constant 32 : index
          %get3A_1211 = tpu.vector_load %arg9[%get3A_1210] {strides = array<i32>} : memref<64xf32, #tpu.memory_space<vmem>>, vector<16xf32>,
          %mul3A_1212 = arith.mulf %sub3A_1179, %sub3A_1179 : vector<16xf32>
          %mul3A_1213 = arith.mulf %sub3A_1193, %sub3A_1193 : vector<16xf32>
          %add3A_1214 = arith.addf %mul3A_1212, %mul3A_1213 : vector<16xf32>
          %mul3A_1215 = arith.mulf %select_n3A_1135, %add3A_1214 : vector<16xf32>
          %add3A_1216 = arith.addf %get3A_1211, %mul3A_1215 : vector<16xf32>
          %swap3A_1217 = arith.constant 32 : index
          %swap3A_1218 = tpu.vector_load %arg9[%swap3A_1217] {strides = array<i32>} : memref<64xf32, #tpu.memory_space<vmem>>, vector<16xf32>,
          tpu.vector_store %arg9[%swap3A_1217], %add3A_1216 {strides = array<i32>} : memref<64xf32, #tpu.memory_space<vmem>>, vector<16xf32>,
          %get3A_1219 = arith.constant 48 : index
          %get3A_1220 = tpu.vector_load %arg9[%get3A_1219] {strides = array<i32>} : memref<64xf32, #tpu.memory_space<vmem>>, vector<16xf32>,
          %add3A_1221 = arith.addf %get3A_1220, %select_n3A_1135 : vector<16xf32>
          %swap3A_1222 = arith.constant 48 : index
          %swap3A_1223 = tpu.vector_load %arg9[%swap3A_1222] {strides = array<i32>} : memref<64xf32, #tpu.memory_space<vmem>>, vector<16xf32>,
          tpu.vector_store %arg9[%swap3A_1222], %add3A_1221 {strides = array<i32>} : memref<64xf32, #tpu.memory_space<vmem>>, vector<16xf32>,
          %add3A_1224 = arith.constant 96 : i32
          %add3A_1225 = vector.broadcast %add3A_1224 : i32 to vector<16xi32>
          %add3A_1226 = arith.addi %add3A_1225, %iota3A : vector<16xi32>
          %mul3A_1227 = arith.constant 128 : i32
          %mul3A_1228 = arith.muli %while3A_139, %mul3A_1227 : i32
          %add3A_1229 = arith.constant 96 : i32
          %add3A_1230 = arith.addi %mul3A_1228, %add3A_1229 : i32
          %add3A_1231 = vector.broadcast %add3A_1230 : i32 to vector<16xi32>
          %add3A_1232 = arith.addi %add3A_1231, %iota3A : vector<16xi32>
          %lt3A_1233 = vector.broadcast %scan3A_98 : i32 to vector<16xi32>
          %lt3A_1234 = arith.cmpi slt, %add3A_1232, %lt3A_1233 : vector<16xi32>
          %jit3A_1235 = arith.constant 1.000000e+00 : f32
          %jit3A_1236 = arith.constant 0.000000e+00 : f32
          %broadcast_in_dim3A_1237 = vector.broadcast %jit3A_1235 : f32 to vector<16xf32>
          %broadcast_in_dim3A_1238 = vector.broadcast %jit3A_1236 : f32 to vector<16xf32>
          %select_n3A_1239 = arith.select %lt3A_1234, %broadcast_in_dim3A_1237, %broadcast_in_dim3A_1238 : vector<16xi1>, vector<16xf32>
          %get3A_1240 = arith.constant 608 : index
          %get3A_1241 = tpu.vector_load %arg14[%get3A_1240] {strides = array<i32>} : memref<640xf32, #tpu.memory_space<vmem>>, vector<16xf32>,
          %get3A_1242 = arith.constant 96 : index
          %get3A_1243 = tpu.vector_load %arg14[%get3A_1242] {strides = array<i32>} : memref<640xf32, #tpu.memory_space<vmem>>, vector<16xf32>,
          %mul3A_1244 = arith.constant 0 : i32
          %mul3A_1245 = vector.broadcast %mul3A_1244 : i32 to vector<16xi32>
          %mul3A_1246 = arith.muli %iota3A, %mul3A_1245 : vector<16xi32>
          %add3A_1247 = arith.constant 4 : i32
          %add3A_1248 = vector.broadcast %add3A_1247 : i32 to vector<16xi32>
          %add3A_1249 = arith.addi %mul3A_1246, %add3A_1248 : vector<16xi32>
          %add3A_1250 = arith.constant 0 : i32
          %add3A_1251 = vector.broadcast %add3A_1250 : i32 to vector<16xi32>
          %add3A_1252 = arith.addi %add3A_1249, %add3A_1251 : vector<16xi32>
          %gather3A_1253 = tpu.vector_load_idx %arg13[%add3A_1226, %add3A_1252] : memref<128x16xi32, #tpu.memory_space<vmem>>[vector<16xi32>, vector<16xi32>], vector<16xi32>,
          %convert_element_type3A_1254 = arith.sitofp %gather3A_1253 : vector<16xi32> to vector<16xf32>
          %sub3A_1255 = arith.subf %get3A_1243, %convert_element_type3A_1254 : vector<16xf32>
          %get3A_1256 = arith.constant 224 : index
          %get3A_1257 = tpu.vector_load %arg14[%get3A_1256] {strides = array<i32>} : memref<640xf32, #tpu.memory_space<vmem>>, vector<16xf32>,
          %mul3A_1258 = arith.constant 0 : i32
          %mul3A_1259 = vector.broadcast %mul3A_1258 : i32 to vector<16xi32>
          %mul3A_1260 = arith.muli %iota3A, %mul3A_1259 : vector<16xi32>
          %add3A_1261 = arith.constant 4 : i32
          %add3A_1262 = vector.broadcast %add3A_1261 : i32 to vector<16xi32>
          %add3A_1263 = arith.addi %mul3A_1260, %add3A_1262 : vector<16xi32>
          %add3A_1264 = arith.constant 1 : i32
          %add3A_1265 = vector.broadcast %add3A_1264 : i32 to vector<16xi32>
          %add3A_1266 = arith.addi %add3A_1263, %add3A_1265 : vector<16xi32>
          %gather3A_1267 = tpu.vector_load_idx %arg13[%add3A_1226, %add3A_1266] : memref<128x16xi32, #tpu.memory_space<vmem>>[vector<16xi32>, vector<16xi32>], vector<16xi32>,
          %convert_element_type3A_1268 = arith.sitofp %gather3A_1267 : vector<16xi32> to vector<16xf32>
          %sub3A_1269 = arith.subf %get3A_1257, %convert_element_type3A_1268 : vector<16xf32>
          %get3A_1270 = arith.constant 352 : index
          %get3A_1271 = tpu.vector_load %arg14[%get3A_1270] {strides = array<i32>} : memref<640xf32, #tpu.memory_space<vmem>>, vector<16xf32>,
          %mul3A_1272 = arith.constant 0 : i32
          %mul3A_1273 = vector.broadcast %mul3A_1272 : i32 to vector<16xi32>
          %mul3A_1274 = arith.muli %iota3A, %mul3A_1273 : vector<16xi32>
          %add3A_1275 = arith.constant 4 : i32
          %add3A_1276 = vector.broadcast %add3A_1275 : i32 to vector<16xi32>
          %add3A_1277 = arith.addi %mul3A_1274, %add3A_1276 : vector<16xi32>
          %add3A_1278 = arith.constant 2 : i32
          %add3A_1279 = vector.broadcast %add3A_1278 : i32 to vector<16xi32>
          %add3A_1280 = arith.addi %add3A_1277, %add3A_1279 : vector<16xi32>
          %gather3A_1281 = tpu.vector_load_idx %arg13[%add3A_1226, %add3A_1280] : memref<128x16xi32, #tpu.memory_space<vmem>>[vector<16xi32>, vector<16xi32>], vector<16xi32>,
          %convert_element_type3A_1282 = arith.sitofp %gather3A_1281 : vector<16xi32> to vector<16xf32>
          %sub3A_1283 = arith.subf %get3A_1271, %convert_element_type3A_1282 : vector<16xf32>
          %get3A_1284 = arith.constant 480 : index
          %get3A_1285 = tpu.vector_load %arg14[%get3A_1284] {strides = array<i32>} : memref<640xf32, #tpu.memory_space<vmem>>, vector<16xf32>,
          %mul3A_1286 = arith.constant 0 : i32
          %mul3A_1287 = vector.broadcast %mul3A_1286 : i32 to vector<16xi32>
          %mul3A_1288 = arith.muli %iota3A, %mul3A_1287 : vector<16xi32>
          %add3A_1289 = arith.constant 4 : i32
          %add3A_1290 = vector.broadcast %add3A_1289 : i32 to vector<16xi32>
          %add3A_1291 = arith.addi %mul3A_1288, %add3A_1290 : vector<16xi32>
          %add3A_1292 = arith.constant 3 : i32
          %add3A_1293 = vector.broadcast %add3A_1292 : i32 to vector<16xi32>
          %add3A_1294 = arith.addi %add3A_1291, %add3A_1293 : vector<16xi32>
          %gather3A_1295 = tpu.vector_load_idx %arg13[%add3A_1226, %add3A_1294] : memref<128x16xi32, #tpu.memory_space<vmem>>[vector<16xi32>, vector<16xi32>], vector<16xi32>,
          %convert_element_type3A_1296 = arith.sitofp %gather3A_1295 : vector<16xi32> to vector<16xf32>
          %sub3A_1297 = arith.subf %get3A_1285, %convert_element_type3A_1296 : vector<16xf32>
          %get3A_1298 = arith.constant 0 : index
          %get3A_1299 = tpu.vector_load %arg9[%get3A_1298] {strides = array<i32>} : memref<64xf32, #tpu.memory_space<vmem>>, vector<16xf32>,
          %mul3A_1300 = arith.mulf %select_n3A_1239, %get3A_1241 : vector<16xf32>
          %mul3A_1301 = arith.mulf %mul3A_1300, %get3A_1241 : vector<16xf32>
          %add3A_1302 = arith.addf %get3A_1299, %mul3A_1301 : vector<16xf32>
          %swap3A_1303 = arith.constant 0 : index
          %swap3A_1304 = tpu.vector_load %arg9[%swap3A_1303] {strides = array<i32>} : memref<64xf32, #tpu.memory_space<vmem>>, vector<16xf32>,
          tpu.vector_store %arg9[%swap3A_1303], %add3A_1302 {strides = array<i32>} : memref<64xf32, #tpu.memory_space<vmem>>, vector<16xf32>,
          %get3A_1305 = arith.constant 16 : index
          %get3A_1306 = tpu.vector_load %arg9[%get3A_1305] {strides = array<i32>} : memref<64xf32, #tpu.memory_space<vmem>>, vector<16xf32>,
          %mul3A_1307 = arith.mulf %sub3A_1255, %sub3A_1255 : vector<16xf32>
          %mul3A_1308 = arith.mulf %sub3A_1269, %sub3A_1269 : vector<16xf32>
          %add3A_1309 = arith.addf %mul3A_1307, %mul3A_1308 : vector<16xf32>
          %mul3A_1310 = arith.mulf %select_n3A_1239, %add3A_1309 : vector<16xf32>
          %add3A_1311 = arith.addf %get3A_1306, %mul3A_1310 : vector<16xf32>
          %swap3A_1312 = arith.constant 16 : index
          %swap3A_1313 = tpu.vector_load %arg9[%swap3A_1312] {strides = array<i32>} : memref<64xf32, #tpu.memory_space<vmem>>, vector<16xf32>,
          tpu.vector_store %arg9[%swap3A_1312], %add3A_1311 {strides = array<i32>} : memref<64xf32, #tpu.memory_space<vmem>>, vector<16xf32>,
          %get3A_1314 = arith.constant 32 : index
          %get3A_1315 = tpu.vector_load %arg9[%get3A_1314] {strides = array<i32>} : memref<64xf32, #tpu.memory_space<vmem>>, vector<16xf32>,
          %mul3A_1316 = arith.mulf %sub3A_1283, %sub3A_1283 : vector<16xf32>
          %mul3A_1317 = arith.mulf %sub3A_1297, %sub3A_1297 : vector<16xf32>
          %add3A_1318 = arith.addf %mul3A_1316, %mul3A_1317 : vector<16xf32>
          %mul3A_1319 = arith.mulf %select_n3A_1239, %add3A_1318 : vector<16xf32>
          %add3A_1320 = arith.addf %get3A_1315, %mul3A_1319 : vector<16xf32>
          %swap3A_1321 = arith.constant 32 : index
          %swap3A_1322 = tpu.vector_load %arg9[%swap3A_1321] {strides = array<i32>} : memref<64xf32, #tpu.memory_space<vmem>>, vector<16xf32>,
          tpu.vector_store %arg9[%swap3A_1321], %add3A_1320 {strides = array<i32>} : memref<64xf32, #tpu.memory_space<vmem>>, vector<16xf32>,
          %get3A_1323 = arith.constant 48 : index
          %get3A_1324 = tpu.vector_load %arg9[%get3A_1323] {strides = array<i32>} : memref<64xf32, #tpu.memory_space<vmem>>, vector<16xf32>,
          %add3A_1325 = arith.addf %get3A_1324, %select_n3A_1239 : vector<16xf32>
          %swap3A_1326 = arith.constant 48 : index
          %swap3A_1327 = tpu.vector_load %arg9[%swap3A_1326] {strides = array<i32>} : memref<64xf32, #tpu.memory_space<vmem>>, vector<16xf32>,
          tpu.vector_store %arg9[%swap3A_1326], %add3A_1325 {strides = array<i32>} : memref<64xf32, #tpu.memory_space<vmem>>, vector<16xf32>,
          %add3A_1328 = arith.constant 112 : i32
          %add3A_1329 = vector.broadcast %add3A_1328 : i32 to vector<16xi32>
          %add3A_1330 = arith.addi %add3A_1329, %iota3A : vector<16xi32>
          %mul3A_1331 = arith.constant 128 : i32
          %mul3A_1332 = arith.muli %while3A_139, %mul3A_1331 : i32
          %add3A_1333 = arith.constant 112 : i32
          %add3A_1334 = arith.addi %mul3A_1332, %add3A_1333 : i32
          %add3A_1335 = vector.broadcast %add3A_1334 : i32 to vector<16xi32>
          %add3A_1336 = arith.addi %add3A_1335, %iota3A : vector<16xi32>
          %lt3A_1337 = vector.broadcast %scan3A_98 : i32 to vector<16xi32>
          %lt3A_1338 = arith.cmpi slt, %add3A_1336, %lt3A_1337 : vector<16xi32>
          %jit3A_1339 = arith.constant 1.000000e+00 : f32
          %jit3A_1340 = arith.constant 0.000000e+00 : f32
          %broadcast_in_dim3A_1341 = vector.broadcast %jit3A_1339 : f32 to vector<16xf32>
          %broadcast_in_dim3A_1342 = vector.broadcast %jit3A_1340 : f32 to vector<16xf32>
          %select_n3A_1343 = arith.select %lt3A_1338, %broadcast_in_dim3A_1341, %broadcast_in_dim3A_1342 : vector<16xi1>, vector<16xf32>
          %get3A_1344 = arith.constant 624 : index
          %get3A_1345 = tpu.vector_load %arg14[%get3A_1344] {strides = array<i32>} : memref<640xf32, #tpu.memory_space<vmem>>, vector<16xf32>,
          %get3A_1346 = arith.constant 112 : index
          %get3A_1347 = tpu.vector_load %arg14[%get3A_1346] {strides = array<i32>} : memref<640xf32, #tpu.memory_space<vmem>>, vector<16xf32>,
          %mul3A_1348 = arith.constant 0 : i32
          %mul3A_1349 = vector.broadcast %mul3A_1348 : i32 to vector<16xi32>
          %mul3A_1350 = arith.muli %iota3A, %mul3A_1349 : vector<16xi32>
          %add3A_1351 = arith.constant 4 : i32
          %add3A_1352 = vector.broadcast %add3A_1351 : i32 to vector<16xi32>
          %add3A_1353 = arith.addi %mul3A_1350, %add3A_1352 : vector<16xi32>
          %add3A_1354 = arith.constant 0 : i32
          %add3A_1355 = vector.broadcast %add3A_1354 : i32 to vector<16xi32>
          %add3A_1356 = arith.addi %add3A_1353, %add3A_1355 : vector<16xi32>
          %gather3A_1357 = tpu.vector_load_idx %arg13[%add3A_1330, %add3A_1356] : memref<128x16xi32, #tpu.memory_space<vmem>>[vector<16xi32>, vector<16xi32>], vector<16xi32>,
          %convert_element_type3A_1358 = arith.sitofp %gather3A_1357 : vector<16xi32> to vector<16xf32>
          %sub3A_1359 = arith.subf %get3A_1347, %convert_element_type3A_1358 : vector<16xf32>
          %get3A_1360 = arith.constant 240 : index
          %get3A_1361 = tpu.vector_load %arg14[%get3A_1360] {strides = array<i32>} : memref<640xf32, #tpu.memory_space<vmem>>, vector<16xf32>,
          %mul3A_1362 = arith.constant 0 : i32
          %mul3A_1363 = vector.broadcast %mul3A_1362 : i32 to vector<16xi32>
          %mul3A_1364 = arith.muli %iota3A, %mul3A_1363 : vector<16xi32>
          %add3A_1365 = arith.constant 4 : i32
          %add3A_1366 = vector.broadcast %add3A_1365 : i32 to vector<16xi32>
          %add3A_1367 = arith.addi %mul3A_1364, %add3A_1366 : vector<16xi32>
          %add3A_1368 = arith.constant 1 : i32
          %add3A_1369 = vector.broadcast %add3A_1368 : i32 to vector<16xi32>
          %add3A_1370 = arith.addi %add3A_1367, %add3A_1369 : vector<16xi32>
          %gather3A_1371 = tpu.vector_load_idx %arg13[%add3A_1330, %add3A_1370] : memref<128x16xi32, #tpu.memory_space<vmem>>[vector<16xi32>, vector<16xi32>], vector<16xi32>,
          %convert_element_type3A_1372 = arith.sitofp %gather3A_1371 : vector<16xi32> to vector<16xf32>
          %sub3A_1373 = arith.subf %get3A_1361, %convert_element_type3A_1372 : vector<16xf32>
          %get3A_1374 = arith.constant 368 : index
          %get3A_1375 = tpu.vector_load %arg14[%get3A_1374] {strides = array<i32>} : memref<640xf32, #tpu.memory_space<vmem>>, vector<16xf32>,
          %mul3A_1376 = arith.constant 0 : i32
          %mul3A_1377 = vector.broadcast %mul3A_1376 : i32 to vector<16xi32>
          %mul3A_1378 = arith.muli %iota3A, %mul3A_1377 : vector<16xi32>
          %add3A_1379 = arith.constant 4 : i32
          %add3A_1380 = vector.broadcast %add3A_1379 : i32 to vector<16xi32>
          %add3A_1381 = arith.addi %mul3A_1378, %add3A_1380 : vector<16xi32>
          %add3A_1382 = arith.constant 2 : i32
          %add3A_1383 = vector.broadcast %add3A_1382 : i32 to vector<16xi32>
          %add3A_1384 = arith.addi %add3A_1381, %add3A_1383 : vector<16xi32>
          %gather3A_1385 = tpu.vector_load_idx %arg13[%add3A_1330, %add3A_1384] : memref<128x16xi32, #tpu.memory_space<vmem>>[vector<16xi32>, vector<16xi32>], vector<16xi32>,
          %convert_element_type3A_1386 = arith.sitofp %gather3A_1385 : vector<16xi32> to vector<16xf32>
          %sub3A_1387 = arith.subf %get3A_1375, %convert_element_type3A_1386 : vector<16xf32>
          %get3A_1388 = arith.constant 496 : index
          %get3A_1389 = tpu.vector_load %arg14[%get3A_1388] {strides = array<i32>} : memref<640xf32, #tpu.memory_space<vmem>>, vector<16xf32>,
          %mul3A_1390 = arith.constant 0 : i32
          %mul3A_1391 = vector.broadcast %mul3A_1390 : i32 to vector<16xi32>
          %mul3A_1392 = arith.muli %iota3A, %mul3A_1391 : vector<16xi32>
          %add3A_1393 = arith.constant 4 : i32
          %add3A_1394 = vector.broadcast %add3A_1393 : i32 to vector<16xi32>
          %add3A_1395 = arith.addi %mul3A_1392, %add3A_1394 : vector<16xi32>
          %add3A_1396 = arith.constant 3 : i32
          %add3A_1397 = vector.broadcast %add3A_1396 : i32 to vector<16xi32>
          %add3A_1398 = arith.addi %add3A_1395, %add3A_1397 : vector<16xi32>
          %gather3A_1399 = tpu.vector_load_idx %arg13[%add3A_1330, %add3A_1398] : memref<128x16xi32, #tpu.memory_space<vmem>>[vector<16xi32>, vector<16xi32>], vector<16xi32>,
          %convert_element_type3A_1400 = arith.sitofp %gather3A_1399 : vector<16xi32> to vector<16xf32>
          %sub3A_1401 = arith.subf %get3A_1389, %convert_element_type3A_1400 : vector<16xf32>
          %get3A_1402 = arith.constant 0 : index
          %get3A_1403 = tpu.vector_load %arg9[%get3A_1402] {strides = array<i32>} : memref<64xf32, #tpu.memory_space<vmem>>, vector<16xf32>,
          %mul3A_1404 = arith.mulf %select_n3A_1343, %get3A_1345 : vector<16xf32>
          %mul3A_1405 = arith.mulf %mul3A_1404, %get3A_1345 : vector<16xf32>
          %add3A_1406 = arith.addf %get3A_1403, %mul3A_1405 : vector<16xf32>
          %swap3A_1407 = arith.constant 0 : index
          %swap3A_1408 = tpu.vector_load %arg9[%swap3A_1407] {strides = array<i32>} : memref<64xf32, #tpu.memory_space<vmem>>, vector<16xf32>,
          tpu.vector_store %arg9[%swap3A_1407], %add3A_1406 {strides = array<i32>} : memref<64xf32, #tpu.memory_space<vmem>>, vector<16xf32>,
          %get3A_1409 = arith.constant 16 : index
          %get3A_1410 = tpu.vector_load %arg9[%get3A_1409] {strides = array<i32>} : memref<64xf32, #tpu.memory_space<vmem>>, vector<16xf32>,
          %mul3A_1411 = arith.mulf %sub3A_1359, %sub3A_1359 : vector<16xf32>
          %mul3A_1412 = arith.mulf %sub3A_1373, %sub3A_1373 : vector<16xf32>
          %add3A_1413 = arith.addf %mul3A_1411, %mul3A_1412 : vector<16xf32>
          %mul3A_1414 = arith.mulf %select_n3A_1343, %add3A_1413 : vector<16xf32>
          %add3A_1415 = arith.addf %get3A_1410, %mul3A_1414 : vector<16xf32>
          %swap3A_1416 = arith.constant 16 : index
          %swap3A_1417 = tpu.vector_load %arg9[%swap3A_1416] {strides = array<i32>} : memref<64xf32, #tpu.memory_space<vmem>>, vector<16xf32>,
          tpu.vector_store %arg9[%swap3A_1416], %add3A_1415 {strides = array<i32>} : memref<64xf32, #tpu.memory_space<vmem>>, vector<16xf32>,
          %get3A_1418 = arith.constant 32 : index
          %get3A_1419 = tpu.vector_load %arg9[%get3A_1418] {strides = array<i32>} : memref<64xf32, #tpu.memory_space<vmem>>, vector<16xf32>,
          %mul3A_1420 = arith.mulf %sub3A_1387, %sub3A_1387 : vector<16xf32>
          %mul3A_1421 = arith.mulf %sub3A_1401, %sub3A_1401 : vector<16xf32>
          %add3A_1422 = arith.addf %mul3A_1420, %mul3A_1421 : vector<16xf32>
          %mul3A_1423 = arith.mulf %select_n3A_1343, %add3A_1422 : vector<16xf32>
          %add3A_1424 = arith.addf %get3A_1419, %mul3A_1423 : vector<16xf32>
          %swap3A_1425 = arith.constant 32 : index
          %swap3A_1426 = tpu.vector_load %arg9[%swap3A_1425] {strides = array<i32>} : memref<64xf32, #tpu.memory_space<vmem>>, vector<16xf32>,
          tpu.vector_store %arg9[%swap3A_1425], %add3A_1424 {strides = array<i32>} : memref<64xf32, #tpu.memory_space<vmem>>, vector<16xf32>,
          %get3A_1427 = arith.constant 48 : index
          %get3A_1428 = tpu.vector_load %arg9[%get3A_1427] {strides = array<i32>} : memref<64xf32, #tpu.memory_space<vmem>>, vector<16xf32>,
          %add3A_1429 = arith.addf %get3A_1428, %select_n3A_1343 : vector<16xf32>
          %swap3A_1430 = arith.constant 48 : index
          %swap3A_1431 = tpu.vector_load %arg9[%swap3A_1430] {strides = array<i32>} : memref<64xf32, #tpu.memory_space<vmem>>, vector<16xf32>,
          tpu.vector_store %arg9[%swap3A_1430], %add3A_1429 {strides = array<i32>} : memref<64xf32, #tpu.memory_space<vmem>>, vector<16xf32>,
          %while3A_1432 = arith.constant 0 : i32
          scf.yield %while3A_1432 : i32
        }
        %while3A_138 = arith.constant 0 : i32
        scf.yield %while3A_138 : i32
      }
      %while3A_86 = arith.constant 1 : i32
      %while3A_87 = scf.for %while3A_89 = %while3A_83 to %while3A_79 step %while3A_86 iter_args(%while3A_90 = %while3A_85) -> (i32)  : i32 {
        %mul3A_91 = arith.constant 8192 : i32
        %mul3A_92 = arith.muli %while3A_89, %mul3A_91 : i32
        %scan3A_93 = arith.constant 0 : i32
        %scan3A_94 = arith.constant 0 : i32
        %scan3A_95 = arith.constant 512 : i32
        %scan3A_96 = arith.addi %scan3A_94, %scan3A_95 : i32
        %scan3A_97 = arith.constant 1 : i32
        %scan3A_98 = scf.for %scan3A_139 = %scan3A_94 to %scan3A_96 step %scan3A_97 iter_args(%scan3A_140 = %scan3A_93) -> (i32)  : i32 {
          %mul3A_141 = arith.constant 16 : i32
          %mul3A_142 = arith.muli %scan3A_139, %mul3A_141 : i32
          %add3A_143 = arith.addi %mul3A_92, %mul3A_142 : i32
          %multiple_of3A = tpu.assume_multiple %add3A_143, 16 : i32
          %get3A_144 = arith.index_cast %multiple_of3A : i32 to index
          %get3A_145 = tpu.vector_load %arg5[%get3A_144] {strides = array<i32>} : memref<65536xi32, #tpu.memory_space<vmem>>, vector<16xi32>,
          %gt3A = arith.constant 0 : i32
          %gt3A_146 = vector.broadcast %gt3A : i32 to vector<16xi32>
          %gt3A_147 = arith.cmpi sgt, %get3A_145, %gt3A_146 : vector<16xi32>
          %jit3A_148 = arith.constant 1 : i32
          %jit3A_149 = arith.constant 0 : i32
          %broadcast_in_dim3A_150 = vector.broadcast %jit3A_148 : i32 to vector<16xi32>
          %broadcast_in_dim3A_151 = vector.broadcast %jit3A_149 : i32 to vector<16xi32>
          %select_n3A_152 = arith.select %gt3A_147, %broadcast_in_dim3A_150, %broadcast_in_dim3A_151 : vector<16xi1>, vector<16xi32>
          %broadcast_in_dim3A_153 = arith.constant true
          %broadcast_in_dim3A_154 = vector.broadcast %broadcast_in_dim3A_153 : i1 to vector<16xi1>
          %masked_cumsum3A = tpu.scan <sum>, %select_n3A_152 masked %broadcast_in_dim3A_154 : vector<16xi32>, vector<16xi1> -> vector<16xi32>
          %sub3A_155 = arith.constant 1 : i32
          %sub3A_156 = vector.broadcast %sub3A_155 : i32 to vector<16xi32>
          %sub3A_157 = arith.subi %masked_cumsum3A, %sub3A_156 : vector<16xi32>
          %add3A_158 = vector.broadcast %scan3A_140 : i32 to vector<16xi32>
          %add3A_159 = arith.addi %sub3A_157, %add3A_158 : vector<16xi32>
          %jit3A_160 = arith.constant 0 : i32
          %broadcast_in_dim3A_161 = vector.broadcast %jit3A_160 : i32 to vector<16xi32>
          %select_n3A_162 = arith.select %gt3A_147, %add3A_159, %broadcast_in_dim3A_161 : vector<16xi1>, vector<16xi32>
          %add3A_163 = arith.addi %mul3A_42, %multiple_of3A : i32
          %add3A_164 = vector.broadcast %add3A_163 : i32 to vector<16xi32>
          %add3A_165 = arith.addi %add3A_164, %iota3A : vector<16xi32>
          %sub3A_166 = arith.constant 1 : i32
          %sub3A_167 = vector.broadcast %sub3A_166 : i32 to vector<16xi32>
          %sub3A_168 = arith.subi %get3A_145, %sub3A_167 : vector<16xi32>
          tpu.vector_store_idx %arg7[%select_n3A_162], %sub3A_168 masked %gt3A_147 : memref<8192xi32, #tpu.memory_space<vmem>>[vector<16xi32>], vector<16xi32>, vector<16xi1>
          tpu.vector_store_idx %arg8[%select_n3A_162], %add3A_165 masked %gt3A_147 : memref<8192xi32, #tpu.memory_space<vmem>>[vector<16xi32>], vector<16xi32>, vector<16xi1>
          %reduce_sum3A = arith.constant true
          %reduce_sum3A_169 = vector.broadcast %reduce_sum3A : i1 to vector<16xi1>
          %reduce_sum3A_170 = tpu.scan <sum>, %select_n3A_152 masked %reduce_sum3A_169 : vector<16xi32>, vector<16xi1> -> vector<16xi32>
          %reduce_sum3A_171 = vector.extract %reduce_sum3A_170[15] : i32 from vector<16xi32>
          %add3A_172 = arith.addi %scan3A_140, %reduce_sum3A_171 : i32
          scf.yield %add3A_172 : i32
        }
        %scan3A_99 = arith.constant 512 : i32
        %add3A_100 = arith.constant 127 : i32
        %add3A_101 = arith.addi %scan3A_98, %add3A_100 : i32
        %jit3A_102 = arith.constant 128 : i32
        %div3A_103 = arith.divsi %add3A_101, %jit3A_102 : i32
        %sign3A_104 = arith.constant 0 : i32
        %sign3A_105 = arith.cmpi sgt, %add3A_101, %sign3A_104 : i32
        %sign3A_106 = arith.extui %sign3A_105 : i1 to i32
        %sign3A_107 = arith.constant 0 : i32
        %sign3A_108 = arith.cmpi slt, %add3A_101, %sign3A_107 : i32
        %sign3A_109 = arith.extui %sign3A_108 : i1 to i32
        %sign3A_110 = arith.subi %sign3A_106, %sign3A_109 : i32
        %sign3A_111 = arith.constant 0 : i32
        %sign3A_112 = arith.cmpi sgt, %jit3A_102, %sign3A_111 : i32
        %sign3A_113 = arith.extui %sign3A_112 : i1 to i32
        %sign3A_114 = arith.constant 0 : i32
        %sign3A_115 = arith.cmpi slt, %jit3A_102, %sign3A_114 : i32
        %sign3A_116 = arith.extui %sign3A_115 : i1 to i32
        %sign3A_117 = arith.subi %sign3A_113, %sign3A_116 : i32
        %ne3A_118 = arith.cmpi ne, %sign3A_110, %sign3A_117 : i32
        %rem3A_119 = arith.remsi %add3A_101, %jit3A_102 : i32
        %ne3A_120 = arith.constant 0 : i32
        %ne3A_121 = arith.cmpi ne, %rem3A_119, %ne3A_120 : i32
        %and3A_122 = arith.andi %ne3A_118, %ne3A_121 : i1
        %sub3A_123 = arith.constant 1 : i32
        %sub3A_124 = arith.subi %div3A_103, %sub3A_123 : i32
        %select_n3A_125 = arith.select %and3A_122, %sub3A_124, %div3A_103 : i32
        %while3A_126 = arith.constant 0 : i32
        %while3A_127 = arith.constant 0 : i32
        %while3A_128 = arith.subi %select_n3A_125, %while3A_126 : i32
        %while3A_129 = arith.addi %while3A_126, %while3A_128 : i32
        %while3A_130 = arith.constant 1 : i32
        %while3A_131 = arith.divsi %while3A_128, %while3A_130 : i32
        %while3A_132 = arith.muli %while3A_131, %while3A_130 : i32
        %while3A_133 = arith.addi %while3A_126, %while3A_132 : i32
        %while3A_134 = arith.constant 1 : i32
        %while3A_135 = scf.for %while3A_139 = %while3A_126 to %while3A_133 step %while3A_134 iter_args(%while3A_140 = %while3A_127) -> (i32)  : i32 {
          %mul3A_141 = arith.constant 128 : i32
          %mul3A_142 = arith.muli %while3A_139, %mul3A_141 : i32
          %add3A_143 = arith.constant 0 : i32
          %add3A_144 = arith.addi %mul3A_142, %add3A_143 : i32
          %multiple_of3A = tpu.assume_multiple %add3A_144, 16 : i32
          %mul3A_145 = arith.constant 128 : i32
          %mul3A_146 = arith.muli %while3A_139, %mul3A_145 : i32
          %add3A_147 = arith.constant 0 : i32
          %add3A_148 = arith.addi %mul3A_146, %add3A_147 : i32
          %add3A_149 = vector.broadcast %add3A_148 : i32 to vector<16xi32>
          %add3A_150 = arith.addi %add3A_149, %iota3A : vector<16xi32>
          %lt3A = vector.broadcast %scan3A_98 : i32 to vector<16xi32>
          %lt3A_151 = arith.cmpi slt, %add3A_150, %lt3A : vector<16xi32>
          %get3A_152 = arith.index_cast %multiple_of3A : i32 to index
          %get3A_153 = tpu.vector_load %arg7[%get3A_152] {strides = array<i32>} : memref<8192xi32, #tpu.memory_space<vmem>>, vector<16xi32>,
          %jit3A_154 = arith.constant 0 : i32
          %broadcast_in_dim3A_155 = vector.broadcast %jit3A_154 : i32 to vector<16xi32>
          %select_n3A_156 = arith.select %lt3A_151, %get3A_153, %broadcast_in_dim3A_155 : vector<16xi1>, vector<16xi32>
          %swap3A_157 = arith.constant 0 : index
          %swap3A_158 = tpu.vector_load %arg11[%swap3A_157] {strides = array<i32>} : memref<128xi32, #tpu.memory_space<vmem>>, vector<16xi32>,
          tpu.vector_store %arg11[%swap3A_157], %select_n3A_156 {strides = array<i32>} : memref<128xi32, #tpu.memory_space<vmem>>, vector<16xi32>,
          %get3A_159 = arith.index_cast %multiple_of3A : i32 to index
          %get3A_160 = tpu.vector_load %arg8[%get3A_159] {strides = array<i32>} : memref<8192xi32, #tpu.memory_space<vmem>>, vector<16xi32>,
          %jit3A_161 = arith.constant 0 : i32
          %broadcast_in_dim3A_162 = vector.broadcast %jit3A_161 : i32 to vector<16xi32>
          %select_n3A_163 = arith.select %lt3A_151, %get3A_160, %broadcast_in_dim3A_162 : vector<16xi1>, vector<16xi32>
          %shift_right_arithmetic3A = arith.constant 14 : i32
          %shift_right_arithmetic3A_164 = vector.broadcast %shift_right_arithmetic3A : i32 to vector<16xi32>
          %shift_right_arithmetic3A_165 = arith.shrsi %select_n3A_163, %shift_right_arithmetic3A_164 : vector<16xi32>
          %mul3A_166 = arith.constant 65536 : i32
          %mul3A_167 = vector.broadcast %mul3A_166 : i32 to vector<16xi32>
          %mul3A_168 = arith.muli %shift_right_arithmetic3A_165, %mul3A_167 : vector<16xi32>
          %add3A_169 = arith.addi %select_n3A_163, %mul3A_168 : vector<16xi32>
          %add3A_170 = arith.constant 0 : i32
          %add3A_171 = vector.broadcast %add3A_170 : i32 to vector<16xi32>
          %add3A_172 = arith.addi %add3A_169, %add3A_171 : vector<16xi32>
          %swap3A_173 = arith.constant 0 : index
          %swap3A_174 = tpu.vector_load %arg12[%swap3A_173] {strides = array<i32>} : memref<640xi32, #tpu.memory_space<vmem>>, vector<16xi32>,
          tpu.vector_store %arg12[%swap3A_173], %add3A_172 {strides = array<i32>} : memref<640xi32, #tpu.memory_space<vmem>>, vector<16xi32>,
          %add3A_175 = arith.constant 16384 : i32
          %add3A_176 = vector.broadcast %add3A_175 : i32 to vector<16xi32>
          %add3A_177 = arith.addi %add3A_169, %add3A_176 : vector<16xi32>
          %swap3A_178 = arith.constant 128 : index
          %swap3A_179 = tpu.vector_load %arg12[%swap3A_178] {strides = array<i32>} : memref<640xi32, #tpu.memory_space<vmem>>, vector<16xi32>,
          tpu.vector_store %arg12[%swap3A_178], %add3A_177 {strides = array<i32>} : memref<640xi32, #tpu.memory_space<vmem>>, vector<16xi32>,
          %add3A_180 = arith.constant 32768 : i32
          %add3A_181 = vector.broadcast %add3A_180 : i32 to vector<16xi32>
          %add3A_182 = arith.addi %add3A_169, %add3A_181 : vector<16xi32>
          %swap3A_183 = arith.constant 256 : index
          %swap3A_184 = tpu.vector_load %arg12[%swap3A_183] {strides = array<i32>} : memref<640xi32, #tpu.memory_space<vmem>>, vector<16xi32>,
          tpu.vector_store %arg12[%swap3A_183], %add3A_182 {strides = array<i32>} : memref<640xi32, #tpu.memory_space<vmem>>, vector<16xi32>,
          %add3A_185 = arith.constant 49152 : i32
          %add3A_186 = vector.broadcast %add3A_185 : i32 to vector<16xi32>
          %add3A_187 = arith.addi %add3A_169, %add3A_186 : vector<16xi32>
          %swap3A_188 = arith.constant 384 : index
          %swap3A_189 = tpu.vector_load %arg12[%swap3A_188] {strides = array<i32>} : memref<640xi32, #tpu.memory_space<vmem>>, vector<16xi32>,
          tpu.vector_store %arg12[%swap3A_188], %add3A_187 {strides = array<i32>} : memref<640xi32, #tpu.memory_space<vmem>>, vector<16xi32>,
          %add3A_190 = arith.constant 65536 : i32
          %add3A_191 = vector.broadcast %add3A_190 : i32 to vector<16xi32>
          %add3A_192 = arith.addi %add3A_169, %add3A_191 : vector<16xi32>
          %swap3A_193 = arith.constant 512 : index
          %swap3A_194 = tpu.vector_load %arg12[%swap3A_193] {strides = array<i32>} : memref<640xi32, #tpu.memory_space<vmem>>, vector<16xi32>,
          tpu.vector_store %arg12[%swap3A_193], %add3A_192 {strides = array<i32>} : memref<640xi32, #tpu.memory_space<vmem>>, vector<16xi32>,
          %mul3A_195 = arith.constant 128 : i32
          %mul3A_196 = arith.muli %while3A_139, %mul3A_195 : i32
          %add3A_197 = arith.constant 16 : i32
          %add3A_198 = arith.addi %mul3A_196, %add3A_197 : i32
          %multiple_of3A_199 = tpu.assume_multiple %add3A_198, 16 : i32
          %mul3A_200 = arith.constant 128 : i32
          %mul3A_201 = arith.muli %while3A_139, %mul3A_200 : i32
          %add3A_202 = arith.constant 16 : i32
          %add3A_203 = arith.addi %mul3A_201, %add3A_202 : i32
          %add3A_204 = vector.broadcast %add3A_203 : i32 to vector<16xi32>
          %add3A_205 = arith.addi %add3A_204, %iota3A : vector<16xi32>
          %lt3A_206 = vector.broadcast %scan3A_98 : i32 to vector<16xi32>
          %lt3A_207 = arith.cmpi slt, %add3A_205, %lt3A_206 : vector<16xi32>
          %get3A_208 = arith.index_cast %multiple_of3A_199 : i32 to index
          %get3A_209 = tpu.vector_load %arg7[%get3A_208] {strides = array<i32>} : memref<8192xi32, #tpu.memory_space<vmem>>, vector<16xi32>,
          %jit3A_210 = arith.constant 0 : i32
          %broadcast_in_dim3A_211 = vector.broadcast %jit3A_210 : i32 to vector<16xi32>
          %select_n3A_212 = arith.select %lt3A_207, %get3A_209, %broadcast_in_dim3A_211 : vector<16xi1>, vector<16xi32>
          %swap3A_213 = arith.constant 16 : index
          %swap3A_214 = tpu.vector_load %arg11[%swap3A_213] {strides = array<i32>} : memref<128xi32, #tpu.memory_space<vmem>>, vector<16xi32>,
          tpu.vector_store %arg11[%swap3A_213], %select_n3A_212 {strides = array<i32>} : memref<128xi32, #tpu.memory_space<vmem>>, vector<16xi32>,
          %get3A_215 = arith.index_cast %multiple_of3A_199 : i32 to index
          %get3A_216 = tpu.vector_load %arg8[%get3A_215] {strides = array<i32>} : memref<8192xi32, #tpu.memory_space<vmem>>, vector<16xi32>,
          %jit3A_217 = arith.constant 0 : i32
          %broadcast_in_dim3A_218 = vector.broadcast %jit3A_217 : i32 to vector<16xi32>
          %select_n3A_219 = arith.select %lt3A_207, %get3A_216, %broadcast_in_dim3A_218 : vector<16xi1>, vector<16xi32>
          %shift_right_arithmetic3A_220 = arith.constant 14 : i32
          %shift_right_arithmetic3A_221 = vector.broadcast %shift_right_arithmetic3A_220 : i32 to vector<16xi32>
          %shift_right_arithmetic3A_222 = arith.shrsi %select_n3A_219, %shift_right_arithmetic3A_221 : vector<16xi32>
          %mul3A_223 = arith.constant 65536 : i32
          %mul3A_224 = vector.broadcast %mul3A_223 : i32 to vector<16xi32>
          %mul3A_225 = arith.muli %shift_right_arithmetic3A_222, %mul3A_224 : vector<16xi32>
          %add3A_226 = arith.addi %select_n3A_219, %mul3A_225 : vector<16xi32>
          %add3A_227 = arith.constant 0 : i32
          %add3A_228 = vector.broadcast %add3A_227 : i32 to vector<16xi32>
          %add3A_229 = arith.addi %add3A_226, %add3A_228 : vector<16xi32>
          %swap3A_230 = arith.constant 16 : index
          %swap3A_231 = tpu.vector_load %arg12[%swap3A_230] {strides = array<i32>} : memref<640xi32, #tpu.memory_space<vmem>>, vector<16xi32>,
          tpu.vector_store %arg12[%swap3A_230], %add3A_229 {strides = array<i32>} : memref<640xi32, #tpu.memory_space<vmem>>, vector<16xi32>,
          %add3A_232 = arith.constant 16384 : i32
          %add3A_233 = vector.broadcast %add3A_232 : i32 to vector<16xi32>
          %add3A_234 = arith.addi %add3A_226, %add3A_233 : vector<16xi32>
          %swap3A_235 = arith.constant 144 : index
          %swap3A_236 = tpu.vector_load %arg12[%swap3A_235] {strides = array<i32>} : memref<640xi32, #tpu.memory_space<vmem>>, vector<16xi32>,
          tpu.vector_store %arg12[%swap3A_235], %add3A_234 {strides = array<i32>} : memref<640xi32, #tpu.memory_space<vmem>>, vector<16xi32>,
          %add3A_237 = arith.constant 32768 : i32
          %add3A_238 = vector.broadcast %add3A_237 : i32 to vector<16xi32>
          %add3A_239 = arith.addi %add3A_226, %add3A_238 : vector<16xi32>
          %swap3A_240 = arith.constant 272 : index
          %swap3A_241 = tpu.vector_load %arg12[%swap3A_240] {strides = array<i32>} : memref<640xi32, #tpu.memory_space<vmem>>, vector<16xi32>,
          tpu.vector_store %arg12[%swap3A_240], %add3A_239 {strides = array<i32>} : memref<640xi32, #tpu.memory_space<vmem>>, vector<16xi32>,
          %add3A_242 = arith.constant 49152 : i32
          %add3A_243 = vector.broadcast %add3A_242 : i32 to vector<16xi32>
          %add3A_244 = arith.addi %add3A_226, %add3A_243 : vector<16xi32>
          %swap3A_245 = arith.constant 400 : index
          %swap3A_246 = tpu.vector_load %arg12[%swap3A_245] {strides = array<i32>} : memref<640xi32, #tpu.memory_space<vmem>>, vector<16xi32>,
          tpu.vector_store %arg12[%swap3A_245], %add3A_244 {strides = array<i32>} : memref<640xi32, #tpu.memory_space<vmem>>, vector<16xi32>,
          %add3A_247 = arith.constant 65536 : i32
          %add3A_248 = vector.broadcast %add3A_247 : i32 to vector<16xi32>
          %add3A_249 = arith.addi %add3A_226, %add3A_248 : vector<16xi32>
          %swap3A_250 = arith.constant 528 : index
          %swap3A_251 = tpu.vector_load %arg12[%swap3A_250] {strides = array<i32>} : memref<640xi32, #tpu.memory_space<vmem>>, vector<16xi32>,
          tpu.vector_store %arg12[%swap3A_250], %add3A_249 {strides = array<i32>} : memref<640xi32, #tpu.memory_space<vmem>>, vector<16xi32>,
          %mul3A_252 = arith.constant 128 : i32
          %mul3A_253 = arith.muli %while3A_139, %mul3A_252 : i32
          %add3A_254 = arith.constant 32 : i32
          %add3A_255 = arith.addi %mul3A_253, %add3A_254 : i32
          %multiple_of3A_256 = tpu.assume_multiple %add3A_255, 16 : i32
          %mul3A_257 = arith.constant 128 : i32
          %mul3A_258 = arith.muli %while3A_139, %mul3A_257 : i32
          %add3A_259 = arith.constant 32 : i32
          %add3A_260 = arith.addi %mul3A_258, %add3A_259 : i32
          %add3A_261 = vector.broadcast %add3A_260 : i32 to vector<16xi32>
          %add3A_262 = arith.addi %add3A_261, %iota3A : vector<16xi32>
          %lt3A_263 = vector.broadcast %scan3A_98 : i32 to vector<16xi32>
          %lt3A_264 = arith.cmpi slt, %add3A_262, %lt3A_263 : vector<16xi32>
          %get3A_265 = arith.index_cast %multiple_of3A_256 : i32 to index
          %get3A_266 = tpu.vector_load %arg7[%get3A_265] {strides = array<i32>} : memref<8192xi32, #tpu.memory_space<vmem>>, vector<16xi32>,
          %jit3A_267 = arith.constant 0 : i32
          %broadcast_in_dim3A_268 = vector.broadcast %jit3A_267 : i32 to vector<16xi32>
          %select_n3A_269 = arith.select %lt3A_264, %get3A_266, %broadcast_in_dim3A_268 : vector<16xi1>, vector<16xi32>
          %swap3A_270 = arith.constant 32 : index
          %swap3A_271 = tpu.vector_load %arg11[%swap3A_270] {strides = array<i32>} : memref<128xi32, #tpu.memory_space<vmem>>, vector<16xi32>,
          tpu.vector_store %arg11[%swap3A_270], %select_n3A_269 {strides = array<i32>} : memref<128xi32, #tpu.memory_space<vmem>>, vector<16xi32>,
          %get3A_272 = arith.index_cast %multiple_of3A_256 : i32 to index
          %get3A_273 = tpu.vector_load %arg8[%get3A_272] {strides = array<i32>} : memref<8192xi32, #tpu.memory_space<vmem>>, vector<16xi32>,
          %jit3A_274 = arith.constant 0 : i32
          %broadcast_in_dim3A_275 = vector.broadcast %jit3A_274 : i32 to vector<16xi32>
          %select_n3A_276 = arith.select %lt3A_264, %get3A_273, %broadcast_in_dim3A_275 : vector<16xi1>, vector<16xi32>
          %shift_right_arithmetic3A_277 = arith.constant 14 : i32
          %shift_right_arithmetic3A_278 = vector.broadcast %shift_right_arithmetic3A_277 : i32 to vector<16xi32>
          %shift_right_arithmetic3A_279 = arith.shrsi %select_n3A_276, %shift_right_arithmetic3A_278 : vector<16xi32>
          %mul3A_280 = arith.constant 65536 : i32
          %mul3A_281 = vector.broadcast %mul3A_280 : i32 to vector<16xi32>
          %mul3A_282 = arith.muli %shift_right_arithmetic3A_279, %mul3A_281 : vector<16xi32>
          %add3A_283 = arith.addi %select_n3A_276, %mul3A_282 : vector<16xi32>
          %add3A_284 = arith.constant 0 : i32
          %add3A_285 = vector.broadcast %add3A_284 : i32 to vector<16xi32>
          %add3A_286 = arith.addi %add3A_283, %add3A_285 : vector<16xi32>
          %swap3A_287 = arith.constant 32 : index
          %swap3A_288 = tpu.vector_load %arg12[%swap3A_287] {strides = array<i32>} : memref<640xi32, #tpu.memory_space<vmem>>, vector<16xi32>,
          tpu.vector_store %arg12[%swap3A_287], %add3A_286 {strides = array<i32>} : memref<640xi32, #tpu.memory_space<vmem>>, vector<16xi32>,
          %add3A_289 = arith.constant 16384 : i32
          %add3A_290 = vector.broadcast %add3A_289 : i32 to vector<16xi32>
          %add3A_291 = arith.addi %add3A_283, %add3A_290 : vector<16xi32>
          %swap3A_292 = arith.constant 160 : index
          %swap3A_293 = tpu.vector_load %arg12[%swap3A_292] {strides = array<i32>} : memref<640xi32, #tpu.memory_space<vmem>>, vector<16xi32>,
          tpu.vector_store %arg12[%swap3A_292], %add3A_291 {strides = array<i32>} : memref<640xi32, #tpu.memory_space<vmem>>, vector<16xi32>,
          %add3A_294 = arith.constant 32768 : i32
          %add3A_295 = vector.broadcast %add3A_294 : i32 to vector<16xi32>
          %add3A_296 = arith.addi %add3A_283, %add3A_295 : vector<16xi32>
          %swap3A_297 = arith.constant 288 : index
          %swap3A_298 = tpu.vector_load %arg12[%swap3A_297] {strides = array<i32>} : memref<640xi32, #tpu.memory_space<vmem>>, vector<16xi32>,
          tpu.vector_store %arg12[%swap3A_297], %add3A_296 {strides = array<i32>} : memref<640xi32, #tpu.memory_space<vmem>>, vector<16xi32>,
          %add3A_299 = arith.constant 49152 : i32
          %add3A_300 = vector.broadcast %add3A_299 : i32 to vector<16xi32>
          %add3A_301 = arith.addi %add3A_283, %add3A_300 : vector<16xi32>
          %swap3A_302 = arith.constant 416 : index
          %swap3A_303 = tpu.vector_load %arg12[%swap3A_302] {strides = array<i32>} : memref<640xi32, #tpu.memory_space<vmem>>, vector<16xi32>,
          tpu.vector_store %arg12[%swap3A_302], %add3A_301 {strides = array<i32>} : memref<640xi32, #tpu.memory_space<vmem>>, vector<16xi32>,
          %add3A_304 = arith.constant 65536 : i32
          %add3A_305 = vector.broadcast %add3A_304 : i32 to vector<16xi32>
          %add3A_306 = arith.addi %add3A_283, %add3A_305 : vector<16xi32>
          %swap3A_307 = arith.constant 544 : index
          %swap3A_308 = tpu.vector_load %arg12[%swap3A_307] {strides = array<i32>} : memref<640xi32, #tpu.memory_space<vmem>>, vector<16xi32>,
          tpu.vector_store %arg12[%swap3A_307], %add3A_306 {strides = array<i32>} : memref<640xi32, #tpu.memory_space<vmem>>, vector<16xi32>,
          %mul3A_309 = arith.constant 128 : i32
          %mul3A_310 = arith.muli %while3A_139, %mul3A_309 : i32
          %add3A_311 = arith.constant 48 : i32
          %add3A_312 = arith.addi %mul3A_310, %add3A_311 : i32
          %multiple_of3A_313 = tpu.assume_multiple %add3A_312, 16 : i32
          %mul3A_314 = arith.constant 128 : i32
          %mul3A_315 = arith.muli %while3A_139, %mul3A_314 : i32
          %add3A_316 = arith.constant 48 : i32
          %add3A_317 = arith.addi %mul3A_315, %add3A_316 : i32
          %add3A_318 = vector.broadcast %add3A_317 : i32 to vector<16xi32>
          %add3A_319 = arith.addi %add3A_318, %iota3A : vector<16xi32>
          %lt3A_320 = vector.broadcast %scan3A_98 : i32 to vector<16xi32>
          %lt3A_321 = arith.cmpi slt, %add3A_319, %lt3A_320 : vector<16xi32>
          %get3A_322 = arith.index_cast %multiple_of3A_313 : i32 to index
          %get3A_323 = tpu.vector_load %arg7[%get3A_322] {strides = array<i32>} : memref<8192xi32, #tpu.memory_space<vmem>>, vector<16xi32>,
          %jit3A_324 = arith.constant 0 : i32
          %broadcast_in_dim3A_325 = vector.broadcast %jit3A_324 : i32 to vector<16xi32>
          %select_n3A_326 = arith.select %lt3A_321, %get3A_323, %broadcast_in_dim3A_325 : vector<16xi1>, vector<16xi32>
          %swap3A_327 = arith.constant 48 : index
          %swap3A_328 = tpu.vector_load %arg11[%swap3A_327] {strides = array<i32>} : memref<128xi32, #tpu.memory_space<vmem>>, vector<16xi32>,
          tpu.vector_store %arg11[%swap3A_327], %select_n3A_326 {strides = array<i32>} : memref<128xi32, #tpu.memory_space<vmem>>, vector<16xi32>,
          %get3A_329 = arith.index_cast %multiple_of3A_313 : i32 to index
          %get3A_330 = tpu.vector_load %arg8[%get3A_329] {strides = array<i32>} : memref<8192xi32, #tpu.memory_space<vmem>>, vector<16xi32>,
          %jit3A_331 = arith.constant 0 : i32
          %broadcast_in_dim3A_332 = vector.broadcast %jit3A_331 : i32 to vector<16xi32>
          %select_n3A_333 = arith.select %lt3A_321, %get3A_330, %broadcast_in_dim3A_332 : vector<16xi1>, vector<16xi32>
          %shift_right_arithmetic3A_334 = arith.constant 14 : i32
          %shift_right_arithmetic3A_335 = vector.broadcast %shift_right_arithmetic3A_334 : i32 to vector<16xi32>
          %shift_right_arithmetic3A_336 = arith.shrsi %select_n3A_333, %shift_right_arithmetic3A_335 : vector<16xi32>
          %mul3A_337 = arith.constant 65536 : i32
          %mul3A_338 = vector.broadcast %mul3A_337 : i32 to vector<16xi32>
          %mul3A_339 = arith.muli %shift_right_arithmetic3A_336, %mul3A_338 : vector<16xi32>
          %add3A_340 = arith.addi %select_n3A_333, %mul3A_339 : vector<16xi32>
          %add3A_341 = arith.constant 0 : i32
          %add3A_342 = vector.broadcast %add3A_341 : i32 to vector<16xi32>
          %add3A_343 = arith.addi %add3A_340, %add3A_342 : vector<16xi32>
          %swap3A_344 = arith.constant 48 : index
          %swap3A_345 = tpu.vector_load %arg12[%swap3A_344] {strides = array<i32>} : memref<640xi32, #tpu.memory_space<vmem>>, vector<16xi32>,
          tpu.vector_store %arg12[%swap3A_344], %add3A_343 {strides = array<i32>} : memref<640xi32, #tpu.memory_space<vmem>>, vector<16xi32>,
          %add3A_346 = arith.constant 16384 : i32
          %add3A_347 = vector.broadcast %add3A_346 : i32 to vector<16xi32>
          %add3A_348 = arith.addi %add3A_340, %add3A_347 : vector<16xi32>
          %swap3A_349 = arith.constant 176 : index
          %swap3A_350 = tpu.vector_load %arg12[%swap3A_349] {strides = array<i32>} : memref<640xi32, #tpu.memory_space<vmem>>, vector<16xi32>,
          tpu.vector_store %arg12[%swap3A_349], %add3A_348 {strides = array<i32>} : memref<640xi32, #tpu.memory_space<vmem>>, vector<16xi32>,
          %add3A_351 = arith.constant 32768 : i32
          %add3A_352 = vector.broadcast %add3A_351 : i32 to vector<16xi32>
          %add3A_353 = arith.addi %add3A_340, %add3A_352 : vector<16xi32>
          %swap3A_354 = arith.constant 304 : index
          %swap3A_355 = tpu.vector_load %arg12[%swap3A_354] {strides = array<i32>} : memref<640xi32, #tpu.memory_space<vmem>>, vector<16xi32>,
          tpu.vector_store %arg12[%swap3A_354], %add3A_353 {strides = array<i32>} : memref<640xi32, #tpu.memory_space<vmem>>, vector<16xi32>,
          %add3A_356 = arith.constant 49152 : i32
          %add3A_357 = vector.broadcast %add3A_356 : i32 to vector<16xi32>
          %add3A_358 = arith.addi %add3A_340, %add3A_357 : vector<16xi32>
          %swap3A_359 = arith.constant 432 : index
          %swap3A_360 = tpu.vector_load %arg12[%swap3A_359] {strides = array<i32>} : memref<640xi32, #tpu.memory_space<vmem>>, vector<16xi32>,
          tpu.vector_store %arg12[%swap3A_359], %add3A_358 {strides = array<i32>} : memref<640xi32, #tpu.memory_space<vmem>>, vector<16xi32>,
          %add3A_361 = arith.constant 65536 : i32
          %add3A_362 = vector.broadcast %add3A_361 : i32 to vector<16xi32>
          %add3A_363 = arith.addi %add3A_340, %add3A_362 : vector<16xi32>
          %swap3A_364 = arith.constant 560 : index
          %swap3A_365 = tpu.vector_load %arg12[%swap3A_364] {strides = array<i32>} : memref<640xi32, #tpu.memory_space<vmem>>, vector<16xi32>,
          tpu.vector_store %arg12[%swap3A_364], %add3A_363 {strides = array<i32>} : memref<640xi32, #tpu.memory_space<vmem>>, vector<16xi32>,
          %mul3A_366 = arith.constant 128 : i32
          %mul3A_367 = arith.muli %while3A_139, %mul3A_366 : i32
          %add3A_368 = arith.constant 64 : i32
          %add3A_369 = arith.addi %mul3A_367, %add3A_368 : i32
          %multiple_of3A_370 = tpu.assume_multiple %add3A_369, 16 : i32
          %mul3A_371 = arith.constant 128 : i32
          %mul3A_372 = arith.muli %while3A_139, %mul3A_371 : i32
          %add3A_373 = arith.constant 64 : i32
          %add3A_374 = arith.addi %mul3A_372, %add3A_373 : i32
          %add3A_375 = vector.broadcast %add3A_374 : i32 to vector<16xi32>
          %add3A_376 = arith.addi %add3A_375, %iota3A : vector<16xi32>
          %lt3A_377 = vector.broadcast %scan3A_98 : i32 to vector<16xi32>
          %lt3A_378 = arith.cmpi slt, %add3A_376, %lt3A_377 : vector<16xi32>
          %get3A_379 = arith.index_cast %multiple_of3A_370 : i32 to index
          %get3A_380 = tpu.vector_load %arg7[%get3A_379] {strides = array<i32>} : memref<8192xi32, #tpu.memory_space<vmem>>, vector<16xi32>,
          %jit3A_381 = arith.constant 0 : i32
          %broadcast_in_dim3A_382 = vector.broadcast %jit3A_381 : i32 to vector<16xi32>
          %select_n3A_383 = arith.select %lt3A_378, %get3A_380, %broadcast_in_dim3A_382 : vector<16xi1>, vector<16xi32>
          %swap3A_384 = arith.constant 64 : index
          %swap3A_385 = tpu.vector_load %arg11[%swap3A_384] {strides = array<i32>} : memref<128xi32, #tpu.memory_space<vmem>>, vector<16xi32>,
          tpu.vector_store %arg11[%swap3A_384], %select_n3A_383 {strides = array<i32>} : memref<128xi32, #tpu.memory_space<vmem>>, vector<16xi32>,
          %get3A_386 = arith.index_cast %multiple_of3A_370 : i32 to index
          %get3A_387 = tpu.vector_load %arg8[%get3A_386] {strides = array<i32>} : memref<8192xi32, #tpu.memory_space<vmem>>, vector<16xi32>,
          %jit3A_388 = arith.constant 0 : i32
          %broadcast_in_dim3A_389 = vector.broadcast %jit3A_388 : i32 to vector<16xi32>
          %select_n3A_390 = arith.select %lt3A_378, %get3A_387, %broadcast_in_dim3A_389 : vector<16xi1>, vector<16xi32>
          %shift_right_arithmetic3A_391 = arith.constant 14 : i32
          %shift_right_arithmetic3A_392 = vector.broadcast %shift_right_arithmetic3A_391 : i32 to vector<16xi32>
          %shift_right_arithmetic3A_393 = arith.shrsi %select_n3A_390, %shift_right_arithmetic3A_392 : vector<16xi32>
          %mul3A_394 = arith.constant 65536 : i32
          %mul3A_395 = vector.broadcast %mul3A_394 : i32 to vector<16xi32>
          %mul3A_396 = arith.muli %shift_right_arithmetic3A_393, %mul3A_395 : vector<16xi32>
          %add3A_397 = arith.addi %select_n3A_390, %mul3A_396 : vector<16xi32>
          %add3A_398 = arith.constant 0 : i32
          %add3A_399 = vector.broadcast %add3A_398 : i32 to vector<16xi32>
          %add3A_400 = arith.addi %add3A_397, %add3A_399 : vector<16xi32>
          %swap3A_401 = arith.constant 64 : index
          %swap3A_402 = tpu.vector_load %arg12[%swap3A_401] {strides = array<i32>} : memref<640xi32, #tpu.memory_space<vmem>>, vector<16xi32>,
          tpu.vector_store %arg12[%swap3A_401], %add3A_400 {strides = array<i32>} : memref<640xi32, #tpu.memory_space<vmem>>, vector<16xi32>,
          %add3A_403 = arith.constant 16384 : i32
          %add3A_404 = vector.broadcast %add3A_403 : i32 to vector<16xi32>
          %add3A_405 = arith.addi %add3A_397, %add3A_404 : vector<16xi32>
          %swap3A_406 = arith.constant 192 : index
          %swap3A_407 = tpu.vector_load %arg12[%swap3A_406] {strides = array<i32>} : memref<640xi32, #tpu.memory_space<vmem>>, vector<16xi32>,
          tpu.vector_store %arg12[%swap3A_406], %add3A_405 {strides = array<i32>} : memref<640xi32, #tpu.memory_space<vmem>>, vector<16xi32>,
          %add3A_408 = arith.constant 32768 : i32
          %add3A_409 = vector.broadcast %add3A_408 : i32 to vector<16xi32>
          %add3A_410 = arith.addi %add3A_397, %add3A_409 : vector<16xi32>
          %swap3A_411 = arith.constant 320 : index
          %swap3A_412 = tpu.vector_load %arg12[%swap3A_411] {strides = array<i32>} : memref<640xi32, #tpu.memory_space<vmem>>, vector<16xi32>,
          tpu.vector_store %arg12[%swap3A_411], %add3A_410 {strides = array<i32>} : memref<640xi32, #tpu.memory_space<vmem>>, vector<16xi32>,
          %add3A_413 = arith.constant 49152 : i32
          %add3A_414 = vector.broadcast %add3A_413 : i32 to vector<16xi32>
          %add3A_415 = arith.addi %add3A_397, %add3A_414 : vector<16xi32>
          %swap3A_416 = arith.constant 448 : index
          %swap3A_417 = tpu.vector_load %arg12[%swap3A_416] {strides = array<i32>} : memref<640xi32, #tpu.memory_space<vmem>>, vector<16xi32>,
          tpu.vector_store %arg12[%swap3A_416], %add3A_415 {strides = array<i32>} : memref<640xi32, #tpu.memory_space<vmem>>, vector<16xi32>,
          %add3A_418 = arith.constant 65536 : i32
          %add3A_419 = vector.broadcast %add3A_418 : i32 to vector<16xi32>
          %add3A_420 = arith.addi %add3A_397, %add3A_419 : vector<16xi32>
          %swap3A_421 = arith.constant 576 : index
          %swap3A_422 = tpu.vector_load %arg12[%swap3A_421] {strides = array<i32>} : memref<640xi32, #tpu.memory_space<vmem>>, vector<16xi32>,
          tpu.vector_store %arg12[%swap3A_421], %add3A_420 {strides = array<i32>} : memref<640xi32, #tpu.memory_space<vmem>>, vector<16xi32>,
          %mul3A_423 = arith.constant 128 : i32
          %mul3A_424 = arith.muli %while3A_139, %mul3A_423 : i32
          %add3A_425 = arith.constant 80 : i32
          %add3A_426 = arith.addi %mul3A_424, %add3A_425 : i32
          %multiple_of3A_427 = tpu.assume_multiple %add3A_426, 16 : i32
          %mul3A_428 = arith.constant 128 : i32
          %mul3A_429 = arith.muli %while3A_139, %mul3A_428 : i32
          %add3A_430 = arith.constant 80 : i32
          %add3A_431 = arith.addi %mul3A_429, %add3A_430 : i32
          %add3A_432 = vector.broadcast %add3A_431 : i32 to vector<16xi32>
          %add3A_433 = arith.addi %add3A_432, %iota3A : vector<16xi32>
          %lt3A_434 = vector.broadcast %scan3A_98 : i32 to vector<16xi32>
          %lt3A_435 = arith.cmpi slt, %add3A_433, %lt3A_434 : vector<16xi32>
          %get3A_436 = arith.index_cast %multiple_of3A_427 : i32 to index
          %get3A_437 = tpu.vector_load %arg7[%get3A_436] {strides = array<i32>} : memref<8192xi32, #tpu.memory_space<vmem>>, vector<16xi32>,
          %jit3A_438 = arith.constant 0 : i32
          %broadcast_in_dim3A_439 = vector.broadcast %jit3A_438 : i32 to vector<16xi32>
          %select_n3A_440 = arith.select %lt3A_435, %get3A_437, %broadcast_in_dim3A_439 : vector<16xi1>, vector<16xi32>
          %swap3A_441 = arith.constant 80 : index
          %swap3A_442 = tpu.vector_load %arg11[%swap3A_441] {strides = array<i32>} : memref<128xi32, #tpu.memory_space<vmem>>, vector<16xi32>,
          tpu.vector_store %arg11[%swap3A_441], %select_n3A_440 {strides = array<i32>} : memref<128xi32, #tpu.memory_space<vmem>>, vector<16xi32>,
          %get3A_443 = arith.index_cast %multiple_of3A_427 : i32 to index
          %get3A_444 = tpu.vector_load %arg8[%get3A_443] {strides = array<i32>} : memref<8192xi32, #tpu.memory_space<vmem>>, vector<16xi32>,
          %jit3A_445 = arith.constant 0 : i32
          %broadcast_in_dim3A_446 = vector.broadcast %jit3A_445 : i32 to vector<16xi32>
          %select_n3A_447 = arith.select %lt3A_435, %get3A_444, %broadcast_in_dim3A_446 : vector<16xi1>, vector<16xi32>
          %shift_right_arithmetic3A_448 = arith.constant 14 : i32
          %shift_right_arithmetic3A_449 = vector.broadcast %shift_right_arithmetic3A_448 : i32 to vector<16xi32>
          %shift_right_arithmetic3A_450 = arith.shrsi %select_n3A_447, %shift_right_arithmetic3A_449 : vector<16xi32>
          %mul3A_451 = arith.constant 65536 : i32
          %mul3A_452 = vector.broadcast %mul3A_451 : i32 to vector<16xi32>
          %mul3A_453 = arith.muli %shift_right_arithmetic3A_450, %mul3A_452 : vector<16xi32>
          %add3A_454 = arith.addi %select_n3A_447, %mul3A_453 : vector<16xi32>
          %add3A_455 = arith.constant 0 : i32
          %add3A_456 = vector.broadcast %add3A_455 : i32 to vector<16xi32>
          %add3A_457 = arith.addi %add3A_454, %add3A_456 : vector<16xi32>
          %swap3A_458 = arith.constant 80 : index
          %swap3A_459 = tpu.vector_load %arg12[%swap3A_458] {strides = array<i32>} : memref<640xi32, #tpu.memory_space<vmem>>, vector<16xi32>,
          tpu.vector_store %arg12[%swap3A_458], %add3A_457 {strides = array<i32>} : memref<640xi32, #tpu.memory_space<vmem>>, vector<16xi32>,
          %add3A_460 = arith.constant 16384 : i32
          %add3A_461 = vector.broadcast %add3A_460 : i32 to vector<16xi32>
          %add3A_462 = arith.addi %add3A_454, %add3A_461 : vector<16xi32>
          %swap3A_463 = arith.constant 208 : index
          %swap3A_464 = tpu.vector_load %arg12[%swap3A_463] {strides = array<i32>} : memref<640xi32, #tpu.memory_space<vmem>>, vector<16xi32>,
          tpu.vector_store %arg12[%swap3A_463], %add3A_462 {strides = array<i32>} : memref<640xi32, #tpu.memory_space<vmem>>, vector<16xi32>,
          %add3A_465 = arith.constant 32768 : i32
          %add3A_466 = vector.broadcast %add3A_465 : i32 to vector<16xi32>
          %add3A_467 = arith.addi %add3A_454, %add3A_466 : vector<16xi32>
          %swap3A_468 = arith.constant 336 : index
          %swap3A_469 = tpu.vector_load %arg12[%swap3A_468] {strides = array<i32>} : memref<640xi32, #tpu.memory_space<vmem>>, vector<16xi32>,
          tpu.vector_store %arg12[%swap3A_468], %add3A_467 {strides = array<i32>} : memref<640xi32, #tpu.memory_space<vmem>>, vector<16xi32>,
          %add3A_470 = arith.constant 49152 : i32
          %add3A_471 = vector.broadcast %add3A_470 : i32 to vector<16xi32>
          %add3A_472 = arith.addi %add3A_454, %add3A_471 : vector<16xi32>
          %swap3A_473 = arith.constant 464 : index
          %swap3A_474 = tpu.vector_load %arg12[%swap3A_473] {strides = array<i32>} : memref<640xi32, #tpu.memory_space<vmem>>, vector<16xi32>,
          tpu.vector_store %arg12[%swap3A_473], %add3A_472 {strides = array<i32>} : memref<640xi32, #tpu.memory_space<vmem>>, vector<16xi32>,
          %add3A_475 = arith.constant 65536 : i32
          %add3A_476 = vector.broadcast %add3A_475 : i32 to vector<16xi32>
          %add3A_477 = arith.addi %add3A_454, %add3A_476 : vector<16xi32>
          %swap3A_478 = arith.constant 592 : index
          %swap3A_479 = tpu.vector_load %arg12[%swap3A_478] {strides = array<i32>} : memref<640xi32, #tpu.memory_space<vmem>>, vector<16xi32>,
          tpu.vector_store %arg12[%swap3A_478], %add3A_477 {strides = array<i32>} : memref<640xi32, #tpu.memory_space<vmem>>, vector<16xi32>,
          %mul3A_480 = arith.constant 128 : i32
          %mul3A_481 = arith.muli %while3A_139, %mul3A_480 : i32
          %add3A_482 = arith.constant 96 : i32
          %add3A_483 = arith.addi %mul3A_481, %add3A_482 : i32
          %multiple_of3A_484 = tpu.assume_multiple %add3A_483, 16 : i32
          %mul3A_485 = arith.constant 128 : i32
          %mul3A_486 = arith.muli %while3A_139, %mul3A_485 : i32
          %add3A_487 = arith.constant 96 : i32
          %add3A_488 = arith.addi %mul3A_486, %add3A_487 : i32
          %add3A_489 = vector.broadcast %add3A_488 : i32 to vector<16xi32>
          %add3A_490 = arith.addi %add3A_489, %iota3A : vector<16xi32>
          %lt3A_491 = vector.broadcast %scan3A_98 : i32 to vector<16xi32>
          %lt3A_492 = arith.cmpi slt, %add3A_490, %lt3A_491 : vector<16xi32>
          %get3A_493 = arith.index_cast %multiple_of3A_484 : i32 to index
          %get3A_494 = tpu.vector_load %arg7[%get3A_493] {strides = array<i32>} : memref<8192xi32, #tpu.memory_space<vmem>>, vector<16xi32>,
          %jit3A_495 = arith.constant 0 : i32
          %broadcast_in_dim3A_496 = vector.broadcast %jit3A_495 : i32 to vector<16xi32>
          %select_n3A_497 = arith.select %lt3A_492, %get3A_494, %broadcast_in_dim3A_496 : vector<16xi1>, vector<16xi32>
          %swap3A_498 = arith.constant 96 : index
          %swap3A_499 = tpu.vector_load %arg11[%swap3A_498] {strides = array<i32>} : memref<128xi32, #tpu.memory_space<vmem>>, vector<16xi32>,
          tpu.vector_store %arg11[%swap3A_498], %select_n3A_497 {strides = array<i32>} : memref<128xi32, #tpu.memory_space<vmem>>, vector<16xi32>,
          %get3A_500 = arith.index_cast %multiple_of3A_484 : i32 to index
          %get3A_501 = tpu.vector_load %arg8[%get3A_500] {strides = array<i32>} : memref<8192xi32, #tpu.memory_space<vmem>>, vector<16xi32>,
          %jit3A_502 = arith.constant 0 : i32
          %broadcast_in_dim3A_503 = vector.broadcast %jit3A_502 : i32 to vector<16xi32>
          %select_n3A_504 = arith.select %lt3A_492, %get3A_501, %broadcast_in_dim3A_503 : vector<16xi1>, vector<16xi32>
          %shift_right_arithmetic3A_505 = arith.constant 14 : i32
          %shift_right_arithmetic3A_506 = vector.broadcast %shift_right_arithmetic3A_505 : i32 to vector<16xi32>
          %shift_right_arithmetic3A_507 = arith.shrsi %select_n3A_504, %shift_right_arithmetic3A_506 : vector<16xi32>
          %mul3A_508 = arith.constant 65536 : i32
          %mul3A_509 = vector.broadcast %mul3A_508 : i32 to vector<16xi32>
          %mul3A_510 = arith.muli %shift_right_arithmetic3A_507, %mul3A_509 : vector<16xi32>
          %add3A_511 = arith.addi %select_n3A_504, %mul3A_510 : vector<16xi32>
          %add3A_512 = arith.constant 0 : i32
          %add3A_513 = vector.broadcast %add3A_512 : i32 to vector<16xi32>
          %add3A_514 = arith.addi %add3A_511, %add3A_513 : vector<16xi32>
          %swap3A_515 = arith.constant 96 : index
          %swap3A_516 = tpu.vector_load %arg12[%swap3A_515] {strides = array<i32>} : memref<640xi32, #tpu.memory_space<vmem>>, vector<16xi32>,
          tpu.vector_store %arg12[%swap3A_515], %add3A_514 {strides = array<i32>} : memref<640xi32, #tpu.memory_space<vmem>>, vector<16xi32>,
          %add3A_517 = arith.constant 16384 : i32
          %add3A_518 = vector.broadcast %add3A_517 : i32 to vector<16xi32>
          %add3A_519 = arith.addi %add3A_511, %add3A_518 : vector<16xi32>
          %swap3A_520 = arith.constant 224 : index
          %swap3A_521 = tpu.vector_load %arg12[%swap3A_520] {strides = array<i32>} : memref<640xi32, #tpu.memory_space<vmem>>, vector<16xi32>,
          tpu.vector_store %arg12[%swap3A_520], %add3A_519 {strides = array<i32>} : memref<640xi32, #tpu.memory_space<vmem>>, vector<16xi32>,
          %add3A_522 = arith.constant 32768 : i32
          %add3A_523 = vector.broadcast %add3A_522 : i32 to vector<16xi32>
          %add3A_524 = arith.addi %add3A_511, %add3A_523 : vector<16xi32>
          %swap3A_525 = arith.constant 352 : index
          %swap3A_526 = tpu.vector_load %arg12[%swap3A_525] {strides = array<i32>} : memref<640xi32, #tpu.memory_space<vmem>>, vector<16xi32>,
          tpu.vector_store %arg12[%swap3A_525], %add3A_524 {strides = array<i32>} : memref<640xi32, #tpu.memory_space<vmem>>, vector<16xi32>,
          %add3A_527 = arith.constant 49152 : i32
          %add3A_528 = vector.broadcast %add3A_527 : i32 to vector<16xi32>
          %add3A_529 = arith.addi %add3A_511, %add3A_528 : vector<16xi32>
          %swap3A_530 = arith.constant 480 : index
          %swap3A_531 = tpu.vector_load %arg12[%swap3A_530] {strides = array<i32>} : memref<640xi32, #tpu.memory_space<vmem>>, vector<16xi32>,
          tpu.vector_store %arg12[%swap3A_530], %add3A_529 {strides = array<i32>} : memref<640xi32, #tpu.memory_space<vmem>>, vector<16xi32>,
          %add3A_532 = arith.constant 65536 : i32
          %add3A_533 = vector.broadcast %add3A_532 : i32 to vector<16xi32>
          %add3A_534 = arith.addi %add3A_511, %add3A_533 : vector<16xi32>
          %swap3A_535 = arith.constant 608 : index
          %swap3A_536 = tpu.vector_load %arg12[%swap3A_535] {strides = array<i32>} : memref<640xi32, #tpu.memory_space<vmem>>, vector<16xi32>,
          tpu.vector_store %arg12[%swap3A_535], %add3A_534 {strides = array<i32>} : memref<640xi32, #tpu.memory_space<vmem>>, vector<16xi32>,
          %mul3A_537 = arith.constant 128 : i32
          %mul3A_538 = arith.muli %while3A_139, %mul3A_537 : i32
          %add3A_539 = arith.constant 112 : i32
          %add3A_540 = arith.addi %mul3A_538, %add3A_539 : i32
          %multiple_of3A_541 = tpu.assume_multiple %add3A_540, 16 : i32
          %mul3A_542 = arith.constant 128 : i32
          %mul3A_543 = arith.muli %while3A_139, %mul3A_542 : i32
          %add3A_544 = arith.constant 112 : i32
          %add3A_545 = arith.addi %mul3A_543, %add3A_544 : i32
          %add3A_546 = vector.broadcast %add3A_545 : i32 to vector<16xi32>
          %add3A_547 = arith.addi %add3A_546, %iota3A : vector<16xi32>
          %lt3A_548 = vector.broadcast %scan3A_98 : i32 to vector<16xi32>
          %lt3A_549 = arith.cmpi slt, %add3A_547, %lt3A_548 : vector<16xi32>
          %get3A_550 = arith.index_cast %multiple_of3A_541 : i32 to index
          %get3A_551 = tpu.vector_load %arg7[%get3A_550] {strides = array<i32>} : memref<8192xi32, #tpu.memory_space<vmem>>, vector<16xi32>,
          %jit3A_552 = arith.constant 0 : i32
          %broadcast_in_dim3A_553 = vector.broadcast %jit3A_552 : i32 to vector<16xi32>
          %select_n3A_554 = arith.select %lt3A_549, %get3A_551, %broadcast_in_dim3A_553 : vector<16xi1>, vector<16xi32>
          %swap3A_555 = arith.constant 112 : index
          %swap3A_556 = tpu.vector_load %arg11[%swap3A_555] {strides = array<i32>} : memref<128xi32, #tpu.memory_space<vmem>>, vector<16xi32>,
          tpu.vector_store %arg11[%swap3A_555], %select_n3A_554 {strides = array<i32>} : memref<128xi32, #tpu.memory_space<vmem>>, vector<16xi32>,
          %get3A_557 = arith.index_cast %multiple_of3A_541 : i32 to index
          %get3A_558 = tpu.vector_load %arg8[%get3A_557] {strides = array<i32>} : memref<8192xi32, #tpu.memory_space<vmem>>, vector<16xi32>,
          %jit3A_559 = arith.constant 0 : i32
          %broadcast_in_dim3A_560 = vector.broadcast %jit3A_559 : i32 to vector<16xi32>
          %select_n3A_561 = arith.select %lt3A_549, %get3A_558, %broadcast_in_dim3A_560 : vector<16xi1>, vector<16xi32>
          %shift_right_arithmetic3A_562 = arith.constant 14 : i32
          %shift_right_arithmetic3A_563 = vector.broadcast %shift_right_arithmetic3A_562 : i32 to vector<16xi32>
          %shift_right_arithmetic3A_564 = arith.shrsi %select_n3A_561, %shift_right_arithmetic3A_563 : vector<16xi32>
          %mul3A_565 = arith.constant 65536 : i32
          %mul3A_566 = vector.broadcast %mul3A_565 : i32 to vector<16xi32>
          %mul3A_567 = arith.muli %shift_right_arithmetic3A_564, %mul3A_566 : vector<16xi32>
          %add3A_568 = arith.addi %select_n3A_561, %mul3A_567 : vector<16xi32>
          %add3A_569 = arith.constant 0 : i32
          %add3A_570 = vector.broadcast %add3A_569 : i32 to vector<16xi32>
          %add3A_571 = arith.addi %add3A_568, %add3A_570 : vector<16xi32>
          %swap3A_572 = arith.constant 112 : index
          %swap3A_573 = tpu.vector_load %arg12[%swap3A_572] {strides = array<i32>} : memref<640xi32, #tpu.memory_space<vmem>>, vector<16xi32>,
          tpu.vector_store %arg12[%swap3A_572], %add3A_571 {strides = array<i32>} : memref<640xi32, #tpu.memory_space<vmem>>, vector<16xi32>,
          %add3A_574 = arith.constant 16384 : i32
          %add3A_575 = vector.broadcast %add3A_574 : i32 to vector<16xi32>
          %add3A_576 = arith.addi %add3A_568, %add3A_575 : vector<16xi32>
          %swap3A_577 = arith.constant 240 : index
          %swap3A_578 = tpu.vector_load %arg12[%swap3A_577] {strides = array<i32>} : memref<640xi32, #tpu.memory_space<vmem>>, vector<16xi32>,
          tpu.vector_store %arg12[%swap3A_577], %add3A_576 {strides = array<i32>} : memref<640xi32, #tpu.memory_space<vmem>>, vector<16xi32>,
          %add3A_579 = arith.constant 32768 : i32
          %add3A_580 = vector.broadcast %add3A_579 : i32 to vector<16xi32>
          %add3A_581 = arith.addi %add3A_568, %add3A_580 : vector<16xi32>
          %swap3A_582 = arith.constant 368 : index
          %swap3A_583 = tpu.vector_load %arg12[%swap3A_582] {strides = array<i32>} : memref<640xi32, #tpu.memory_space<vmem>>, vector<16xi32>,
          tpu.vector_store %arg12[%swap3A_582], %add3A_581 {strides = array<i32>} : memref<640xi32, #tpu.memory_space<vmem>>, vector<16xi32>,
          %add3A_584 = arith.constant 49152 : i32
          %add3A_585 = vector.broadcast %add3A_584 : i32 to vector<16xi32>
          %add3A_586 = arith.addi %add3A_568, %add3A_585 : vector<16xi32>
          %swap3A_587 = arith.constant 496 : index
          %swap3A_588 = tpu.vector_load %arg12[%swap3A_587] {strides = array<i32>} : memref<640xi32, #tpu.memory_space<vmem>>, vector<16xi32>,
          tpu.vector_store %arg12[%swap3A_587], %add3A_586 {strides = array<i32>} : memref<640xi32, #tpu.memory_space<vmem>>, vector<16xi32>,
          %add3A_589 = arith.constant 65536 : i32
          %add3A_590 = vector.broadcast %add3A_589 : i32 to vector<16xi32>
          %add3A_591 = arith.addi %add3A_568, %add3A_590 : vector<16xi32>
          %swap3A_592 = arith.constant 624 : index
          %swap3A_593 = tpu.vector_load %arg12[%swap3A_592] {strides = array<i32>} : memref<640xi32, #tpu.memory_space<vmem>>, vector<16xi32>,
          tpu.vector_store %arg12[%swap3A_592], %add3A_591 {strides = array<i32>} : memref<640xi32, #tpu.memory_space<vmem>>, vector<16xi32>,
          %dma_start3A = arith.constant 0 : i32
          %dma_start3A_594 = tpu.memref_slice %arg3[%dma_start3A] : memref<20889600xf32, #tpu.memory_space<hbm>> -> memref<20889600xf32, #tpu.memory_space<hbm>>
          tpu.enqueue_indirect_dma source(%dma_start3A_594 : memref<20889600xf32, #tpu.memory_space<hbm>>) target(%arg14 : memref<640xf32, #tpu.memory_space<vmem>>) offsets(%arg12 : memref<640xi32, #tpu.memory_space<vmem>>) semaphore(%arg15 : memref<!tpu.dma_semaphore, #tpu.memory_space<semaphore_mem>>)
          %dma_start3A_595 = arith.constant 0 : i32
          %dma_start3A_596 = arith.constant 0 : i32
          %dma_start3A_597 = tpu.memref_slice %arg2[%dma_start3A_595, %dma_start3A_596] : memref<100352x16xi32, #tpu.memory_space<hbm>> -> memref<100352x16xi32, #tpu.memory_space<hbm>>
          tpu.enqueue_indirect_dma source(%dma_start3A_597 : memref<100352x16xi32, #tpu.memory_space<hbm>>) target(%arg13 : memref<128x16xi32, #tpu.memory_space<vmem>>) offsets(%arg11 : memref<128xi32, #tpu.memory_space<vmem>>) semaphore(%arg15 : memref<!tpu.dma_semaphore, #tpu.memory_space<semaphore_mem>>)
          %dma_wait3A = arith.constant 0 : i32
          %dma_wait3A_598 = tpu.memref_slice %arg3[%dma_wait3A] : memref<20889600xf32, #tpu.memory_space<hbm>> -> memref<20889600xf32, #tpu.memory_space<hbm>>
          tpu.wait_indirect_dma semaphore(%arg15 : memref<!tpu.dma_semaphore, #tpu.memory_space<semaphore_mem>>) src(%dma_wait3A_598 : memref<20889600xf32, #tpu.memory_space<hbm>>) dst(%arg14 : memref<640xf32, #tpu.memory_space<vmem>>)
          %dma_wait3A_599 = arith.constant 0 : i32
          %dma_wait3A_600 = arith.constant 0 : i32
          %dma_wait3A_601 = tpu.memref_slice %arg2[%dma_wait3A_599, %dma_wait3A_600] : memref<100352x16xi32, #tpu.memory_space<hbm>> -> memref<100352x16xi32, #tpu.memory_space<hbm>>
          tpu.wait_indirect_dma semaphore(%arg15 : memref<!tpu.dma_semaphore, #tpu.memory_space<semaphore_mem>>) src(%dma_wait3A_601 : memref<100352x16xi32, #tpu.memory_space<hbm>>) dst(%arg13 : memref<128x16xi32, #tpu.memory_space<vmem>>)
          %add3A_602 = arith.constant 0 : i32
          %add3A_603 = vector.broadcast %add3A_602 : i32 to vector<16xi32>
          %add3A_604 = arith.addi %add3A_603, %iota3A : vector<16xi32>
          %mul3A_605 = arith.constant 128 : i32
          %mul3A_606 = arith.muli %while3A_139, %mul3A_605 : i32
          %add3A_607 = arith.constant 0 : i32
          %add3A_608 = arith.addi %mul3A_606, %add3A_607 : i32
          %add3A_609 = vector.broadcast %add3A_608 : i32 to vector<16xi32>
          %add3A_610 = arith.addi %add3A_609, %iota3A : vector<16xi32>
          %lt3A_611 = vector.broadcast %scan3A_98 : i32 to vector<16xi32>
          %lt3A_612 = arith.cmpi slt, %add3A_610, %lt3A_611 : vector<16xi32>
          %jit3A_613 = arith.constant 1.000000e+00 : f32
          %jit3A_614 = arith.constant 0.000000e+00 : f32
          %broadcast_in_dim3A_615 = vector.broadcast %jit3A_613 : f32 to vector<16xf32>
          %broadcast_in_dim3A_616 = vector.broadcast %jit3A_614 : f32 to vector<16xf32>
          %select_n3A_617 = arith.select %lt3A_612, %broadcast_in_dim3A_615, %broadcast_in_dim3A_616 : vector<16xi1>, vector<16xf32>
          %get3A_618 = arith.constant 512 : index
          %get3A_619 = tpu.vector_load %arg14[%get3A_618] {strides = array<i32>} : memref<640xf32, #tpu.memory_space<vmem>>, vector<16xf32>,
          %get3A_620 = arith.constant 0 : index
          %get3A_621 = tpu.vector_load %arg14[%get3A_620] {strides = array<i32>} : memref<640xf32, #tpu.memory_space<vmem>>, vector<16xf32>,
          %mul3A_622 = arith.constant 0 : i32
          %mul3A_623 = vector.broadcast %mul3A_622 : i32 to vector<16xi32>
          %mul3A_624 = arith.muli %iota3A, %mul3A_623 : vector<16xi32>
          %add3A_625 = arith.constant 4 : i32
          %add3A_626 = vector.broadcast %add3A_625 : i32 to vector<16xi32>
          %add3A_627 = arith.addi %mul3A_624, %add3A_626 : vector<16xi32>
          %add3A_628 = arith.constant 0 : i32
          %add3A_629 = vector.broadcast %add3A_628 : i32 to vector<16xi32>
          %add3A_630 = arith.addi %add3A_627, %add3A_629 : vector<16xi32>
          %gather3A = tpu.vector_load_idx %arg13[%add3A_604, %add3A_630] : memref<128x16xi32, #tpu.memory_space<vmem>>[vector<16xi32>, vector<16xi32>], vector<16xi32>,
          %convert_element_type3A = arith.sitofp %gather3A : vector<16xi32> to vector<16xf32>
          %sub3A_631 = arith.subf %get3A_621, %convert_element_type3A : vector<16xf32>
          %get3A_632 = arith.constant 128 : index
          %get3A_633 = tpu.vector_load %arg14[%get3A_632] {strides = array<i32>} : memref<640xf32, #tpu.memory_space<vmem>>, vector<16xf32>,
          %mul3A_634 = arith.constant 0 : i32
          %mul3A_635 = vector.broadcast %mul3A_634 : i32 to vector<16xi32>
          %mul3A_636 = arith.muli %iota3A, %mul3A_635 : vector<16xi32>
          %add3A_637 = arith.constant 4 : i32
          %add3A_638 = vector.broadcast %add3A_637 : i32 to vector<16xi32>
          %add3A_639 = arith.addi %mul3A_636, %add3A_638 : vector<16xi32>
          %add3A_640 = arith.constant 1 : i32
          %add3A_641 = vector.broadcast %add3A_640 : i32 to vector<16xi32>
          %add3A_642 = arith.addi %add3A_639, %add3A_641 : vector<16xi32>
          %gather3A_643 = tpu.vector_load_idx %arg13[%add3A_604, %add3A_642] : memref<128x16xi32, #tpu.memory_space<vmem>>[vector<16xi32>, vector<16xi32>], vector<16xi32>,
          %convert_element_type3A_644 = arith.sitofp %gather3A_643 : vector<16xi32> to vector<16xf32>
          %sub3A_645 = arith.subf %get3A_633, %convert_element_type3A_644 : vector<16xf32>
          %get3A_646 = arith.constant 256 : index
          %get3A_647 = tpu.vector_load %arg14[%get3A_646] {strides = array<i32>} : memref<640xf32, #tpu.memory_space<vmem>>, vector<16xf32>,
          %mul3A_648 = arith.constant 0 : i32
          %mul3A_649 = vector.broadcast %mul3A_648 : i32 to vector<16xi32>
          %mul3A_650 = arith.muli %iota3A, %mul3A_649 : vector<16xi32>
          %add3A_651 = arith.constant 4 : i32
          %add3A_652 = vector.broadcast %add3A_651 : i32 to vector<16xi32>
          %add3A_653 = arith.addi %mul3A_650, %add3A_652 : vector<16xi32>
          %add3A_654 = arith.constant 2 : i32
          %add3A_655 = vector.broadcast %add3A_654 : i32 to vector<16xi32>
          %add3A_656 = arith.addi %add3A_653, %add3A_655 : vector<16xi32>
          %gather3A_657 = tpu.vector_load_idx %arg13[%add3A_604, %add3A_656] : memref<128x16xi32, #tpu.memory_space<vmem>>[vector<16xi32>, vector<16xi32>], vector<16xi32>,
          %convert_element_type3A_658 = arith.sitofp %gather3A_657 : vector<16xi32> to vector<16xf32>
          %sub3A_659 = arith.subf %get3A_647, %convert_element_type3A_658 : vector<16xf32>
          %get3A_660 = arith.constant 384 : index
          %get3A_661 = tpu.vector_load %arg14[%get3A_660] {strides = array<i32>} : memref<640xf32, #tpu.memory_space<vmem>>, vector<16xf32>,
          %mul3A_662 = arith.constant 0 : i32
          %mul3A_663 = vector.broadcast %mul3A_662 : i32 to vector<16xi32>
          %mul3A_664 = arith.muli %iota3A, %mul3A_663 : vector<16xi32>
          %add3A_665 = arith.constant 4 : i32
          %add3A_666 = vector.broadcast %add3A_665 : i32 to vector<16xi32>
          %add3A_667 = arith.addi %mul3A_664, %add3A_666 : vector<16xi32>
          %add3A_668 = arith.constant 3 : i32
          %add3A_669 = vector.broadcast %add3A_668 : i32 to vector<16xi32>
          %add3A_670 = arith.addi %add3A_667, %add3A_669 : vector<16xi32>
          %gather3A_671 = tpu.vector_load_idx %arg13[%add3A_604, %add3A_670] : memref<128x16xi32, #tpu.memory_space<vmem>>[vector<16xi32>, vector<16xi32>], vector<16xi32>,
          %convert_element_type3A_672 = arith.sitofp %gather3A_671 : vector<16xi32> to vector<16xf32>
          %sub3A_673 = arith.subf %get3A_661, %convert_element_type3A_672 : vector<16xf32>
          %get3A_674 = arith.constant 0 : index
          %get3A_675 = tpu.vector_load %arg9[%get3A_674] {strides = array<i32>} : memref<64xf32, #tpu.memory_space<vmem>>, vector<16xf32>,
          %mul3A_676 = arith.mulf %select_n3A_617, %get3A_619 : vector<16xf32>
          %mul3A_677 = arith.mulf %mul3A_676, %get3A_619 : vector<16xf32>
          %add3A_678 = arith.addf %get3A_675, %mul3A_677 : vector<16xf32>
          %swap3A_679 = arith.constant 0 : index
          %swap3A_680 = tpu.vector_load %arg9[%swap3A_679] {strides = array<i32>} : memref<64xf32, #tpu.memory_space<vmem>>, vector<16xf32>,
          tpu.vector_store %arg9[%swap3A_679], %add3A_678 {strides = array<i32>} : memref<64xf32, #tpu.memory_space<vmem>>, vector<16xf32>,
          %get3A_681 = arith.constant 16 : index
          %get3A_682 = tpu.vector_load %arg9[%get3A_681] {strides = array<i32>} : memref<64xf32, #tpu.memory_space<vmem>>, vector<16xf32>,
          %mul3A_683 = arith.mulf %sub3A_631, %sub3A_631 : vector<16xf32>
          %mul3A_684 = arith.mulf %sub3A_645, %sub3A_645 : vector<16xf32>
          %add3A_685 = arith.addf %mul3A_683, %mul3A_684 : vector<16xf32>
          %mul3A_686 = arith.mulf %select_n3A_617, %add3A_685 : vector<16xf32>
          %add3A_687 = arith.addf %get3A_682, %mul3A_686 : vector<16xf32>
          %swap3A_688 = arith.constant 16 : index
          %swap3A_689 = tpu.vector_load %arg9[%swap3A_688] {strides = array<i32>} : memref<64xf32, #tpu.memory_space<vmem>>, vector<16xf32>,
          tpu.vector_store %arg9[%swap3A_688], %add3A_687 {strides = array<i32>} : memref<64xf32, #tpu.memory_space<vmem>>, vector<16xf32>,
          %get3A_690 = arith.constant 32 : index
          %get3A_691 = tpu.vector_load %arg9[%get3A_690] {strides = array<i32>} : memref<64xf32, #tpu.memory_space<vmem>>, vector<16xf32>,
          %mul3A_692 = arith.mulf %sub3A_659, %sub3A_659 : vector<16xf32>
          %mul3A_693 = arith.mulf %sub3A_673, %sub3A_673 : vector<16xf32>
          %add3A_694 = arith.addf %mul3A_692, %mul3A_693 : vector<16xf32>
          %mul3A_695 = arith.mulf %select_n3A_617, %add3A_694 : vector<16xf32>
          %add3A_696 = arith.addf %get3A_691, %mul3A_695 : vector<16xf32>
          %swap3A_697 = arith.constant 32 : index
          %swap3A_698 = tpu.vector_load %arg9[%swap3A_697] {strides = array<i32>} : memref<64xf32, #tpu.memory_space<vmem>>, vector<16xf32>,
          tpu.vector_store %arg9[%swap3A_697], %add3A_696 {strides = array<i32>} : memref<64xf32, #tpu.memory_space<vmem>>, vector<16xf32>,
          %get3A_699 = arith.constant 48 : index
          %get3A_700 = tpu.vector_load %arg9[%get3A_699] {strides = array<i32>} : memref<64xf32, #tpu.memory_space<vmem>>, vector<16xf32>,
          %add3A_701 = arith.addf %get3A_700, %select_n3A_617 : vector<16xf32>
          %swap3A_702 = arith.constant 48 : index
          %swap3A_703 = tpu.vector_load %arg9[%swap3A_702] {strides = array<i32>} : memref<64xf32, #tpu.memory_space<vmem>>, vector<16xf32>,
          tpu.vector_store %arg9[%swap3A_702], %add3A_701 {strides = array<i32>} : memref<64xf32, #tpu.memory_space<vmem>>, vector<16xf32>,
          %add3A_704 = arith.constant 16 : i32
          %add3A_705 = vector.broadcast %add3A_704 : i32 to vector<16xi32>
          %add3A_706 = arith.addi %add3A_705, %iota3A : vector<16xi32>
          %mul3A_707 = arith.constant 128 : i32
          %mul3A_708 = arith.muli %while3A_139, %mul3A_707 : i32
          %add3A_709 = arith.constant 16 : i32
          %add3A_710 = arith.addi %mul3A_708, %add3A_709 : i32
          %add3A_711 = vector.broadcast %add3A_710 : i32 to vector<16xi32>
          %add3A_712 = arith.addi %add3A_711, %iota3A : vector<16xi32>
          %lt3A_713 = vector.broadcast %scan3A_98 : i32 to vector<16xi32>
          %lt3A_714 = arith.cmpi slt, %add3A_712, %lt3A_713 : vector<16xi32>
          %jit3A_715 = arith.constant 1.000000e+00 : f32
          %jit3A_716 = arith.constant 0.000000e+00 : f32
          %broadcast_in_dim3A_717 = vector.broadcast %jit3A_715 : f32 to vector<16xf32>
          %broadcast_in_dim3A_718 = vector.broadcast %jit3A_716 : f32 to vector<16xf32>
          %select_n3A_719 = arith.select %lt3A_714, %broadcast_in_dim3A_717, %broadcast_in_dim3A_718 : vector<16xi1>, vector<16xf32>
          %get3A_720 = arith.constant 528 : index
          %get3A_721 = tpu.vector_load %arg14[%get3A_720] {strides = array<i32>} : memref<640xf32, #tpu.memory_space<vmem>>, vector<16xf32>,
          %get3A_722 = arith.constant 16 : index
          %get3A_723 = tpu.vector_load %arg14[%get3A_722] {strides = array<i32>} : memref<640xf32, #tpu.memory_space<vmem>>, vector<16xf32>,
          %mul3A_724 = arith.constant 0 : i32
          %mul3A_725 = vector.broadcast %mul3A_724 : i32 to vector<16xi32>
          %mul3A_726 = arith.muli %iota3A, %mul3A_725 : vector<16xi32>
          %add3A_727 = arith.constant 4 : i32
          %add3A_728 = vector.broadcast %add3A_727 : i32 to vector<16xi32>
          %add3A_729 = arith.addi %mul3A_726, %add3A_728 : vector<16xi32>
          %add3A_730 = arith.constant 0 : i32
          %add3A_731 = vector.broadcast %add3A_730 : i32 to vector<16xi32>
          %add3A_732 = arith.addi %add3A_729, %add3A_731 : vector<16xi32>
          %gather3A_733 = tpu.vector_load_idx %arg13[%add3A_706, %add3A_732] : memref<128x16xi32, #tpu.memory_space<vmem>>[vector<16xi32>, vector<16xi32>], vector<16xi32>,
          %convert_element_type3A_734 = arith.sitofp %gather3A_733 : vector<16xi32> to vector<16xf32>
          %sub3A_735 = arith.subf %get3A_723, %convert_element_type3A_734 : vector<16xf32>
          %get3A_736 = arith.constant 144 : index
          %get3A_737 = tpu.vector_load %arg14[%get3A_736] {strides = array<i32>} : memref<640xf32, #tpu.memory_space<vmem>>, vector<16xf32>,
          %mul3A_738 = arith.constant 0 : i32
          %mul3A_739 = vector.broadcast %mul3A_738 : i32 to vector<16xi32>
          %mul3A_740 = arith.muli %iota3A, %mul3A_739 : vector<16xi32>
          %add3A_741 = arith.constant 4 : i32
          %add3A_742 = vector.broadcast %add3A_741 : i32 to vector<16xi32>
          %add3A_743 = arith.addi %mul3A_740, %add3A_742 : vector<16xi32>
          %add3A_744 = arith.constant 1 : i32
          %add3A_745 = vector.broadcast %add3A_744 : i32 to vector<16xi32>
          %add3A_746 = arith.addi %add3A_743, %add3A_745 : vector<16xi32>
          %gather3A_747 = tpu.vector_load_idx %arg13[%add3A_706, %add3A_746] : memref<128x16xi32, #tpu.memory_space<vmem>>[vector<16xi32>, vector<16xi32>], vector<16xi32>,
          %convert_element_type3A_748 = arith.sitofp %gather3A_747 : vector<16xi32> to vector<16xf32>
          %sub3A_749 = arith.subf %get3A_737, %convert_element_type3A_748 : vector<16xf32>
          %get3A_750 = arith.constant 272 : index
          %get3A_751 = tpu.vector_load %arg14[%get3A_750] {strides = array<i32>} : memref<640xf32, #tpu.memory_space<vmem>>, vector<16xf32>,
          %mul3A_752 = arith.constant 0 : i32
          %mul3A_753 = vector.broadcast %mul3A_752 : i32 to vector<16xi32>
          %mul3A_754 = arith.muli %iota3A, %mul3A_753 : vector<16xi32>
          %add3A_755 = arith.constant 4 : i32
          %add3A_756 = vector.broadcast %add3A_755 : i32 to vector<16xi32>
          %add3A_757 = arith.addi %mul3A_754, %add3A_756 : vector<16xi32>
          %add3A_758 = arith.constant 2 : i32
          %add3A_759 = vector.broadcast %add3A_758 : i32 to vector<16xi32>
          %add3A_760 = arith.addi %add3A_757, %add3A_759 : vector<16xi32>
          %gather3A_761 = tpu.vector_load_idx %arg13[%add3A_706, %add3A_760] : memref<128x16xi32, #tpu.memory_space<vmem>>[vector<16xi32>, vector<16xi32>], vector<16xi32>,
          %convert_element_type3A_762 = arith.sitofp %gather3A_761 : vector<16xi32> to vector<16xf32>
          %sub3A_763 = arith.subf %get3A_751, %convert_element_type3A_762 : vector<16xf32>
          %get3A_764 = arith.constant 400 : index
          %get3A_765 = tpu.vector_load %arg14[%get3A_764] {strides = array<i32>} : memref<640xf32, #tpu.memory_space<vmem>>, vector<16xf32>,
          %mul3A_766 = arith.constant 0 : i32
          %mul3A_767 = vector.broadcast %mul3A_766 : i32 to vector<16xi32>
          %mul3A_768 = arith.muli %iota3A, %mul3A_767 : vector<16xi32>
          %add3A_769 = arith.constant 4 : i32
          %add3A_770 = vector.broadcast %add3A_769 : i32 to vector<16xi32>
          %add3A_771 = arith.addi %mul3A_768, %add3A_770 : vector<16xi32>
          %add3A_772 = arith.constant 3 : i32
          %add3A_773 = vector.broadcast %add3A_772 : i32 to vector<16xi32>
          %add3A_774 = arith.addi %add3A_771, %add3A_773 : vector<16xi32>
          %gather3A_775 = tpu.vector_load_idx %arg13[%add3A_706, %add3A_774] : memref<128x16xi32, #tpu.memory_space<vmem>>[vector<16xi32>, vector<16xi32>], vector<16xi32>,
          %convert_element_type3A_776 = arith.sitofp %gather3A_775 : vector<16xi32> to vector<16xf32>
          %sub3A_777 = arith.subf %get3A_765, %convert_element_type3A_776 : vector<16xf32>
          %get3A_778 = arith.constant 0 : index
          %get3A_779 = tpu.vector_load %arg9[%get3A_778] {strides = array<i32>} : memref<64xf32, #tpu.memory_space<vmem>>, vector<16xf32>,
          %mul3A_780 = arith.mulf %select_n3A_719, %get3A_721 : vector<16xf32>
          %mul3A_781 = arith.mulf %mul3A_780, %get3A_721 : vector<16xf32>
          %add3A_782 = arith.addf %get3A_779, %mul3A_781 : vector<16xf32>
          %swap3A_783 = arith.constant 0 : index
          %swap3A_784 = tpu.vector_load %arg9[%swap3A_783] {strides = array<i32>} : memref<64xf32, #tpu.memory_space<vmem>>, vector<16xf32>,
          tpu.vector_store %arg9[%swap3A_783], %add3A_782 {strides = array<i32>} : memref<64xf32, #tpu.memory_space<vmem>>, vector<16xf32>,
          %get3A_785 = arith.constant 16 : index
          %get3A_786 = tpu.vector_load %arg9[%get3A_785] {strides = array<i32>} : memref<64xf32, #tpu.memory_space<vmem>>, vector<16xf32>,
          %mul3A_787 = arith.mulf %sub3A_735, %sub3A_735 : vector<16xf32>
          %mul3A_788 = arith.mulf %sub3A_749, %sub3A_749 : vector<16xf32>
          %add3A_789 = arith.addf %mul3A_787, %mul3A_788 : vector<16xf32>
          %mul3A_790 = arith.mulf %select_n3A_719, %add3A_789 : vector<16xf32>
          %add3A_791 = arith.addf %get3A_786, %mul3A_790 : vector<16xf32>
          %swap3A_792 = arith.constant 16 : index
          %swap3A_793 = tpu.vector_load %arg9[%swap3A_792] {strides = array<i32>} : memref<64xf32, #tpu.memory_space<vmem>>, vector<16xf32>,
          tpu.vector_store %arg9[%swap3A_792], %add3A_791 {strides = array<i32>} : memref<64xf32, #tpu.memory_space<vmem>>, vector<16xf32>,
          %get3A_794 = arith.constant 32 : index
          %get3A_795 = tpu.vector_load %arg9[%get3A_794] {strides = array<i32>} : memref<64xf32, #tpu.memory_space<vmem>>, vector<16xf32>,
          %mul3A_796 = arith.mulf %sub3A_763, %sub3A_763 : vector<16xf32>
          %mul3A_797 = arith.mulf %sub3A_777, %sub3A_777 : vector<16xf32>
          %add3A_798 = arith.addf %mul3A_796, %mul3A_797 : vector<16xf32>
          %mul3A_799 = arith.mulf %select_n3A_719, %add3A_798 : vector<16xf32>
          %add3A_800 = arith.addf %get3A_795, %mul3A_799 : vector<16xf32>
          %swap3A_801 = arith.constant 32 : index
          %swap3A_802 = tpu.vector_load %arg9[%swap3A_801] {strides = array<i32>} : memref<64xf32, #tpu.memory_space<vmem>>, vector<16xf32>,
          tpu.vector_store %arg9[%swap3A_801], %add3A_800 {strides = array<i32>} : memref<64xf32, #tpu.memory_space<vmem>>, vector<16xf32>,
          %get3A_803 = arith.constant 48 : index
          %get3A_804 = tpu.vector_load %arg9[%get3A_803] {strides = array<i32>} : memref<64xf32, #tpu.memory_space<vmem>>, vector<16xf32>,
          %add3A_805 = arith.addf %get3A_804, %select_n3A_719 : vector<16xf32>
          %swap3A_806 = arith.constant 48 : index
          %swap3A_807 = tpu.vector_load %arg9[%swap3A_806] {strides = array<i32>} : memref<64xf32, #tpu.memory_space<vmem>>, vector<16xf32>,
          tpu.vector_store %arg9[%swap3A_806], %add3A_805 {strides = array<i32>} : memref<64xf32, #tpu.memory_space<vmem>>, vector<16xf32>,
          %add3A_808 = arith.constant 32 : i32
          %add3A_809 = vector.broadcast %add3A_808 : i32 to vector<16xi32>
          %add3A_810 = arith.addi %add3A_809, %iota3A : vector<16xi32>
          %mul3A_811 = arith.constant 128 : i32
          %mul3A_812 = arith.muli %while3A_139, %mul3A_811 : i32
          %add3A_813 = arith.constant 32 : i32
          %add3A_814 = arith.addi %mul3A_812, %add3A_813 : i32
          %add3A_815 = vector.broadcast %add3A_814 : i32 to vector<16xi32>
          %add3A_816 = arith.addi %add3A_815, %iota3A : vector<16xi32>
          %lt3A_817 = vector.broadcast %scan3A_98 : i32 to vector<16xi32>
          %lt3A_818 = arith.cmpi slt, %add3A_816, %lt3A_817 : vector<16xi32>
          %jit3A_819 = arith.constant 1.000000e+00 : f32
          %jit3A_820 = arith.constant 0.000000e+00 : f32
          %broadcast_in_dim3A_821 = vector.broadcast %jit3A_819 : f32 to vector<16xf32>
          %broadcast_in_dim3A_822 = vector.broadcast %jit3A_820 : f32 to vector<16xf32>
          %select_n3A_823 = arith.select %lt3A_818, %broadcast_in_dim3A_821, %broadcast_in_dim3A_822 : vector<16xi1>, vector<16xf32>
          %get3A_824 = arith.constant 544 : index
          %get3A_825 = tpu.vector_load %arg14[%get3A_824] {strides = array<i32>} : memref<640xf32, #tpu.memory_space<vmem>>, vector<16xf32>,
          %get3A_826 = arith.constant 32 : index
          %get3A_827 = tpu.vector_load %arg14[%get3A_826] {strides = array<i32>} : memref<640xf32, #tpu.memory_space<vmem>>, vector<16xf32>,
          %mul3A_828 = arith.constant 0 : i32
          %mul3A_829 = vector.broadcast %mul3A_828 : i32 to vector<16xi32>
          %mul3A_830 = arith.muli %iota3A, %mul3A_829 : vector<16xi32>
          %add3A_831 = arith.constant 4 : i32
          %add3A_832 = vector.broadcast %add3A_831 : i32 to vector<16xi32>
          %add3A_833 = arith.addi %mul3A_830, %add3A_832 : vector<16xi32>
          %add3A_834 = arith.constant 0 : i32
          %add3A_835 = vector.broadcast %add3A_834 : i32 to vector<16xi32>
          %add3A_836 = arith.addi %add3A_833, %add3A_835 : vector<16xi32>
          %gather3A_837 = tpu.vector_load_idx %arg13[%add3A_810, %add3A_836] : memref<128x16xi32, #tpu.memory_space<vmem>>[vector<16xi32>, vector<16xi32>], vector<16xi32>,
          %convert_element_type3A_838 = arith.sitofp %gather3A_837 : vector<16xi32> to vector<16xf32>
          %sub3A_839 = arith.subf %get3A_827, %convert_element_type3A_838 : vector<16xf32>
          %get3A_840 = arith.constant 160 : index
          %get3A_841 = tpu.vector_load %arg14[%get3A_840] {strides = array<i32>} : memref<640xf32, #tpu.memory_space<vmem>>, vector<16xf32>,
          %mul3A_842 = arith.constant 0 : i32
          %mul3A_843 = vector.broadcast %mul3A_842 : i32 to vector<16xi32>
          %mul3A_844 = arith.muli %iota3A, %mul3A_843 : vector<16xi32>
          %add3A_845 = arith.constant 4 : i32
          %add3A_846 = vector.broadcast %add3A_845 : i32 to vector<16xi32>
          %add3A_847 = arith.addi %mul3A_844, %add3A_846 : vector<16xi32>
          %add3A_848 = arith.constant 1 : i32
          %add3A_849 = vector.broadcast %add3A_848 : i32 to vector<16xi32>
          %add3A_850 = arith.addi %add3A_847, %add3A_849 : vector<16xi32>
          %gather3A_851 = tpu.vector_load_idx %arg13[%add3A_810, %add3A_850] : memref<128x16xi32, #tpu.memory_space<vmem>>[vector<16xi32>, vector<16xi32>], vector<16xi32>,
          %convert_element_type3A_852 = arith.sitofp %gather3A_851 : vector<16xi32> to vector<16xf32>
          %sub3A_853 = arith.subf %get3A_841, %convert_element_type3A_852 : vector<16xf32>
          %get3A_854 = arith.constant 288 : index
          %get3A_855 = tpu.vector_load %arg14[%get3A_854] {strides = array<i32>} : memref<640xf32, #tpu.memory_space<vmem>>, vector<16xf32>,
          %mul3A_856 = arith.constant 0 : i32
          %mul3A_857 = vector.broadcast %mul3A_856 : i32 to vector<16xi32>
          %mul3A_858 = arith.muli %iota3A, %mul3A_857 : vector<16xi32>
          %add3A_859 = arith.constant 4 : i32
          %add3A_860 = vector.broadcast %add3A_859 : i32 to vector<16xi32>
          %add3A_861 = arith.addi %mul3A_858, %add3A_860 : vector<16xi32>
          %add3A_862 = arith.constant 2 : i32
          %add3A_863 = vector.broadcast %add3A_862 : i32 to vector<16xi32>
          %add3A_864 = arith.addi %add3A_861, %add3A_863 : vector<16xi32>
          %gather3A_865 = tpu.vector_load_idx %arg13[%add3A_810, %add3A_864] : memref<128x16xi32, #tpu.memory_space<vmem>>[vector<16xi32>, vector<16xi32>], vector<16xi32>,
          %convert_element_type3A_866 = arith.sitofp %gather3A_865 : vector<16xi32> to vector<16xf32>
          %sub3A_867 = arith.subf %get3A_855, %convert_element_type3A_866 : vector<16xf32>
          %get3A_868 = arith.constant 416 : index
          %get3A_869 = tpu.vector_load %arg14[%get3A_868] {strides = array<i32>} : memref<640xf32, #tpu.memory_space<vmem>>, vector<16xf32>,
          %mul3A_870 = arith.constant 0 : i32
          %mul3A_871 = vector.broadcast %mul3A_870 : i32 to vector<16xi32>
          %mul3A_872 = arith.muli %iota3A, %mul3A_871 : vector<16xi32>
          %add3A_873 = arith.constant 4 : i32
          %add3A_874 = vector.broadcast %add3A_873 : i32 to vector<16xi32>
          %add3A_875 = arith.addi %mul3A_872, %add3A_874 : vector<16xi32>
          %add3A_876 = arith.constant 3 : i32
          %add3A_877 = vector.broadcast %add3A_876 : i32 to vector<16xi32>
          %add3A_878 = arith.addi %add3A_875, %add3A_877 : vector<16xi32>
          %gather3A_879 = tpu.vector_load_idx %arg13[%add3A_810, %add3A_878] : memref<128x16xi32, #tpu.memory_space<vmem>>[vector<16xi32>, vector<16xi32>], vector<16xi32>,
          %convert_element_type3A_880 = arith.sitofp %gather3A_879 : vector<16xi32> to vector<16xf32>
          %sub3A_881 = arith.subf %get3A_869, %convert_element_type3A_880 : vector<16xf32>
          %get3A_882 = arith.constant 0 : index
          %get3A_883 = tpu.vector_load %arg9[%get3A_882] {strides = array<i32>} : memref<64xf32, #tpu.memory_space<vmem>>, vector<16xf32>,
          %mul3A_884 = arith.mulf %select_n3A_823, %get3A_825 : vector<16xf32>
          %mul3A_885 = arith.mulf %mul3A_884, %get3A_825 : vector<16xf32>
          %add3A_886 = arith.addf %get3A_883, %mul3A_885 : vector<16xf32>
          %swap3A_887 = arith.constant 0 : index
          %swap3A_888 = tpu.vector_load %arg9[%swap3A_887] {strides = array<i32>} : memref<64xf32, #tpu.memory_space<vmem>>, vector<16xf32>,
          tpu.vector_store %arg9[%swap3A_887], %add3A_886 {strides = array<i32>} : memref<64xf32, #tpu.memory_space<vmem>>, vector<16xf32>,
          %get3A_889 = arith.constant 16 : index
          %get3A_890 = tpu.vector_load %arg9[%get3A_889] {strides = array<i32>} : memref<64xf32, #tpu.memory_space<vmem>>, vector<16xf32>,
          %mul3A_891 = arith.mulf %sub3A_839, %sub3A_839 : vector<16xf32>
          %mul3A_892 = arith.mulf %sub3A_853, %sub3A_853 : vector<16xf32>
          %add3A_893 = arith.addf %mul3A_891, %mul3A_892 : vector<16xf32>
          %mul3A_894 = arith.mulf %select_n3A_823, %add3A_893 : vector<16xf32>
          %add3A_895 = arith.addf %get3A_890, %mul3A_894 : vector<16xf32>
          %swap3A_896 = arith.constant 16 : index
          %swap3A_897 = tpu.vector_load %arg9[%swap3A_896] {strides = array<i32>} : memref<64xf32, #tpu.memory_space<vmem>>, vector<16xf32>,
          tpu.vector_store %arg9[%swap3A_896], %add3A_895 {strides = array<i32>} : memref<64xf32, #tpu.memory_space<vmem>>, vector<16xf32>,
          %get3A_898 = arith.constant 32 : index
          %get3A_899 = tpu.vector_load %arg9[%get3A_898] {strides = array<i32>} : memref<64xf32, #tpu.memory_space<vmem>>, vector<16xf32>,
          %mul3A_900 = arith.mulf %sub3A_867, %sub3A_867 : vector<16xf32>
          %mul3A_901 = arith.mulf %sub3A_881, %sub3A_881 : vector<16xf32>
          %add3A_902 = arith.addf %mul3A_900, %mul3A_901 : vector<16xf32>
          %mul3A_903 = arith.mulf %select_n3A_823, %add3A_902 : vector<16xf32>
          %add3A_904 = arith.addf %get3A_899, %mul3A_903 : vector<16xf32>
          %swap3A_905 = arith.constant 32 : index
          %swap3A_906 = tpu.vector_load %arg9[%swap3A_905] {strides = array<i32>} : memref<64xf32, #tpu.memory_space<vmem>>, vector<16xf32>,
          tpu.vector_store %arg9[%swap3A_905], %add3A_904 {strides = array<i32>} : memref<64xf32, #tpu.memory_space<vmem>>, vector<16xf32>,
          %get3A_907 = arith.constant 48 : index
          %get3A_908 = tpu.vector_load %arg9[%get3A_907] {strides = array<i32>} : memref<64xf32, #tpu.memory_space<vmem>>, vector<16xf32>,
          %add3A_909 = arith.addf %get3A_908, %select_n3A_823 : vector<16xf32>
          %swap3A_910 = arith.constant 48 : index
          %swap3A_911 = tpu.vector_load %arg9[%swap3A_910] {strides = array<i32>} : memref<64xf32, #tpu.memory_space<vmem>>, vector<16xf32>,
          tpu.vector_store %arg9[%swap3A_910], %add3A_909 {strides = array<i32>} : memref<64xf32, #tpu.memory_space<vmem>>, vector<16xf32>,
          %add3A_912 = arith.constant 48 : i32
          %add3A_913 = vector.broadcast %add3A_912 : i32 to vector<16xi32>
          %add3A_914 = arith.addi %add3A_913, %iota3A : vector<16xi32>
          %mul3A_915 = arith.constant 128 : i32
          %mul3A_916 = arith.muli %while3A_139, %mul3A_915 : i32
          %add3A_917 = arith.constant 48 : i32
          %add3A_918 = arith.addi %mul3A_916, %add3A_917 : i32
          %add3A_919 = vector.broadcast %add3A_918 : i32 to vector<16xi32>
          %add3A_920 = arith.addi %add3A_919, %iota3A : vector<16xi32>
          %lt3A_921 = vector.broadcast %scan3A_98 : i32 to vector<16xi32>
          %lt3A_922 = arith.cmpi slt, %add3A_920, %lt3A_921 : vector<16xi32>
          %jit3A_923 = arith.constant 1.000000e+00 : f32
          %jit3A_924 = arith.constant 0.000000e+00 : f32
          %broadcast_in_dim3A_925 = vector.broadcast %jit3A_923 : f32 to vector<16xf32>
          %broadcast_in_dim3A_926 = vector.broadcast %jit3A_924 : f32 to vector<16xf32>
          %select_n3A_927 = arith.select %lt3A_922, %broadcast_in_dim3A_925, %broadcast_in_dim3A_926 : vector<16xi1>, vector<16xf32>
          %get3A_928 = arith.constant 560 : index
          %get3A_929 = tpu.vector_load %arg14[%get3A_928] {strides = array<i32>} : memref<640xf32, #tpu.memory_space<vmem>>, vector<16xf32>,
          %get3A_930 = arith.constant 48 : index
          %get3A_931 = tpu.vector_load %arg14[%get3A_930] {strides = array<i32>} : memref<640xf32, #tpu.memory_space<vmem>>, vector<16xf32>,
          %mul3A_932 = arith.constant 0 : i32
          %mul3A_933 = vector.broadcast %mul3A_932 : i32 to vector<16xi32>
          %mul3A_934 = arith.muli %iota3A, %mul3A_933 : vector<16xi32>
          %add3A_935 = arith.constant 4 : i32
          %add3A_936 = vector.broadcast %add3A_935 : i32 to vector<16xi32>
          %add3A_937 = arith.addi %mul3A_934, %add3A_936 : vector<16xi32>
          %add3A_938 = arith.constant 0 : i32
          %add3A_939 = vector.broadcast %add3A_938 : i32 to vector<16xi32>
          %add3A_940 = arith.addi %add3A_937, %add3A_939 : vector<16xi32>
          %gather3A_941 = tpu.vector_load_idx %arg13[%add3A_914, %add3A_940] : memref<128x16xi32, #tpu.memory_space<vmem>>[vector<16xi32>, vector<16xi32>], vector<16xi32>,
          %convert_element_type3A_942 = arith.sitofp %gather3A_941 : vector<16xi32> to vector<16xf32>
          %sub3A_943 = arith.subf %get3A_931, %convert_element_type3A_942 : vector<16xf32>
          %get3A_944 = arith.constant 176 : index
          %get3A_945 = tpu.vector_load %arg14[%get3A_944] {strides = array<i32>} : memref<640xf32, #tpu.memory_space<vmem>>, vector<16xf32>,
          %mul3A_946 = arith.constant 0 : i32
          %mul3A_947 = vector.broadcast %mul3A_946 : i32 to vector<16xi32>
          %mul3A_948 = arith.muli %iota3A, %mul3A_947 : vector<16xi32>
          %add3A_949 = arith.constant 4 : i32
          %add3A_950 = vector.broadcast %add3A_949 : i32 to vector<16xi32>
          %add3A_951 = arith.addi %mul3A_948, %add3A_950 : vector<16xi32>
          %add3A_952 = arith.constant 1 : i32
          %add3A_953 = vector.broadcast %add3A_952 : i32 to vector<16xi32>
          %add3A_954 = arith.addi %add3A_951, %add3A_953 : vector<16xi32>
          %gather3A_955 = tpu.vector_load_idx %arg13[%add3A_914, %add3A_954] : memref<128x16xi32, #tpu.memory_space<vmem>>[vector<16xi32>, vector<16xi32>], vector<16xi32>,
          %convert_element_type3A_956 = arith.sitofp %gather3A_955 : vector<16xi32> to vector<16xf32>
          %sub3A_957 = arith.subf %get3A_945, %convert_element_type3A_956 : vector<16xf32>
          %get3A_958 = arith.constant 304 : index
          %get3A_959 = tpu.vector_load %arg14[%get3A_958] {strides = array<i32>} : memref<640xf32, #tpu.memory_space<vmem>>, vector<16xf32>,
          %mul3A_960 = arith.constant 0 : i32
          %mul3A_961 = vector.broadcast %mul3A_960 : i32 to vector<16xi32>
          %mul3A_962 = arith.muli %iota3A, %mul3A_961 : vector<16xi32>
          %add3A_963 = arith.constant 4 : i32
          %add3A_964 = vector.broadcast %add3A_963 : i32 to vector<16xi32>
          %add3A_965 = arith.addi %mul3A_962, %add3A_964 : vector<16xi32>
          %add3A_966 = arith.constant 2 : i32
          %add3A_967 = vector.broadcast %add3A_966 : i32 to vector<16xi32>
          %add3A_968 = arith.addi %add3A_965, %add3A_967 : vector<16xi32>
          %gather3A_969 = tpu.vector_load_idx %arg13[%add3A_914, %add3A_968] : memref<128x16xi32, #tpu.memory_space<vmem>>[vector<16xi32>, vector<16xi32>], vector<16xi32>,
          %convert_element_type3A_970 = arith.sitofp %gather3A_969 : vector<16xi32> to vector<16xf32>
          %sub3A_971 = arith.subf %get3A_959, %convert_element_type3A_970 : vector<16xf32>
          %get3A_972 = arith.constant 432 : index
          %get3A_973 = tpu.vector_load %arg14[%get3A_972] {strides = array<i32>} : memref<640xf32, #tpu.memory_space<vmem>>, vector<16xf32>,
          %mul3A_974 = arith.constant 0 : i32
          %mul3A_975 = vector.broadcast %mul3A_974 : i32 to vector<16xi32>
          %mul3A_976 = arith.muli %iota3A, %mul3A_975 : vector<16xi32>
          %add3A_977 = arith.constant 4 : i32
          %add3A_978 = vector.broadcast %add3A_977 : i32 to vector<16xi32>
          %add3A_979 = arith.addi %mul3A_976, %add3A_978 : vector<16xi32>
          %add3A_980 = arith.constant 3 : i32
          %add3A_981 = vector.broadcast %add3A_980 : i32 to vector<16xi32>
          %add3A_982 = arith.addi %add3A_979, %add3A_981 : vector<16xi32>
          %gather3A_983 = tpu.vector_load_idx %arg13[%add3A_914, %add3A_982] : memref<128x16xi32, #tpu.memory_space<vmem>>[vector<16xi32>, vector<16xi32>], vector<16xi32>,
          %convert_element_type3A_984 = arith.sitofp %gather3A_983 : vector<16xi32> to vector<16xf32>
          %sub3A_985 = arith.subf %get3A_973, %convert_element_type3A_984 : vector<16xf32>
          %get3A_986 = arith.constant 0 : index
          %get3A_987 = tpu.vector_load %arg9[%get3A_986] {strides = array<i32>} : memref<64xf32, #tpu.memory_space<vmem>>, vector<16xf32>,
          %mul3A_988 = arith.mulf %select_n3A_927, %get3A_929 : vector<16xf32>
          %mul3A_989 = arith.mulf %mul3A_988, %get3A_929 : vector<16xf32>
          %add3A_990 = arith.addf %get3A_987, %mul3A_989 : vector<16xf32>
          %swap3A_991 = arith.constant 0 : index
          %swap3A_992 = tpu.vector_load %arg9[%swap3A_991] {strides = array<i32>} : memref<64xf32, #tpu.memory_space<vmem>>, vector<16xf32>,
          tpu.vector_store %arg9[%swap3A_991], %add3A_990 {strides = array<i32>} : memref<64xf32, #tpu.memory_space<vmem>>, vector<16xf32>,
          %get3A_993 = arith.constant 16 : index
          %get3A_994 = tpu.vector_load %arg9[%get3A_993] {strides = array<i32>} : memref<64xf32, #tpu.memory_space<vmem>>, vector<16xf32>,
          %mul3A_995 = arith.mulf %sub3A_943, %sub3A_943 : vector<16xf32>
          %mul3A_996 = arith.mulf %sub3A_957, %sub3A_957 : vector<16xf32>
          %add3A_997 = arith.addf %mul3A_995, %mul3A_996 : vector<16xf32>
          %mul3A_998 = arith.mulf %select_n3A_927, %add3A_997 : vector<16xf32>
          %add3A_999 = arith.addf %get3A_994, %mul3A_998 : vector<16xf32>
          %swap3A_1000 = arith.constant 16 : index
          %swap3A_1001 = tpu.vector_load %arg9[%swap3A_1000] {strides = array<i32>} : memref<64xf32, #tpu.memory_space<vmem>>, vector<16xf32>,
          tpu.vector_store %arg9[%swap3A_1000], %add3A_999 {strides = array<i32>} : memref<64xf32, #tpu.memory_space<vmem>>, vector<16xf32>,
          %get3A_1002 = arith.constant 32 : index
          %get3A_1003 = tpu.vector_load %arg9[%get3A_1002] {strides = array<i32>} : memref<64xf32, #tpu.memory_space<vmem>>, vector<16xf32>,
          %mul3A_1004 = arith.mulf %sub3A_971, %sub3A_971 : vector<16xf32>
          %mul3A_1005 = arith.mulf %sub3A_985, %sub3A_985 : vector<16xf32>
          %add3A_1006 = arith.addf %mul3A_1004, %mul3A_1005 : vector<16xf32>
          %mul3A_1007 = arith.mulf %select_n3A_927, %add3A_1006 : vector<16xf32>
          %add3A_1008 = arith.addf %get3A_1003, %mul3A_1007 : vector<16xf32>
          %swap3A_1009 = arith.constant 32 : index
          %swap3A_1010 = tpu.vector_load %arg9[%swap3A_1009] {strides = array<i32>} : memref<64xf32, #tpu.memory_space<vmem>>, vector<16xf32>,
          tpu.vector_store %arg9[%swap3A_1009], %add3A_1008 {strides = array<i32>} : memref<64xf32, #tpu.memory_space<vmem>>, vector<16xf32>,
          %get3A_1011 = arith.constant 48 : index
          %get3A_1012 = tpu.vector_load %arg9[%get3A_1011] {strides = array<i32>} : memref<64xf32, #tpu.memory_space<vmem>>, vector<16xf32>,
          %add3A_1013 = arith.addf %get3A_1012, %select_n3A_927 : vector<16xf32>
          %swap3A_1014 = arith.constant 48 : index
          %swap3A_1015 = tpu.vector_load %arg9[%swap3A_1014] {strides = array<i32>} : memref<64xf32, #tpu.memory_space<vmem>>, vector<16xf32>,
          tpu.vector_store %arg9[%swap3A_1014], %add3A_1013 {strides = array<i32>} : memref<64xf32, #tpu.memory_space<vmem>>, vector<16xf32>,
          %add3A_1016 = arith.constant 64 : i32
          %add3A_1017 = vector.broadcast %add3A_1016 : i32 to vector<16xi32>
          %add3A_1018 = arith.addi %add3A_1017, %iota3A : vector<16xi32>
          %mul3A_1019 = arith.constant 128 : i32
          %mul3A_1020 = arith.muli %while3A_139, %mul3A_1019 : i32
          %add3A_1021 = arith.constant 64 : i32
          %add3A_1022 = arith.addi %mul3A_1020, %add3A_1021 : i32
          %add3A_1023 = vector.broadcast %add3A_1022 : i32 to vector<16xi32>
          %add3A_1024 = arith.addi %add3A_1023, %iota3A : vector<16xi32>
          %lt3A_1025 = vector.broadcast %scan3A_98 : i32 to vector<16xi32>
          %lt3A_1026 = arith.cmpi slt, %add3A_1024, %lt3A_1025 : vector<16xi32>
          %jit3A_1027 = arith.constant 1.000000e+00 : f32
          %jit3A_1028 = arith.constant 0.000000e+00 : f32
          %broadcast_in_dim3A_1029 = vector.broadcast %jit3A_1027 : f32 to vector<16xf32>
          %broadcast_in_dim3A_1030 = vector.broadcast %jit3A_1028 : f32 to vector<16xf32>
          %select_n3A_1031 = arith.select %lt3A_1026, %broadcast_in_dim3A_1029, %broadcast_in_dim3A_1030 : vector<16xi1>, vector<16xf32>
          %get3A_1032 = arith.constant 576 : index
          %get3A_1033 = tpu.vector_load %arg14[%get3A_1032] {strides = array<i32>} : memref<640xf32, #tpu.memory_space<vmem>>, vector<16xf32>,
          %get3A_1034 = arith.constant 64 : index
          %get3A_1035 = tpu.vector_load %arg14[%get3A_1034] {strides = array<i32>} : memref<640xf32, #tpu.memory_space<vmem>>, vector<16xf32>,
          %mul3A_1036 = arith.constant 0 : i32
          %mul3A_1037 = vector.broadcast %mul3A_1036 : i32 to vector<16xi32>
          %mul3A_1038 = arith.muli %iota3A, %mul3A_1037 : vector<16xi32>
          %add3A_1039 = arith.constant 4 : i32
          %add3A_1040 = vector.broadcast %add3A_1039 : i32 to vector<16xi32>
          %add3A_1041 = arith.addi %mul3A_1038, %add3A_1040 : vector<16xi32>
          %add3A_1042 = arith.constant 0 : i32
          %add3A_1043 = vector.broadcast %add3A_1042 : i32 to vector<16xi32>
          %add3A_1044 = arith.addi %add3A_1041, %add3A_1043 : vector<16xi32>
          %gather3A_1045 = tpu.vector_load_idx %arg13[%add3A_1018, %add3A_1044] : memref<128x16xi32, #tpu.memory_space<vmem>>[vector<16xi32>, vector<16xi32>], vector<16xi32>,
          %convert_element_type3A_1046 = arith.sitofp %gather3A_1045 : vector<16xi32> to vector<16xf32>
          %sub3A_1047 = arith.subf %get3A_1035, %convert_element_type3A_1046 : vector<16xf32>
          %get3A_1048 = arith.constant 192 : index
          %get3A_1049 = tpu.vector_load %arg14[%get3A_1048] {strides = array<i32>} : memref<640xf32, #tpu.memory_space<vmem>>, vector<16xf32>,
          %mul3A_1050 = arith.constant 0 : i32
          %mul3A_1051 = vector.broadcast %mul3A_1050 : i32 to vector<16xi32>
          %mul3A_1052 = arith.muli %iota3A, %mul3A_1051 : vector<16xi32>
          %add3A_1053 = arith.constant 4 : i32
          %add3A_1054 = vector.broadcast %add3A_1053 : i32 to vector<16xi32>
          %add3A_1055 = arith.addi %mul3A_1052, %add3A_1054 : vector<16xi32>
          %add3A_1056 = arith.constant 1 : i32
          %add3A_1057 = vector.broadcast %add3A_1056 : i32 to vector<16xi32>
          %add3A_1058 = arith.addi %add3A_1055, %add3A_1057 : vector<16xi32>
          %gather3A_1059 = tpu.vector_load_idx %arg13[%add3A_1018, %add3A_1058] : memref<128x16xi32, #tpu.memory_space<vmem>>[vector<16xi32>, vector<16xi32>], vector<16xi32>,
          %convert_element_type3A_1060 = arith.sitofp %gather3A_1059 : vector<16xi32> to vector<16xf32>
          %sub3A_1061 = arith.subf %get3A_1049, %convert_element_type3A_1060 : vector<16xf32>
          %get3A_1062 = arith.constant 320 : index
          %get3A_1063 = tpu.vector_load %arg14[%get3A_1062] {strides = array<i32>} : memref<640xf32, #tpu.memory_space<vmem>>, vector<16xf32>,
          %mul3A_1064 = arith.constant 0 : i32
          %mul3A_1065 = vector.broadcast %mul3A_1064 : i32 to vector<16xi32>
          %mul3A_1066 = arith.muli %iota3A, %mul3A_1065 : vector<16xi32>
          %add3A_1067 = arith.constant 4 : i32
          %add3A_1068 = vector.broadcast %add3A_1067 : i32 to vector<16xi32>
          %add3A_1069 = arith.addi %mul3A_1066, %add3A_1068 : vector<16xi32>
          %add3A_1070 = arith.constant 2 : i32
          %add3A_1071 = vector.broadcast %add3A_1070 : i32 to vector<16xi32>
          %add3A_1072 = arith.addi %add3A_1069, %add3A_1071 : vector<16xi32>
          %gather3A_1073 = tpu.vector_load_idx %arg13[%add3A_1018, %add3A_1072] : memref<128x16xi32, #tpu.memory_space<vmem>>[vector<16xi32>, vector<16xi32>], vector<16xi32>,
          %convert_element_type3A_1074 = arith.sitofp %gather3A_1073 : vector<16xi32> to vector<16xf32>
          %sub3A_1075 = arith.subf %get3A_1063, %convert_element_type3A_1074 : vector<16xf32>
          %get3A_1076 = arith.constant 448 : index
          %get3A_1077 = tpu.vector_load %arg14[%get3A_1076] {strides = array<i32>} : memref<640xf32, #tpu.memory_space<vmem>>, vector<16xf32>,
          %mul3A_1078 = arith.constant 0 : i32
          %mul3A_1079 = vector.broadcast %mul3A_1078 : i32 to vector<16xi32>
          %mul3A_1080 = arith.muli %iota3A, %mul3A_1079 : vector<16xi32>
          %add3A_1081 = arith.constant 4 : i32
          %add3A_1082 = vector.broadcast %add3A_1081 : i32 to vector<16xi32>
          %add3A_1083 = arith.addi %mul3A_1080, %add3A_1082 : vector<16xi32>
          %add3A_1084 = arith.constant 3 : i32
          %add3A_1085 = vector.broadcast %add3A_1084 : i32 to vector<16xi32>
          %add3A_1086 = arith.addi %add3A_1083, %add3A_1085 : vector<16xi32>
          %gather3A_1087 = tpu.vector_load_idx %arg13[%add3A_1018, %add3A_1086] : memref<128x16xi32, #tpu.memory_space<vmem>>[vector<16xi32>, vector<16xi32>], vector<16xi32>,
          %convert_element_type3A_1088 = arith.sitofp %gather3A_1087 : vector<16xi32> to vector<16xf32>
          %sub3A_1089 = arith.subf %get3A_1077, %convert_element_type3A_1088 : vector<16xf32>
          %get3A_1090 = arith.constant 0 : index
          %get3A_1091 = tpu.vector_load %arg9[%get3A_1090] {strides = array<i32>} : memref<64xf32, #tpu.memory_space<vmem>>, vector<16xf32>,
          %mul3A_1092 = arith.mulf %select_n3A_1031, %get3A_1033 : vector<16xf32>
          %mul3A_1093 = arith.mulf %mul3A_1092, %get3A_1033 : vector<16xf32>
          %add3A_1094 = arith.addf %get3A_1091, %mul3A_1093 : vector<16xf32>
          %swap3A_1095 = arith.constant 0 : index
          %swap3A_1096 = tpu.vector_load %arg9[%swap3A_1095] {strides = array<i32>} : memref<64xf32, #tpu.memory_space<vmem>>, vector<16xf32>,
          tpu.vector_store %arg9[%swap3A_1095], %add3A_1094 {strides = array<i32>} : memref<64xf32, #tpu.memory_space<vmem>>, vector<16xf32>,
          %get3A_1097 = arith.constant 16 : index
          %get3A_1098 = tpu.vector_load %arg9[%get3A_1097] {strides = array<i32>} : memref<64xf32, #tpu.memory_space<vmem>>, vector<16xf32>,
          %mul3A_1099 = arith.mulf %sub3A_1047, %sub3A_1047 : vector<16xf32>
          %mul3A_1100 = arith.mulf %sub3A_1061, %sub3A_1061 : vector<16xf32>
          %add3A_1101 = arith.addf %mul3A_1099, %mul3A_1100 : vector<16xf32>
          %mul3A_1102 = arith.mulf %select_n3A_1031, %add3A_1101 : vector<16xf32>
          %add3A_1103 = arith.addf %get3A_1098, %mul3A_1102 : vector<16xf32>
          %swap3A_1104 = arith.constant 16 : index
          %swap3A_1105 = tpu.vector_load %arg9[%swap3A_1104] {strides = array<i32>} : memref<64xf32, #tpu.memory_space<vmem>>, vector<16xf32>,
          tpu.vector_store %arg9[%swap3A_1104], %add3A_1103 {strides = array<i32>} : memref<64xf32, #tpu.memory_space<vmem>>, vector<16xf32>,
          %get3A_1106 = arith.constant 32 : index
          %get3A_1107 = tpu.vector_load %arg9[%get3A_1106] {strides = array<i32>} : memref<64xf32, #tpu.memory_space<vmem>>, vector<16xf32>,
          %mul3A_1108 = arith.mulf %sub3A_1075, %sub3A_1075 : vector<16xf32>
          %mul3A_1109 = arith.mulf %sub3A_1089, %sub3A_1089 : vector<16xf32>
          %add3A_1110 = arith.addf %mul3A_1108, %mul3A_1109 : vector<16xf32>
          %mul3A_1111 = arith.mulf %select_n3A_1031, %add3A_1110 : vector<16xf32>
          %add3A_1112 = arith.addf %get3A_1107, %mul3A_1111 : vector<16xf32>
          %swap3A_1113 = arith.constant 32 : index
          %swap3A_1114 = tpu.vector_load %arg9[%swap3A_1113] {strides = array<i32>} : memref<64xf32, #tpu.memory_space<vmem>>, vector<16xf32>,
          tpu.vector_store %arg9[%swap3A_1113], %add3A_1112 {strides = array<i32>} : memref<64xf32, #tpu.memory_space<vmem>>, vector<16xf32>,
          %get3A_1115 = arith.constant 48 : index
          %get3A_1116 = tpu.vector_load %arg9[%get3A_1115] {strides = array<i32>} : memref<64xf32, #tpu.memory_space<vmem>>, vector<16xf32>,
          %add3A_1117 = arith.addf %get3A_1116, %select_n3A_1031 : vector<16xf32>
          %swap3A_1118 = arith.constant 48 : index
          %swap3A_1119 = tpu.vector_load %arg9[%swap3A_1118] {strides = array<i32>} : memref<64xf32, #tpu.memory_space<vmem>>, vector<16xf32>,
          tpu.vector_store %arg9[%swap3A_1118], %add3A_1117 {strides = array<i32>} : memref<64xf32, #tpu.memory_space<vmem>>, vector<16xf32>,
          %add3A_1120 = arith.constant 80 : i32
          %add3A_1121 = vector.broadcast %add3A_1120 : i32 to vector<16xi32>
          %add3A_1122 = arith.addi %add3A_1121, %iota3A : vector<16xi32>
          %mul3A_1123 = arith.constant 128 : i32
          %mul3A_1124 = arith.muli %while3A_139, %mul3A_1123 : i32
          %add3A_1125 = arith.constant 80 : i32
          %add3A_1126 = arith.addi %mul3A_1124, %add3A_1125 : i32
          %add3A_1127 = vector.broadcast %add3A_1126 : i32 to vector<16xi32>
          %add3A_1128 = arith.addi %add3A_1127, %iota3A : vector<16xi32>
          %lt3A_1129 = vector.broadcast %scan3A_98 : i32 to vector<16xi32>
          %lt3A_1130 = arith.cmpi slt, %add3A_1128, %lt3A_1129 : vector<16xi32>
          %jit3A_1131 = arith.constant 1.000000e+00 : f32
          %jit3A_1132 = arith.constant 0.000000e+00 : f32
          %broadcast_in_dim3A_1133 = vector.broadcast %jit3A_1131 : f32 to vector<16xf32>
          %broadcast_in_dim3A_1134 = vector.broadcast %jit3A_1132 : f32 to vector<16xf32>
          %select_n3A_1135 = arith.select %lt3A_1130, %broadcast_in_dim3A_1133, %broadcast_in_dim3A_1134 : vector<16xi1>, vector<16xf32>
          %get3A_1136 = arith.constant 592 : index
          %get3A_1137 = tpu.vector_load %arg14[%get3A_1136] {strides = array<i32>} : memref<640xf32, #tpu.memory_space<vmem>>, vector<16xf32>,
          %get3A_1138 = arith.constant 80 : index
          %get3A_1139 = tpu.vector_load %arg14[%get3A_1138] {strides = array<i32>} : memref<640xf32, #tpu.memory_space<vmem>>, vector<16xf32>,
          %mul3A_1140 = arith.constant 0 : i32
          %mul3A_1141 = vector.broadcast %mul3A_1140 : i32 to vector<16xi32>
          %mul3A_1142 = arith.muli %iota3A, %mul3A_1141 : vector<16xi32>
          %add3A_1143 = arith.constant 4 : i32
          %add3A_1144 = vector.broadcast %add3A_1143 : i32 to vector<16xi32>
          %add3A_1145 = arith.addi %mul3A_1142, %add3A_1144 : vector<16xi32>
          %add3A_1146 = arith.constant 0 : i32
          %add3A_1147 = vector.broadcast %add3A_1146 : i32 to vector<16xi32>
          %add3A_1148 = arith.addi %add3A_1145, %add3A_1147 : vector<16xi32>
          %gather3A_1149 = tpu.vector_load_idx %arg13[%add3A_1122, %add3A_1148] : memref<128x16xi32, #tpu.memory_space<vmem>>[vector<16xi32>, vector<16xi32>], vector<16xi32>,
          %convert_element_type3A_1150 = arith.sitofp %gather3A_1149 : vector<16xi32> to vector<16xf32>
          %sub3A_1151 = arith.subf %get3A_1139, %convert_element_type3A_1150 : vector<16xf32>
          %get3A_1152 = arith.constant 208 : index
          %get3A_1153 = tpu.vector_load %arg14[%get3A_1152] {strides = array<i32>} : memref<640xf32, #tpu.memory_space<vmem>>, vector<16xf32>,
          %mul3A_1154 = arith.constant 0 : i32
          %mul3A_1155 = vector.broadcast %mul3A_1154 : i32 to vector<16xi32>
          %mul3A_1156 = arith.muli %iota3A, %mul3A_1155 : vector<16xi32>
          %add3A_1157 = arith.constant 4 : i32
          %add3A_1158 = vector.broadcast %add3A_1157 : i32 to vector<16xi32>
          %add3A_1159 = arith.addi %mul3A_1156, %add3A_1158 : vector<16xi32>
          %add3A_1160 = arith.constant 1 : i32
          %add3A_1161 = vector.broadcast %add3A_1160 : i32 to vector<16xi32>
          %add3A_1162 = arith.addi %add3A_1159, %add3A_1161 : vector<16xi32>
          %gather3A_1163 = tpu.vector_load_idx %arg13[%add3A_1122, %add3A_1162] : memref<128x16xi32, #tpu.memory_space<vmem>>[vector<16xi32>, vector<16xi32>], vector<16xi32>,
          %convert_element_type3A_1164 = arith.sitofp %gather3A_1163 : vector<16xi32> to vector<16xf32>
          %sub3A_1165 = arith.subf %get3A_1153, %convert_element_type3A_1164 : vector<16xf32>
          %get3A_1166 = arith.constant 336 : index
          %get3A_1167 = tpu.vector_load %arg14[%get3A_1166] {strides = array<i32>} : memref<640xf32, #tpu.memory_space<vmem>>, vector<16xf32>,
          %mul3A_1168 = arith.constant 0 : i32
          %mul3A_1169 = vector.broadcast %mul3A_1168 : i32 to vector<16xi32>
          %mul3A_1170 = arith.muli %iota3A, %mul3A_1169 : vector<16xi32>
          %add3A_1171 = arith.constant 4 : i32
          %add3A_1172 = vector.broadcast %add3A_1171 : i32 to vector<16xi32>
          %add3A_1173 = arith.addi %mul3A_1170, %add3A_1172 : vector<16xi32>
          %add3A_1174 = arith.constant 2 : i32
          %add3A_1175 = vector.broadcast %add3A_1174 : i32 to vector<16xi32>
          %add3A_1176 = arith.addi %add3A_1173, %add3A_1175 : vector<16xi32>
          %gather3A_1177 = tpu.vector_load_idx %arg13[%add3A_1122, %add3A_1176] : memref<128x16xi32, #tpu.memory_space<vmem>>[vector<16xi32>, vector<16xi32>], vector<16xi32>,
          %convert_element_type3A_1178 = arith.sitofp %gather3A_1177 : vector<16xi32> to vector<16xf32>
          %sub3A_1179 = arith.subf %get3A_1167, %convert_element_type3A_1178 : vector<16xf32>
          %get3A_1180 = arith.constant 464 : index
          %get3A_1181 = tpu.vector_load %arg14[%get3A_1180] {strides = array<i32>} : memref<640xf32, #tpu.memory_space<vmem>>, vector<16xf32>,
          %mul3A_1182 = arith.constant 0 : i32
          %mul3A_1183 = vector.broadcast %mul3A_1182 : i32 to vector<16xi32>
          %mul3A_1184 = arith.muli %iota3A, %mul3A_1183 : vector<16xi32>
          %add3A_1185 = arith.constant 4 : i32
          %add3A_1186 = vector.broadcast %add3A_1185 : i32 to vector<16xi32>
          %add3A_1187 = arith.addi %mul3A_1184, %add3A_1186 : vector<16xi32>
          %add3A_1188 = arith.constant 3 : i32
          %add3A_1189 = vector.broadcast %add3A_1188 : i32 to vector<16xi32>
          %add3A_1190 = arith.addi %add3A_1187, %add3A_1189 : vector<16xi32>
          %gather3A_1191 = tpu.vector_load_idx %arg13[%add3A_1122, %add3A_1190] : memref<128x16xi32, #tpu.memory_space<vmem>>[vector<16xi32>, vector<16xi32>], vector<16xi32>,
          %convert_element_type3A_1192 = arith.sitofp %gather3A_1191 : vector<16xi32> to vector<16xf32>
          %sub3A_1193 = arith.subf %get3A_1181, %convert_element_type3A_1192 : vector<16xf32>
          %get3A_1194 = arith.constant 0 : index
          %get3A_1195 = tpu.vector_load %arg9[%get3A_1194] {strides = array<i32>} : memref<64xf32, #tpu.memory_space<vmem>>, vector<16xf32>,
          %mul3A_1196 = arith.mulf %select_n3A_1135, %get3A_1137 : vector<16xf32>
          %mul3A_1197 = arith.mulf %mul3A_1196, %get3A_1137 : vector<16xf32>
          %add3A_1198 = arith.addf %get3A_1195, %mul3A_1197 : vector<16xf32>
          %swap3A_1199 = arith.constant 0 : index
          %swap3A_1200 = tpu.vector_load %arg9[%swap3A_1199] {strides = array<i32>} : memref<64xf32, #tpu.memory_space<vmem>>, vector<16xf32>,
          tpu.vector_store %arg9[%swap3A_1199], %add3A_1198 {strides = array<i32>} : memref<64xf32, #tpu.memory_space<vmem>>, vector<16xf32>,
          %get3A_1201 = arith.constant 16 : index
          %get3A_1202 = tpu.vector_load %arg9[%get3A_1201] {strides = array<i32>} : memref<64xf32, #tpu.memory_space<vmem>>, vector<16xf32>,
          %mul3A_1203 = arith.mulf %sub3A_1151, %sub3A_1151 : vector<16xf32>
          %mul3A_1204 = arith.mulf %sub3A_1165, %sub3A_1165 : vector<16xf32>
          %add3A_1205 = arith.addf %mul3A_1203, %mul3A_1204 : vector<16xf32>
          %mul3A_1206 = arith.mulf %select_n3A_1135, %add3A_1205 : vector<16xf32>
          %add3A_1207 = arith.addf %get3A_1202, %mul3A_1206 : vector<16xf32>
          %swap3A_1208 = arith.constant 16 : index
          %swap3A_1209 = tpu.vector_load %arg9[%swap3A_1208] {strides = array<i32>} : memref<64xf32, #tpu.memory_space<vmem>>, vector<16xf32>,
          tpu.vector_store %arg9[%swap3A_1208], %add3A_1207 {strides = array<i32>} : memref<64xf32, #tpu.memory_space<vmem>>, vector<16xf32>,
          %get3A_1210 = arith.constant 32 : index
          %get3A_1211 = tpu.vector_load %arg9[%get3A_1210] {strides = array<i32>} : memref<64xf32, #tpu.memory_space<vmem>>, vector<16xf32>,
          %mul3A_1212 = arith.mulf %sub3A_1179, %sub3A_1179 : vector<16xf32>
          %mul3A_1213 = arith.mulf %sub3A_1193, %sub3A_1193 : vector<16xf32>
          %add3A_1214 = arith.addf %mul3A_1212, %mul3A_1213 : vector<16xf32>
          %mul3A_1215 = arith.mulf %select_n3A_1135, %add3A_1214 : vector<16xf32>
          %add3A_1216 = arith.addf %get3A_1211, %mul3A_1215 : vector<16xf32>
          %swap3A_1217 = arith.constant 32 : index
          %swap3A_1218 = tpu.vector_load %arg9[%swap3A_1217] {strides = array<i32>} : memref<64xf32, #tpu.memory_space<vmem>>, vector<16xf32>,
          tpu.vector_store %arg9[%swap3A_1217], %add3A_1216 {strides = array<i32>} : memref<64xf32, #tpu.memory_space<vmem>>, vector<16xf32>,
          %get3A_1219 = arith.constant 48 : index
          %get3A_1220 = tpu.vector_load %arg9[%get3A_1219] {strides = array<i32>} : memref<64xf32, #tpu.memory_space<vmem>>, vector<16xf32>,
          %add3A_1221 = arith.addf %get3A_1220, %select_n3A_1135 : vector<16xf32>
          %swap3A_1222 = arith.constant 48 : index
          %swap3A_1223 = tpu.vector_load %arg9[%swap3A_1222] {strides = array<i32>} : memref<64xf32, #tpu.memory_space<vmem>>, vector<16xf32>,
          tpu.vector_store %arg9[%swap3A_1222], %add3A_1221 {strides = array<i32>} : memref<64xf32, #tpu.memory_space<vmem>>, vector<16xf32>,
          %add3A_1224 = arith.constant 96 : i32
          %add3A_1225 = vector.broadcast %add3A_1224 : i32 to vector<16xi32>
          %add3A_1226 = arith.addi %add3A_1225, %iota3A : vector<16xi32>
          %mul3A_1227 = arith.constant 128 : i32
          %mul3A_1228 = arith.muli %while3A_139, %mul3A_1227 : i32
          %add3A_1229 = arith.constant 96 : i32
          %add3A_1230 = arith.addi %mul3A_1228, %add3A_1229 : i32
          %add3A_1231 = vector.broadcast %add3A_1230 : i32 to vector<16xi32>
          %add3A_1232 = arith.addi %add3A_1231, %iota3A : vector<16xi32>
          %lt3A_1233 = vector.broadcast %scan3A_98 : i32 to vector<16xi32>
          %lt3A_1234 = arith.cmpi slt, %add3A_1232, %lt3A_1233 : vector<16xi32>
          %jit3A_1235 = arith.constant 1.000000e+00 : f32
          %jit3A_1236 = arith.constant 0.000000e+00 : f32
          %broadcast_in_dim3A_1237 = vector.broadcast %jit3A_1235 : f32 to vector<16xf32>
          %broadcast_in_dim3A_1238 = vector.broadcast %jit3A_1236 : f32 to vector<16xf32>
          %select_n3A_1239 = arith.select %lt3A_1234, %broadcast_in_dim3A_1237, %broadcast_in_dim3A_1238 : vector<16xi1>, vector<16xf32>
          %get3A_1240 = arith.constant 608 : index
          %get3A_1241 = tpu.vector_load %arg14[%get3A_1240] {strides = array<i32>} : memref<640xf32, #tpu.memory_space<vmem>>, vector<16xf32>,
          %get3A_1242 = arith.constant 96 : index
          %get3A_1243 = tpu.vector_load %arg14[%get3A_1242] {strides = array<i32>} : memref<640xf32, #tpu.memory_space<vmem>>, vector<16xf32>,
          %mul3A_1244 = arith.constant 0 : i32
          %mul3A_1245 = vector.broadcast %mul3A_1244 : i32 to vector<16xi32>
          %mul3A_1246 = arith.muli %iota3A, %mul3A_1245 : vector<16xi32>
          %add3A_1247 = arith.constant 4 : i32
          %add3A_1248 = vector.broadcast %add3A_1247 : i32 to vector<16xi32>
          %add3A_1249 = arith.addi %mul3A_1246, %add3A_1248 : vector<16xi32>
          %add3A_1250 = arith.constant 0 : i32
          %add3A_1251 = vector.broadcast %add3A_1250 : i32 to vector<16xi32>
          %add3A_1252 = arith.addi %add3A_1249, %add3A_1251 : vector<16xi32>
          %gather3A_1253 = tpu.vector_load_idx %arg13[%add3A_1226, %add3A_1252] : memref<128x16xi32, #tpu.memory_space<vmem>>[vector<16xi32>, vector<16xi32>], vector<16xi32>,
          %convert_element_type3A_1254 = arith.sitofp %gather3A_1253 : vector<16xi32> to vector<16xf32>
          %sub3A_1255 = arith.subf %get3A_1243, %convert_element_type3A_1254 : vector<16xf32>
          %get3A_1256 = arith.constant 224 : index
          %get3A_1257 = tpu.vector_load %arg14[%get3A_1256] {strides = array<i32>} : memref<640xf32, #tpu.memory_space<vmem>>, vector<16xf32>,
          %mul3A_1258 = arith.constant 0 : i32
          %mul3A_1259 = vector.broadcast %mul3A_1258 : i32 to vector<16xi32>
          %mul3A_1260 = arith.muli %iota3A, %mul3A_1259 : vector<16xi32>
          %add3A_1261 = arith.constant 4 : i32
          %add3A_1262 = vector.broadcast %add3A_1261 : i32 to vector<16xi32>
          %add3A_1263 = arith.addi %mul3A_1260, %add3A_1262 : vector<16xi32>
          %add3A_1264 = arith.constant 1 : i32
          %add3A_1265 = vector.broadcast %add3A_1264 : i32 to vector<16xi32>
          %add3A_1266 = arith.addi %add3A_1263, %add3A_1265 : vector<16xi32>
          %gather3A_1267 = tpu.vector_load_idx %arg13[%add3A_1226, %add3A_1266] : memref<128x16xi32, #tpu.memory_space<vmem>>[vector<16xi32>, vector<16xi32>], vector<16xi32>,
          %convert_element_type3A_1268 = arith.sitofp %gather3A_1267 : vector<16xi32> to vector<16xf32>
          %sub3A_1269 = arith.subf %get3A_1257, %convert_element_type3A_1268 : vector<16xf32>
          %get3A_1270 = arith.constant 352 : index
          %get3A_1271 = tpu.vector_load %arg14[%get3A_1270] {strides = array<i32>} : memref<640xf32, #tpu.memory_space<vmem>>, vector<16xf32>,
          %mul3A_1272 = arith.constant 0 : i32
          %mul3A_1273 = vector.broadcast %mul3A_1272 : i32 to vector<16xi32>
          %mul3A_1274 = arith.muli %iota3A, %mul3A_1273 : vector<16xi32>
          %add3A_1275 = arith.constant 4 : i32
          %add3A_1276 = vector.broadcast %add3A_1275 : i32 to vector<16xi32>
          %add3A_1277 = arith.addi %mul3A_1274, %add3A_1276 : vector<16xi32>
          %add3A_1278 = arith.constant 2 : i32
          %add3A_1279 = vector.broadcast %add3A_1278 : i32 to vector<16xi32>
          %add3A_1280 = arith.addi %add3A_1277, %add3A_1279 : vector<16xi32>
          %gather3A_1281 = tpu.vector_load_idx %arg13[%add3A_1226, %add3A_1280] : memref<128x16xi32, #tpu.memory_space<vmem>>[vector<16xi32>, vector<16xi32>], vector<16xi32>,
          %convert_element_type3A_1282 = arith.sitofp %gather3A_1281 : vector<16xi32> to vector<16xf32>
          %sub3A_1283 = arith.subf %get3A_1271, %convert_element_type3A_1282 : vector<16xf32>
          %get3A_1284 = arith.constant 480 : index
          %get3A_1285 = tpu.vector_load %arg14[%get3A_1284] {strides = array<i32>} : memref<640xf32, #tpu.memory_space<vmem>>, vector<16xf32>,
          %mul3A_1286 = arith.constant 0 : i32
          %mul3A_1287 = vector.broadcast %mul3A_1286 : i32 to vector<16xi32>
          %mul3A_1288 = arith.muli %iota3A, %mul3A_1287 : vector<16xi32>
          %add3A_1289 = arith.constant 4 : i32
          %add3A_1290 = vector.broadcast %add3A_1289 : i32 to vector<16xi32>
          %add3A_1291 = arith.addi %mul3A_1288, %add3A_1290 : vector<16xi32>
          %add3A_1292 = arith.constant 3 : i32
          %add3A_1293 = vector.broadcast %add3A_1292 : i32 to vector<16xi32>
          %add3A_1294 = arith.addi %add3A_1291, %add3A_1293 : vector<16xi32>
          %gather3A_1295 = tpu.vector_load_idx %arg13[%add3A_1226, %add3A_1294] : memref<128x16xi32, #tpu.memory_space<vmem>>[vector<16xi32>, vector<16xi32>], vector<16xi32>,
          %convert_element_type3A_1296 = arith.sitofp %gather3A_1295 : vector<16xi32> to vector<16xf32>
          %sub3A_1297 = arith.subf %get3A_1285, %convert_element_type3A_1296 : vector<16xf32>
          %get3A_1298 = arith.constant 0 : index
          %get3A_1299 = tpu.vector_load %arg9[%get3A_1298] {strides = array<i32>} : memref<64xf32, #tpu.memory_space<vmem>>, vector<16xf32>,
          %mul3A_1300 = arith.mulf %select_n3A_1239, %get3A_1241 : vector<16xf32>
          %mul3A_1301 = arith.mulf %mul3A_1300, %get3A_1241 : vector<16xf32>
          %add3A_1302 = arith.addf %get3A_1299, %mul3A_1301 : vector<16xf32>
          %swap3A_1303 = arith.constant 0 : index
          %swap3A_1304 = tpu.vector_load %arg9[%swap3A_1303] {strides = array<i32>} : memref<64xf32, #tpu.memory_space<vmem>>, vector<16xf32>,
          tpu.vector_store %arg9[%swap3A_1303], %add3A_1302 {strides = array<i32>} : memref<64xf32, #tpu.memory_space<vmem>>, vector<16xf32>,
          %get3A_1305 = arith.constant 16 : index
          %get3A_1306 = tpu.vector_load %arg9[%get3A_1305] {strides = array<i32>} : memref<64xf32, #tpu.memory_space<vmem>>, vector<16xf32>,
          %mul3A_1307 = arith.mulf %sub3A_1255, %sub3A_1255 : vector<16xf32>
          %mul3A_1308 = arith.mulf %sub3A_1269, %sub3A_1269 : vector<16xf32>
          %add3A_1309 = arith.addf %mul3A_1307, %mul3A_1308 : vector<16xf32>
          %mul3A_1310 = arith.mulf %select_n3A_1239, %add3A_1309 : vector<16xf32>
          %add3A_1311 = arith.addf %get3A_1306, %mul3A_1310 : vector<16xf32>
          %swap3A_1312 = arith.constant 16 : index
          %swap3A_1313 = tpu.vector_load %arg9[%swap3A_1312] {strides = array<i32>} : memref<64xf32, #tpu.memory_space<vmem>>, vector<16xf32>,
          tpu.vector_store %arg9[%swap3A_1312], %add3A_1311 {strides = array<i32>} : memref<64xf32, #tpu.memory_space<vmem>>, vector<16xf32>,
          %get3A_1314 = arith.constant 32 : index
          %get3A_1315 = tpu.vector_load %arg9[%get3A_1314] {strides = array<i32>} : memref<64xf32, #tpu.memory_space<vmem>>, vector<16xf32>,
          %mul3A_1316 = arith.mulf %sub3A_1283, %sub3A_1283 : vector<16xf32>
          %mul3A_1317 = arith.mulf %sub3A_1297, %sub3A_1297 : vector<16xf32>
          %add3A_1318 = arith.addf %mul3A_1316, %mul3A_1317 : vector<16xf32>
          %mul3A_1319 = arith.mulf %select_n3A_1239, %add3A_1318 : vector<16xf32>
          %add3A_1320 = arith.addf %get3A_1315, %mul3A_1319 : vector<16xf32>
          %swap3A_1321 = arith.constant 32 : index
          %swap3A_1322 = tpu.vector_load %arg9[%swap3A_1321] {strides = array<i32>} : memref<64xf32, #tpu.memory_space<vmem>>, vector<16xf32>,
          tpu.vector_store %arg9[%swap3A_1321], %add3A_1320 {strides = array<i32>} : memref<64xf32, #tpu.memory_space<vmem>>, vector<16xf32>,
          %get3A_1323 = arith.constant 48 : index
          %get3A_1324 = tpu.vector_load %arg9[%get3A_1323] {strides = array<i32>} : memref<64xf32, #tpu.memory_space<vmem>>, vector<16xf32>,
          %add3A_1325 = arith.addf %get3A_1324, %select_n3A_1239 : vector<16xf32>
          %swap3A_1326 = arith.constant 48 : index
          %swap3A_1327 = tpu.vector_load %arg9[%swap3A_1326] {strides = array<i32>} : memref<64xf32, #tpu.memory_space<vmem>>, vector<16xf32>,
          tpu.vector_store %arg9[%swap3A_1326], %add3A_1325 {strides = array<i32>} : memref<64xf32, #tpu.memory_space<vmem>>, vector<16xf32>,
          %add3A_1328 = arith.constant 112 : i32
          %add3A_1329 = vector.broadcast %add3A_1328 : i32 to vector<16xi32>
          %add3A_1330 = arith.addi %add3A_1329, %iota3A : vector<16xi32>
          %mul3A_1331 = arith.constant 128 : i32
          %mul3A_1332 = arith.muli %while3A_139, %mul3A_1331 : i32
          %add3A_1333 = arith.constant 112 : i32
          %add3A_1334 = arith.addi %mul3A_1332, %add3A_1333 : i32
          %add3A_1335 = vector.broadcast %add3A_1334 : i32 to vector<16xi32>
          %add3A_1336 = arith.addi %add3A_1335, %iota3A : vector<16xi32>
          %lt3A_1337 = vector.broadcast %scan3A_98 : i32 to vector<16xi32>
          %lt3A_1338 = arith.cmpi slt, %add3A_1336, %lt3A_1337 : vector<16xi32>
          %jit3A_1339 = arith.constant 1.000000e+00 : f32
          %jit3A_1340 = arith.constant 0.000000e+00 : f32
          %broadcast_in_dim3A_1341 = vector.broadcast %jit3A_1339 : f32 to vector<16xf32>
          %broadcast_in_dim3A_1342 = vector.broadcast %jit3A_1340 : f32 to vector<16xf32>
          %select_n3A_1343 = arith.select %lt3A_1338, %broadcast_in_dim3A_1341, %broadcast_in_dim3A_1342 : vector<16xi1>, vector<16xf32>
          %get3A_1344 = arith.constant 624 : index
          %get3A_1345 = tpu.vector_load %arg14[%get3A_1344] {strides = array<i32>} : memref<640xf32, #tpu.memory_space<vmem>>, vector<16xf32>,
          %get3A_1346 = arith.constant 112 : index
          %get3A_1347 = tpu.vector_load %arg14[%get3A_1346] {strides = array<i32>} : memref<640xf32, #tpu.memory_space<vmem>>, vector<16xf32>,
          %mul3A_1348 = arith.constant 0 : i32
          %mul3A_1349 = vector.broadcast %mul3A_1348 : i32 to vector<16xi32>
          %mul3A_1350 = arith.muli %iota3A, %mul3A_1349 : vector<16xi32>
          %add3A_1351 = arith.constant 4 : i32
          %add3A_1352 = vector.broadcast %add3A_1351 : i32 to vector<16xi32>
          %add3A_1353 = arith.addi %mul3A_1350, %add3A_1352 : vector<16xi32>
          %add3A_1354 = arith.constant 0 : i32
          %add3A_1355 = vector.broadcast %add3A_1354 : i32 to vector<16xi32>
          %add3A_1356 = arith.addi %add3A_1353, %add3A_1355 : vector<16xi32>
          %gather3A_1357 = tpu.vector_load_idx %arg13[%add3A_1330, %add3A_1356] : memref<128x16xi32, #tpu.memory_space<vmem>>[vector<16xi32>, vector<16xi32>], vector<16xi32>,
          %convert_element_type3A_1358 = arith.sitofp %gather3A_1357 : vector<16xi32> to vector<16xf32>
          %sub3A_1359 = arith.subf %get3A_1347, %convert_element_type3A_1358 : vector<16xf32>
          %get3A_1360 = arith.constant 240 : index
          %get3A_1361 = tpu.vector_load %arg14[%get3A_1360] {strides = array<i32>} : memref<640xf32, #tpu.memory_space<vmem>>, vector<16xf32>,
          %mul3A_1362 = arith.constant 0 : i32
          %mul3A_1363 = vector.broadcast %mul3A_1362 : i32 to vector<16xi32>
          %mul3A_1364 = arith.muli %iota3A, %mul3A_1363 : vector<16xi32>
          %add3A_1365 = arith.constant 4 : i32
          %add3A_1366 = vector.broadcast %add3A_1365 : i32 to vector<16xi32>
          %add3A_1367 = arith.addi %mul3A_1364, %add3A_1366 : vector<16xi32>
          %add3A_1368 = arith.constant 1 : i32
          %add3A_1369 = vector.broadcast %add3A_1368 : i32 to vector<16xi32>
          %add3A_1370 = arith.addi %add3A_1367, %add3A_1369 : vector<16xi32>
          %gather3A_1371 = tpu.vector_load_idx %arg13[%add3A_1330, %add3A_1370] : memref<128x16xi32, #tpu.memory_space<vmem>>[vector<16xi32>, vector<16xi32>], vector<16xi32>,
          %convert_element_type3A_1372 = arith.sitofp %gather3A_1371 : vector<16xi32> to vector<16xf32>
          %sub3A_1373 = arith.subf %get3A_1361, %convert_element_type3A_1372 : vector<16xf32>
          %get3A_1374 = arith.constant 368 : index
          %get3A_1375 = tpu.vector_load %arg14[%get3A_1374] {strides = array<i32>} : memref<640xf32, #tpu.memory_space<vmem>>, vector<16xf32>,
          %mul3A_1376 = arith.constant 0 : i32
          %mul3A_1377 = vector.broadcast %mul3A_1376 : i32 to vector<16xi32>
          %mul3A_1378 = arith.muli %iota3A, %mul3A_1377 : vector<16xi32>
          %add3A_1379 = arith.constant 4 : i32
          %add3A_1380 = vector.broadcast %add3A_1379 : i32 to vector<16xi32>
          %add3A_1381 = arith.addi %mul3A_1378, %add3A_1380 : vector<16xi32>
          %add3A_1382 = arith.constant 2 : i32
          %add3A_1383 = vector.broadcast %add3A_1382 : i32 to vector<16xi32>
          %add3A_1384 = arith.addi %add3A_1381, %add3A_1383 : vector<16xi32>
          %gather3A_1385 = tpu.vector_load_idx %arg13[%add3A_1330, %add3A_1384] : memref<128x16xi32, #tpu.memory_space<vmem>>[vector<16xi32>, vector<16xi32>], vector<16xi32>,
          %convert_element_type3A_1386 = arith.sitofp %gather3A_1385 : vector<16xi32> to vector<16xf32>
          %sub3A_1387 = arith.subf %get3A_1375, %convert_element_type3A_1386 : vector<16xf32>
          %get3A_1388 = arith.constant 496 : index
          %get3A_1389 = tpu.vector_load %arg14[%get3A_1388] {strides = array<i32>} : memref<640xf32, #tpu.memory_space<vmem>>, vector<16xf32>,
          %mul3A_1390 = arith.constant 0 : i32
          %mul3A_1391 = vector.broadcast %mul3A_1390 : i32 to vector<16xi32>
          %mul3A_1392 = arith.muli %iota3A, %mul3A_1391 : vector<16xi32>
          %add3A_1393 = arith.constant 4 : i32
          %add3A_1394 = vector.broadcast %add3A_1393 : i32 to vector<16xi32>
          %add3A_1395 = arith.addi %mul3A_1392, %add3A_1394 : vector<16xi32>
          %add3A_1396 = arith.constant 3 : i32
          %add3A_1397 = vector.broadcast %add3A_1396 : i32 to vector<16xi32>
          %add3A_1398 = arith.addi %add3A_1395, %add3A_1397 : vector<16xi32>
          %gather3A_1399 = tpu.vector_load_idx %arg13[%add3A_1330, %add3A_1398] : memref<128x16xi32, #tpu.memory_space<vmem>>[vector<16xi32>, vector<16xi32>], vector<16xi32>,
          %convert_element_type3A_1400 = arith.sitofp %gather3A_1399 : vector<16xi32> to vector<16xf32>
          %sub3A_1401 = arith.subf %get3A_1389, %convert_element_type3A_1400 : vector<16xf32>
          %get3A_1402 = arith.constant 0 : index
          %get3A_1403 = tpu.vector_load %arg9[%get3A_1402] {strides = array<i32>} : memref<64xf32, #tpu.memory_space<vmem>>, vector<16xf32>,
          %mul3A_1404 = arith.mulf %select_n3A_1343, %get3A_1345 : vector<16xf32>
          %mul3A_1405 = arith.mulf %mul3A_1404, %get3A_1345 : vector<16xf32>
          %add3A_1406 = arith.addf %get3A_1403, %mul3A_1405 : vector<16xf32>
          %swap3A_1407 = arith.constant 0 : index
          %swap3A_1408 = tpu.vector_load %arg9[%swap3A_1407] {strides = array<i32>} : memref<64xf32, #tpu.memory_space<vmem>>, vector<16xf32>,
          tpu.vector_store %arg9[%swap3A_1407], %add3A_1406 {strides = array<i32>} : memref<64xf32, #tpu.memory_space<vmem>>, vector<16xf32>,
          %get3A_1409 = arith.constant 16 : index
          %get3A_1410 = tpu.vector_load %arg9[%get3A_1409] {strides = array<i32>} : memref<64xf32, #tpu.memory_space<vmem>>, vector<16xf32>,
          %mul3A_1411 = arith.mulf %sub3A_1359, %sub3A_1359 : vector<16xf32>
          %mul3A_1412 = arith.mulf %sub3A_1373, %sub3A_1373 : vector<16xf32>
          %add3A_1413 = arith.addf %mul3A_1411, %mul3A_1412 : vector<16xf32>
          %mul3A_1414 = arith.mulf %select_n3A_1343, %add3A_1413 : vector<16xf32>
          %add3A_1415 = arith.addf %get3A_1410, %mul3A_1414 : vector<16xf32>
          %swap3A_1416 = arith.constant 16 : index
          %swap3A_1417 = tpu.vector_load %arg9[%swap3A_1416] {strides = array<i32>} : memref<64xf32, #tpu.memory_space<vmem>>, vector<16xf32>,
          tpu.vector_store %arg9[%swap3A_1416], %add3A_1415 {strides = array<i32>} : memref<64xf32, #tpu.memory_space<vmem>>, vector<16xf32>,
          %get3A_1418 = arith.constant 32 : index
          %get3A_1419 = tpu.vector_load %arg9[%get3A_1418] {strides = array<i32>} : memref<64xf32, #tpu.memory_space<vmem>>, vector<16xf32>,
          %mul3A_1420 = arith.mulf %sub3A_1387, %sub3A_1387 : vector<16xf32>
          %mul3A_1421 = arith.mulf %sub3A_1401, %sub3A_1401 : vector<16xf32>
          %add3A_1422 = arith.addf %mul3A_1420, %mul3A_1421 : vector<16xf32>
          %mul3A_1423 = arith.mulf %select_n3A_1343, %add3A_1422 : vector<16xf32>
          %add3A_1424 = arith.addf %get3A_1419, %mul3A_1423 : vector<16xf32>
          %swap3A_1425 = arith.constant 32 : index
          %swap3A_1426 = tpu.vector_load %arg9[%swap3A_1425] {strides = array<i32>} : memref<64xf32, #tpu.memory_space<vmem>>, vector<16xf32>,
          tpu.vector_store %arg9[%swap3A_1425], %add3A_1424 {strides = array<i32>} : memref<64xf32, #tpu.memory_space<vmem>>, vector<16xf32>,
          %get3A_1427 = arith.constant 48 : index
          %get3A_1428 = tpu.vector_load %arg9[%get3A_1427] {strides = array<i32>} : memref<64xf32, #tpu.memory_space<vmem>>, vector<16xf32>,
          %add3A_1429 = arith.addf %get3A_1428, %select_n3A_1343 : vector<16xf32>
          %swap3A_1430 = arith.constant 48 : index
          %swap3A_1431 = tpu.vector_load %arg9[%swap3A_1430] {strides = array<i32>} : memref<64xf32, #tpu.memory_space<vmem>>, vector<16xf32>,
          tpu.vector_store %arg9[%swap3A_1430], %add3A_1429 {strides = array<i32>} : memref<64xf32, #tpu.memory_space<vmem>>, vector<16xf32>,
          %while3A_1432 = arith.constant 0 : i32
          scf.yield %while3A_1432 : i32
        }
        %while3A_136 = arith.constant 1 : i32
        %while3A_137 = scf.for %while3A_139 = %while3A_133 to %while3A_129 step %while3A_136 iter_args(%while3A_140 = %while3A_135) -> (i32)  : i32 {
          %mul3A_141 = arith.constant 128 : i32
          %mul3A_142 = arith.muli %while3A_139, %mul3A_141 : i32
          %add3A_143 = arith.constant 0 : i32
          %add3A_144 = arith.addi %mul3A_142, %add3A_143 : i32
          %multiple_of3A = tpu.assume_multiple %add3A_144, 16 : i32
          %mul3A_145 = arith.constant 128 : i32
          %mul3A_146 = arith.muli %while3A_139, %mul3A_145 : i32
          %add3A_147 = arith.constant 0 : i32
          %add3A_148 = arith.addi %mul3A_146, %add3A_147 : i32
          %add3A_149 = vector.broadcast %add3A_148 : i32 to vector<16xi32>
          %add3A_150 = arith.addi %add3A_149, %iota3A : vector<16xi32>
          %lt3A = vector.broadcast %scan3A_98 : i32 to vector<16xi32>
          %lt3A_151 = arith.cmpi slt, %add3A_150, %lt3A : vector<16xi32>
          %get3A_152 = arith.index_cast %multiple_of3A : i32 to index
          %get3A_153 = tpu.vector_load %arg7[%get3A_152] {strides = array<i32>} : memref<8192xi32, #tpu.memory_space<vmem>>, vector<16xi32>,
          %jit3A_154 = arith.constant 0 : i32
          %broadcast_in_dim3A_155 = vector.broadcast %jit3A_154 : i32 to vector<16xi32>
          %select_n3A_156 = arith.select %lt3A_151, %get3A_153, %broadcast_in_dim3A_155 : vector<16xi1>, vector<16xi32>
          %swap3A_157 = arith.constant 0 : index
          %swap3A_158 = tpu.vector_load %arg11[%swap3A_157] {strides = array<i32>} : memref<128xi32, #tpu.memory_space<vmem>>, vector<16xi32>,
          tpu.vector_store %arg11[%swap3A_157], %select_n3A_156 {strides = array<i32>} : memref<128xi32, #tpu.memory_space<vmem>>, vector<16xi32>,
          %get3A_159 = arith.index_cast %multiple_of3A : i32 to index
          %get3A_160 = tpu.vector_load %arg8[%get3A_159] {strides = array<i32>} : memref<8192xi32, #tpu.memory_space<vmem>>, vector<16xi32>,
          %jit3A_161 = arith.constant 0 : i32
          %broadcast_in_dim3A_162 = vector.broadcast %jit3A_161 : i32 to vector<16xi32>
          %select_n3A_163 = arith.select %lt3A_151, %get3A_160, %broadcast_in_dim3A_162 : vector<16xi1>, vector<16xi32>
          %shift_right_arithmetic3A = arith.constant 14 : i32
          %shift_right_arithmetic3A_164 = vector.broadcast %shift_right_arithmetic3A : i32 to vector<16xi32>
          %shift_right_arithmetic3A_165 = arith.shrsi %select_n3A_163, %shift_right_arithmetic3A_164 : vector<16xi32>
          %mul3A_166 = arith.constant 65536 : i32
          %mul3A_167 = vector.broadcast %mul3A_166 : i32 to vector<16xi32>
          %mul3A_168 = arith.muli %shift_right_arithmetic3A_165, %mul3A_167 : vector<16xi32>
          %add3A_169 = arith.addi %select_n3A_163, %mul3A_168 : vector<16xi32>
          %add3A_170 = arith.constant 0 : i32
          %add3A_171 = vector.broadcast %add3A_170 : i32 to vector<16xi32>
          %add3A_172 = arith.addi %add3A_169, %add3A_171 : vector<16xi32>
          %swap3A_173 = arith.constant 0 : index
          %swap3A_174 = tpu.vector_load %arg12[%swap3A_173] {strides = array<i32>} : memref<640xi32, #tpu.memory_space<vmem>>, vector<16xi32>,
          tpu.vector_store %arg12[%swap3A_173], %add3A_172 {strides = array<i32>} : memref<640xi32, #tpu.memory_space<vmem>>, vector<16xi32>,
          %add3A_175 = arith.constant 16384 : i32
          %add3A_176 = vector.broadcast %add3A_175 : i32 to vector<16xi32>
          %add3A_177 = arith.addi %add3A_169, %add3A_176 : vector<16xi32>
          %swap3A_178 = arith.constant 128 : index
          %swap3A_179 = tpu.vector_load %arg12[%swap3A_178] {strides = array<i32>} : memref<640xi32, #tpu.memory_space<vmem>>, vector<16xi32>,
          tpu.vector_store %arg12[%swap3A_178], %add3A_177 {strides = array<i32>} : memref<640xi32, #tpu.memory_space<vmem>>, vector<16xi32>,
          %add3A_180 = arith.constant 32768 : i32
          %add3A_181 = vector.broadcast %add3A_180 : i32 to vector<16xi32>
          %add3A_182 = arith.addi %add3A_169, %add3A_181 : vector<16xi32>
          %swap3A_183 = arith.constant 256 : index
          %swap3A_184 = tpu.vector_load %arg12[%swap3A_183] {strides = array<i32>} : memref<640xi32, #tpu.memory_space<vmem>>, vector<16xi32>,
          tpu.vector_store %arg12[%swap3A_183], %add3A_182 {strides = array<i32>} : memref<640xi32, #tpu.memory_space<vmem>>, vector<16xi32>,
          %add3A_185 = arith.constant 49152 : i32
          %add3A_186 = vector.broadcast %add3A_185 : i32 to vector<16xi32>
          %add3A_187 = arith.addi %add3A_169, %add3A_186 : vector<16xi32>
          %swap3A_188 = arith.constant 384 : index
          %swap3A_189 = tpu.vector_load %arg12[%swap3A_188] {strides = array<i32>} : memref<640xi32, #tpu.memory_space<vmem>>, vector<16xi32>,
          tpu.vector_store %arg12[%swap3A_188], %add3A_187 {strides = array<i32>} : memref<640xi32, #tpu.memory_space<vmem>>, vector<16xi32>,
          %add3A_190 = arith.constant 65536 : i32
          %add3A_191 = vector.broadcast %add3A_190 : i32 to vector<16xi32>
          %add3A_192 = arith.addi %add3A_169, %add3A_191 : vector<16xi32>
          %swap3A_193 = arith.constant 512 : index
          %swap3A_194 = tpu.vector_load %arg12[%swap3A_193] {strides = array<i32>} : memref<640xi32, #tpu.memory_space<vmem>>, vector<16xi32>,
          tpu.vector_store %arg12[%swap3A_193], %add3A_192 {strides = array<i32>} : memref<640xi32, #tpu.memory_space<vmem>>, vector<16xi32>,
          %mul3A_195 = arith.constant 128 : i32
          %mul3A_196 = arith.muli %while3A_139, %mul3A_195 : i32
          %add3A_197 = arith.constant 16 : i32
          %add3A_198 = arith.addi %mul3A_196, %add3A_197 : i32
          %multiple_of3A_199 = tpu.assume_multiple %add3A_198, 16 : i32
          %mul3A_200 = arith.constant 128 : i32
          %mul3A_201 = arith.muli %while3A_139, %mul3A_200 : i32
          %add3A_202 = arith.constant 16 : i32
          %add3A_203 = arith.addi %mul3A_201, %add3A_202 : i32
          %add3A_204 = vector.broadcast %add3A_203 : i32 to vector<16xi32>
          %add3A_205 = arith.addi %add3A_204, %iota3A : vector<16xi32>
          %lt3A_206 = vector.broadcast %scan3A_98 : i32 to vector<16xi32>
          %lt3A_207 = arith.cmpi slt, %add3A_205, %lt3A_206 : vector<16xi32>
          %get3A_208 = arith.index_cast %multiple_of3A_199 : i32 to index
          %get3A_209 = tpu.vector_load %arg7[%get3A_208] {strides = array<i32>} : memref<8192xi32, #tpu.memory_space<vmem>>, vector<16xi32>,
          %jit3A_210 = arith.constant 0 : i32
          %broadcast_in_dim3A_211 = vector.broadcast %jit3A_210 : i32 to vector<16xi32>
          %select_n3A_212 = arith.select %lt3A_207, %get3A_209, %broadcast_in_dim3A_211 : vector<16xi1>, vector<16xi32>
          %swap3A_213 = arith.constant 16 : index
          %swap3A_214 = tpu.vector_load %arg11[%swap3A_213] {strides = array<i32>} : memref<128xi32, #tpu.memory_space<vmem>>, vector<16xi32>,
          tpu.vector_store %arg11[%swap3A_213], %select_n3A_212 {strides = array<i32>} : memref<128xi32, #tpu.memory_space<vmem>>, vector<16xi32>,
          %get3A_215 = arith.index_cast %multiple_of3A_199 : i32 to index
          %get3A_216 = tpu.vector_load %arg8[%get3A_215] {strides = array<i32>} : memref<8192xi32, #tpu.memory_space<vmem>>, vector<16xi32>,
          %jit3A_217 = arith.constant 0 : i32
          %broadcast_in_dim3A_218 = vector.broadcast %jit3A_217 : i32 to vector<16xi32>
          %select_n3A_219 = arith.select %lt3A_207, %get3A_216, %broadcast_in_dim3A_218 : vector<16xi1>, vector<16xi32>
          %shift_right_arithmetic3A_220 = arith.constant 14 : i32
          %shift_right_arithmetic3A_221 = vector.broadcast %shift_right_arithmetic3A_220 : i32 to vector<16xi32>
          %shift_right_arithmetic3A_222 = arith.shrsi %select_n3A_219, %shift_right_arithmetic3A_221 : vector<16xi32>
          %mul3A_223 = arith.constant 65536 : i32
          %mul3A_224 = vector.broadcast %mul3A_223 : i32 to vector<16xi32>
          %mul3A_225 = arith.muli %shift_right_arithmetic3A_222, %mul3A_224 : vector<16xi32>
          %add3A_226 = arith.addi %select_n3A_219, %mul3A_225 : vector<16xi32>
          %add3A_227 = arith.constant 0 : i32
          %add3A_228 = vector.broadcast %add3A_227 : i32 to vector<16xi32>
          %add3A_229 = arith.addi %add3A_226, %add3A_228 : vector<16xi32>
          %swap3A_230 = arith.constant 16 : index
          %swap3A_231 = tpu.vector_load %arg12[%swap3A_230] {strides = array<i32>} : memref<640xi32, #tpu.memory_space<vmem>>, vector<16xi32>,
          tpu.vector_store %arg12[%swap3A_230], %add3A_229 {strides = array<i32>} : memref<640xi32, #tpu.memory_space<vmem>>, vector<16xi32>,
          %add3A_232 = arith.constant 16384 : i32
          %add3A_233 = vector.broadcast %add3A_232 : i32 to vector<16xi32>
          %add3A_234 = arith.addi %add3A_226, %add3A_233 : vector<16xi32>
          %swap3A_235 = arith.constant 144 : index
          %swap3A_236 = tpu.vector_load %arg12[%swap3A_235] {strides = array<i32>} : memref<640xi32, #tpu.memory_space<vmem>>, vector<16xi32>,
          tpu.vector_store %arg12[%swap3A_235], %add3A_234 {strides = array<i32>} : memref<640xi32, #tpu.memory_space<vmem>>, vector<16xi32>,
          %add3A_237 = arith.constant 32768 : i32
          %add3A_238 = vector.broadcast %add3A_237 : i32 to vector<16xi32>
          %add3A_239 = arith.addi %add3A_226, %add3A_238 : vector<16xi32>
          %swap3A_240 = arith.constant 272 : index
          %swap3A_241 = tpu.vector_load %arg12[%swap3A_240] {strides = array<i32>} : memref<640xi32, #tpu.memory_space<vmem>>, vector<16xi32>,
          tpu.vector_store %arg12[%swap3A_240], %add3A_239 {strides = array<i32>} : memref<640xi32, #tpu.memory_space<vmem>>, vector<16xi32>,
          %add3A_242 = arith.constant 49152 : i32
          %add3A_243 = vector.broadcast %add3A_242 : i32 to vector<16xi32>
          %add3A_244 = arith.addi %add3A_226, %add3A_243 : vector<16xi32>
          %swap3A_245 = arith.constant 400 : index
          %swap3A_246 = tpu.vector_load %arg12[%swap3A_245] {strides = array<i32>} : memref<640xi32, #tpu.memory_space<vmem>>, vector<16xi32>,
          tpu.vector_store %arg12[%swap3A_245], %add3A_244 {strides = array<i32>} : memref<640xi32, #tpu.memory_space<vmem>>, vector<16xi32>,
          %add3A_247 = arith.constant 65536 : i32
          %add3A_248 = vector.broadcast %add3A_247 : i32 to vector<16xi32>
          %add3A_249 = arith.addi %add3A_226, %add3A_248 : vector<16xi32>
          %swap3A_250 = arith.constant 528 : index
          %swap3A_251 = tpu.vector_load %arg12[%swap3A_250] {strides = array<i32>} : memref<640xi32, #tpu.memory_space<vmem>>, vector<16xi32>,
          tpu.vector_store %arg12[%swap3A_250], %add3A_249 {strides = array<i32>} : memref<640xi32, #tpu.memory_space<vmem>>, vector<16xi32>,
          %mul3A_252 = arith.constant 128 : i32
          %mul3A_253 = arith.muli %while3A_139, %mul3A_252 : i32
          %add3A_254 = arith.constant 32 : i32
          %add3A_255 = arith.addi %mul3A_253, %add3A_254 : i32
          %multiple_of3A_256 = tpu.assume_multiple %add3A_255, 16 : i32
          %mul3A_257 = arith.constant 128 : i32
          %mul3A_258 = arith.muli %while3A_139, %mul3A_257 : i32
          %add3A_259 = arith.constant 32 : i32
          %add3A_260 = arith.addi %mul3A_258, %add3A_259 : i32
          %add3A_261 = vector.broadcast %add3A_260 : i32 to vector<16xi32>
          %add3A_262 = arith.addi %add3A_261, %iota3A : vector<16xi32>
          %lt3A_263 = vector.broadcast %scan3A_98 : i32 to vector<16xi32>
          %lt3A_264 = arith.cmpi slt, %add3A_262, %lt3A_263 : vector<16xi32>
          %get3A_265 = arith.index_cast %multiple_of3A_256 : i32 to index
          %get3A_266 = tpu.vector_load %arg7[%get3A_265] {strides = array<i32>} : memref<8192xi32, #tpu.memory_space<vmem>>, vector<16xi32>,
          %jit3A_267 = arith.constant 0 : i32
          %broadcast_in_dim3A_268 = vector.broadcast %jit3A_267 : i32 to vector<16xi32>
          %select_n3A_269 = arith.select %lt3A_264, %get3A_266, %broadcast_in_dim3A_268 : vector<16xi1>, vector<16xi32>
          %swap3A_270 = arith.constant 32 : index
          %swap3A_271 = tpu.vector_load %arg11[%swap3A_270] {strides = array<i32>} : memref<128xi32, #tpu.memory_space<vmem>>, vector<16xi32>,
          tpu.vector_store %arg11[%swap3A_270], %select_n3A_269 {strides = array<i32>} : memref<128xi32, #tpu.memory_space<vmem>>, vector<16xi32>,
          %get3A_272 = arith.index_cast %multiple_of3A_256 : i32 to index
          %get3A_273 = tpu.vector_load %arg8[%get3A_272] {strides = array<i32>} : memref<8192xi32, #tpu.memory_space<vmem>>, vector<16xi32>,
          %jit3A_274 = arith.constant 0 : i32
          %broadcast_in_dim3A_275 = vector.broadcast %jit3A_274 : i32 to vector<16xi32>
          %select_n3A_276 = arith.select %lt3A_264, %get3A_273, %broadcast_in_dim3A_275 : vector<16xi1>, vector<16xi32>
          %shift_right_arithmetic3A_277 = arith.constant 14 : i32
          %shift_right_arithmetic3A_278 = vector.broadcast %shift_right_arithmetic3A_277 : i32 to vector<16xi32>
          %shift_right_arithmetic3A_279 = arith.shrsi %select_n3A_276, %shift_right_arithmetic3A_278 : vector<16xi32>
          %mul3A_280 = arith.constant 65536 : i32
          %mul3A_281 = vector.broadcast %mul3A_280 : i32 to vector<16xi32>
          %mul3A_282 = arith.muli %shift_right_arithmetic3A_279, %mul3A_281 : vector<16xi32>
          %add3A_283 = arith.addi %select_n3A_276, %mul3A_282 : vector<16xi32>
          %add3A_284 = arith.constant 0 : i32
          %add3A_285 = vector.broadcast %add3A_284 : i32 to vector<16xi32>
          %add3A_286 = arith.addi %add3A_283, %add3A_285 : vector<16xi32>
          %swap3A_287 = arith.constant 32 : index
          %swap3A_288 = tpu.vector_load %arg12[%swap3A_287] {strides = array<i32>} : memref<640xi32, #tpu.memory_space<vmem>>, vector<16xi32>,
          tpu.vector_store %arg12[%swap3A_287], %add3A_286 {strides = array<i32>} : memref<640xi32, #tpu.memory_space<vmem>>, vector<16xi32>,
          %add3A_289 = arith.constant 16384 : i32
          %add3A_290 = vector.broadcast %add3A_289 : i32 to vector<16xi32>
          %add3A_291 = arith.addi %add3A_283, %add3A_290 : vector<16xi32>
          %swap3A_292 = arith.constant 160 : index
          %swap3A_293 = tpu.vector_load %arg12[%swap3A_292] {strides = array<i32>} : memref<640xi32, #tpu.memory_space<vmem>>, vector<16xi32>,
          tpu.vector_store %arg12[%swap3A_292], %add3A_291 {strides = array<i32>} : memref<640xi32, #tpu.memory_space<vmem>>, vector<16xi32>,
          %add3A_294 = arith.constant 32768 : i32
          %add3A_295 = vector.broadcast %add3A_294 : i32 to vector<16xi32>
          %add3A_296 = arith.addi %add3A_283, %add3A_295 : vector<16xi32>
          %swap3A_297 = arith.constant 288 : index
          %swap3A_298 = tpu.vector_load %arg12[%swap3A_297] {strides = array<i32>} : memref<640xi32, #tpu.memory_space<vmem>>, vector<16xi32>,
          tpu.vector_store %arg12[%swap3A_297], %add3A_296 {strides = array<i32>} : memref<640xi32, #tpu.memory_space<vmem>>, vector<16xi32>,
          %add3A_299 = arith.constant 49152 : i32
          %add3A_300 = vector.broadcast %add3A_299 : i32 to vector<16xi32>
          %add3A_301 = arith.addi %add3A_283, %add3A_300 : vector<16xi32>
          %swap3A_302 = arith.constant 416 : index
          %swap3A_303 = tpu.vector_load %arg12[%swap3A_302] {strides = array<i32>} : memref<640xi32, #tpu.memory_space<vmem>>, vector<16xi32>,
          tpu.vector_store %arg12[%swap3A_302], %add3A_301 {strides = array<i32>} : memref<640xi32, #tpu.memory_space<vmem>>, vector<16xi32>,
          %add3A_304 = arith.constant 65536 : i32
          %add3A_305 = vector.broadcast %add3A_304 : i32 to vector<16xi32>
          %add3A_306 = arith.addi %add3A_283, %add3A_305 : vector<16xi32>
          %swap3A_307 = arith.constant 544 : index
          %swap3A_308 = tpu.vector_load %arg12[%swap3A_307] {strides = array<i32>} : memref<640xi32, #tpu.memory_space<vmem>>, vector<16xi32>,
          tpu.vector_store %arg12[%swap3A_307], %add3A_306 {strides = array<i32>} : memref<640xi32, #tpu.memory_space<vmem>>, vector<16xi32>,
          %mul3A_309 = arith.constant 128 : i32
          %mul3A_310 = arith.muli %while3A_139, %mul3A_309 : i32
          %add3A_311 = arith.constant 48 : i32
          %add3A_312 = arith.addi %mul3A_310, %add3A_311 : i32
          %multiple_of3A_313 = tpu.assume_multiple %add3A_312, 16 : i32
          %mul3A_314 = arith.constant 128 : i32
          %mul3A_315 = arith.muli %while3A_139, %mul3A_314 : i32
          %add3A_316 = arith.constant 48 : i32
          %add3A_317 = arith.addi %mul3A_315, %add3A_316 : i32
          %add3A_318 = vector.broadcast %add3A_317 : i32 to vector<16xi32>
          %add3A_319 = arith.addi %add3A_318, %iota3A : vector<16xi32>
          %lt3A_320 = vector.broadcast %scan3A_98 : i32 to vector<16xi32>
          %lt3A_321 = arith.cmpi slt, %add3A_319, %lt3A_320 : vector<16xi32>
          %get3A_322 = arith.index_cast %multiple_of3A_313 : i32 to index
          %get3A_323 = tpu.vector_load %arg7[%get3A_322] {strides = array<i32>} : memref<8192xi32, #tpu.memory_space<vmem>>, vector<16xi32>,
          %jit3A_324 = arith.constant 0 : i32
          %broadcast_in_dim3A_325 = vector.broadcast %jit3A_324 : i32 to vector<16xi32>
          %select_n3A_326 = arith.select %lt3A_321, %get3A_323, %broadcast_in_dim3A_325 : vector<16xi1>, vector<16xi32>
          %swap3A_327 = arith.constant 48 : index
          %swap3A_328 = tpu.vector_load %arg11[%swap3A_327] {strides = array<i32>} : memref<128xi32, #tpu.memory_space<vmem>>, vector<16xi32>,
          tpu.vector_store %arg11[%swap3A_327], %select_n3A_326 {strides = array<i32>} : memref<128xi32, #tpu.memory_space<vmem>>, vector<16xi32>,
          %get3A_329 = arith.index_cast %multiple_of3A_313 : i32 to index
          %get3A_330 = tpu.vector_load %arg8[%get3A_329] {strides = array<i32>} : memref<8192xi32, #tpu.memory_space<vmem>>, vector<16xi32>,
          %jit3A_331 = arith.constant 0 : i32
          %broadcast_in_dim3A_332 = vector.broadcast %jit3A_331 : i32 to vector<16xi32>
          %select_n3A_333 = arith.select %lt3A_321, %get3A_330, %broadcast_in_dim3A_332 : vector<16xi1>, vector<16xi32>
          %shift_right_arithmetic3A_334 = arith.constant 14 : i32
          %shift_right_arithmetic3A_335 = vector.broadcast %shift_right_arithmetic3A_334 : i32 to vector<16xi32>
          %shift_right_arithmetic3A_336 = arith.shrsi %select_n3A_333, %shift_right_arithmetic3A_335 : vector<16xi32>
          %mul3A_337 = arith.constant 65536 : i32
          %mul3A_338 = vector.broadcast %mul3A_337 : i32 to vector<16xi32>
          %mul3A_339 = arith.muli %shift_right_arithmetic3A_336, %mul3A_338 : vector<16xi32>
          %add3A_340 = arith.addi %select_n3A_333, %mul3A_339 : vector<16xi32>
          %add3A_341 = arith.constant 0 : i32
          %add3A_342 = vector.broadcast %add3A_341 : i32 to vector<16xi32>
          %add3A_343 = arith.addi %add3A_340, %add3A_342 : vector<16xi32>
          %swap3A_344 = arith.constant 48 : index
          %swap3A_345 = tpu.vector_load %arg12[%swap3A_344] {strides = array<i32>} : memref<640xi32, #tpu.memory_space<vmem>>, vector<16xi32>,
          tpu.vector_store %arg12[%swap3A_344], %add3A_343 {strides = array<i32>} : memref<640xi32, #tpu.memory_space<vmem>>, vector<16xi32>,
          %add3A_346 = arith.constant 16384 : i32
          %add3A_347 = vector.broadcast %add3A_346 : i32 to vector<16xi32>
          %add3A_348 = arith.addi %add3A_340, %add3A_347 : vector<16xi32>
          %swap3A_349 = arith.constant 176 : index
          %swap3A_350 = tpu.vector_load %arg12[%swap3A_349] {strides = array<i32>} : memref<640xi32, #tpu.memory_space<vmem>>, vector<16xi32>,
          tpu.vector_store %arg12[%swap3A_349], %add3A_348 {strides = array<i32>} : memref<640xi32, #tpu.memory_space<vmem>>, vector<16xi32>,
          %add3A_351 = arith.constant 32768 : i32
          %add3A_352 = vector.broadcast %add3A_351 : i32 to vector<16xi32>
          %add3A_353 = arith.addi %add3A_340, %add3A_352 : vector<16xi32>
          %swap3A_354 = arith.constant 304 : index
          %swap3A_355 = tpu.vector_load %arg12[%swap3A_354] {strides = array<i32>} : memref<640xi32, #tpu.memory_space<vmem>>, vector<16xi32>,
          tpu.vector_store %arg12[%swap3A_354], %add3A_353 {strides = array<i32>} : memref<640xi32, #tpu.memory_space<vmem>>, vector<16xi32>,
          %add3A_356 = arith.constant 49152 : i32
          %add3A_357 = vector.broadcast %add3A_356 : i32 to vector<16xi32>
          %add3A_358 = arith.addi %add3A_340, %add3A_357 : vector<16xi32>
          %swap3A_359 = arith.constant 432 : index
          %swap3A_360 = tpu.vector_load %arg12[%swap3A_359] {strides = array<i32>} : memref<640xi32, #tpu.memory_space<vmem>>, vector<16xi32>,
          tpu.vector_store %arg12[%swap3A_359], %add3A_358 {strides = array<i32>} : memref<640xi32, #tpu.memory_space<vmem>>, vector<16xi32>,
          %add3A_361 = arith.constant 65536 : i32
          %add3A_362 = vector.broadcast %add3A_361 : i32 to vector<16xi32>
          %add3A_363 = arith.addi %add3A_340, %add3A_362 : vector<16xi32>
          %swap3A_364 = arith.constant 560 : index
          %swap3A_365 = tpu.vector_load %arg12[%swap3A_364] {strides = array<i32>} : memref<640xi32, #tpu.memory_space<vmem>>, vector<16xi32>,
          tpu.vector_store %arg12[%swap3A_364], %add3A_363 {strides = array<i32>} : memref<640xi32, #tpu.memory_space<vmem>>, vector<16xi32>,
          %mul3A_366 = arith.constant 128 : i32
          %mul3A_367 = arith.muli %while3A_139, %mul3A_366 : i32
          %add3A_368 = arith.constant 64 : i32
          %add3A_369 = arith.addi %mul3A_367, %add3A_368 : i32
          %multiple_of3A_370 = tpu.assume_multiple %add3A_369, 16 : i32
          %mul3A_371 = arith.constant 128 : i32
          %mul3A_372 = arith.muli %while3A_139, %mul3A_371 : i32
          %add3A_373 = arith.constant 64 : i32
          %add3A_374 = arith.addi %mul3A_372, %add3A_373 : i32
          %add3A_375 = vector.broadcast %add3A_374 : i32 to vector<16xi32>
          %add3A_376 = arith.addi %add3A_375, %iota3A : vector<16xi32>
          %lt3A_377 = vector.broadcast %scan3A_98 : i32 to vector<16xi32>
          %lt3A_378 = arith.cmpi slt, %add3A_376, %lt3A_377 : vector<16xi32>
          %get3A_379 = arith.index_cast %multiple_of3A_370 : i32 to index
          %get3A_380 = tpu.vector_load %arg7[%get3A_379] {strides = array<i32>} : memref<8192xi32, #tpu.memory_space<vmem>>, vector<16xi32>,
          %jit3A_381 = arith.constant 0 : i32
          %broadcast_in_dim3A_382 = vector.broadcast %jit3A_381 : i32 to vector<16xi32>
          %select_n3A_383 = arith.select %lt3A_378, %get3A_380, %broadcast_in_dim3A_382 : vector<16xi1>, vector<16xi32>
          %swap3A_384 = arith.constant 64 : index
          %swap3A_385 = tpu.vector_load %arg11[%swap3A_384] {strides = array<i32>} : memref<128xi32, #tpu.memory_space<vmem>>, vector<16xi32>,
          tpu.vector_store %arg11[%swap3A_384], %select_n3A_383 {strides = array<i32>} : memref<128xi32, #tpu.memory_space<vmem>>, vector<16xi32>,
          %get3A_386 = arith.index_cast %multiple_of3A_370 : i32 to index
          %get3A_387 = tpu.vector_load %arg8[%get3A_386] {strides = array<i32>} : memref<8192xi32, #tpu.memory_space<vmem>>, vector<16xi32>,
          %jit3A_388 = arith.constant 0 : i32
          %broadcast_in_dim3A_389 = vector.broadcast %jit3A_388 : i32 to vector<16xi32>
          %select_n3A_390 = arith.select %lt3A_378, %get3A_387, %broadcast_in_dim3A_389 : vector<16xi1>, vector<16xi32>
          %shift_right_arithmetic3A_391 = arith.constant 14 : i32
          %shift_right_arithmetic3A_392 = vector.broadcast %shift_right_arithmetic3A_391 : i32 to vector<16xi32>
          %shift_right_arithmetic3A_393 = arith.shrsi %select_n3A_390, %shift_right_arithmetic3A_392 : vector<16xi32>
          %mul3A_394 = arith.constant 65536 : i32
          %mul3A_395 = vector.broadcast %mul3A_394 : i32 to vector<16xi32>
          %mul3A_396 = arith.muli %shift_right_arithmetic3A_393, %mul3A_395 : vector<16xi32>
          %add3A_397 = arith.addi %select_n3A_390, %mul3A_396 : vector<16xi32>
          %add3A_398 = arith.constant 0 : i32
          %add3A_399 = vector.broadcast %add3A_398 : i32 to vector<16xi32>
          %add3A_400 = arith.addi %add3A_397, %add3A_399 : vector<16xi32>
          %swap3A_401 = arith.constant 64 : index
          %swap3A_402 = tpu.vector_load %arg12[%swap3A_401] {strides = array<i32>} : memref<640xi32, #tpu.memory_space<vmem>>, vector<16xi32>,
          tpu.vector_store %arg12[%swap3A_401], %add3A_400 {strides = array<i32>} : memref<640xi32, #tpu.memory_space<vmem>>, vector<16xi32>,
          %add3A_403 = arith.constant 16384 : i32
          %add3A_404 = vector.broadcast %add3A_403 : i32 to vector<16xi32>
          %add3A_405 = arith.addi %add3A_397, %add3A_404 : vector<16xi32>
          %swap3A_406 = arith.constant 192 : index
          %swap3A_407 = tpu.vector_load %arg12[%swap3A_406] {strides = array<i32>} : memref<640xi32, #tpu.memory_space<vmem>>, vector<16xi32>,
          tpu.vector_store %arg12[%swap3A_406], %add3A_405 {strides = array<i32>} : memref<640xi32, #tpu.memory_space<vmem>>, vector<16xi32>,
          %add3A_408 = arith.constant 32768 : i32
          %add3A_409 = vector.broadcast %add3A_408 : i32 to vector<16xi32>
          %add3A_410 = arith.addi %add3A_397, %add3A_409 : vector<16xi32>
          %swap3A_411 = arith.constant 320 : index
          %swap3A_412 = tpu.vector_load %arg12[%swap3A_411] {strides = array<i32>} : memref<640xi32, #tpu.memory_space<vmem>>, vector<16xi32>,
          tpu.vector_store %arg12[%swap3A_411], %add3A_410 {strides = array<i32>} : memref<640xi32, #tpu.memory_space<vmem>>, vector<16xi32>,
          %add3A_413 = arith.constant 49152 : i32
          %add3A_414 = vector.broadcast %add3A_413 : i32 to vector<16xi32>
          %add3A_415 = arith.addi %add3A_397, %add3A_414 : vector<16xi32>
          %swap3A_416 = arith.constant 448 : index
          %swap3A_417 = tpu.vector_load %arg12[%swap3A_416] {strides = array<i32>} : memref<640xi32, #tpu.memory_space<vmem>>, vector<16xi32>,
          tpu.vector_store %arg12[%swap3A_416], %add3A_415 {strides = array<i32>} : memref<640xi32, #tpu.memory_space<vmem>>, vector<16xi32>,
          %add3A_418 = arith.constant 65536 : i32
          %add3A_419 = vector.broadcast %add3A_418 : i32 to vector<16xi32>
          %add3A_420 = arith.addi %add3A_397, %add3A_419 : vector<16xi32>
          %swap3A_421 = arith.constant 576 : index
          %swap3A_422 = tpu.vector_load %arg12[%swap3A_421] {strides = array<i32>} : memref<640xi32, #tpu.memory_space<vmem>>, vector<16xi32>,
          tpu.vector_store %arg12[%swap3A_421], %add3A_420 {strides = array<i32>} : memref<640xi32, #tpu.memory_space<vmem>>, vector<16xi32>,
          %mul3A_423 = arith.constant 128 : i32
          %mul3A_424 = arith.muli %while3A_139, %mul3A_423 : i32
          %add3A_425 = arith.constant 80 : i32
          %add3A_426 = arith.addi %mul3A_424, %add3A_425 : i32
          %multiple_of3A_427 = tpu.assume_multiple %add3A_426, 16 : i32
          %mul3A_428 = arith.constant 128 : i32
          %mul3A_429 = arith.muli %while3A_139, %mul3A_428 : i32
          %add3A_430 = arith.constant 80 : i32
          %add3A_431 = arith.addi %mul3A_429, %add3A_430 : i32
          %add3A_432 = vector.broadcast %add3A_431 : i32 to vector<16xi32>
          %add3A_433 = arith.addi %add3A_432, %iota3A : vector<16xi32>
          %lt3A_434 = vector.broadcast %scan3A_98 : i32 to vector<16xi32>
          %lt3A_435 = arith.cmpi slt, %add3A_433, %lt3A_434 : vector<16xi32>
          %get3A_436 = arith.index_cast %multiple_of3A_427 : i32 to index
          %get3A_437 = tpu.vector_load %arg7[%get3A_436] {strides = array<i32>} : memref<8192xi32, #tpu.memory_space<vmem>>, vector<16xi32>,
          %jit3A_438 = arith.constant 0 : i32
          %broadcast_in_dim3A_439 = vector.broadcast %jit3A_438 : i32 to vector<16xi32>
          %select_n3A_440 = arith.select %lt3A_435, %get3A_437, %broadcast_in_dim3A_439 : vector<16xi1>, vector<16xi32>
          %swap3A_441 = arith.constant 80 : index
          %swap3A_442 = tpu.vector_load %arg11[%swap3A_441] {strides = array<i32>} : memref<128xi32, #tpu.memory_space<vmem>>, vector<16xi32>,
          tpu.vector_store %arg11[%swap3A_441], %select_n3A_440 {strides = array<i32>} : memref<128xi32, #tpu.memory_space<vmem>>, vector<16xi32>,
          %get3A_443 = arith.index_cast %multiple_of3A_427 : i32 to index
          %get3A_444 = tpu.vector_load %arg8[%get3A_443] {strides = array<i32>} : memref<8192xi32, #tpu.memory_space<vmem>>, vector<16xi32>,
          %jit3A_445 = arith.constant 0 : i32
          %broadcast_in_dim3A_446 = vector.broadcast %jit3A_445 : i32 to vector<16xi32>
          %select_n3A_447 = arith.select %lt3A_435, %get3A_444, %broadcast_in_dim3A_446 : vector<16xi1>, vector<16xi32>
          %shift_right_arithmetic3A_448 = arith.constant 14 : i32
          %shift_right_arithmetic3A_449 = vector.broadcast %shift_right_arithmetic3A_448 : i32 to vector<16xi32>
          %shift_right_arithmetic3A_450 = arith.shrsi %select_n3A_447, %shift_right_arithmetic3A_449 : vector<16xi32>
          %mul3A_451 = arith.constant 65536 : i32
          %mul3A_452 = vector.broadcast %mul3A_451 : i32 to vector<16xi32>
          %mul3A_453 = arith.muli %shift_right_arithmetic3A_450, %mul3A_452 : vector<16xi32>
          %add3A_454 = arith.addi %select_n3A_447, %mul3A_453 : vector<16xi32>
          %add3A_455 = arith.constant 0 : i32
          %add3A_456 = vector.broadcast %add3A_455 : i32 to vector<16xi32>
          %add3A_457 = arith.addi %add3A_454, %add3A_456 : vector<16xi32>
          %swap3A_458 = arith.constant 80 : index
          %swap3A_459 = tpu.vector_load %arg12[%swap3A_458] {strides = array<i32>} : memref<640xi32, #tpu.memory_space<vmem>>, vector<16xi32>,
          tpu.vector_store %arg12[%swap3A_458], %add3A_457 {strides = array<i32>} : memref<640xi32, #tpu.memory_space<vmem>>, vector<16xi32>,
          %add3A_460 = arith.constant 16384 : i32
          %add3A_461 = vector.broadcast %add3A_460 : i32 to vector<16xi32>
          %add3A_462 = arith.addi %add3A_454, %add3A_461 : vector<16xi32>
          %swap3A_463 = arith.constant 208 : index
          %swap3A_464 = tpu.vector_load %arg12[%swap3A_463] {strides = array<i32>} : memref<640xi32, #tpu.memory_space<vmem>>, vector<16xi32>,
          tpu.vector_store %arg12[%swap3A_463], %add3A_462 {strides = array<i32>} : memref<640xi32, #tpu.memory_space<vmem>>, vector<16xi32>,
          %add3A_465 = arith.constant 32768 : i32
          %add3A_466 = vector.broadcast %add3A_465 : i32 to vector<16xi32>
          %add3A_467 = arith.addi %add3A_454, %add3A_466 : vector<16xi32>
          %swap3A_468 = arith.constant 336 : index
          %swap3A_469 = tpu.vector_load %arg12[%swap3A_468] {strides = array<i32>} : memref<640xi32, #tpu.memory_space<vmem>>, vector<16xi32>,
          tpu.vector_store %arg12[%swap3A_468], %add3A_467 {strides = array<i32>} : memref<640xi32, #tpu.memory_space<vmem>>, vector<16xi32>,
          %add3A_470 = arith.constant 49152 : i32
          %add3A_471 = vector.broadcast %add3A_470 : i32 to vector<16xi32>
          %add3A_472 = arith.addi %add3A_454, %add3A_471 : vector<16xi32>
          %swap3A_473 = arith.constant 464 : index
          %swap3A_474 = tpu.vector_load %arg12[%swap3A_473] {strides = array<i32>} : memref<640xi32, #tpu.memory_space<vmem>>, vector<16xi32>,
          tpu.vector_store %arg12[%swap3A_473], %add3A_472 {strides = array<i32>} : memref<640xi32, #tpu.memory_space<vmem>>, vector<16xi32>,
          %add3A_475 = arith.constant 65536 : i32
          %add3A_476 = vector.broadcast %add3A_475 : i32 to vector<16xi32>
          %add3A_477 = arith.addi %add3A_454, %add3A_476 : vector<16xi32>
          %swap3A_478 = arith.constant 592 : index
          %swap3A_479 = tpu.vector_load %arg12[%swap3A_478] {strides = array<i32>} : memref<640xi32, #tpu.memory_space<vmem>>, vector<16xi32>,
          tpu.vector_store %arg12[%swap3A_478], %add3A_477 {strides = array<i32>} : memref<640xi32, #tpu.memory_space<vmem>>, vector<16xi32>,
          %mul3A_480 = arith.constant 128 : i32
          %mul3A_481 = arith.muli %while3A_139, %mul3A_480 : i32
          %add3A_482 = arith.constant 96 : i32
          %add3A_483 = arith.addi %mul3A_481, %add3A_482 : i32
          %multiple_of3A_484 = tpu.assume_multiple %add3A_483, 16 : i32
          %mul3A_485 = arith.constant 128 : i32
          %mul3A_486 = arith.muli %while3A_139, %mul3A_485 : i32
          %add3A_487 = arith.constant 96 : i32
          %add3A_488 = arith.addi %mul3A_486, %add3A_487 : i32
          %add3A_489 = vector.broadcast %add3A_488 : i32 to vector<16xi32>
          %add3A_490 = arith.addi %add3A_489, %iota3A : vector<16xi32>
          %lt3A_491 = vector.broadcast %scan3A_98 : i32 to vector<16xi32>
          %lt3A_492 = arith.cmpi slt, %add3A_490, %lt3A_491 : vector<16xi32>
          %get3A_493 = arith.index_cast %multiple_of3A_484 : i32 to index
          %get3A_494 = tpu.vector_load %arg7[%get3A_493] {strides = array<i32>} : memref<8192xi32, #tpu.memory_space<vmem>>, vector<16xi32>,
          %jit3A_495 = arith.constant 0 : i32
          %broadcast_in_dim3A_496 = vector.broadcast %jit3A_495 : i32 to vector<16xi32>
          %select_n3A_497 = arith.select %lt3A_492, %get3A_494, %broadcast_in_dim3A_496 : vector<16xi1>, vector<16xi32>
          %swap3A_498 = arith.constant 96 : index
          %swap3A_499 = tpu.vector_load %arg11[%swap3A_498] {strides = array<i32>} : memref<128xi32, #tpu.memory_space<vmem>>, vector<16xi32>,
          tpu.vector_store %arg11[%swap3A_498], %select_n3A_497 {strides = array<i32>} : memref<128xi32, #tpu.memory_space<vmem>>, vector<16xi32>,
          %get3A_500 = arith.index_cast %multiple_of3A_484 : i32 to index
          %get3A_501 = tpu.vector_load %arg8[%get3A_500] {strides = array<i32>} : memref<8192xi32, #tpu.memory_space<vmem>>, vector<16xi32>,
          %jit3A_502 = arith.constant 0 : i32
          %broadcast_in_dim3A_503 = vector.broadcast %jit3A_502 : i32 to vector<16xi32>
          %select_n3A_504 = arith.select %lt3A_492, %get3A_501, %broadcast_in_dim3A_503 : vector<16xi1>, vector<16xi32>
          %shift_right_arithmetic3A_505 = arith.constant 14 : i32
          %shift_right_arithmetic3A_506 = vector.broadcast %shift_right_arithmetic3A_505 : i32 to vector<16xi32>
          %shift_right_arithmetic3A_507 = arith.shrsi %select_n3A_504, %shift_right_arithmetic3A_506 : vector<16xi32>
          %mul3A_508 = arith.constant 65536 : i32
          %mul3A_509 = vector.broadcast %mul3A_508 : i32 to vector<16xi32>
          %mul3A_510 = arith.muli %shift_right_arithmetic3A_507, %mul3A_509 : vector<16xi32>
          %add3A_511 = arith.addi %select_n3A_504, %mul3A_510 : vector<16xi32>
          %add3A_512 = arith.constant 0 : i32
          %add3A_513 = vector.broadcast %add3A_512 : i32 to vector<16xi32>
          %add3A_514 = arith.addi %add3A_511, %add3A_513 : vector<16xi32>
          %swap3A_515 = arith.constant 96 : index
          %swap3A_516 = tpu.vector_load %arg12[%swap3A_515] {strides = array<i32>} : memref<640xi32, #tpu.memory_space<vmem>>, vector<16xi32>,
          tpu.vector_store %arg12[%swap3A_515], %add3A_514 {strides = array<i32>} : memref<640xi32, #tpu.memory_space<vmem>>, vector<16xi32>,
          %add3A_517 = arith.constant 16384 : i32
          %add3A_518 = vector.broadcast %add3A_517 : i32 to vector<16xi32>
          %add3A_519 = arith.addi %add3A_511, %add3A_518 : vector<16xi32>
          %swap3A_520 = arith.constant 224 : index
          %swap3A_521 = tpu.vector_load %arg12[%swap3A_520] {strides = array<i32>} : memref<640xi32, #tpu.memory_space<vmem>>, vector<16xi32>,
          tpu.vector_store %arg12[%swap3A_520], %add3A_519 {strides = array<i32>} : memref<640xi32, #tpu.memory_space<vmem>>, vector<16xi32>,
          %add3A_522 = arith.constant 32768 : i32
          %add3A_523 = vector.broadcast %add3A_522 : i32 to vector<16xi32>
          %add3A_524 = arith.addi %add3A_511, %add3A_523 : vector<16xi32>
          %swap3A_525 = arith.constant 352 : index
          %swap3A_526 = tpu.vector_load %arg12[%swap3A_525] {strides = array<i32>} : memref<640xi32, #tpu.memory_space<vmem>>, vector<16xi32>,
          tpu.vector_store %arg12[%swap3A_525], %add3A_524 {strides = array<i32>} : memref<640xi32, #tpu.memory_space<vmem>>, vector<16xi32>,
          %add3A_527 = arith.constant 49152 : i32
          %add3A_528 = vector.broadcast %add3A_527 : i32 to vector<16xi32>
          %add3A_529 = arith.addi %add3A_511, %add3A_528 : vector<16xi32>
          %swap3A_530 = arith.constant 480 : index
          %swap3A_531 = tpu.vector_load %arg12[%swap3A_530] {strides = array<i32>} : memref<640xi32, #tpu.memory_space<vmem>>, vector<16xi32>,
          tpu.vector_store %arg12[%swap3A_530], %add3A_529 {strides = array<i32>} : memref<640xi32, #tpu.memory_space<vmem>>, vector<16xi32>,
          %add3A_532 = arith.constant 65536 : i32
          %add3A_533 = vector.broadcast %add3A_532 : i32 to vector<16xi32>
          %add3A_534 = arith.addi %add3A_511, %add3A_533 : vector<16xi32>
          %swap3A_535 = arith.constant 608 : index
          %swap3A_536 = tpu.vector_load %arg12[%swap3A_535] {strides = array<i32>} : memref<640xi32, #tpu.memory_space<vmem>>, vector<16xi32>,
          tpu.vector_store %arg12[%swap3A_535], %add3A_534 {strides = array<i32>} : memref<640xi32, #tpu.memory_space<vmem>>, vector<16xi32>,
          %mul3A_537 = arith.constant 128 : i32
          %mul3A_538 = arith.muli %while3A_139, %mul3A_537 : i32
          %add3A_539 = arith.constant 112 : i32
          %add3A_540 = arith.addi %mul3A_538, %add3A_539 : i32
          %multiple_of3A_541 = tpu.assume_multiple %add3A_540, 16 : i32
          %mul3A_542 = arith.constant 128 : i32
          %mul3A_543 = arith.muli %while3A_139, %mul3A_542 : i32
          %add3A_544 = arith.constant 112 : i32
          %add3A_545 = arith.addi %mul3A_543, %add3A_544 : i32
          %add3A_546 = vector.broadcast %add3A_545 : i32 to vector<16xi32>
          %add3A_547 = arith.addi %add3A_546, %iota3A : vector<16xi32>
          %lt3A_548 = vector.broadcast %scan3A_98 : i32 to vector<16xi32>
          %lt3A_549 = arith.cmpi slt, %add3A_547, %lt3A_548 : vector<16xi32>
          %get3A_550 = arith.index_cast %multiple_of3A_541 : i32 to index
          %get3A_551 = tpu.vector_load %arg7[%get3A_550] {strides = array<i32>} : memref<8192xi32, #tpu.memory_space<vmem>>, vector<16xi32>,
          %jit3A_552 = arith.constant 0 : i32
          %broadcast_in_dim3A_553 = vector.broadcast %jit3A_552 : i32 to vector<16xi32>
          %select_n3A_554 = arith.select %lt3A_549, %get3A_551, %broadcast_in_dim3A_553 : vector<16xi1>, vector<16xi32>
          %swap3A_555 = arith.constant 112 : index
          %swap3A_556 = tpu.vector_load %arg11[%swap3A_555] {strides = array<i32>} : memref<128xi32, #tpu.memory_space<vmem>>, vector<16xi32>,
          tpu.vector_store %arg11[%swap3A_555], %select_n3A_554 {strides = array<i32>} : memref<128xi32, #tpu.memory_space<vmem>>, vector<16xi32>,
          %get3A_557 = arith.index_cast %multiple_of3A_541 : i32 to index
          %get3A_558 = tpu.vector_load %arg8[%get3A_557] {strides = array<i32>} : memref<8192xi32, #tpu.memory_space<vmem>>, vector<16xi32>,
          %jit3A_559 = arith.constant 0 : i32
          %broadcast_in_dim3A_560 = vector.broadcast %jit3A_559 : i32 to vector<16xi32>
          %select_n3A_561 = arith.select %lt3A_549, %get3A_558, %broadcast_in_dim3A_560 : vector<16xi1>, vector<16xi32>
          %shift_right_arithmetic3A_562 = arith.constant 14 : i32
          %shift_right_arithmetic3A_563 = vector.broadcast %shift_right_arithmetic3A_562 : i32 to vector<16xi32>
          %shift_right_arithmetic3A_564 = arith.shrsi %select_n3A_561, %shift_right_arithmetic3A_563 : vector<16xi32>
          %mul3A_565 = arith.constant 65536 : i32
          %mul3A_566 = vector.broadcast %mul3A_565 : i32 to vector<16xi32>
          %mul3A_567 = arith.muli %shift_right_arithmetic3A_564, %mul3A_566 : vector<16xi32>
          %add3A_568 = arith.addi %select_n3A_561, %mul3A_567 : vector<16xi32>
          %add3A_569 = arith.constant 0 : i32
          %add3A_570 = vector.broadcast %add3A_569 : i32 to vector<16xi32>
          %add3A_571 = arith.addi %add3A_568, %add3A_570 : vector<16xi32>
          %swap3A_572 = arith.constant 112 : index
          %swap3A_573 = tpu.vector_load %arg12[%swap3A_572] {strides = array<i32>} : memref<640xi32, #tpu.memory_space<vmem>>, vector<16xi32>,
          tpu.vector_store %arg12[%swap3A_572], %add3A_571 {strides = array<i32>} : memref<640xi32, #tpu.memory_space<vmem>>, vector<16xi32>,
          %add3A_574 = arith.constant 16384 : i32
          %add3A_575 = vector.broadcast %add3A_574 : i32 to vector<16xi32>
          %add3A_576 = arith.addi %add3A_568, %add3A_575 : vector<16xi32>
          %swap3A_577 = arith.constant 240 : index
          %swap3A_578 = tpu.vector_load %arg12[%swap3A_577] {strides = array<i32>} : memref<640xi32, #tpu.memory_space<vmem>>, vector<16xi32>,
          tpu.vector_store %arg12[%swap3A_577], %add3A_576 {strides = array<i32>} : memref<640xi32, #tpu.memory_space<vmem>>, vector<16xi32>,
          %add3A_579 = arith.constant 32768 : i32
          %add3A_580 = vector.broadcast %add3A_579 : i32 to vector<16xi32>
          %add3A_581 = arith.addi %add3A_568, %add3A_580 : vector<16xi32>
          %swap3A_582 = arith.constant 368 : index
          %swap3A_583 = tpu.vector_load %arg12[%swap3A_582] {strides = array<i32>} : memref<640xi32, #tpu.memory_space<vmem>>, vector<16xi32>,
          tpu.vector_store %arg12[%swap3A_582], %add3A_581 {strides = array<i32>} : memref<640xi32, #tpu.memory_space<vmem>>, vector<16xi32>,
          %add3A_584 = arith.constant 49152 : i32
          %add3A_585 = vector.broadcast %add3A_584 : i32 to vector<16xi32>
          %add3A_586 = arith.addi %add3A_568, %add3A_585 : vector<16xi32>
          %swap3A_587 = arith.constant 496 : index
          %swap3A_588 = tpu.vector_load %arg12[%swap3A_587] {strides = array<i32>} : memref<640xi32, #tpu.memory_space<vmem>>, vector<16xi32>,
          tpu.vector_store %arg12[%swap3A_587], %add3A_586 {strides = array<i32>} : memref<640xi32, #tpu.memory_space<vmem>>, vector<16xi32>,
          %add3A_589 = arith.constant 65536 : i32
          %add3A_590 = vector.broadcast %add3A_589 : i32 to vector<16xi32>
          %add3A_591 = arith.addi %add3A_568, %add3A_590 : vector<16xi32>
          %swap3A_592 = arith.constant 624 : index
          %swap3A_593 = tpu.vector_load %arg12[%swap3A_592] {strides = array<i32>} : memref<640xi32, #tpu.memory_space<vmem>>, vector<16xi32>,
          tpu.vector_store %arg12[%swap3A_592], %add3A_591 {strides = array<i32>} : memref<640xi32, #tpu.memory_space<vmem>>, vector<16xi32>,
          %dma_start3A = arith.constant 0 : i32
          %dma_start3A_594 = tpu.memref_slice %arg3[%dma_start3A] : memref<20889600xf32, #tpu.memory_space<hbm>> -> memref<20889600xf32, #tpu.memory_space<hbm>>
          tpu.enqueue_indirect_dma source(%dma_start3A_594 : memref<20889600xf32, #tpu.memory_space<hbm>>) target(%arg14 : memref<640xf32, #tpu.memory_space<vmem>>) offsets(%arg12 : memref<640xi32, #tpu.memory_space<vmem>>) semaphore(%arg15 : memref<!tpu.dma_semaphore, #tpu.memory_space<semaphore_mem>>)
          %dma_start3A_595 = arith.constant 0 : i32
          %dma_start3A_596 = arith.constant 0 : i32
          %dma_start3A_597 = tpu.memref_slice %arg2[%dma_start3A_595, %dma_start3A_596] : memref<100352x16xi32, #tpu.memory_space<hbm>> -> memref<100352x16xi32, #tpu.memory_space<hbm>>
          tpu.enqueue_indirect_dma source(%dma_start3A_597 : memref<100352x16xi32, #tpu.memory_space<hbm>>) target(%arg13 : memref<128x16xi32, #tpu.memory_space<vmem>>) offsets(%arg11 : memref<128xi32, #tpu.memory_space<vmem>>) semaphore(%arg15 : memref<!tpu.dma_semaphore, #tpu.memory_space<semaphore_mem>>)
          %dma_wait3A = arith.constant 0 : i32
          %dma_wait3A_598 = tpu.memref_slice %arg3[%dma_wait3A] : memref<20889600xf32, #tpu.memory_space<hbm>> -> memref<20889600xf32, #tpu.memory_space<hbm>>
          tpu.wait_indirect_dma semaphore(%arg15 : memref<!tpu.dma_semaphore, #tpu.memory_space<semaphore_mem>>) src(%dma_wait3A_598 : memref<20889600xf32, #tpu.memory_space<hbm>>) dst(%arg14 : memref<640xf32, #tpu.memory_space<vmem>>)
          %dma_wait3A_599 = arith.constant 0 : i32
          %dma_wait3A_600 = arith.constant 0 : i32
          %dma_wait3A_601 = tpu.memref_slice %arg2[%dma_wait3A_599, %dma_wait3A_600] : memref<100352x16xi32, #tpu.memory_space<hbm>> -> memref<100352x16xi32, #tpu.memory_space<hbm>>
          tpu.wait_indirect_dma semaphore(%arg15 : memref<!tpu.dma_semaphore, #tpu.memory_space<semaphore_mem>>) src(%dma_wait3A_601 : memref<100352x16xi32, #tpu.memory_space<hbm>>) dst(%arg13 : memref<128x16xi32, #tpu.memory_space<vmem>>)
          %add3A_602 = arith.constant 0 : i32
          %add3A_603 = vector.broadcast %add3A_602 : i32 to vector<16xi32>
          %add3A_604 = arith.addi %add3A_603, %iota3A : vector<16xi32>
          %mul3A_605 = arith.constant 128 : i32
          %mul3A_606 = arith.muli %while3A_139, %mul3A_605 : i32
          %add3A_607 = arith.constant 0 : i32
          %add3A_608 = arith.addi %mul3A_606, %add3A_607 : i32
          %add3A_609 = vector.broadcast %add3A_608 : i32 to vector<16xi32>
          %add3A_610 = arith.addi %add3A_609, %iota3A : vector<16xi32>
          %lt3A_611 = vector.broadcast %scan3A_98 : i32 to vector<16xi32>
          %lt3A_612 = arith.cmpi slt, %add3A_610, %lt3A_611 : vector<16xi32>
          %jit3A_613 = arith.constant 1.000000e+00 : f32
          %jit3A_614 = arith.constant 0.000000e+00 : f32
          %broadcast_in_dim3A_615 = vector.broadcast %jit3A_613 : f32 to vector<16xf32>
          %broadcast_in_dim3A_616 = vector.broadcast %jit3A_614 : f32 to vector<16xf32>
          %select_n3A_617 = arith.select %lt3A_612, %broadcast_in_dim3A_615, %broadcast_in_dim3A_616 : vector<16xi1>, vector<16xf32>
          %get3A_618 = arith.constant 512 : index
          %get3A_619 = tpu.vector_load %arg14[%get3A_618] {strides = array<i32>} : memref<640xf32, #tpu.memory_space<vmem>>, vector<16xf32>,
          %get3A_620 = arith.constant 0 : index
          %get3A_621 = tpu.vector_load %arg14[%get3A_620] {strides = array<i32>} : memref<640xf32, #tpu.memory_space<vmem>>, vector<16xf32>,
          %mul3A_622 = arith.constant 0 : i32
          %mul3A_623 = vector.broadcast %mul3A_622 : i32 to vector<16xi32>
          %mul3A_624 = arith.muli %iota3A, %mul3A_623 : vector<16xi32>
          %add3A_625 = arith.constant 4 : i32
          %add3A_626 = vector.broadcast %add3A_625 : i32 to vector<16xi32>
          %add3A_627 = arith.addi %mul3A_624, %add3A_626 : vector<16xi32>
          %add3A_628 = arith.constant 0 : i32
          %add3A_629 = vector.broadcast %add3A_628 : i32 to vector<16xi32>
          %add3A_630 = arith.addi %add3A_627, %add3A_629 : vector<16xi32>
          %gather3A = tpu.vector_load_idx %arg13[%add3A_604, %add3A_630] : memref<128x16xi32, #tpu.memory_space<vmem>>[vector<16xi32>, vector<16xi32>], vector<16xi32>,
          %convert_element_type3A = arith.sitofp %gather3A : vector<16xi32> to vector<16xf32>
          %sub3A_631 = arith.subf %get3A_621, %convert_element_type3A : vector<16xf32>
          %get3A_632 = arith.constant 128 : index
          %get3A_633 = tpu.vector_load %arg14[%get3A_632] {strides = array<i32>} : memref<640xf32, #tpu.memory_space<vmem>>, vector<16xf32>,
          %mul3A_634 = arith.constant 0 : i32
          %mul3A_635 = vector.broadcast %mul3A_634 : i32 to vector<16xi32>
          %mul3A_636 = arith.muli %iota3A, %mul3A_635 : vector<16xi32>
          %add3A_637 = arith.constant 4 : i32
          %add3A_638 = vector.broadcast %add3A_637 : i32 to vector<16xi32>
          %add3A_639 = arith.addi %mul3A_636, %add3A_638 : vector<16xi32>
          %add3A_640 = arith.constant 1 : i32
          %add3A_641 = vector.broadcast %add3A_640 : i32 to vector<16xi32>
          %add3A_642 = arith.addi %add3A_639, %add3A_641 : vector<16xi32>
          %gather3A_643 = tpu.vector_load_idx %arg13[%add3A_604, %add3A_642] : memref<128x16xi32, #tpu.memory_space<vmem>>[vector<16xi32>, vector<16xi32>], vector<16xi32>,
          %convert_element_type3A_644 = arith.sitofp %gather3A_643 : vector<16xi32> to vector<16xf32>
          %sub3A_645 = arith.subf %get3A_633, %convert_element_type3A_644 : vector<16xf32>
          %get3A_646 = arith.constant 256 : index
          %get3A_647 = tpu.vector_load %arg14[%get3A_646] {strides = array<i32>} : memref<640xf32, #tpu.memory_space<vmem>>, vector<16xf32>,
          %mul3A_648 = arith.constant 0 : i32
          %mul3A_649 = vector.broadcast %mul3A_648 : i32 to vector<16xi32>
          %mul3A_650 = arith.muli %iota3A, %mul3A_649 : vector<16xi32>
          %add3A_651 = arith.constant 4 : i32
          %add3A_652 = vector.broadcast %add3A_651 : i32 to vector<16xi32>
          %add3A_653 = arith.addi %mul3A_650, %add3A_652 : vector<16xi32>
          %add3A_654 = arith.constant 2 : i32
          %add3A_655 = vector.broadcast %add3A_654 : i32 to vector<16xi32>
          %add3A_656 = arith.addi %add3A_653, %add3A_655 : vector<16xi32>
          %gather3A_657 = tpu.vector_load_idx %arg13[%add3A_604, %add3A_656] : memref<128x16xi32, #tpu.memory_space<vmem>>[vector<16xi32>, vector<16xi32>], vector<16xi32>,
          %convert_element_type3A_658 = arith.sitofp %gather3A_657 : vector<16xi32> to vector<16xf32>
          %sub3A_659 = arith.subf %get3A_647, %convert_element_type3A_658 : vector<16xf32>
          %get3A_660 = arith.constant 384 : index
          %get3A_661 = tpu.vector_load %arg14[%get3A_660] {strides = array<i32>} : memref<640xf32, #tpu.memory_space<vmem>>, vector<16xf32>,
          %mul3A_662 = arith.constant 0 : i32
          %mul3A_663 = vector.broadcast %mul3A_662 : i32 to vector<16xi32>
          %mul3A_664 = arith.muli %iota3A, %mul3A_663 : vector<16xi32>
          %add3A_665 = arith.constant 4 : i32
          %add3A_666 = vector.broadcast %add3A_665 : i32 to vector<16xi32>
          %add3A_667 = arith.addi %mul3A_664, %add3A_666 : vector<16xi32>
          %add3A_668 = arith.constant 3 : i32
          %add3A_669 = vector.broadcast %add3A_668 : i32 to vector<16xi32>
          %add3A_670 = arith.addi %add3A_667, %add3A_669 : vector<16xi32>
          %gather3A_671 = tpu.vector_load_idx %arg13[%add3A_604, %add3A_670] : memref<128x16xi32, #tpu.memory_space<vmem>>[vector<16xi32>, vector<16xi32>], vector<16xi32>,
          %convert_element_type3A_672 = arith.sitofp %gather3A_671 : vector<16xi32> to vector<16xf32>
          %sub3A_673 = arith.subf %get3A_661, %convert_element_type3A_672 : vector<16xf32>
          %get3A_674 = arith.constant 0 : index
          %get3A_675 = tpu.vector_load %arg9[%get3A_674] {strides = array<i32>} : memref<64xf32, #tpu.memory_space<vmem>>, vector<16xf32>,
          %mul3A_676 = arith.mulf %select_n3A_617, %get3A_619 : vector<16xf32>
          %mul3A_677 = arith.mulf %mul3A_676, %get3A_619 : vector<16xf32>
          %add3A_678 = arith.addf %get3A_675, %mul3A_677 : vector<16xf32>
          %swap3A_679 = arith.constant 0 : index
          %swap3A_680 = tpu.vector_load %arg9[%swap3A_679] {strides = array<i32>} : memref<64xf32, #tpu.memory_space<vmem>>, vector<16xf32>,
          tpu.vector_store %arg9[%swap3A_679], %add3A_678 {strides = array<i32>} : memref<64xf32, #tpu.memory_space<vmem>>, vector<16xf32>,
          %get3A_681 = arith.constant 16 : index
          %get3A_682 = tpu.vector_load %arg9[%get3A_681] {strides = array<i32>} : memref<64xf32, #tpu.memory_space<vmem>>, vector<16xf32>,
          %mul3A_683 = arith.mulf %sub3A_631, %sub3A_631 : vector<16xf32>
          %mul3A_684 = arith.mulf %sub3A_645, %sub3A_645 : vector<16xf32>
          %add3A_685 = arith.addf %mul3A_683, %mul3A_684 : vector<16xf32>
          %mul3A_686 = arith.mulf %select_n3A_617, %add3A_685 : vector<16xf32>
          %add3A_687 = arith.addf %get3A_682, %mul3A_686 : vector<16xf32>
          %swap3A_688 = arith.constant 16 : index
          %swap3A_689 = tpu.vector_load %arg9[%swap3A_688] {strides = array<i32>} : memref<64xf32, #tpu.memory_space<vmem>>, vector<16xf32>,
          tpu.vector_store %arg9[%swap3A_688], %add3A_687 {strides = array<i32>} : memref<64xf32, #tpu.memory_space<vmem>>, vector<16xf32>,
          %get3A_690 = arith.constant 32 : index
          %get3A_691 = tpu.vector_load %arg9[%get3A_690] {strides = array<i32>} : memref<64xf32, #tpu.memory_space<vmem>>, vector<16xf32>,
          %mul3A_692 = arith.mulf %sub3A_659, %sub3A_659 : vector<16xf32>
          %mul3A_693 = arith.mulf %sub3A_673, %sub3A_673 : vector<16xf32>
          %add3A_694 = arith.addf %mul3A_692, %mul3A_693 : vector<16xf32>
          %mul3A_695 = arith.mulf %select_n3A_617, %add3A_694 : vector<16xf32>
          %add3A_696 = arith.addf %get3A_691, %mul3A_695 : vector<16xf32>
          %swap3A_697 = arith.constant 32 : index
          %swap3A_698 = tpu.vector_load %arg9[%swap3A_697] {strides = array<i32>} : memref<64xf32, #tpu.memory_space<vmem>>, vector<16xf32>,
          tpu.vector_store %arg9[%swap3A_697], %add3A_696 {strides = array<i32>} : memref<64xf32, #tpu.memory_space<vmem>>, vector<16xf32>,
          %get3A_699 = arith.constant 48 : index
          %get3A_700 = tpu.vector_load %arg9[%get3A_699] {strides = array<i32>} : memref<64xf32, #tpu.memory_space<vmem>>, vector<16xf32>,
          %add3A_701 = arith.addf %get3A_700, %select_n3A_617 : vector<16xf32>
          %swap3A_702 = arith.constant 48 : index
          %swap3A_703 = tpu.vector_load %arg9[%swap3A_702] {strides = array<i32>} : memref<64xf32, #tpu.memory_space<vmem>>, vector<16xf32>,
          tpu.vector_store %arg9[%swap3A_702], %add3A_701 {strides = array<i32>} : memref<64xf32, #tpu.memory_space<vmem>>, vector<16xf32>,
          %add3A_704 = arith.constant 16 : i32
          %add3A_705 = vector.broadcast %add3A_704 : i32 to vector<16xi32>
          %add3A_706 = arith.addi %add3A_705, %iota3A : vector<16xi32>
          %mul3A_707 = arith.constant 128 : i32
          %mul3A_708 = arith.muli %while3A_139, %mul3A_707 : i32
          %add3A_709 = arith.constant 16 : i32
          %add3A_710 = arith.addi %mul3A_708, %add3A_709 : i32
          %add3A_711 = vector.broadcast %add3A_710 : i32 to vector<16xi32>
          %add3A_712 = arith.addi %add3A_711, %iota3A : vector<16xi32>
          %lt3A_713 = vector.broadcast %scan3A_98 : i32 to vector<16xi32>
          %lt3A_714 = arith.cmpi slt, %add3A_712, %lt3A_713 : vector<16xi32>
          %jit3A_715 = arith.constant 1.000000e+00 : f32
          %jit3A_716 = arith.constant 0.000000e+00 : f32
          %broadcast_in_dim3A_717 = vector.broadcast %jit3A_715 : f32 to vector<16xf32>
          %broadcast_in_dim3A_718 = vector.broadcast %jit3A_716 : f32 to vector<16xf32>
          %select_n3A_719 = arith.select %lt3A_714, %broadcast_in_dim3A_717, %broadcast_in_dim3A_718 : vector<16xi1>, vector<16xf32>
          %get3A_720 = arith.constant 528 : index
          %get3A_721 = tpu.vector_load %arg14[%get3A_720] {strides = array<i32>} : memref<640xf32, #tpu.memory_space<vmem>>, vector<16xf32>,
          %get3A_722 = arith.constant 16 : index
          %get3A_723 = tpu.vector_load %arg14[%get3A_722] {strides = array<i32>} : memref<640xf32, #tpu.memory_space<vmem>>, vector<16xf32>,
          %mul3A_724 = arith.constant 0 : i32
          %mul3A_725 = vector.broadcast %mul3A_724 : i32 to vector<16xi32>
          %mul3A_726 = arith.muli %iota3A, %mul3A_725 : vector<16xi32>
          %add3A_727 = arith.constant 4 : i32
          %add3A_728 = vector.broadcast %add3A_727 : i32 to vector<16xi32>
          %add3A_729 = arith.addi %mul3A_726, %add3A_728 : vector<16xi32>
          %add3A_730 = arith.constant 0 : i32
          %add3A_731 = vector.broadcast %add3A_730 : i32 to vector<16xi32>
          %add3A_732 = arith.addi %add3A_729, %add3A_731 : vector<16xi32>
          %gather3A_733 = tpu.vector_load_idx %arg13[%add3A_706, %add3A_732] : memref<128x16xi32, #tpu.memory_space<vmem>>[vector<16xi32>, vector<16xi32>], vector<16xi32>,
          %convert_element_type3A_734 = arith.sitofp %gather3A_733 : vector<16xi32> to vector<16xf32>
          %sub3A_735 = arith.subf %get3A_723, %convert_element_type3A_734 : vector<16xf32>
          %get3A_736 = arith.constant 144 : index
          %get3A_737 = tpu.vector_load %arg14[%get3A_736] {strides = array<i32>} : memref<640xf32, #tpu.memory_space<vmem>>, vector<16xf32>,
          %mul3A_738 = arith.constant 0 : i32
          %mul3A_739 = vector.broadcast %mul3A_738 : i32 to vector<16xi32>
          %mul3A_740 = arith.muli %iota3A, %mul3A_739 : vector<16xi32>
          %add3A_741 = arith.constant 4 : i32
          %add3A_742 = vector.broadcast %add3A_741 : i32 to vector<16xi32>
          %add3A_743 = arith.addi %mul3A_740, %add3A_742 : vector<16xi32>
          %add3A_744 = arith.constant 1 : i32
          %add3A_745 = vector.broadcast %add3A_744 : i32 to vector<16xi32>
          %add3A_746 = arith.addi %add3A_743, %add3A_745 : vector<16xi32>
          %gather3A_747 = tpu.vector_load_idx %arg13[%add3A_706, %add3A_746] : memref<128x16xi32, #tpu.memory_space<vmem>>[vector<16xi32>, vector<16xi32>], vector<16xi32>,
          %convert_element_type3A_748 = arith.sitofp %gather3A_747 : vector<16xi32> to vector<16xf32>
          %sub3A_749 = arith.subf %get3A_737, %convert_element_type3A_748 : vector<16xf32>
          %get3A_750 = arith.constant 272 : index
          %get3A_751 = tpu.vector_load %arg14[%get3A_750] {strides = array<i32>} : memref<640xf32, #tpu.memory_space<vmem>>, vector<16xf32>,
          %mul3A_752 = arith.constant 0 : i32
          %mul3A_753 = vector.broadcast %mul3A_752 : i32 to vector<16xi32>
          %mul3A_754 = arith.muli %iota3A, %mul3A_753 : vector<16xi32>
          %add3A_755 = arith.constant 4 : i32
          %add3A_756 = vector.broadcast %add3A_755 : i32 to vector<16xi32>
          %add3A_757 = arith.addi %mul3A_754, %add3A_756 : vector<16xi32>
          %add3A_758 = arith.constant 2 : i32
          %add3A_759 = vector.broadcast %add3A_758 : i32 to vector<16xi32>
          %add3A_760 = arith.addi %add3A_757, %add3A_759 : vector<16xi32>
          %gather3A_761 = tpu.vector_load_idx %arg13[%add3A_706, %add3A_760] : memref<128x16xi32, #tpu.memory_space<vmem>>[vector<16xi32>, vector<16xi32>], vector<16xi32>,
          %convert_element_type3A_762 = arith.sitofp %gather3A_761 : vector<16xi32> to vector<16xf32>
          %sub3A_763 = arith.subf %get3A_751, %convert_element_type3A_762 : vector<16xf32>
          %get3A_764 = arith.constant 400 : index
          %get3A_765 = tpu.vector_load %arg14[%get3A_764] {strides = array<i32>} : memref<640xf32, #tpu.memory_space<vmem>>, vector<16xf32>,
          %mul3A_766 = arith.constant 0 : i32
          %mul3A_767 = vector.broadcast %mul3A_766 : i32 to vector<16xi32>
          %mul3A_768 = arith.muli %iota3A, %mul3A_767 : vector<16xi32>
          %add3A_769 = arith.constant 4 : i32
          %add3A_770 = vector.broadcast %add3A_769 : i32 to vector<16xi32>
          %add3A_771 = arith.addi %mul3A_768, %add3A_770 : vector<16xi32>
          %add3A_772 = arith.constant 3 : i32
          %add3A_773 = vector.broadcast %add3A_772 : i32 to vector<16xi32>
          %add3A_774 = arith.addi %add3A_771, %add3A_773 : vector<16xi32>
          %gather3A_775 = tpu.vector_load_idx %arg13[%add3A_706, %add3A_774] : memref<128x16xi32, #tpu.memory_space<vmem>>[vector<16xi32>, vector<16xi32>], vector<16xi32>,
          %convert_element_type3A_776 = arith.sitofp %gather3A_775 : vector<16xi32> to vector<16xf32>
          %sub3A_777 = arith.subf %get3A_765, %convert_element_type3A_776 : vector<16xf32>
          %get3A_778 = arith.constant 0 : index
          %get3A_779 = tpu.vector_load %arg9[%get3A_778] {strides = array<i32>} : memref<64xf32, #tpu.memory_space<vmem>>, vector<16xf32>,
          %mul3A_780 = arith.mulf %select_n3A_719, %get3A_721 : vector<16xf32>
          %mul3A_781 = arith.mulf %mul3A_780, %get3A_721 : vector<16xf32>
          %add3A_782 = arith.addf %get3A_779, %mul3A_781 : vector<16xf32>
          %swap3A_783 = arith.constant 0 : index
          %swap3A_784 = tpu.vector_load %arg9[%swap3A_783] {strides = array<i32>} : memref<64xf32, #tpu.memory_space<vmem>>, vector<16xf32>,
          tpu.vector_store %arg9[%swap3A_783], %add3A_782 {strides = array<i32>} : memref<64xf32, #tpu.memory_space<vmem>>, vector<16xf32>,
          %get3A_785 = arith.constant 16 : index
          %get3A_786 = tpu.vector_load %arg9[%get3A_785] {strides = array<i32>} : memref<64xf32, #tpu.memory_space<vmem>>, vector<16xf32>,
          %mul3A_787 = arith.mulf %sub3A_735, %sub3A_735 : vector<16xf32>
          %mul3A_788 = arith.mulf %sub3A_749, %sub3A_749 : vector<16xf32>
          %add3A_789 = arith.addf %mul3A_787, %mul3A_788 : vector<16xf32>
          %mul3A_790 = arith.mulf %select_n3A_719, %add3A_789 : vector<16xf32>
          %add3A_791 = arith.addf %get3A_786, %mul3A_790 : vector<16xf32>
          %swap3A_792 = arith.constant 16 : index
          %swap3A_793 = tpu.vector_load %arg9[%swap3A_792] {strides = array<i32>} : memref<64xf32, #tpu.memory_space<vmem>>, vector<16xf32>,
          tpu.vector_store %arg9[%swap3A_792], %add3A_791 {strides = array<i32>} : memref<64xf32, #tpu.memory_space<vmem>>, vector<16xf32>,
          %get3A_794 = arith.constant 32 : index
          %get3A_795 = tpu.vector_load %arg9[%get3A_794] {strides = array<i32>} : memref<64xf32, #tpu.memory_space<vmem>>, vector<16xf32>,
          %mul3A_796 = arith.mulf %sub3A_763, %sub3A_763 : vector<16xf32>
          %mul3A_797 = arith.mulf %sub3A_777, %sub3A_777 : vector<16xf32>
          %add3A_798 = arith.addf %mul3A_796, %mul3A_797 : vector<16xf32>
          %mul3A_799 = arith.mulf %select_n3A_719, %add3A_798 : vector<16xf32>
          %add3A_800 = arith.addf %get3A_795, %mul3A_799 : vector<16xf32>
          %swap3A_801 = arith.constant 32 : index
          %swap3A_802 = tpu.vector_load %arg9[%swap3A_801] {strides = array<i32>} : memref<64xf32, #tpu.memory_space<vmem>>, vector<16xf32>,
          tpu.vector_store %arg9[%swap3A_801], %add3A_800 {strides = array<i32>} : memref<64xf32, #tpu.memory_space<vmem>>, vector<16xf32>,
          %get3A_803 = arith.constant 48 : index
          %get3A_804 = tpu.vector_load %arg9[%get3A_803] {strides = array<i32>} : memref<64xf32, #tpu.memory_space<vmem>>, vector<16xf32>,
          %add3A_805 = arith.addf %get3A_804, %select_n3A_719 : vector<16xf32>
          %swap3A_806 = arith.constant 48 : index
          %swap3A_807 = tpu.vector_load %arg9[%swap3A_806] {strides = array<i32>} : memref<64xf32, #tpu.memory_space<vmem>>, vector<16xf32>,
          tpu.vector_store %arg9[%swap3A_806], %add3A_805 {strides = array<i32>} : memref<64xf32, #tpu.memory_space<vmem>>, vector<16xf32>,
          %add3A_808 = arith.constant 32 : i32
          %add3A_809 = vector.broadcast %add3A_808 : i32 to vector<16xi32>
          %add3A_810 = arith.addi %add3A_809, %iota3A : vector<16xi32>
          %mul3A_811 = arith.constant 128 : i32
          %mul3A_812 = arith.muli %while3A_139, %mul3A_811 : i32
          %add3A_813 = arith.constant 32 : i32
          %add3A_814 = arith.addi %mul3A_812, %add3A_813 : i32
          %add3A_815 = vector.broadcast %add3A_814 : i32 to vector<16xi32>
          %add3A_816 = arith.addi %add3A_815, %iota3A : vector<16xi32>
          %lt3A_817 = vector.broadcast %scan3A_98 : i32 to vector<16xi32>
          %lt3A_818 = arith.cmpi slt, %add3A_816, %lt3A_817 : vector<16xi32>
          %jit3A_819 = arith.constant 1.000000e+00 : f32
          %jit3A_820 = arith.constant 0.000000e+00 : f32
          %broadcast_in_dim3A_821 = vector.broadcast %jit3A_819 : f32 to vector<16xf32>
          %broadcast_in_dim3A_822 = vector.broadcast %jit3A_820 : f32 to vector<16xf32>
          %select_n3A_823 = arith.select %lt3A_818, %broadcast_in_dim3A_821, %broadcast_in_dim3A_822 : vector<16xi1>, vector<16xf32>
          %get3A_824 = arith.constant 544 : index
          %get3A_825 = tpu.vector_load %arg14[%get3A_824] {strides = array<i32>} : memref<640xf32, #tpu.memory_space<vmem>>, vector<16xf32>,
          %get3A_826 = arith.constant 32 : index
          %get3A_827 = tpu.vector_load %arg14[%get3A_826] {strides = array<i32>} : memref<640xf32, #tpu.memory_space<vmem>>, vector<16xf32>,
          %mul3A_828 = arith.constant 0 : i32
          %mul3A_829 = vector.broadcast %mul3A_828 : i32 to vector<16xi32>
          %mul3A_830 = arith.muli %iota3A, %mul3A_829 : vector<16xi32>
          %add3A_831 = arith.constant 4 : i32
          %add3A_832 = vector.broadcast %add3A_831 : i32 to vector<16xi32>
          %add3A_833 = arith.addi %mul3A_830, %add3A_832 : vector<16xi32>
          %add3A_834 = arith.constant 0 : i32
          %add3A_835 = vector.broadcast %add3A_834 : i32 to vector<16xi32>
          %add3A_836 = arith.addi %add3A_833, %add3A_835 : vector<16xi32>
          %gather3A_837 = tpu.vector_load_idx %arg13[%add3A_810, %add3A_836] : memref<128x16xi32, #tpu.memory_space<vmem>>[vector<16xi32>, vector<16xi32>], vector<16xi32>,
          %convert_element_type3A_838 = arith.sitofp %gather3A_837 : vector<16xi32> to vector<16xf32>
          %sub3A_839 = arith.subf %get3A_827, %convert_element_type3A_838 : vector<16xf32>
          %get3A_840 = arith.constant 160 : index
          %get3A_841 = tpu.vector_load %arg14[%get3A_840] {strides = array<i32>} : memref<640xf32, #tpu.memory_space<vmem>>, vector<16xf32>,
          %mul3A_842 = arith.constant 0 : i32
          %mul3A_843 = vector.broadcast %mul3A_842 : i32 to vector<16xi32>
          %mul3A_844 = arith.muli %iota3A, %mul3A_843 : vector<16xi32>
          %add3A_845 = arith.constant 4 : i32
          %add3A_846 = vector.broadcast %add3A_845 : i32 to vector<16xi32>
          %add3A_847 = arith.addi %mul3A_844, %add3A_846 : vector<16xi32>
          %add3A_848 = arith.constant 1 : i32
          %add3A_849 = vector.broadcast %add3A_848 : i32 to vector<16xi32>
          %add3A_850 = arith.addi %add3A_847, %add3A_849 : vector<16xi32>
          %gather3A_851 = tpu.vector_load_idx %arg13[%add3A_810, %add3A_850] : memref<128x16xi32, #tpu.memory_space<vmem>>[vector<16xi32>, vector<16xi32>], vector<16xi32>,
          %convert_element_type3A_852 = arith.sitofp %gather3A_851 : vector<16xi32> to vector<16xf32>
          %sub3A_853 = arith.subf %get3A_841, %convert_element_type3A_852 : vector<16xf32>
          %get3A_854 = arith.constant 288 : index
          %get3A_855 = tpu.vector_load %arg14[%get3A_854] {strides = array<i32>} : memref<640xf32, #tpu.memory_space<vmem>>, vector<16xf32>,
          %mul3A_856 = arith.constant 0 : i32
          %mul3A_857 = vector.broadcast %mul3A_856 : i32 to vector<16xi32>
          %mul3A_858 = arith.muli %iota3A, %mul3A_857 : vector<16xi32>
          %add3A_859 = arith.constant 4 : i32
          %add3A_860 = vector.broadcast %add3A_859 : i32 to vector<16xi32>
          %add3A_861 = arith.addi %mul3A_858, %add3A_860 : vector<16xi32>
          %add3A_862 = arith.constant 2 : i32
          %add3A_863 = vector.broadcast %add3A_862 : i32 to vector<16xi32>
          %add3A_864 = arith.addi %add3A_861, %add3A_863 : vector<16xi32>
          %gather3A_865 = tpu.vector_load_idx %arg13[%add3A_810, %add3A_864] : memref<128x16xi32, #tpu.memory_space<vmem>>[vector<16xi32>, vector<16xi32>], vector<16xi32>,
          %convert_element_type3A_866 = arith.sitofp %gather3A_865 : vector<16xi32> to vector<16xf32>
          %sub3A_867 = arith.subf %get3A_855, %convert_element_type3A_866 : vector<16xf32>
          %get3A_868 = arith.constant 416 : index
          %get3A_869 = tpu.vector_load %arg14[%get3A_868] {strides = array<i32>} : memref<640xf32, #tpu.memory_space<vmem>>, vector<16xf32>,
          %mul3A_870 = arith.constant 0 : i32
          %mul3A_871 = vector.broadcast %mul3A_870 : i32 to vector<16xi32>
          %mul3A_872 = arith.muli %iota3A, %mul3A_871 : vector<16xi32>
          %add3A_873 = arith.constant 4 : i32
          %add3A_874 = vector.broadcast %add3A_873 : i32 to vector<16xi32>
          %add3A_875 = arith.addi %mul3A_872, %add3A_874 : vector<16xi32>
          %add3A_876 = arith.constant 3 : i32
          %add3A_877 = vector.broadcast %add3A_876 : i32 to vector<16xi32>
          %add3A_878 = arith.addi %add3A_875, %add3A_877 : vector<16xi32>
          %gather3A_879 = tpu.vector_load_idx %arg13[%add3A_810, %add3A_878] : memref<128x16xi32, #tpu.memory_space<vmem>>[vector<16xi32>, vector<16xi32>], vector<16xi32>,
          %convert_element_type3A_880 = arith.sitofp %gather3A_879 : vector<16xi32> to vector<16xf32>
          %sub3A_881 = arith.subf %get3A_869, %convert_element_type3A_880 : vector<16xf32>
          %get3A_882 = arith.constant 0 : index
          %get3A_883 = tpu.vector_load %arg9[%get3A_882] {strides = array<i32>} : memref<64xf32, #tpu.memory_space<vmem>>, vector<16xf32>,
          %mul3A_884 = arith.mulf %select_n3A_823, %get3A_825 : vector<16xf32>
          %mul3A_885 = arith.mulf %mul3A_884, %get3A_825 : vector<16xf32>
          %add3A_886 = arith.addf %get3A_883, %mul3A_885 : vector<16xf32>
          %swap3A_887 = arith.constant 0 : index
          %swap3A_888 = tpu.vector_load %arg9[%swap3A_887] {strides = array<i32>} : memref<64xf32, #tpu.memory_space<vmem>>, vector<16xf32>,
          tpu.vector_store %arg9[%swap3A_887], %add3A_886 {strides = array<i32>} : memref<64xf32, #tpu.memory_space<vmem>>, vector<16xf32>,
          %get3A_889 = arith.constant 16 : index
          %get3A_890 = tpu.vector_load %arg9[%get3A_889] {strides = array<i32>} : memref<64xf32, #tpu.memory_space<vmem>>, vector<16xf32>,
          %mul3A_891 = arith.mulf %sub3A_839, %sub3A_839 : vector<16xf32>
          %mul3A_892 = arith.mulf %sub3A_853, %sub3A_853 : vector<16xf32>
          %add3A_893 = arith.addf %mul3A_891, %mul3A_892 : vector<16xf32>
          %mul3A_894 = arith.mulf %select_n3A_823, %add3A_893 : vector<16xf32>
          %add3A_895 = arith.addf %get3A_890, %mul3A_894 : vector<16xf32>
          %swap3A_896 = arith.constant 16 : index
          %swap3A_897 = tpu.vector_load %arg9[%swap3A_896] {strides = array<i32>} : memref<64xf32, #tpu.memory_space<vmem>>, vector<16xf32>,
          tpu.vector_store %arg9[%swap3A_896], %add3A_895 {strides = array<i32>} : memref<64xf32, #tpu.memory_space<vmem>>, vector<16xf32>,
          %get3A_898 = arith.constant 32 : index
          %get3A_899 = tpu.vector_load %arg9[%get3A_898] {strides = array<i32>} : memref<64xf32, #tpu.memory_space<vmem>>, vector<16xf32>,
          %mul3A_900 = arith.mulf %sub3A_867, %sub3A_867 : vector<16xf32>
          %mul3A_901 = arith.mulf %sub3A_881, %sub3A_881 : vector<16xf32>
          %add3A_902 = arith.addf %mul3A_900, %mul3A_901 : vector<16xf32>
          %mul3A_903 = arith.mulf %select_n3A_823, %add3A_902 : vector<16xf32>
          %add3A_904 = arith.addf %get3A_899, %mul3A_903 : vector<16xf32>
          %swap3A_905 = arith.constant 32 : index
          %swap3A_906 = tpu.vector_load %arg9[%swap3A_905] {strides = array<i32>} : memref<64xf32, #tpu.memory_space<vmem>>, vector<16xf32>,
          tpu.vector_store %arg9[%swap3A_905], %add3A_904 {strides = array<i32>} : memref<64xf32, #tpu.memory_space<vmem>>, vector<16xf32>,
          %get3A_907 = arith.constant 48 : index
          %get3A_908 = tpu.vector_load %arg9[%get3A_907] {strides = array<i32>} : memref<64xf32, #tpu.memory_space<vmem>>, vector<16xf32>,
          %add3A_909 = arith.addf %get3A_908, %select_n3A_823 : vector<16xf32>
          %swap3A_910 = arith.constant 48 : index
          %swap3A_911 = tpu.vector_load %arg9[%swap3A_910] {strides = array<i32>} : memref<64xf32, #tpu.memory_space<vmem>>, vector<16xf32>,
          tpu.vector_store %arg9[%swap3A_910], %add3A_909 {strides = array<i32>} : memref<64xf32, #tpu.memory_space<vmem>>, vector<16xf32>,
          %add3A_912 = arith.constant 48 : i32
          %add3A_913 = vector.broadcast %add3A_912 : i32 to vector<16xi32>
          %add3A_914 = arith.addi %add3A_913, %iota3A : vector<16xi32>
          %mul3A_915 = arith.constant 128 : i32
          %mul3A_916 = arith.muli %while3A_139, %mul3A_915 : i32
          %add3A_917 = arith.constant 48 : i32
          %add3A_918 = arith.addi %mul3A_916, %add3A_917 : i32
          %add3A_919 = vector.broadcast %add3A_918 : i32 to vector<16xi32>
          %add3A_920 = arith.addi %add3A_919, %iota3A : vector<16xi32>
          %lt3A_921 = vector.broadcast %scan3A_98 : i32 to vector<16xi32>
          %lt3A_922 = arith.cmpi slt, %add3A_920, %lt3A_921 : vector<16xi32>
          %jit3A_923 = arith.constant 1.000000e+00 : f32
          %jit3A_924 = arith.constant 0.000000e+00 : f32
          %broadcast_in_dim3A_925 = vector.broadcast %jit3A_923 : f32 to vector<16xf32>
          %broadcast_in_dim3A_926 = vector.broadcast %jit3A_924 : f32 to vector<16xf32>
          %select_n3A_927 = arith.select %lt3A_922, %broadcast_in_dim3A_925, %broadcast_in_dim3A_926 : vector<16xi1>, vector<16xf32>
          %get3A_928 = arith.constant 560 : index
          %get3A_929 = tpu.vector_load %arg14[%get3A_928] {strides = array<i32>} : memref<640xf32, #tpu.memory_space<vmem>>, vector<16xf32>,
          %get3A_930 = arith.constant 48 : index
          %get3A_931 = tpu.vector_load %arg14[%get3A_930] {strides = array<i32>} : memref<640xf32, #tpu.memory_space<vmem>>, vector<16xf32>,
          %mul3A_932 = arith.constant 0 : i32
          %mul3A_933 = vector.broadcast %mul3A_932 : i32 to vector<16xi32>
          %mul3A_934 = arith.muli %iota3A, %mul3A_933 : vector<16xi32>
          %add3A_935 = arith.constant 4 : i32
          %add3A_936 = vector.broadcast %add3A_935 : i32 to vector<16xi32>
          %add3A_937 = arith.addi %mul3A_934, %add3A_936 : vector<16xi32>
          %add3A_938 = arith.constant 0 : i32
          %add3A_939 = vector.broadcast %add3A_938 : i32 to vector<16xi32>
          %add3A_940 = arith.addi %add3A_937, %add3A_939 : vector<16xi32>
          %gather3A_941 = tpu.vector_load_idx %arg13[%add3A_914, %add3A_940] : memref<128x16xi32, #tpu.memory_space<vmem>>[vector<16xi32>, vector<16xi32>], vector<16xi32>,
          %convert_element_type3A_942 = arith.sitofp %gather3A_941 : vector<16xi32> to vector<16xf32>
          %sub3A_943 = arith.subf %get3A_931, %convert_element_type3A_942 : vector<16xf32>
          %get3A_944 = arith.constant 176 : index
          %get3A_945 = tpu.vector_load %arg14[%get3A_944] {strides = array<i32>} : memref<640xf32, #tpu.memory_space<vmem>>, vector<16xf32>,
          %mul3A_946 = arith.constant 0 : i32
          %mul3A_947 = vector.broadcast %mul3A_946 : i32 to vector<16xi32>
          %mul3A_948 = arith.muli %iota3A, %mul3A_947 : vector<16xi32>
          %add3A_949 = arith.constant 4 : i32
          %add3A_950 = vector.broadcast %add3A_949 : i32 to vector<16xi32>
          %add3A_951 = arith.addi %mul3A_948, %add3A_950 : vector<16xi32>
          %add3A_952 = arith.constant 1 : i32
          %add3A_953 = vector.broadcast %add3A_952 : i32 to vector<16xi32>
          %add3A_954 = arith.addi %add3A_951, %add3A_953 : vector<16xi32>
          %gather3A_955 = tpu.vector_load_idx %arg13[%add3A_914, %add3A_954] : memref<128x16xi32, #tpu.memory_space<vmem>>[vector<16xi32>, vector<16xi32>], vector<16xi32>,
          %convert_element_type3A_956 = arith.sitofp %gather3A_955 : vector<16xi32> to vector<16xf32>
          %sub3A_957 = arith.subf %get3A_945, %convert_element_type3A_956 : vector<16xf32>
          %get3A_958 = arith.constant 304 : index
          %get3A_959 = tpu.vector_load %arg14[%get3A_958] {strides = array<i32>} : memref<640xf32, #tpu.memory_space<vmem>>, vector<16xf32>,
          %mul3A_960 = arith.constant 0 : i32
          %mul3A_961 = vector.broadcast %mul3A_960 : i32 to vector<16xi32>
          %mul3A_962 = arith.muli %iota3A, %mul3A_961 : vector<16xi32>
          %add3A_963 = arith.constant 4 : i32
          %add3A_964 = vector.broadcast %add3A_963 : i32 to vector<16xi32>
          %add3A_965 = arith.addi %mul3A_962, %add3A_964 : vector<16xi32>
          %add3A_966 = arith.constant 2 : i32
          %add3A_967 = vector.broadcast %add3A_966 : i32 to vector<16xi32>
          %add3A_968 = arith.addi %add3A_965, %add3A_967 : vector<16xi32>
          %gather3A_969 = tpu.vector_load_idx %arg13[%add3A_914, %add3A_968] : memref<128x16xi32, #tpu.memory_space<vmem>>[vector<16xi32>, vector<16xi32>], vector<16xi32>,
          %convert_element_type3A_970 = arith.sitofp %gather3A_969 : vector<16xi32> to vector<16xf32>
          %sub3A_971 = arith.subf %get3A_959, %convert_element_type3A_970 : vector<16xf32>
          %get3A_972 = arith.constant 432 : index
          %get3A_973 = tpu.vector_load %arg14[%get3A_972] {strides = array<i32>} : memref<640xf32, #tpu.memory_space<vmem>>, vector<16xf32>,
          %mul3A_974 = arith.constant 0 : i32
          %mul3A_975 = vector.broadcast %mul3A_974 : i32 to vector<16xi32>
          %mul3A_976 = arith.muli %iota3A, %mul3A_975 : vector<16xi32>
          %add3A_977 = arith.constant 4 : i32
          %add3A_978 = vector.broadcast %add3A_977 : i32 to vector<16xi32>
          %add3A_979 = arith.addi %mul3A_976, %add3A_978 : vector<16xi32>
          %add3A_980 = arith.constant 3 : i32
          %add3A_981 = vector.broadcast %add3A_980 : i32 to vector<16xi32>
          %add3A_982 = arith.addi %add3A_979, %add3A_981 : vector<16xi32>
          %gather3A_983 = tpu.vector_load_idx %arg13[%add3A_914, %add3A_982] : memref<128x16xi32, #tpu.memory_space<vmem>>[vector<16xi32>, vector<16xi32>], vector<16xi32>,
          %convert_element_type3A_984 = arith.sitofp %gather3A_983 : vector<16xi32> to vector<16xf32>
          %sub3A_985 = arith.subf %get3A_973, %convert_element_type3A_984 : vector<16xf32>
          %get3A_986 = arith.constant 0 : index
          %get3A_987 = tpu.vector_load %arg9[%get3A_986] {strides = array<i32>} : memref<64xf32, #tpu.memory_space<vmem>>, vector<16xf32>,
          %mul3A_988 = arith.mulf %select_n3A_927, %get3A_929 : vector<16xf32>
          %mul3A_989 = arith.mulf %mul3A_988, %get3A_929 : vector<16xf32>
          %add3A_990 = arith.addf %get3A_987, %mul3A_989 : vector<16xf32>
          %swap3A_991 = arith.constant 0 : index
          %swap3A_992 = tpu.vector_load %arg9[%swap3A_991] {strides = array<i32>} : memref<64xf32, #tpu.memory_space<vmem>>, vector<16xf32>,
          tpu.vector_store %arg9[%swap3A_991], %add3A_990 {strides = array<i32>} : memref<64xf32, #tpu.memory_space<vmem>>, vector<16xf32>,
          %get3A_993 = arith.constant 16 : index
          %get3A_994 = tpu.vector_load %arg9[%get3A_993] {strides = array<i32>} : memref<64xf32, #tpu.memory_space<vmem>>, vector<16xf32>,
          %mul3A_995 = arith.mulf %sub3A_943, %sub3A_943 : vector<16xf32>
          %mul3A_996 = arith.mulf %sub3A_957, %sub3A_957 : vector<16xf32>
          %add3A_997 = arith.addf %mul3A_995, %mul3A_996 : vector<16xf32>
          %mul3A_998 = arith.mulf %select_n3A_927, %add3A_997 : vector<16xf32>
          %add3A_999 = arith.addf %get3A_994, %mul3A_998 : vector<16xf32>
          %swap3A_1000 = arith.constant 16 : index
          %swap3A_1001 = tpu.vector_load %arg9[%swap3A_1000] {strides = array<i32>} : memref<64xf32, #tpu.memory_space<vmem>>, vector<16xf32>,
          tpu.vector_store %arg9[%swap3A_1000], %add3A_999 {strides = array<i32>} : memref<64xf32, #tpu.memory_space<vmem>>, vector<16xf32>,
          %get3A_1002 = arith.constant 32 : index
          %get3A_1003 = tpu.vector_load %arg9[%get3A_1002] {strides = array<i32>} : memref<64xf32, #tpu.memory_space<vmem>>, vector<16xf32>,
          %mul3A_1004 = arith.mulf %sub3A_971, %sub3A_971 : vector<16xf32>
          %mul3A_1005 = arith.mulf %sub3A_985, %sub3A_985 : vector<16xf32>
          %add3A_1006 = arith.addf %mul3A_1004, %mul3A_1005 : vector<16xf32>
          %mul3A_1007 = arith.mulf %select_n3A_927, %add3A_1006 : vector<16xf32>
          %add3A_1008 = arith.addf %get3A_1003, %mul3A_1007 : vector<16xf32>
          %swap3A_1009 = arith.constant 32 : index
          %swap3A_1010 = tpu.vector_load %arg9[%swap3A_1009] {strides = array<i32>} : memref<64xf32, #tpu.memory_space<vmem>>, vector<16xf32>,
          tpu.vector_store %arg9[%swap3A_1009], %add3A_1008 {strides = array<i32>} : memref<64xf32, #tpu.memory_space<vmem>>, vector<16xf32>,
          %get3A_1011 = arith.constant 48 : index
          %get3A_1012 = tpu.vector_load %arg9[%get3A_1011] {strides = array<i32>} : memref<64xf32, #tpu.memory_space<vmem>>, vector<16xf32>,
          %add3A_1013 = arith.addf %get3A_1012, %select_n3A_927 : vector<16xf32>
          %swap3A_1014 = arith.constant 48 : index
          %swap3A_1015 = tpu.vector_load %arg9[%swap3A_1014] {strides = array<i32>} : memref<64xf32, #tpu.memory_space<vmem>>, vector<16xf32>,
          tpu.vector_store %arg9[%swap3A_1014], %add3A_1013 {strides = array<i32>} : memref<64xf32, #tpu.memory_space<vmem>>, vector<16xf32>,
          %add3A_1016 = arith.constant 64 : i32
          %add3A_1017 = vector.broadcast %add3A_1016 : i32 to vector<16xi32>
          %add3A_1018 = arith.addi %add3A_1017, %iota3A : vector<16xi32>
          %mul3A_1019 = arith.constant 128 : i32
          %mul3A_1020 = arith.muli %while3A_139, %mul3A_1019 : i32
          %add3A_1021 = arith.constant 64 : i32
          %add3A_1022 = arith.addi %mul3A_1020, %add3A_1021 : i32
          %add3A_1023 = vector.broadcast %add3A_1022 : i32 to vector<16xi32>
          %add3A_1024 = arith.addi %add3A_1023, %iota3A : vector<16xi32>
          %lt3A_1025 = vector.broadcast %scan3A_98 : i32 to vector<16xi32>
          %lt3A_1026 = arith.cmpi slt, %add3A_1024, %lt3A_1025 : vector<16xi32>
          %jit3A_1027 = arith.constant 1.000000e+00 : f32
          %jit3A_1028 = arith.constant 0.000000e+00 : f32
          %broadcast_in_dim3A_1029 = vector.broadcast %jit3A_1027 : f32 to vector<16xf32>
          %broadcast_in_dim3A_1030 = vector.broadcast %jit3A_1028 : f32 to vector<16xf32>
          %select_n3A_1031 = arith.select %lt3A_1026, %broadcast_in_dim3A_1029, %broadcast_in_dim3A_1030 : vector<16xi1>, vector<16xf32>
          %get3A_1032 = arith.constant 576 : index
          %get3A_1033 = tpu.vector_load %arg14[%get3A_1032] {strides = array<i32>} : memref<640xf32, #tpu.memory_space<vmem>>, vector<16xf32>,
          %get3A_1034 = arith.constant 64 : index
          %get3A_1035 = tpu.vector_load %arg14[%get3A_1034] {strides = array<i32>} : memref<640xf32, #tpu.memory_space<vmem>>, vector<16xf32>,
          %mul3A_1036 = arith.constant 0 : i32
          %mul3A_1037 = vector.broadcast %mul3A_1036 : i32 to vector<16xi32>
          %mul3A_1038 = arith.muli %iota3A, %mul3A_1037 : vector<16xi32>
          %add3A_1039 = arith.constant 4 : i32
          %add3A_1040 = vector.broadcast %add3A_1039 : i32 to vector<16xi32>
          %add3A_1041 = arith.addi %mul3A_1038, %add3A_1040 : vector<16xi32>
          %add3A_1042 = arith.constant 0 : i32
          %add3A_1043 = vector.broadcast %add3A_1042 : i32 to vector<16xi32>
          %add3A_1044 = arith.addi %add3A_1041, %add3A_1043 : vector<16xi32>
          %gather3A_1045 = tpu.vector_load_idx %arg13[%add3A_1018, %add3A_1044] : memref<128x16xi32, #tpu.memory_space<vmem>>[vector<16xi32>, vector<16xi32>], vector<16xi32>,
          %convert_element_type3A_1046 = arith.sitofp %gather3A_1045 : vector<16xi32> to vector<16xf32>
          %sub3A_1047 = arith.subf %get3A_1035, %convert_element_type3A_1046 : vector<16xf32>
          %get3A_1048 = arith.constant 192 : index
          %get3A_1049 = tpu.vector_load %arg14[%get3A_1048] {strides = array<i32>} : memref<640xf32, #tpu.memory_space<vmem>>, vector<16xf32>,
          %mul3A_1050 = arith.constant 0 : i32
          %mul3A_1051 = vector.broadcast %mul3A_1050 : i32 to vector<16xi32>
          %mul3A_1052 = arith.muli %iota3A, %mul3A_1051 : vector<16xi32>
          %add3A_1053 = arith.constant 4 : i32
          %add3A_1054 = vector.broadcast %add3A_1053 : i32 to vector<16xi32>
          %add3A_1055 = arith.addi %mul3A_1052, %add3A_1054 : vector<16xi32>
          %add3A_1056 = arith.constant 1 : i32
          %add3A_1057 = vector.broadcast %add3A_1056 : i32 to vector<16xi32>
          %add3A_1058 = arith.addi %add3A_1055, %add3A_1057 : vector<16xi32>
          %gather3A_1059 = tpu.vector_load_idx %arg13[%add3A_1018, %add3A_1058] : memref<128x16xi32, #tpu.memory_space<vmem>>[vector<16xi32>, vector<16xi32>], vector<16xi32>,
          %convert_element_type3A_1060 = arith.sitofp %gather3A_1059 : vector<16xi32> to vector<16xf32>
          %sub3A_1061 = arith.subf %get3A_1049, %convert_element_type3A_1060 : vector<16xf32>
          %get3A_1062 = arith.constant 320 : index
          %get3A_1063 = tpu.vector_load %arg14[%get3A_1062] {strides = array<i32>} : memref<640xf32, #tpu.memory_space<vmem>>, vector<16xf32>,
          %mul3A_1064 = arith.constant 0 : i32
          %mul3A_1065 = vector.broadcast %mul3A_1064 : i32 to vector<16xi32>
          %mul3A_1066 = arith.muli %iota3A, %mul3A_1065 : vector<16xi32>
          %add3A_1067 = arith.constant 4 : i32
          %add3A_1068 = vector.broadcast %add3A_1067 : i32 to vector<16xi32>
          %add3A_1069 = arith.addi %mul3A_1066, %add3A_1068 : vector<16xi32>
          %add3A_1070 = arith.constant 2 : i32
          %add3A_1071 = vector.broadcast %add3A_1070 : i32 to vector<16xi32>
          %add3A_1072 = arith.addi %add3A_1069, %add3A_1071 : vector<16xi32>
          %gather3A_1073 = tpu.vector_load_idx %arg13[%add3A_1018, %add3A_1072] : memref<128x16xi32, #tpu.memory_space<vmem>>[vector<16xi32>, vector<16xi32>], vector<16xi32>,
          %convert_element_type3A_1074 = arith.sitofp %gather3A_1073 : vector<16xi32> to vector<16xf32>
          %sub3A_1075 = arith.subf %get3A_1063, %convert_element_type3A_1074 : vector<16xf32>
          %get3A_1076 = arith.constant 448 : index
          %get3A_1077 = tpu.vector_load %arg14[%get3A_1076] {strides = array<i32>} : memref<640xf32, #tpu.memory_space<vmem>>, vector<16xf32>,
          %mul3A_1078 = arith.constant 0 : i32
          %mul3A_1079 = vector.broadcast %mul3A_1078 : i32 to vector<16xi32>
          %mul3A_1080 = arith.muli %iota3A, %mul3A_1079 : vector<16xi32>
          %add3A_1081 = arith.constant 4 : i32
          %add3A_1082 = vector.broadcast %add3A_1081 : i32 to vector<16xi32>
          %add3A_1083 = arith.addi %mul3A_1080, %add3A_1082 : vector<16xi32>
          %add3A_1084 = arith.constant 3 : i32
          %add3A_1085 = vector.broadcast %add3A_1084 : i32 to vector<16xi32>
          %add3A_1086 = arith.addi %add3A_1083, %add3A_1085 : vector<16xi32>
          %gather3A_1087 = tpu.vector_load_idx %arg13[%add3A_1018, %add3A_1086] : memref<128x16xi32, #tpu.memory_space<vmem>>[vector<16xi32>, vector<16xi32>], vector<16xi32>,
          %convert_element_type3A_1088 = arith.sitofp %gather3A_1087 : vector<16xi32> to vector<16xf32>
          %sub3A_1089 = arith.subf %get3A_1077, %convert_element_type3A_1088 : vector<16xf32>
          %get3A_1090 = arith.constant 0 : index
          %get3A_1091 = tpu.vector_load %arg9[%get3A_1090] {strides = array<i32>} : memref<64xf32, #tpu.memory_space<vmem>>, vector<16xf32>,
          %mul3A_1092 = arith.mulf %select_n3A_1031, %get3A_1033 : vector<16xf32>
          %mul3A_1093 = arith.mulf %mul3A_1092, %get3A_1033 : vector<16xf32>
          %add3A_1094 = arith.addf %get3A_1091, %mul3A_1093 : vector<16xf32>
          %swap3A_1095 = arith.constant 0 : index
          %swap3A_1096 = tpu.vector_load %arg9[%swap3A_1095] {strides = array<i32>} : memref<64xf32, #tpu.memory_space<vmem>>, vector<16xf32>,
          tpu.vector_store %arg9[%swap3A_1095], %add3A_1094 {strides = array<i32>} : memref<64xf32, #tpu.memory_space<vmem>>, vector<16xf32>,
          %get3A_1097 = arith.constant 16 : index
          %get3A_1098 = tpu.vector_load %arg9[%get3A_1097] {strides = array<i32>} : memref<64xf32, #tpu.memory_space<vmem>>, vector<16xf32>,
          %mul3A_1099 = arith.mulf %sub3A_1047, %sub3A_1047 : vector<16xf32>
          %mul3A_1100 = arith.mulf %sub3A_1061, %sub3A_1061 : vector<16xf32>
          %add3A_1101 = arith.addf %mul3A_1099, %mul3A_1100 : vector<16xf32>
          %mul3A_1102 = arith.mulf %select_n3A_1031, %add3A_1101 : vector<16xf32>
          %add3A_1103 = arith.addf %get3A_1098, %mul3A_1102 : vector<16xf32>
          %swap3A_1104 = arith.constant 16 : index
          %swap3A_1105 = tpu.vector_load %arg9[%swap3A_1104] {strides = array<i32>} : memref<64xf32, #tpu.memory_space<vmem>>, vector<16xf32>,
          tpu.vector_store %arg9[%swap3A_1104], %add3A_1103 {strides = array<i32>} : memref<64xf32, #tpu.memory_space<vmem>>, vector<16xf32>,
          %get3A_1106 = arith.constant 32 : index
          %get3A_1107 = tpu.vector_load %arg9[%get3A_1106] {strides = array<i32>} : memref<64xf32, #tpu.memory_space<vmem>>, vector<16xf32>,
          %mul3A_1108 = arith.mulf %sub3A_1075, %sub3A_1075 : vector<16xf32>
          %mul3A_1109 = arith.mulf %sub3A_1089, %sub3A_1089 : vector<16xf32>
          %add3A_1110 = arith.addf %mul3A_1108, %mul3A_1109 : vector<16xf32>
          %mul3A_1111 = arith.mulf %select_n3A_1031, %add3A_1110 : vector<16xf32>
          %add3A_1112 = arith.addf %get3A_1107, %mul3A_1111 : vector<16xf32>
          %swap3A_1113 = arith.constant 32 : index
          %swap3A_1114 = tpu.vector_load %arg9[%swap3A_1113] {strides = array<i32>} : memref<64xf32, #tpu.memory_space<vmem>>, vector<16xf32>,
          tpu.vector_store %arg9[%swap3A_1113], %add3A_1112 {strides = array<i32>} : memref<64xf32, #tpu.memory_space<vmem>>, vector<16xf32>,
          %get3A_1115 = arith.constant 48 : index
          %get3A_1116 = tpu.vector_load %arg9[%get3A_1115] {strides = array<i32>} : memref<64xf32, #tpu.memory_space<vmem>>, vector<16xf32>,
          %add3A_1117 = arith.addf %get3A_1116, %select_n3A_1031 : vector<16xf32>
          %swap3A_1118 = arith.constant 48 : index
          %swap3A_1119 = tpu.vector_load %arg9[%swap3A_1118] {strides = array<i32>} : memref<64xf32, #tpu.memory_space<vmem>>, vector<16xf32>,
          tpu.vector_store %arg9[%swap3A_1118], %add3A_1117 {strides = array<i32>} : memref<64xf32, #tpu.memory_space<vmem>>, vector<16xf32>,
          %add3A_1120 = arith.constant 80 : i32
          %add3A_1121 = vector.broadcast %add3A_1120 : i32 to vector<16xi32>
          %add3A_1122 = arith.addi %add3A_1121, %iota3A : vector<16xi32>
          %mul3A_1123 = arith.constant 128 : i32
          %mul3A_1124 = arith.muli %while3A_139, %mul3A_1123 : i32
          %add3A_1125 = arith.constant 80 : i32
          %add3A_1126 = arith.addi %mul3A_1124, %add3A_1125 : i32
          %add3A_1127 = vector.broadcast %add3A_1126 : i32 to vector<16xi32>
          %add3A_1128 = arith.addi %add3A_1127, %iota3A : vector<16xi32>
          %lt3A_1129 = vector.broadcast %scan3A_98 : i32 to vector<16xi32>
          %lt3A_1130 = arith.cmpi slt, %add3A_1128, %lt3A_1129 : vector<16xi32>
          %jit3A_1131 = arith.constant 1.000000e+00 : f32
          %jit3A_1132 = arith.constant 0.000000e+00 : f32
          %broadcast_in_dim3A_1133 = vector.broadcast %jit3A_1131 : f32 to vector<16xf32>
          %broadcast_in_dim3A_1134 = vector.broadcast %jit3A_1132 : f32 to vector<16xf32>
          %select_n3A_1135 = arith.select %lt3A_1130, %broadcast_in_dim3A_1133, %broadcast_in_dim3A_1134 : vector<16xi1>, vector<16xf32>
          %get3A_1136 = arith.constant 592 : index
          %get3A_1137 = tpu.vector_load %arg14[%get3A_1136] {strides = array<i32>} : memref<640xf32, #tpu.memory_space<vmem>>, vector<16xf32>,
          %get3A_1138 = arith.constant 80 : index
          %get3A_1139 = tpu.vector_load %arg14[%get3A_1138] {strides = array<i32>} : memref<640xf32, #tpu.memory_space<vmem>>, vector<16xf32>,
          %mul3A_1140 = arith.constant 0 : i32
          %mul3A_1141 = vector.broadcast %mul3A_1140 : i32 to vector<16xi32>
          %mul3A_1142 = arith.muli %iota3A, %mul3A_1141 : vector<16xi32>
          %add3A_1143 = arith.constant 4 : i32
          %add3A_1144 = vector.broadcast %add3A_1143 : i32 to vector<16xi32>
          %add3A_1145 = arith.addi %mul3A_1142, %add3A_1144 : vector<16xi32>
          %add3A_1146 = arith.constant 0 : i32
          %add3A_1147 = vector.broadcast %add3A_1146 : i32 to vector<16xi32>
          %add3A_1148 = arith.addi %add3A_1145, %add3A_1147 : vector<16xi32>
          %gather3A_1149 = tpu.vector_load_idx %arg13[%add3A_1122, %add3A_1148] : memref<128x16xi32, #tpu.memory_space<vmem>>[vector<16xi32>, vector<16xi32>], vector<16xi32>,
          %convert_element_type3A_1150 = arith.sitofp %gather3A_1149 : vector<16xi32> to vector<16xf32>
          %sub3A_1151 = arith.subf %get3A_1139, %convert_element_type3A_1150 : vector<16xf32>
          %get3A_1152 = arith.constant 208 : index
          %get3A_1153 = tpu.vector_load %arg14[%get3A_1152] {strides = array<i32>} : memref<640xf32, #tpu.memory_space<vmem>>, vector<16xf32>,
          %mul3A_1154 = arith.constant 0 : i32
          %mul3A_1155 = vector.broadcast %mul3A_1154 : i32 to vector<16xi32>
          %mul3A_1156 = arith.muli %iota3A, %mul3A_1155 : vector<16xi32>
          %add3A_1157 = arith.constant 4 : i32
          %add3A_1158 = vector.broadcast %add3A_1157 : i32 to vector<16xi32>
          %add3A_1159 = arith.addi %mul3A_1156, %add3A_1158 : vector<16xi32>
          %add3A_1160 = arith.constant 1 : i32
          %add3A_1161 = vector.broadcast %add3A_1160 : i32 to vector<16xi32>
          %add3A_1162 = arith.addi %add3A_1159, %add3A_1161 : vector<16xi32>
          %gather3A_1163 = tpu.vector_load_idx %arg13[%add3A_1122, %add3A_1162] : memref<128x16xi32, #tpu.memory_space<vmem>>[vector<16xi32>, vector<16xi32>], vector<16xi32>,
          %convert_element_type3A_1164 = arith.sitofp %gather3A_1163 : vector<16xi32> to vector<16xf32>
          %sub3A_1165 = arith.subf %get3A_1153, %convert_element_type3A_1164 : vector<16xf32>
          %get3A_1166 = arith.constant 336 : index
          %get3A_1167 = tpu.vector_load %arg14[%get3A_1166] {strides = array<i32>} : memref<640xf32, #tpu.memory_space<vmem>>, vector<16xf32>,
          %mul3A_1168 = arith.constant 0 : i32
          %mul3A_1169 = vector.broadcast %mul3A_1168 : i32 to vector<16xi32>
          %mul3A_1170 = arith.muli %iota3A, %mul3A_1169 : vector<16xi32>
          %add3A_1171 = arith.constant 4 : i32
          %add3A_1172 = vector.broadcast %add3A_1171 : i32 to vector<16xi32>
          %add3A_1173 = arith.addi %mul3A_1170, %add3A_1172 : vector<16xi32>
          %add3A_1174 = arith.constant 2 : i32
          %add3A_1175 = vector.broadcast %add3A_1174 : i32 to vector<16xi32>
          %add3A_1176 = arith.addi %add3A_1173, %add3A_1175 : vector<16xi32>
          %gather3A_1177 = tpu.vector_load_idx %arg13[%add3A_1122, %add3A_1176] : memref<128x16xi32, #tpu.memory_space<vmem>>[vector<16xi32>, vector<16xi32>], vector<16xi32>,
          %convert_element_type3A_1178 = arith.sitofp %gather3A_1177 : vector<16xi32> to vector<16xf32>
          %sub3A_1179 = arith.subf %get3A_1167, %convert_element_type3A_1178 : vector<16xf32>
          %get3A_1180 = arith.constant 464 : index
          %get3A_1181 = tpu.vector_load %arg14[%get3A_1180] {strides = array<i32>} : memref<640xf32, #tpu.memory_space<vmem>>, vector<16xf32>,
          %mul3A_1182 = arith.constant 0 : i32
          %mul3A_1183 = vector.broadcast %mul3A_1182 : i32 to vector<16xi32>
          %mul3A_1184 = arith.muli %iota3A, %mul3A_1183 : vector<16xi32>
          %add3A_1185 = arith.constant 4 : i32
          %add3A_1186 = vector.broadcast %add3A_1185 : i32 to vector<16xi32>
          %add3A_1187 = arith.addi %mul3A_1184, %add3A_1186 : vector<16xi32>
          %add3A_1188 = arith.constant 3 : i32
          %add3A_1189 = vector.broadcast %add3A_1188 : i32 to vector<16xi32>
          %add3A_1190 = arith.addi %add3A_1187, %add3A_1189 : vector<16xi32>
          %gather3A_1191 = tpu.vector_load_idx %arg13[%add3A_1122, %add3A_1190] : memref<128x16xi32, #tpu.memory_space<vmem>>[vector<16xi32>, vector<16xi32>], vector<16xi32>,
          %convert_element_type3A_1192 = arith.sitofp %gather3A_1191 : vector<16xi32> to vector<16xf32>
          %sub3A_1193 = arith.subf %get3A_1181, %convert_element_type3A_1192 : vector<16xf32>
          %get3A_1194 = arith.constant 0 : index
          %get3A_1195 = tpu.vector_load %arg9[%get3A_1194] {strides = array<i32>} : memref<64xf32, #tpu.memory_space<vmem>>, vector<16xf32>,
          %mul3A_1196 = arith.mulf %select_n3A_1135, %get3A_1137 : vector<16xf32>
          %mul3A_1197 = arith.mulf %mul3A_1196, %get3A_1137 : vector<16xf32>
          %add3A_1198 = arith.addf %get3A_1195, %mul3A_1197 : vector<16xf32>
          %swap3A_1199 = arith.constant 0 : index
          %swap3A_1200 = tpu.vector_load %arg9[%swap3A_1199] {strides = array<i32>} : memref<64xf32, #tpu.memory_space<vmem>>, vector<16xf32>,
          tpu.vector_store %arg9[%swap3A_1199], %add3A_1198 {strides = array<i32>} : memref<64xf32, #tpu.memory_space<vmem>>, vector<16xf32>,
          %get3A_1201 = arith.constant 16 : index
          %get3A_1202 = tpu.vector_load %arg9[%get3A_1201] {strides = array<i32>} : memref<64xf32, #tpu.memory_space<vmem>>, vector<16xf32>,
          %mul3A_1203 = arith.mulf %sub3A_1151, %sub3A_1151 : vector<16xf32>
          %mul3A_1204 = arith.mulf %sub3A_1165, %sub3A_1165 : vector<16xf32>
          %add3A_1205 = arith.addf %mul3A_1203, %mul3A_1204 : vector<16xf32>
          %mul3A_1206 = arith.mulf %select_n3A_1135, %add3A_1205 : vector<16xf32>
          %add3A_1207 = arith.addf %get3A_1202, %mul3A_1206 : vector<16xf32>
          %swap3A_1208 = arith.constant 16 : index
          %swap3A_1209 = tpu.vector_load %arg9[%swap3A_1208] {strides = array<i32>} : memref<64xf32, #tpu.memory_space<vmem>>, vector<16xf32>,
          tpu.vector_store %arg9[%swap3A_1208], %add3A_1207 {strides = array<i32>} : memref<64xf32, #tpu.memory_space<vmem>>, vector<16xf32>,
          %get3A_1210 = arith.constant 32 : index
          %get3A_1211 = tpu.vector_load %arg9[%get3A_1210] {strides = array<i32>} : memref<64xf32, #tpu.memory_space<vmem>>, vector<16xf32>,
          %mul3A_1212 = arith.mulf %sub3A_1179, %sub3A_1179 : vector<16xf32>
          %mul3A_1213 = arith.mulf %sub3A_1193, %sub3A_1193 : vector<16xf32>
          %add3A_1214 = arith.addf %mul3A_1212, %mul3A_1213 : vector<16xf32>
          %mul3A_1215 = arith.mulf %select_n3A_1135, %add3A_1214 : vector<16xf32>
          %add3A_1216 = arith.addf %get3A_1211, %mul3A_1215 : vector<16xf32>
          %swap3A_1217 = arith.constant 32 : index
          %swap3A_1218 = tpu.vector_load %arg9[%swap3A_1217] {strides = array<i32>} : memref<64xf32, #tpu.memory_space<vmem>>, vector<16xf32>,
          tpu.vector_store %arg9[%swap3A_1217], %add3A_1216 {strides = array<i32>} : memref<64xf32, #tpu.memory_space<vmem>>, vector<16xf32>,
          %get3A_1219 = arith.constant 48 : index
          %get3A_1220 = tpu.vector_load %arg9[%get3A_1219] {strides = array<i32>} : memref<64xf32, #tpu.memory_space<vmem>>, vector<16xf32>,
          %add3A_1221 = arith.addf %get3A_1220, %select_n3A_1135 : vector<16xf32>
          %swap3A_1222 = arith.constant 48 : index
          %swap3A_1223 = tpu.vector_load %arg9[%swap3A_1222] {strides = array<i32>} : memref<64xf32, #tpu.memory_space<vmem>>, vector<16xf32>,
          tpu.vector_store %arg9[%swap3A_1222], %add3A_1221 {strides = array<i32>} : memref<64xf32, #tpu.memory_space<vmem>>, vector<16xf32>,
          %add3A_1224 = arith.constant 96 : i32
          %add3A_1225 = vector.broadcast %add3A_1224 : i32 to vector<16xi32>
          %add3A_1226 = arith.addi %add3A_1225, %iota3A : vector<16xi32>
          %mul3A_1227 = arith.constant 128 : i32
          %mul3A_1228 = arith.muli %while3A_139, %mul3A_1227 : i32
          %add3A_1229 = arith.constant 96 : i32
          %add3A_1230 = arith.addi %mul3A_1228, %add3A_1229 : i32
          %add3A_1231 = vector.broadcast %add3A_1230 : i32 to vector<16xi32>
          %add3A_1232 = arith.addi %add3A_1231, %iota3A : vector<16xi32>
          %lt3A_1233 = vector.broadcast %scan3A_98 : i32 to vector<16xi32>
          %lt3A_1234 = arith.cmpi slt, %add3A_1232, %lt3A_1233 : vector<16xi32>
          %jit3A_1235 = arith.constant 1.000000e+00 : f32
          %jit3A_1236 = arith.constant 0.000000e+00 : f32
          %broadcast_in_dim3A_1237 = vector.broadcast %jit3A_1235 : f32 to vector<16xf32>
          %broadcast_in_dim3A_1238 = vector.broadcast %jit3A_1236 : f32 to vector<16xf32>
          %select_n3A_1239 = arith.select %lt3A_1234, %broadcast_in_dim3A_1237, %broadcast_in_dim3A_1238 : vector<16xi1>, vector<16xf32>
          %get3A_1240 = arith.constant 608 : index
          %get3A_1241 = tpu.vector_load %arg14[%get3A_1240] {strides = array<i32>} : memref<640xf32, #tpu.memory_space<vmem>>, vector<16xf32>,
          %get3A_1242 = arith.constant 96 : index
          %get3A_1243 = tpu.vector_load %arg14[%get3A_1242] {strides = array<i32>} : memref<640xf32, #tpu.memory_space<vmem>>, vector<16xf32>,
          %mul3A_1244 = arith.constant 0 : i32
          %mul3A_1245 = vector.broadcast %mul3A_1244 : i32 to vector<16xi32>
          %mul3A_1246 = arith.muli %iota3A, %mul3A_1245 : vector<16xi32>
          %add3A_1247 = arith.constant 4 : i32
          %add3A_1248 = vector.broadcast %add3A_1247 : i32 to vector<16xi32>
          %add3A_1249 = arith.addi %mul3A_1246, %add3A_1248 : vector<16xi32>
          %add3A_1250 = arith.constant 0 : i32
          %add3A_1251 = vector.broadcast %add3A_1250 : i32 to vector<16xi32>
          %add3A_1252 = arith.addi %add3A_1249, %add3A_1251 : vector<16xi32>
          %gather3A_1253 = tpu.vector_load_idx %arg13[%add3A_1226, %add3A_1252] : memref<128x16xi32, #tpu.memory_space<vmem>>[vector<16xi32>, vector<16xi32>], vector<16xi32>,
          %convert_element_type3A_1254 = arith.sitofp %gather3A_1253 : vector<16xi32> to vector<16xf32>
          %sub3A_1255 = arith.subf %get3A_1243, %convert_element_type3A_1254 : vector<16xf32>
          %get3A_1256 = arith.constant 224 : index
          %get3A_1257 = tpu.vector_load %arg14[%get3A_1256] {strides = array<i32>} : memref<640xf32, #tpu.memory_space<vmem>>, vector<16xf32>,
          %mul3A_1258 = arith.constant 0 : i32
          %mul3A_1259 = vector.broadcast %mul3A_1258 : i32 to vector<16xi32>
          %mul3A_1260 = arith.muli %iota3A, %mul3A_1259 : vector<16xi32>
          %add3A_1261 = arith.constant 4 : i32
          %add3A_1262 = vector.broadcast %add3A_1261 : i32 to vector<16xi32>
          %add3A_1263 = arith.addi %mul3A_1260, %add3A_1262 : vector<16xi32>
          %add3A_1264 = arith.constant 1 : i32
          %add3A_1265 = vector.broadcast %add3A_1264 : i32 to vector<16xi32>
          %add3A_1266 = arith.addi %add3A_1263, %add3A_1265 : vector<16xi32>
          %gather3A_1267 = tpu.vector_load_idx %arg13[%add3A_1226, %add3A_1266] : memref<128x16xi32, #tpu.memory_space<vmem>>[vector<16xi32>, vector<16xi32>], vector<16xi32>,
          %convert_element_type3A_1268 = arith.sitofp %gather3A_1267 : vector<16xi32> to vector<16xf32>
          %sub3A_1269 = arith.subf %get3A_1257, %convert_element_type3A_1268 : vector<16xf32>
          %get3A_1270 = arith.constant 352 : index
          %get3A_1271 = tpu.vector_load %arg14[%get3A_1270] {strides = array<i32>} : memref<640xf32, #tpu.memory_space<vmem>>, vector<16xf32>,
          %mul3A_1272 = arith.constant 0 : i32
          %mul3A_1273 = vector.broadcast %mul3A_1272 : i32 to vector<16xi32>
          %mul3A_1274 = arith.muli %iota3A, %mul3A_1273 : vector<16xi32>
          %add3A_1275 = arith.constant 4 : i32
          %add3A_1276 = vector.broadcast %add3A_1275 : i32 to vector<16xi32>
          %add3A_1277 = arith.addi %mul3A_1274, %add3A_1276 : vector<16xi32>
          %add3A_1278 = arith.constant 2 : i32
          %add3A_1279 = vector.broadcast %add3A_1278 : i32 to vector<16xi32>
          %add3A_1280 = arith.addi %add3A_1277, %add3A_1279 : vector<16xi32>
          %gather3A_1281 = tpu.vector_load_idx %arg13[%add3A_1226, %add3A_1280] : memref<128x16xi32, #tpu.memory_space<vmem>>[vector<16xi32>, vector<16xi32>], vector<16xi32>,
          %convert_element_type3A_1282 = arith.sitofp %gather3A_1281 : vector<16xi32> to vector<16xf32>
          %sub3A_1283 = arith.subf %get3A_1271, %convert_element_type3A_1282 : vector<16xf32>
          %get3A_1284 = arith.constant 480 : index
          %get3A_1285 = tpu.vector_load %arg14[%get3A_1284] {strides = array<i32>} : memref<640xf32, #tpu.memory_space<vmem>>, vector<16xf32>,
          %mul3A_1286 = arith.constant 0 : i32
          %mul3A_1287 = vector.broadcast %mul3A_1286 : i32 to vector<16xi32>
          %mul3A_1288 = arith.muli %iota3A, %mul3A_1287 : vector<16xi32>
          %add3A_1289 = arith.constant 4 : i32
          %add3A_1290 = vector.broadcast %add3A_1289 : i32 to vector<16xi32>
          %add3A_1291 = arith.addi %mul3A_1288, %add3A_1290 : vector<16xi32>
          %add3A_1292 = arith.constant 3 : i32
          %add3A_1293 = vector.broadcast %add3A_1292 : i32 to vector<16xi32>
          %add3A_1294 = arith.addi %add3A_1291, %add3A_1293 : vector<16xi32>
          %gather3A_1295 = tpu.vector_load_idx %arg13[%add3A_1226, %add3A_1294] : memref<128x16xi32, #tpu.memory_space<vmem>>[vector<16xi32>, vector<16xi32>], vector<16xi32>,
          %convert_element_type3A_1296 = arith.sitofp %gather3A_1295 : vector<16xi32> to vector<16xf32>
          %sub3A_1297 = arith.subf %get3A_1285, %convert_element_type3A_1296 : vector<16xf32>
          %get3A_1298 = arith.constant 0 : index
          %get3A_1299 = tpu.vector_load %arg9[%get3A_1298] {strides = array<i32>} : memref<64xf32, #tpu.memory_space<vmem>>, vector<16xf32>,
          %mul3A_1300 = arith.mulf %select_n3A_1239, %get3A_1241 : vector<16xf32>
          %mul3A_1301 = arith.mulf %mul3A_1300, %get3A_1241 : vector<16xf32>
          %add3A_1302 = arith.addf %get3A_1299, %mul3A_1301 : vector<16xf32>
          %swap3A_1303 = arith.constant 0 : index
          %swap3A_1304 = tpu.vector_load %arg9[%swap3A_1303] {strides = array<i32>} : memref<64xf32, #tpu.memory_space<vmem>>, vector<16xf32>,
          tpu.vector_store %arg9[%swap3A_1303], %add3A_1302 {strides = array<i32>} : memref<64xf32, #tpu.memory_space<vmem>>, vector<16xf32>,
          %get3A_1305 = arith.constant 16 : index
          %get3A_1306 = tpu.vector_load %arg9[%get3A_1305] {strides = array<i32>} : memref<64xf32, #tpu.memory_space<vmem>>, vector<16xf32>,
          %mul3A_1307 = arith.mulf %sub3A_1255, %sub3A_1255 : vector<16xf32>
          %mul3A_1308 = arith.mulf %sub3A_1269, %sub3A_1269 : vector<16xf32>
          %add3A_1309 = arith.addf %mul3A_1307, %mul3A_1308 : vector<16xf32>
          %mul3A_1310 = arith.mulf %select_n3A_1239, %add3A_1309 : vector<16xf32>
          %add3A_1311 = arith.addf %get3A_1306, %mul3A_1310 : vector<16xf32>
          %swap3A_1312 = arith.constant 16 : index
          %swap3A_1313 = tpu.vector_load %arg9[%swap3A_1312] {strides = array<i32>} : memref<64xf32, #tpu.memory_space<vmem>>, vector<16xf32>,
          tpu.vector_store %arg9[%swap3A_1312], %add3A_1311 {strides = array<i32>} : memref<64xf32, #tpu.memory_space<vmem>>, vector<16xf32>,
          %get3A_1314 = arith.constant 32 : index
          %get3A_1315 = tpu.vector_load %arg9[%get3A_1314] {strides = array<i32>} : memref<64xf32, #tpu.memory_space<vmem>>, vector<16xf32>,
          %mul3A_1316 = arith.mulf %sub3A_1283, %sub3A_1283 : vector<16xf32>
          %mul3A_1317 = arith.mulf %sub3A_1297, %sub3A_1297 : vector<16xf32>
          %add3A_1318 = arith.addf %mul3A_1316, %mul3A_1317 : vector<16xf32>
          %mul3A_1319 = arith.mulf %select_n3A_1239, %add3A_1318 : vector<16xf32>
          %add3A_1320 = arith.addf %get3A_1315, %mul3A_1319 : vector<16xf32>
          %swap3A_1321 = arith.constant 32 : index
          %swap3A_1322 = tpu.vector_load %arg9[%swap3A_1321] {strides = array<i32>} : memref<64xf32, #tpu.memory_space<vmem>>, vector<16xf32>,
          tpu.vector_store %arg9[%swap3A_1321], %add3A_1320 {strides = array<i32>} : memref<64xf32, #tpu.memory_space<vmem>>, vector<16xf32>,
          %get3A_1323 = arith.constant 48 : index
          %get3A_1324 = tpu.vector_load %arg9[%get3A_1323] {strides = array<i32>} : memref<64xf32, #tpu.memory_space<vmem>>, vector<16xf32>,
          %add3A_1325 = arith.addf %get3A_1324, %select_n3A_1239 : vector<16xf32>
          %swap3A_1326 = arith.constant 48 : index
          %swap3A_1327 = tpu.vector_load %arg9[%swap3A_1326] {strides = array<i32>} : memref<64xf32, #tpu.memory_space<vmem>>, vector<16xf32>,
          tpu.vector_store %arg9[%swap3A_1326], %add3A_1325 {strides = array<i32>} : memref<64xf32, #tpu.memory_space<vmem>>, vector<16xf32>,
          %add3A_1328 = arith.constant 112 : i32
          %add3A_1329 = vector.broadcast %add3A_1328 : i32 to vector<16xi32>
          %add3A_1330 = arith.addi %add3A_1329, %iota3A : vector<16xi32>
          %mul3A_1331 = arith.constant 128 : i32
          %mul3A_1332 = arith.muli %while3A_139, %mul3A_1331 : i32
          %add3A_1333 = arith.constant 112 : i32
          %add3A_1334 = arith.addi %mul3A_1332, %add3A_1333 : i32
          %add3A_1335 = vector.broadcast %add3A_1334 : i32 to vector<16xi32>
          %add3A_1336 = arith.addi %add3A_1335, %iota3A : vector<16xi32>
          %lt3A_1337 = vector.broadcast %scan3A_98 : i32 to vector<16xi32>
          %lt3A_1338 = arith.cmpi slt, %add3A_1336, %lt3A_1337 : vector<16xi32>
          %jit3A_1339 = arith.constant 1.000000e+00 : f32
          %jit3A_1340 = arith.constant 0.000000e+00 : f32
          %broadcast_in_dim3A_1341 = vector.broadcast %jit3A_1339 : f32 to vector<16xf32>
          %broadcast_in_dim3A_1342 = vector.broadcast %jit3A_1340 : f32 to vector<16xf32>
          %select_n3A_1343 = arith.select %lt3A_1338, %broadcast_in_dim3A_1341, %broadcast_in_dim3A_1342 : vector<16xi1>, vector<16xf32>
          %get3A_1344 = arith.constant 624 : index
          %get3A_1345 = tpu.vector_load %arg14[%get3A_1344] {strides = array<i32>} : memref<640xf32, #tpu.memory_space<vmem>>, vector<16xf32>,
          %get3A_1346 = arith.constant 112 : index
          %get3A_1347 = tpu.vector_load %arg14[%get3A_1346] {strides = array<i32>} : memref<640xf32, #tpu.memory_space<vmem>>, vector<16xf32>,
          %mul3A_1348 = arith.constant 0 : i32
          %mul3A_1349 = vector.broadcast %mul3A_1348 : i32 to vector<16xi32>
          %mul3A_1350 = arith.muli %iota3A, %mul3A_1349 : vector<16xi32>
          %add3A_1351 = arith.constant 4 : i32
          %add3A_1352 = vector.broadcast %add3A_1351 : i32 to vector<16xi32>
          %add3A_1353 = arith.addi %mul3A_1350, %add3A_1352 : vector<16xi32>
          %add3A_1354 = arith.constant 0 : i32
          %add3A_1355 = vector.broadcast %add3A_1354 : i32 to vector<16xi32>
          %add3A_1356 = arith.addi %add3A_1353, %add3A_1355 : vector<16xi32>
          %gather3A_1357 = tpu.vector_load_idx %arg13[%add3A_1330, %add3A_1356] : memref<128x16xi32, #tpu.memory_space<vmem>>[vector<16xi32>, vector<16xi32>], vector<16xi32>,
          %convert_element_type3A_1358 = arith.sitofp %gather3A_1357 : vector<16xi32> to vector<16xf32>
          %sub3A_1359 = arith.subf %get3A_1347, %convert_element_type3A_1358 : vector<16xf32>
          %get3A_1360 = arith.constant 240 : index
          %get3A_1361 = tpu.vector_load %arg14[%get3A_1360] {strides = array<i32>} : memref<640xf32, #tpu.memory_space<vmem>>, vector<16xf32>,
          %mul3A_1362 = arith.constant 0 : i32
          %mul3A_1363 = vector.broadcast %mul3A_1362 : i32 to vector<16xi32>
          %mul3A_1364 = arith.muli %iota3A, %mul3A_1363 : vector<16xi32>
          %add3A_1365 = arith.constant 4 : i32
          %add3A_1366 = vector.broadcast %add3A_1365 : i32 to vector<16xi32>
          %add3A_1367 = arith.addi %mul3A_1364, %add3A_1366 : vector<16xi32>
          %add3A_1368 = arith.constant 1 : i32
          %add3A_1369 = vector.broadcast %add3A_1368 : i32 to vector<16xi32>
          %add3A_1370 = arith.addi %add3A_1367, %add3A_1369 : vector<16xi32>
          %gather3A_1371 = tpu.vector_load_idx %arg13[%add3A_1330, %add3A_1370] : memref<128x16xi32, #tpu.memory_space<vmem>>[vector<16xi32>, vector<16xi32>], vector<16xi32>,
          %convert_element_type3A_1372 = arith.sitofp %gather3A_1371 : vector<16xi32> to vector<16xf32>
          %sub3A_1373 = arith.subf %get3A_1361, %convert_element_type3A_1372 : vector<16xf32>
          %get3A_1374 = arith.constant 368 : index
          %get3A_1375 = tpu.vector_load %arg14[%get3A_1374] {strides = array<i32>} : memref<640xf32, #tpu.memory_space<vmem>>, vector<16xf32>,
          %mul3A_1376 = arith.constant 0 : i32
          %mul3A_1377 = vector.broadcast %mul3A_1376 : i32 to vector<16xi32>
          %mul3A_1378 = arith.muli %iota3A, %mul3A_1377 : vector<16xi32>
          %add3A_1379 = arith.constant 4 : i32
          %add3A_1380 = vector.broadcast %add3A_1379 : i32 to vector<16xi32>
          %add3A_1381 = arith.addi %mul3A_1378, %add3A_1380 : vector<16xi32>
          %add3A_1382 = arith.constant 2 : i32
          %add3A_1383 = vector.broadcast %add3A_1382 : i32 to vector<16xi32>
          %add3A_1384 = arith.addi %add3A_1381, %add3A_1383 : vector<16xi32>
          %gather3A_1385 = tpu.vector_load_idx %arg13[%add3A_1330, %add3A_1384] : memref<128x16xi32, #tpu.memory_space<vmem>>[vector<16xi32>, vector<16xi32>], vector<16xi32>,
          %convert_element_type3A_1386 = arith.sitofp %gather3A_1385 : vector<16xi32> to vector<16xf32>
          %sub3A_1387 = arith.subf %get3A_1375, %convert_element_type3A_1386 : vector<16xf32>
          %get3A_1388 = arith.constant 496 : index
          %get3A_1389 = tpu.vector_load %arg14[%get3A_1388] {strides = array<i32>} : memref<640xf32, #tpu.memory_space<vmem>>, vector<16xf32>,
          %mul3A_1390 = arith.constant 0 : i32
          %mul3A_1391 = vector.broadcast %mul3A_1390 : i32 to vector<16xi32>
          %mul3A_1392 = arith.muli %iota3A, %mul3A_1391 : vector<16xi32>
          %add3A_1393 = arith.constant 4 : i32
          %add3A_1394 = vector.broadcast %add3A_1393 : i32 to vector<16xi32>
          %add3A_1395 = arith.addi %mul3A_1392, %add3A_1394 : vector<16xi32>
          %add3A_1396 = arith.constant 3 : i32
          %add3A_1397 = vector.broadcast %add3A_1396 : i32 to vector<16xi32>
          %add3A_1398 = arith.addi %add3A_1395, %add3A_1397 : vector<16xi32>
          %gather3A_1399 = tpu.vector_load_idx %arg13[%add3A_1330, %add3A_1398] : memref<128x16xi32, #tpu.memory_space<vmem>>[vector<16xi32>, vector<16xi32>], vector<16xi32>,
          %convert_element_type3A_1400 = arith.sitofp %gather3A_1399 : vector<16xi32> to vector<16xf32>
          %sub3A_1401 = arith.subf %get3A_1389, %convert_element_type3A_1400 : vector<16xf32>
          %get3A_1402 = arith.constant 0 : index
          %get3A_1403 = tpu.vector_load %arg9[%get3A_1402] {strides = array<i32>} : memref<64xf32, #tpu.memory_space<vmem>>, vector<16xf32>,
          %mul3A_1404 = arith.mulf %select_n3A_1343, %get3A_1345 : vector<16xf32>
          %mul3A_1405 = arith.mulf %mul3A_1404, %get3A_1345 : vector<16xf32>
          %add3A_1406 = arith.addf %get3A_1403, %mul3A_1405 : vector<16xf32>
          %swap3A_1407 = arith.constant 0 : index
          %swap3A_1408 = tpu.vector_load %arg9[%swap3A_1407] {strides = array<i32>} : memref<64xf32, #tpu.memory_space<vmem>>, vector<16xf32>,
          tpu.vector_store %arg9[%swap3A_1407], %add3A_1406 {strides = array<i32>} : memref<64xf32, #tpu.memory_space<vmem>>, vector<16xf32>,
          %get3A_1409 = arith.constant 16 : index
          %get3A_1410 = tpu.vector_load %arg9[%get3A_1409] {strides = array<i32>} : memref<64xf32, #tpu.memory_space<vmem>>, vector<16xf32>,
          %mul3A_1411 = arith.mulf %sub3A_1359, %sub3A_1359 : vector<16xf32>
          %mul3A_1412 = arith.mulf %sub3A_1373, %sub3A_1373 : vector<16xf32>
          %add3A_1413 = arith.addf %mul3A_1411, %mul3A_1412 : vector<16xf32>
          %mul3A_1414 = arith.mulf %select_n3A_1343, %add3A_1413 : vector<16xf32>
          %add3A_1415 = arith.addf %get3A_1410, %mul3A_1414 : vector<16xf32>
          %swap3A_1416 = arith.constant 16 : index
          %swap3A_1417 = tpu.vector_load %arg9[%swap3A_1416] {strides = array<i32>} : memref<64xf32, #tpu.memory_space<vmem>>, vector<16xf32>,
          tpu.vector_store %arg9[%swap3A_1416], %add3A_1415 {strides = array<i32>} : memref<64xf32, #tpu.memory_space<vmem>>, vector<16xf32>,
          %get3A_1418 = arith.constant 32 : index
          %get3A_1419 = tpu.vector_load %arg9[%get3A_1418] {strides = array<i32>} : memref<64xf32, #tpu.memory_space<vmem>>, vector<16xf32>,
          %mul3A_1420 = arith.mulf %sub3A_1387, %sub3A_1387 : vector<16xf32>
          %mul3A_1421 = arith.mulf %sub3A_1401, %sub3A_1401 : vector<16xf32>
          %add3A_1422 = arith.addf %mul3A_1420, %mul3A_1421 : vector<16xf32>
          %mul3A_1423 = arith.mulf %select_n3A_1343, %add3A_1422 : vector<16xf32>
          %add3A_1424 = arith.addf %get3A_1419, %mul3A_1423 : vector<16xf32>
          %swap3A_1425 = arith.constant 32 : index
          %swap3A_1426 = tpu.vector_load %arg9[%swap3A_1425] {strides = array<i32>} : memref<64xf32, #tpu.memory_space<vmem>>, vector<16xf32>,
          tpu.vector_store %arg9[%swap3A_1425], %add3A_1424 {strides = array<i32>} : memref<64xf32, #tpu.memory_space<vmem>>, vector<16xf32>,
          %get3A_1427 = arith.constant 48 : index
          %get3A_1428 = tpu.vector_load %arg9[%get3A_1427] {strides = array<i32>} : memref<64xf32, #tpu.memory_space<vmem>>, vector<16xf32>,
          %add3A_1429 = arith.addf %get3A_1428, %select_n3A_1343 : vector<16xf32>
          %swap3A_1430 = arith.constant 48 : index
          %swap3A_1431 = tpu.vector_load %arg9[%swap3A_1430] {strides = array<i32>} : memref<64xf32, #tpu.memory_space<vmem>>, vector<16xf32>,
          tpu.vector_store %arg9[%swap3A_1430], %add3A_1429 {strides = array<i32>} : memref<64xf32, #tpu.memory_space<vmem>>, vector<16xf32>,
          %while3A_1432 = arith.constant 0 : i32
          scf.yield %while3A_1432 : i32
        }
        %while3A_138 = arith.constant 0 : i32
        scf.yield %while3A_138 : i32
      }
      %scan3A_88 = arith.constant 0 : i32
      scf.yield %scan3A_88 : i32
    }
    %scan3A_20 = arith.constant 2 : i32
    %get3A = arith.constant 0 : index
    %get3A_21 = tpu.vector_load %arg9[%get3A] {strides = array<i32>} : memref<64xf32, #tpu.memory_space<vmem>>, vector<16xf32>,
    %swap3A_22 = arith.constant 0 : index
    %swap3A_23 = tpu.vector_load %arg10[%swap3A_22] {strides = array<i32>} : memref<64xf32, #tpu.memory_space<vmem>>, vector<16xf32>,
    tpu.vector_store %arg10[%swap3A_22], %get3A_21 {strides = array<i32>} : memref<64xf32, #tpu.memory_space<vmem>>, vector<16xf32>,
    %get3A_24 = arith.constant 16 : index
    %get3A_25 = tpu.vector_load %arg9[%get3A_24] {strides = array<i32>} : memref<64xf32, #tpu.memory_space<vmem>>, vector<16xf32>,
    %swap3A_26 = arith.constant 16 : index
    %swap3A_27 = tpu.vector_load %arg10[%swap3A_26] {strides = array<i32>} : memref<64xf32, #tpu.memory_space<vmem>>, vector<16xf32>,
    tpu.vector_store %arg10[%swap3A_26], %get3A_25 {strides = array<i32>} : memref<64xf32, #tpu.memory_space<vmem>>, vector<16xf32>,
    %get3A_28 = arith.constant 32 : index
    %get3A_29 = tpu.vector_load %arg9[%get3A_28] {strides = array<i32>} : memref<64xf32, #tpu.memory_space<vmem>>, vector<16xf32>,
    %swap3A_30 = arith.constant 32 : index
    %swap3A_31 = tpu.vector_load %arg10[%swap3A_30] {strides = array<i32>} : memref<64xf32, #tpu.memory_space<vmem>>, vector<16xf32>,
    tpu.vector_store %arg10[%swap3A_30], %get3A_29 {strides = array<i32>} : memref<64xf32, #tpu.memory_space<vmem>>, vector<16xf32>,
    %get3A_32 = arith.constant 48 : index
    %get3A_33 = tpu.vector_load %arg9[%get3A_32] {strides = array<i32>} : memref<64xf32, #tpu.memory_space<vmem>>, vector<16xf32>,
    %swap3A_34 = arith.constant 48 : index
    %swap3A_35 = tpu.vector_load %arg10[%swap3A_34] {strides = array<i32>} : memref<64xf32, #tpu.memory_space<vmem>>, vector<16xf32>,
    tpu.vector_store %arg10[%swap3A_34], %get3A_33 {strides = array<i32>} : memref<64xf32, #tpu.memory_space<vmem>>, vector<16xf32>,
    "tpu.region"() ({
      %run_scoped3A = tpu.sem_alloc : memref<!tpu.dma_semaphore, #tpu.memory_space<semaphore_mem>>
      %dma_start3A = arith.constant 0 : i32
      %dma_start3A_36 = tpu.memref_slice %arg4[%add3A, %dma_start3A] : memref<32x64xf32, #tpu.memory_space<hbm>> -> memref<1x64xf32, #tpu.memory_space<hbm>>
      %dma_start3A_37 = tpu.memref_squeeze %dma_start3A_36 : memref<1x64xf32, #tpu.memory_space<hbm>> -> memref<64xf32, #tpu.memory_space<hbm>>
      %dma_start3A_38 = arith.constant 0 : i32
      %dma_start3A_39 = tpu.memref_slice %arg4[%add3A, %dma_start3A_38] : memref<32x64xf32, #tpu.memory_space<hbm>> -> memref<1x64xf32, #tpu.memory_space<hbm>>
      %dma_start3A_40 = tpu.memref_squeeze %dma_start3A_39 : memref<1x64xf32, #tpu.memory_space<hbm>> -> memref<64xf32, #tpu.memory_space<hbm>>
      tpu.enqueue_dma source(%arg10 : memref<64xf32, #tpu.memory_space<vmem>>) target(%dma_start3A_40 : memref<64xf32, #tpu.memory_space<hbm>>) target_semaphore(%run_scoped3A : memref<!tpu.dma_semaphore, #tpu.memory_space<semaphore_mem>>)
      %dma_wait3A = arith.constant 0 : i32
      %dma_wait3A_41 = tpu.memref_slice %arg4[%add3A, %dma_wait3A] : memref<32x64xf32, #tpu.memory_space<hbm>> -> memref<1x64xf32, #tpu.memory_space<hbm>>
      %dma_wait3A_42 = tpu.memref_squeeze %dma_wait3A_41 : memref<1x64xf32, #tpu.memory_space<hbm>> -> memref<64xf32, #tpu.memory_space<hbm>>
      %dma_wait3A_43 = arith.constant 0 : i32
      %dma_wait3A_44 = tpu.memref_slice %arg4[%add3A, %dma_wait3A_43] : memref<32x64xf32, #tpu.memory_space<hbm>> -> memref<1x64xf32, #tpu.memory_space<hbm>>
      %dma_wait3A_45 = tpu.memref_squeeze %dma_wait3A_44 : memref<1x64xf32, #tpu.memory_space<hbm>> -> memref<64xf32, #tpu.memory_space<hbm>>
      tpu.wait_dma2 semaphore(%run_scoped3A : memref<!tpu.dma_semaphore, #tpu.memory_space<semaphore_mem>>) src(%arg10 : memref<64xf32, #tpu.memory_space<vmem>>) dst(%dma_wait3A_45 : memref<64xf32, #tpu.memory_space<hbm>>)
      tpu.yield
    }) : () -> ()
    return
  }
}

module attributes {stable_mosaic.version = 14 : i64} {
  func.func @body(%arg0: i32, %arg1: memref<1x1x128x128xf32, #tpu.memory_space<vmem>>, %arg2: memref<8x128xf32, #tpu.memory_space<vmem>>) attributes {dimension_semantics = [#tpu.dimension_semantics<arbitrary>], iteration_bounds = array<i64: 255>, scalar_prefetch = 0 : i64, scratch_operands = 0 : i64, tpu.core_type = #tpu.core_type<tc>, window_params = [{transform_indices = @transform_0, window_bounds = array<i64: 1, 1, 128, 128>}, {pipeline_mode = #tpu.pipeline_mode<synchronous>, transform_indices = @transform_1, window_bounds = array<i64: 8, 128>}]} {
    %eq3A = arith.constant 0 : i32
    %eq3A_0 = arith.cmpi eq, %arg0, %eq3A : i32
    %convert_element_type3A = arith.extui %eq3A_0 : i1 to i32
    %cond3A = arith.constant 0 : i32
    %cond3A_1 = arith.cmpi ne, %convert_element_type3A, %cond3A : i32
    scf.if %cond3A_1 {
      %broadcast_in_dim3A = arith.constant 0.000000e+00 : f32
      %broadcast_in_dim3A_16 = vector.broadcast %broadcast_in_dim3A : f32 to vector<8x128xf32>
      %swap3A_17 = arith.constant 0 : index
      %swap3A_18 = arith.constant 0 : index
      %swap3A_19 = vector.load %arg2[%swap3A_17, %swap3A_18] : memref<8x128xf32, #tpu.memory_space<vmem>>, vector<8x128xf32>
      tpu.vector_store %arg2[%swap3A_17, %swap3A_18], %broadcast_in_dim3A_16 {strides = array<i32>} : memref<8x128xf32, #tpu.memory_space<vmem>>, vector<8x128xf32>,
    } else {
    }
    %get3A = arith.constant 0 : index
    %get3A_2 = arith.constant 0 : index
    %get3A_3 = arith.constant 0 : index
    %get3A_4 = arith.constant 0 : index
    %get3A_5 = vector.load %arg1[%get3A, %get3A_2, %get3A_3, %get3A_4] : memref<1x1x128x128xf32, #tpu.memory_space<vmem>>, vector<1x1x128x128xf32>
    %get3A_6 = arith.constant 0 : index
    %get3A_7 = arith.constant 0 : index
    %get3A_8 = vector.load %arg2[%get3A_6, %get3A_7] : memref<8x128xf32, #tpu.memory_space<vmem>>, vector<8x128xf32>
    %mul3A = arith.mulf %get3A_5, %get3A_5 : vector<1x1x128x128xf32>
    %reduce_sum3A = vector.shape_cast %mul3A : vector<1x1x128x128xf32> to vector<1x1x1x128x128xf32>
    %reduce_sum3A_9 = arith.constant dense<0.000000e+00> : vector<1xf32>
    %reduce_sum3A_10 = vector.multi_reduction <add>, %reduce_sum3A, %reduce_sum3A_9 [1, 2, 3, 4] : vector<1x1x1x128x128xf32> to vector<1xf32>
    %reduce_sum3A_11 = vector.shape_cast %reduce_sum3A_10 : vector<1xf32> to vector<1x1x1x1x1xf32>
    %reduce_sum3A_12 = vector.extract %reduce_sum3A_11[0, 0, 0, 0, 0] : f32 from vector<1x1x1x1x1xf32>
    %add3A = vector.broadcast %reduce_sum3A_12 : f32 to vector<8x128xf32>
    %add3A_13 = arith.addf %get3A_8, %add3A : vector<8x128xf32>
    %swap3A = arith.constant 0 : index
    %swap3A_14 = arith.constant 0 : index
    %swap3A_15 = vector.load %arg2[%swap3A, %swap3A_14] : memref<8x128xf32, #tpu.memory_space<vmem>>, vector<8x128xf32>
    tpu.vector_store %arg2[%swap3A, %swap3A_14], %add3A_13 {strides = array<i32>} : memref<8x128xf32, #tpu.memory_space<vmem>>, vector<8x128xf32>,
    return
  }
  func.func @transform_0(%arg0: i32) -> (i32, i32, i32, i32) {
    %c4_i32 = arith.constant 4 : i32
    %c0_i32 = arith.constant 0 : i32
    %c0_i32_0 = arith.constant 0 : i32
    %c0_i32_1 = arith.constant 0 : i32
    return %arg0, %c4_i32, %c0_i32, %c0_i32_0 : i32, i32, i32, i32
  }
  func.func @transform_1(%arg0: i32) -> (i32, i32) {
    %c0_i32 = arith.constant 0 : i32
    %c0_i32_0 = arith.constant 0 : i32
    %c0_i32_1 = arith.constant 0 : i32
    return %c0_i32, %c0_i32_0 : i32, i32
  }
}

</mosaic_0001>

<sc_bundles>
// kernel: kernel.4.cloned.1.call-start
scs
__scs_entry_jumppad:
0x0: {  	(pc) =	sbr.rel $0x88, $3  }
0x1: {  	(tag) =	ssettag $0x0;
	lr =	simm.s32 $0x1  }
0x2: {  	[smem:$0x3F9F] =	sst lr;
	_ =	strace $0xD0000000  }
0x3: {  	_ = 	snop  }
0x4: {  	_ = 	snop  }
0x5: {  	_ = 	snop  }
0x6: {  	_ = 	snop  }
0x7: {  	_ = 	snop  }
__scs_overlays_trampoline_lowered:
0x8: {  	[smem:$0x3FAE] =	sst s0  }
0x9: {  	[smem:$0x3FAF] =	sst s1  }
0xa: {  	[smem:$0x3FB0] =	sst s2  }
0xb: {  	[smem:$0x3FB1] =	sst s3  }
0xc: {  	[smem:$0x3FB2] =	sst s4  }
0xd: {  	[smem:$0x3FB3] =	sst s5  }
0xe: {  	[smem:$0x3FB4] =	sst s6  }
0xf: {  	[smem:$0x3FB5] =	sst s7  }
0x10: {  	[smem:$0x3FB6] =	sst s8  }
0x11: {  	[smem:$0x3FB7] =	sst s9;
	s0 =	simm.s32 @!p0 $0x0  }
0x12: {  	s1 =	sld [smem:$0x3F9D];
	s0 =	simm.s32 @p0 $0x1  }
0x13: {  	[smem:$0x3FB8] =	sst s0;
	s0 =	simm.s32 @!p1 $0x0  }
0x14: {  	s2 =	sld [smem:$0x3F9C];
	s0 =	simm.s32 @p1 $0x1  }
0x15: {  	[smem:$0x3FB9] =	sst s0;
	s0 =	simm.s32 @!p2 $0x0  }
0x16: {  	s3 =	sld [smem:$0x3FDB];
	s0 =	simm.s32 @p2 $0x1  }
0x17: {  	s4 =	simm.s32 $0x1BF5;
	[smem:$0x3FBB] =	sst s0  }
0x18: {  	s0 =	sld [smem:$0x3F9E];
	_ =	swait.ge [sflag:s4], $0x0  }
0x19: {  	s7 =	sld [smem:$0x3F9F]  }
0x1a: {  	s8 =	sadd.s32 $0xFFFFE003, lr  }
0x1b: {  	s9 =	sadd.s32 $0xFFFFFEF7, lr;
	s5 =	simm.s32 $0xFFFFFFFF;
	p2 =	slt.u32 s8, $0xFFFFF086  }
0x1c: {  	p1 =	slt.u32 s9, $0xF7A;
	s5 =	simm.s32 @!p2 $0x0  }
0x1d: {  	s5 =	simm.s32 @p1 $0x1;
	p0 =	seq.s32 s7, s2  }
0x1e: {  	s7 =	smul.u32 @!p0 $0xF7A, s2;
	p2 =	seq.s32 @!p0 s5, $0x0  }
0x1f: {  	s9 =	smul.u32 $0xF7A, s1;
	s8 =	simm.s32 @!p0 $0x1BF5;
	p2 =	por !p2, p0  }
0x20: {  	[sflag:s8] =	ssyncset.s32 @!p0 $0xFFFFF086;
	s6 =	sadd.s32 @!p0 s3, s7;
	s7 =	simm.s32 @!p0 $0x108  }
0x21: {  	s3 =	sadd.s32 s3, s9;
	s6 =	sadd.s32 @!p0 $0x88, s6;
	s7 =	simm.s32 @p2 $0x1082  }
0x22: {  	[simem:s7], [sflag:s8] =	dma.local @!p0 [hbm:s6], $0xF7A  }
0x23: {  	s9 =	sor.u32 $0xD0000000, s2;
	s6 =	simm.s32 $0x108;
	_ =	swait.ge @!p0 [sflag:s8], $0x0  }
0x24: {  	s3 =	sadd.s32 $0x88, s3;
	s6 =	simm.s32 @!p1 $0x1082;
	[sflag:s4] =	ssyncset.s32 $0xFFFFF086  }
0x25: {  	[simem:s6], [sflag:s4] =	dma.local [hbm:s3], $0xF7A  }
0x26: {  	[smem:$0x3F9F] =	sst s1;
	(tag) =	ssettag s2;
	_ =	strace s9  }
0x27: {  	s1 =	sld [smem:$0x3FAF]  }
0x28: {  	s2 =	sld [smem:$0x3FB0]  }
0x29: {  	s4 =	sld [smem:$0x3FB2]  }
0x2a: {  	p0 =	seq.s32 s5, $0x0;
	s5 =	sld [smem:$0x3FB3]  }
0x2b: {  	s6 =	sld [smem:$0x3FB4]  }
0x2c: {  	s7 =	sld [smem:$0x3FB5]  }
0x2d: {  	s3 =	simm.s32 $0x108;
	s8 =	sld [smem:$0x3FB6]  }
0x2e: {  	s3 =	simm.s32 @!p0 $0x1082;
	s9 =	sld [smem:$0x3FB7]  }
0x2f: {  	lr =	sadd.s32 s0, s3;
	s0 =	sld [smem:$0x3FAE]  }
0x30: {  	s3 =	sld [smem:$0x3FB1]  }
0x31: {  	[smem:$0x3FBA] =	sst s10  }
0x32: {  	s10 =	sld [smem:$0x3FB8];
	_ =	sdelay $0x3  }
0x33: {  	p0 =	seq.s32 s10, $0x1;
	s10 =	sld [smem:$0x3FBA];
	_ =	sdelay $0x3  }
0x34: {  	[smem:$0x3FBA] =	sst s10  }
0x35: {  	s10 =	sld [smem:$0x3FB9];
	_ =	sdelay $0x3  }
0x36: {  	p1 =	seq.s32 s10, $0x1;
	s10 =	sld [smem:$0x3FBA];
	_ =	sdelay $0x3  }
0x37: {  	[smem:$0x3FBA] =	sst s10  }
0x38: {  	s10 =	sld [smem:$0x3FBB]  }
0x39: {  	_ = 	snop;
	(pc) =	sbr.ind lr, $3  }
0x3a: {  	_ = 	snop  }
0x3b: {  	_ = 	snop  }
0x3c: {  	p2 =	seq.s32 s10, $0x1;
	s10 =	sld [smem:$0x3FBA]  }
0x3d: {  	_ =	shalt  }
0x3e: {  	_ =	shalt  }
0x3f: {  	_ =	shalt  }
0x40: {  	_ =	shalt  }
0x41: {  	_ =	shalt  }
0x42: {  	_ =	shalt  }
0x43: {  	_ =	shalt  }
0x44: {  	_ =	shalt  }
0x45: {  	_ =	shalt  }
0x46: {  	_ =	shalt  }
0x47: {  	_ =	shalt  }
0x48: {  	_ =	shalt  }
0x49: {  	_ =	shalt  }
0x4a: {  	_ =	shalt  }
0x4b: {  	_ =	shalt  }
0x4c: {  	_ =	shalt  }
0x4d: {  	_ =	shalt  }
0x4e: {  	_ =	shalt  }
0x4f: {  	_ =	shalt  }
0x50: {  	_ =	shalt  }
0x51: {  	_ =	shalt  }
0x52: {  	_ =	shalt  }
0x53: {  	_ =	shalt  }
0x54: {  	_ =	shalt  }
0x55: {  	_ =	shalt  }
0x56: {  	_ =	shalt  }
0x57: {  	_ =	shalt  }
0x58: {  	_ =	shalt  }
0x59: {  	_ =	shalt  }
0x5a: {  	_ =	shalt  }
0x5b: {  	_ =	shalt  }
0x5c: {  	_ =	shalt  }
0x5d: {  	_ =	shalt  }
0x5e: {  	_ =	shalt  }
0x5f: {  	_ =	shalt  }
0x60: {  	_ =	shalt  }
0x61: {  	_ =	shalt  }
0x62: {  	_ =	shalt  }
0x63: {  	_ =	shalt  }
0x64: {  	_ =	shalt  }
0x65: {  	_ =	shalt  }
0x66: {  	_ =	shalt  }
0x67: {  	_ =	shalt  }
0x68: {  	_ =	shalt  }
0x69: {  	_ =	shalt  }
0x6a: {  	_ =	shalt  }
0x6b: {  	_ =	shalt  }
0x6c: {  	_ =	shalt  }
0x6d: {  	_ =	shalt  }
0x6e: {  	_ =	shalt  }
0x6f: {  	_ =	shalt  }
0x70: {  	_ =	shalt  }
0x71: {  	_ =	shalt  }
0x72: {  	_ =	shalt  }
0x73: {  	_ =	shalt  }
0x74: {  	_ =	shalt  }
0x75: {  	_ =	shalt  }
0x76: {  	_ =	shalt  }
0x77: {  	_ =	shalt  }
0x78: {  	_ =	shalt  }
0x79: {  	_ =	shalt  }
0x7a: {  	_ =	shalt  }
0x7b: {  	_ =	shalt  }
0x7c: {  	_ =	shalt  }
0x7d: {  	_ =	shalt  }
0x7e: {  	_ =	shalt  }
0x7f: {  	_ =	shalt  }
0x80: {  	_ =	shalt  }
0x81: {  	_ =	shalt  }
0x82: {  	_ =	shalt  }
0x83: {  	_ =	shalt  }
0x84: {  	_ =	shalt  }
0x85: {  	_ =	shalt  }
0x86: {  	_ =	shalt  }
0x87: {  	_ =	shalt  }
.Lfunc_end0:
.L_simem_size_0:
called_computation_lowered:
.L_overlay_start_0:
0x88: {  	s2 =	sld [smem:$0x3FD9]  }
0x89: {  	s3 =	sld [smem:$0x3FFE];
	_ =	sdelay $0x1  }
0x8a: {  	s1 =	srdreg.scid  }
0x8b: {  	s0 =	sand.u32 $0x1, s1  }
0x8c: {  	s17 =	sshll.u32 s0, $0xA;
	s2 =	sadd.s32 s3, s2  }
0x8d: {  	s2 =	sadd.s32 s2, s17  }
0x8e: {  	[smem:$0x3FC6] =	sst s2  }
0x8f: {  	_ = 	snop  }
0x90: {  	s2 =	sld [smem:$0x3FC9];
	(tm) =	ssettm $0x1  }
0x91: {  	s18 =	sld [smem:$0x3FFB];
	_ =	sdelay $0x3  }
0x92: {  	_ =	strace s18  }
0x93: {  	s3 =	sld [smem:$0x3FFC];
	_ =	sdelay $0x3  }
0x94: {  	_ =	strace s3  }
0x95: {  	s3 =	sld [smem:$0x3FFD];
	_ =	sdelay $0x3  }
0x96: {  	_ =	strace s3  }
0x97: {  	_ =	strace $0x8FFFFFFF  }
0x98: {  	s19 =	sld [smem:$0x3FDB];
	_ =	sdelay $0x1  }
0x99: {  	s4 =	simm.s32 $_scs_section_size  }
0x9a: {  	s5 =	simm.s32 $_size__tile_overlayer_lowered;
	s6 =	simm.s32 $_tile_overlayer_lowered  }
0x9b: {  	s22 =	simm.s32 $0x1BFF;
	s21 =	sshll.u32 s6, $0x1;
	s3 =	sadd.s32 s4, s19  }
0x9c: {  	s7 =	simm.s32 $0x0;
	s20 =	sshll.u32 s5, $0x1;
	s5 =	sadd.s32 s21, s3  }
0x9d: {  	[timem:s7], [sflag:s22] =	dma.local [hbm:s5], s20  }
0x9e: {  	_ =	swait.ge [sflag:s22], s20  }
0x9f: {  	s4 =	ssub.s32 $0x0, s20;
	[sflag:s22] =	ssyncset.done $0x0  }
0xa0: {  	[sflag:s22] =	ssyncadd.s32 s4;
	_ =	sdelay $0x1  }
0xa1: {  	s23 =	simm.s32 $0x1B8B  }
0xa2: {  	_ =	swait.ge [sflag:s23], $0x1  }
0xa3: {  	[sflag:s23] =	ssyncset.done $0x0  }
0xa4: {  	s25 =	simm.s32 $0x1B8E;
	s24 =	sld [smem:$0x3FFE];
	[sflag:s23] =	ssyncadd.s32 $0xFFFFFFFF  }
0xa5: {  	s26 =	simm.s32 $execute0_lowered;
	[smem:$0x3FD2] =	sst s25  }
0xa6: {  	s5 =	sshll.u32 s26, $0x1;
	_ =	strace $0x80000046;
	[dreg:$0x1] =	wrdreg $0xFFFFFFFF  }
0xa7: {  	s28 =	simm.s32 $_size_execute0_lowered;
	s3 =	sadd.s32 s3, s5;
	[dreg:$0x0] =	wrdreg $0x0  }
0xa8: {  	s5 =	sshll.u32 s28, $0x1;
	[dreg:$0x2] =	wrdreg s3  }
0xa9: {  	[dreg:$0x3] =	wrdreg s5  }
0xaa: {  	[dreg:$0x4] =	wrdreg $0xC0  }
0xab: {  	_ =	task [dreg:s7], $0x5FFFF  }
0xac: {  	[dreg:$0x1] =	wrdreg $0xFFFFFFFF  }
0xad: {  	[dreg:$0x0] =	wrdreg $0x60  }
0xae: {  	[dreg:$0x2] =	wrdreg s24  }
0xaf: {  	[dreg:$0x3] =	wrdreg s2  }
0xb0: {  	[dreg:$0x4] =	wrdreg $0x9  }
0xb1: {  	_ =	task.clear_ibuf [dreg:s7], $0x5FFFF;
	_ =	strace $0x90000046  }
0xb2: {  	s29 =	simm.s32 $0x9;
	_ =	strace $0x80000048  }
0xb3: {  	_ =	swait.ge [sflag:s29], $0x1  }
0xb4: {  	[sflag:s29] =	ssyncadd.s32 $0xFFFFFFFF  }
0xb5: {  	_ =	strace $0x90000048  }
0xb6: {  	_ =	sfence  }
0xb7: {  	s30 =	sld [smem:$0x0];
	_ =	sdelay $0x2  }
0xb8: {  	s31 =	sshll.u32 s1, $0xD;
	s1 =	sshrl.u32 s1, $0x2  }
0xb9: {  	s3 =	sand.u32 $0x4000, s31;
	s1 =	sadd.s32 s1, s30  }
0xba: {  	s0 =	sor.u32 s3, s0;
	s1 =	sshll.u32 s1, $0x11  }
0xbb: {  	s0 =	sor.u32 s1, s0  }
0xbc: {  	s0 =	sadd.s32 $0x8F2B, s0  }
0xbd: {  	[sflag:s0] =	ssyncadd.remote.s32 $0x1  }
0xbe: {  	_ =	sfence.sel $0xFFFF  }
0xbf: {  	[dreg:$0x0] =	wrdreg $0xFFFFFFFF;
	(pc) =	sbr.abs _section_cstart, $3  }
0xc0: {  	[dreg:$0x1] =	wrdreg $0xFFFFFFFF  }
0xc1: {  	_ =	task.clear_ibuf [dreg:s7], $0x2FFFF;
	_ =	strace $0x9FFFFFFF  }
0xc2: {  	(tm) =	ssettm $0x7FFFFFFF  }
0xc3: {  	_ =	shalt  }
tec
execute0_lowered:
.L_overlay_start_1:
0x0: {  	(tag) =	ssettag $0x1  }
0x1: {  	v0 =	vlaneseq.u32  }
0x2: {  	v1 =	vmul.u32 $0x10, v0  }
0x3: {  	s1 =	rddreg [dreg:$0x0];
	s0 =	srdreg.scid;
	v2 =	vimm.f32 $0.0e+00;
	v3 =	vimm.s32 $0x0  }
0x4: {  	s8 =	stileid.u32;
	s3 =	rddreg [dreg:$0x1];
	s4 =	simm.s32 $0x0;
	v4 =	vadd.s32 $0x1, v0;
	v5 =	vor.u32 $0x4, v1;
	v6 =	vor.u32 $0x5, v1  }
0x5: {  	s10 =	simm.s32 $0x10000;
	s11 =	simm.s32 $0x2;
	s12 =	simm.s32 $0x18000;
	v7 =	vor.u32 $0x6, v1;
	v8 =	vor.u32 $0x7, v1;
	v9 =	vor.u32 $0x104, v1  }
0x6: {  	s13 =	simm.s32 $0x1A000;
	s14 =	simm.s32 $0x1;
	s15 =	simm.s32 $0x280;
	v10 =	vor.u32 $0x105, v1;
	v11 =	vor.u32 $0x106, v1;
	v12 =	vor.u32 $0x107, v1  }
0x7: {  	s16 =	simm.s32 $0x1C100;
	s17 =	simm.s32 $0x1CB80;
	s18 =	simm.s32 $0x80;
	v13 =	vor.u32 $0x204, v1;
	v14 =	vor.u32 $0x205, v1;
	v15 =	vor.u32 $0x206, v1  }
0x8: {  	s19 =	simm.s32 $0x1C080;
	s20 =	simm.s32 $0x1C380;
	s22 =	simm.s32 $0x0;
	v16 =	vor.u32 $0x207, v1;
	v17 =	vor.u32 $0x304, v1;
	v18 =	vor.u32 $0x305, v1  }
0x9: {  	s0 =	sand.u32 $0x1, s0;
	s2 =	sshll.u32 s8, $0x1;
	[smem:$0x7FF] =	sst s4;
	v19 =	vor.u32 $0x306, v1;
	v20 =	vor.u32 $0x307, v1;
	v21 =	vor.u32 $0x404, v1  }
.Ltmp0:
0xa: {  	s8 =	sshll.u32 s8, $0x11;
	s2 =	sor.u32 s0, s2;
	v22 =	vor.u32 $0x405, v1;
	v23 =	vor.u32 $0x406, v1;
	v24 =	vor.u32 $0x407, v1;
	(pc) =	sbr.rel .LBB2_1-.Ltmp0, $4  }
0xb: {  	s6 =	ssub.s32 $0x2, s0;
	_ =	strace $0x80000047;
	s5 =	sshll.u32 s2, $0x3;
	v25 =	vor.u32 $0x504, v1;
	v26 =	vor.u32 $0x505, v1;
	v27 =	vor.u32 $0x506, v1  }
0xc: {  	s0 =	sshll.u32 s0, $0x10;
	s31 =	sshrl.u32 s6, $0x1;
	v28 =	vor.u32 $0x507, v1;
	v29 =	vor.u32 $0x604, v1;
	v30 =	vor.u32 $0x605, v1;
	s7 =	sadd.s32 s5, s1  }
0xd: {  	v31 =	vor.u32 $0x606, v1;
	v32 =	vor.u32 $0x607, v1;
	v33 =	vor.u32 $0x704, v1;
	s9 =	ssub.s32 s6, s31;
	s6 =	sadd.s32 $0x31000, s7;
	s7 =	sor.u32 s8, s0  }
0xe: {  	v34 =	vor.u32 $0x705, v1;
	v35 =	vor.u32 $0x706, v1;
	v36 =	vor.u32 $0x707, v1;
	s5 =	sshll.u32 s2, $0x10;
	s9 =	smax.u32 s9, $0x1;
	s8 =	sxor.u32 $0x3FC000, s7  }
.LBB2_18:
0xf: {  	v37 =	vld [tilespmem:$0x1C000]  }
0x10: {  	v38 =	vld [tilespmem:$0x1C010]  }
0x11: {  	v39 =	vld [tilespmem:$0x1C020]  }
0x12: {  	v40 =	vld [tilespmem:$0x1C030];
	_ =	sdelay $0x1  }
0x13: {  	[tilespmem:$0x1C040] =	vst v37  }
0x14: {  	s22 =	sadd.s32 $0x1, s22;
	[tilespmem:$0x1C050] =	vst v38  }
0x15: {  	p0 =	sne.s32 s22, s9;
	[tilespmem:$0x1C060] =	vst v39  }
.Ltmp1:
0x16: {  	s0 =	simm.s32 $0x1C040;
	[tilespmem:$0x1C070] =	vst v40;
	(pc) =	sbr.rel @!p0 .LBB2_19-.Ltmp1, $4  }
0x17: {  	[hbm4b:s6+s4] =	stream.linear.scatter [tilespmem:s0], [sflag:$0x2], $0x40, $0x38;
	[tilespmem:$0x1CE00] =	vst v63  }
0x18: {  	_ =	swait.ge [sflag:s11], $0x40  }
0x19: {  	[sflag:s11] =	ssyncset.done $0x0  }
0x1a: {  	[sflag:s11] =	ssyncadd.s32 $0xFFFFFFC0  }
.LBB2_1:
.Ltmp2:
0x1b: {  	(pc) =	sbr.rel .LBB2_2-.Ltmp2, $4  }
0x1c: {  	[tilespmem:$0x1C000] =	vst v2  }
0x1d: {  	[tilespmem:$0x1C010] =	vst v2  }
0x1e: {  	[tilespmem:$0x1C020] =	vst v2  }
0x1f: {  	[tilespmem:$0x1C030] =	vst v2;
	p1 =	por $0x1, $0x1;
	s23 =	smov.u32 s8;
	s0 =	simm.s32 $0x0  }
.LBB2_17:
.Ltmp3:
0x20: {  	(pc) =	sbr.rel @!p0 .LBB2_18-.Ltmp3, $2  }
0x21: {  	_ =	sdelay $0x2  }
0x22: {  	s23 =	sadd.s32 $0xFFE00000, s23;
	s0 =	simm.s32 $0x200000;
	p1 =	por $0x0, $0x0  }
.LBB2_2:
0x23: {  	s2 =	smin.u32 s23, $0x10000;
	p0 =	por p1, p1  }
0x24: {  	s25 =	simm.s32 $0x100;
	s24 =	sshrl.u32 s2, $0xD;
	s2 =	simm.s32 $0x0  }
.LBB2_3:
0x25: {  	p1 =	seq.s32 s25, $0x3FF00;
	[tilespmem:s2+$0x30] =	vst v3;
	s26 =	smov.u32 s25;
	s25 =	sadd.s32 $0x100, s25  }
.Ltmp4:
0x26: {  	[tilespmem:s2+$0x20] =	vst v3;
	(pc) =	sbr.rel @!p1 .LBB2_3-.Ltmp4, $3  }
0x27: {  	[tilespmem:s2+$0x0] =	vst v3  }
0x28: {  	[tilespmem:s2+$0x10] =	vst v3;
	_ =	sdelay $0x1  }
0x29: {  	s2 =	sshra.s32 s26, $0x2  }
.Ltmp5:
0x2a: {  	s31 =	sor.u32 s5, s0;
	(pc) =	sbr.rel .LBB2_5-.Ltmp5, $4  }
0x2b: {  	[tilespmem:s2+$0x30] =	vst v3;
	s25 =	ssub.s32 $0x3FC000, s31  }
0x2c: {  	[tilespmem:s2+$0x20] =	vst v3;
	s25 =	smin.u32 s25, $0x10000  }
0x2d: {  	[tilespmem:s2+$0x0] =	vst v3;
	s25 =	sadd.s32 s31, s25  }
0x2e: {  	[tilespmem:s2+$0x10] =	vst v3;
	s2 =	simm.s32 $0x0;
	v37 =	vmov s31;
	v38 =	vmov s25;
	s25 =	simm.s32 $0x0  }
.LBB2_9:
0x2f: {  	s25 =	sadd.s32 $0x1, s25  }
0x30: {  	p1 =	sne.s32 s25, $0x31  }
.Ltmp6:
0x31: {  	_ = 	snop;
	(pc) =	sbr.rel @!p1 .LBB2_10-.Ltmp6, $1  }
0x32: {  	_ =	sdelay $0x3  }
.LBB2_5:
0x33: {  	s26 =	sshll.u32 s25, $0xC  }
.Ltmp7:
0x34: {  	s26 =	sadd.s32 s1, s26;
	(pc) =	sbr.rel .LBB2_6-.Ltmp7, $4  }
0x35: {  	[tilespmem:s10], [sflag:$0x2] =	stream.linear.gather [hbm4b:s26+s2], $0x8000, $0x38;
	[tilespmem:$0x1CE00] =	vst v63  }
0x36: {  	_ =	swait.ge [sflag:s11], $0x8000  }
0x37: {  	[sflag:s11] =	ssyncset.done $0x0  }
0x38: {  	s28 =	simm.s32 $0x0;
	s26 =	sshll.u32 s25, $0xB;
	[sflag:s11] =	ssyncadd.s32 $0xFFFF8000  }
.LBB2_8:
0x39: {  	s28 =	sadd.s32 $0x1, s28  }
0x3a: {  	p1 =	sne.s32 s28, $0x80  }
.Ltmp8:
0x3b: {  	_ = 	snop;
	(pc) =	sbr.rel @!p1 .LBB2_9-.Ltmp8, $1  }
0x3c: {  	_ =	sdelay $0x3  }
.LBB2_6:
0x3d: {  	s29 =	sshll.u32 s28, $0x4  }
0x3e: {  	v39 =	vmov s29  }
0x3f: {  	v39 =	vshll.u32 v39, $0x4  }
0x40: {  	v39 =	vor.u32 v1, v39  }
0x41: {  	v40 =	vor.u32 $0x1, v39  }
0x42: {  	v41 =	vor.u32 $0x9, v39;
	_ =	sdelay $0x2  }
0x43: {  	v39 =	vld.idx.msk [tilespmem:v39+s10+$0x0], $0xffff  }
0x44: {  	v40 =	vld.idx.msk [tilespmem:v40+s10+$0x0], $0xffff  }
0x45: {  	v41 =	vld.idx.msk [tilespmem:v41+s10+$0x0], $0xffff;
	_ =	sdelay $0x4  }
0x46: {  	v39 =	vshra.s32 v39, $0x1;
	v42 =	vshll.u32 v41, $0xE;
	v40 =	vshll.u32 v40, $0x6  }
0x47: {  	v40 =	vand.u32 $0xFFFFFF80, v40;
	v39 =	vadd.s32 v42, v39  }
0x48: {  	v39 =	vadd.s32 v40, v39  }
0x49: {  	v39 =	vadd.s32 $0xFFFFC000, v39  }
0x4a: {  	vm0 =	vgt.s32 v41, $0x0;
	vm1 =	vge.s32 v39, v37  }
0x4b: {  	vm0 =	vmand vm0, vm1;
	vm1 =	vlt.s32 v39, v38  }
0x4c: {  	v39 =	vsub.s32 v39, v37;
	vm0 =	vmand vm1, vm0  }
0x4d: {  	v39 =	vnsel vm0, $0x0, v39;
	_ =	sdelay $0x4  }
0x4e: {  	s29 =	sadd.s32 s26, s29;
	v61 =	vld.idx.msk [tilespmem:v39+s4+$0x0], vm0  }
0x4f: {  	v62 =	vmov s29  }
0x50: {  	v40 =	vbroadcast v62, $0x0;
	_ =	sdelay $0x1  }
0x51: {  	v40 =	vadd.s32 v4, v40  }
0x52: {  	vm1 =	vlt.s32 v61, v40  }
0x53: {  	vm1 =	vmand vm0, vm1  }
0x54: {  	v63 =	vsel vm1, $0x3F800000, v2  }
0x55: {  	(xrf0) =	vmax.scan.msk.f32 $0xffff, v63;
	_ =	sdelay $0x5  }
0x56: {  	v41, _, _ =	vpop (xrf0)  }
0x57: {  	(v2sf) =	vpush v41, $0xF;
	_ =	sdelay $0xe  }
0x58: {  	s31 =	spop (v2sf)  }
0x59: {  	p1 =	sgt.f32 s31, $0.0e+00  }
.Ltmp9:
0x5a: {  	_ = 	snop;
	(pc) =	sbr.rel @!p1 .LBB2_8-.Ltmp9, $1  }
0x5b: {  	_ =	sdelay $0x3  }
.LBB2_7:
0x5c: {  	[tilespmem:v39+s4+$0x0] =	vst.idx.msk vm1, v40  }
0x5d: {  	v41 =	vld.idx.msk [tilespmem:v39+s4+$0x0], vm0;
	_ =	sdelay $0x4  }
0x5e: {  	vm1 =	vlt.s32 v41, v40  }
0x5f: {  	vm1 =	vmand vm0, vm1  }
0x60: {  	v63 =	vsel vm1, $0x3F800000, v2  }
0x61: {  	(xrf0) =	vmax.scan.msk.f32 $0xffff, v63;
	_ =	sdelay $0x5  }
0x62: {  	v41, _, _ =	vpop (xrf0)  }
0x63: {  	(v2sf) =	vpush v41, $0xF;
	_ =	sdelay $0xe  }
0x64: {  	s29 =	spop (v2sf)  }
0x65: {  	p1 =	sgt.f32 s29, $0.0e+00  }
.Ltmp10:
0x66: {  	_ = 	snop;
	(pc) =	sbr.rel @p1 .LBB2_7-.Ltmp10, $1  }
0x67: {  	_ =	sdelay $0x3  }
.Ltmp11:
0x68: {  	_ = 	snop;
	(pc) =	sbr.rel .LBB2_8-.Ltmp11, $1  }
0x69: {  	_ =	sdelay $0x3  }
.LBB2_10:
.Ltmp12:
0x6a: {  	(pc) =	sbr.rel .LBB2_11-.Ltmp12, $3  }
0x6b: {  	_ =	sdelay $0x1  }
0x6c: {  	s25 =	sadd.s32 s0, s7  }
0x6d: {  	s26 =	simm.s32 $0x0;
	s28 =	simm.s32 $0x0;
	s29 =	simm.s32 $0x0  }
.LBB2_16:
0x6e: {  	s29 =	sadd.s32 $0x1, s29  }
0x6f: {  	p1 =	sne.s32 s29, s24  }
.Ltmp13:
0x70: {  	_ = 	snop;
	(pc) =	sbr.rel @!p1 .LBB2_17-.Ltmp13, $2  }
0x71: {  	_ =	sdelay $0x2  }
0x72: {  	s28 =	sadd.s32 $0x2000, s28;
	s25 =	sadd.s32 $0x2000, s25  }
.LBB2_11:
0x73: {  	v37 =	vmov s28;
	_ =	sdelay $0x3  }
0x74: {  	s0 =	simm.s32 $0x0  }
0x75: {  	v38 =	vld.idx.msk [tilespmem:v37+s0+$0x0 ss:$0x1], $0xffff;
	_ =	sdelay $0x4  }
0x76: {  	vm0 =	vgt.s32 v38, $0x0  }
0x77: {  	v39 =	vsel vm0, $0x1, v3  }
0x78: {  	(xrf0) =	vadd.scan.msk.s32 $0xffff, v39;
	_ =	sdelay $0x2  }
0x79: {  	v62 =	vmov s26  }
0x7a: {  	v39 =	vadd.s32 $0xFFFFFFFF, v62  }
0x7b: {  	v39 =	vbroadcast v39, $0x0  }
0x7c: {  	v40, _, _ =	vpop (xrf0)  }
0x7d: {  	v39 =	vadd.s32 v39, v40;
	(v2sf) =	vpush v40, $0xF  }
0x7e: {  	v39 =	vnsel vm0, $0x0, v39;
	_ =	sdelay $0x3  }
0x7f: {  	v38 =	vadd.s32 $0xFFFFFFFF, v38  }
0x80: {  	v63 =	vor.u32 s25, v0;
	s31 =	simm.s32 $0x10;
	[tilespmem:v39+s12+$0x0] =	vst.idx.msk vm0, v38  }
0x81: {  	s30 =	simm.s32 $0x80;
	s2 =	simm.s32 $0x0;
	s0 =	smov.u32 s25;
	[tilespmem:v39+s13+$0x0] =	vst.idx.msk vm0, v63  }
.LBB2_12:
0x82: {  	p1 =	sne.s32 s30, $0x7FC0;
	v38 =	vld.idx.msk [tilespmem:v37+s31+$0x0 ss:$0x1], $0xffff;
	_ =	sdelay $0x5  }
0x83: {  	vm0 =	vgt.s32 v38, $0x0;
	v38 =	vadd.s32 $0xFFFFFFFF, v38  }
0x84: {  	v39 =	vsel vm0, $0x1, v3;
	s31 =	spop (v2sf)  }
0x85: {  	(xrf0) =	vadd.scan.msk.s32 $0xffff, v39;
	s2 =	sadd.s32 s2, s31  }
0x86: {  	v39 =	vmov s2  }
0x87: {  	v39 =	vadd.s32 $0xFFFFFFFF, v39  }
0x88: {  	v39 =	vbroadcast v39, $0x0;
	_ =	sdelay $0x2  }
0x89: {  	v40, _, _ =	vpop (xrf0)  }
0x8a: {  	v39 =	vadd.s32 v39, v40;
	(v2sf) =	vpush v40, $0xF  }
0x8b: {  	v39 =	vnsel vm0, $0x0, v39;
	_ =	sdelay $0x1  }
.Ltmp14:
0x8c: {  	(pc) =	sbr.rel @p1 .LBB2_12-.Ltmp14, $4  }
0x8d: {  	_ = 	snop  }
0x8e: {  	s0 =	sadd.s32 $0x10, s0  }
0x8f: {  	v40 =	vor.u32 s0, v0;
	[tilespmem:v39+s12+$0x0] =	vst.idx.msk vm0, v38  }
0x90: {  	s31 =	sshra.s32 s30, $0x2;
	s30 =	sadd.s32 $0x40, s30;
	[tilespmem:v39+s13+$0x0] =	vst.idx.msk vm0, v40  }
0x91: {  	_ =	sdelay $0x3  }
0x92: {  	v37 =	vld.idx.msk [tilespmem:v37+s31+$0x0 ss:$0x1], $0xffff;
	_ =	sdelay $0x4  }
0x93: {  	vm0 =	vgt.s32 v37, $0x0  }
0x94: {  	v38 =	vsel vm0, $0x1, v3  }
0x95: {  	(xrf0) =	vadd.scan.msk.s32 $0xffff, v38;
	_ =	sdelay $0x5  }
0x96: {  	v38, _, _ =	vpop (xrf0)  }
0x97: {  	(v2sf) =	vpush v38, $0xF;
	_ =	sdelay $0xd  }
0x98: {  	s30 =	spop (v2sf)  }
0x99: {  	s2 =	sadd.s32 s2, s30;
	s30 =	spop (v2sf)  }
0x9a: {  	v39 =	vmov s2;
	s2 =	sadd.s32 s2, s30  }
0x9b: {  	s30 =	sadd.s32 $0x7F, s2  }
0x9c: {  	s21 =	sand.u32 $0x7F, s30  }
0x9d: {  	v39 =	vadd.s32 $0xFFFFFFFF, v39;
	p2 =	slt.s32 s30, $0x1;
	p1 =	sne.s32 s21, $0x0;
	s21 =	sshra.s32 s30, $0x1F  }
0x9e: {  	v39 =	vbroadcast v39, $0x0;
	s31 =	sshrl.u32 s21, $0x19;
	p1 =	por !p2, !p1  }
0x9f: {  	s30 =	sadd.s32 s31, s30;
	p1 =	por !p1, !p1;
	s31 =	simm.s32 $0x1  }
0xa0: {  	v38 =	vadd.s32 v39, v38;
	s30 =	sshra.s32 s30, $0x7;
	s31 =	simm.s32 @!p1 $0x0  }
0xa1: {  	v38 =	vnsel vm0, $0x0, v38;
	s30 =	ssub.s32 s30, s31  }
0xa2: {  	p1 =	slt.s32 s30, $0x1  }
.Ltmp15:
0xa3: {  	_ = 	snop;
	(pc) =	sbr.rel @p1 .LBB2_16-.Ltmp15, $4  }
0xa4: {  	_ = 	snop  }
0xa5: {  	s0 =	sadd.s32 $0x10, s0;
	v37 =	vadd.s32 $0xFFFFFFFF, v37  }
0xa6: {  	v63 =	vor.u32 s0, v0;
	[tilespmem:v38+s12+$0x0] =	vst.idx.msk vm0, v37  }
0xa7: {  	[tilespmem:v38+s13+$0x0] =	vst.idx.msk vm0, v63  }
0xa8: {  	v37 =	vmov s2;
	s31 =	simm.s32 $0x70;
	s2 =	simm.s32 $0x1A040;
	s0 =	simm.s32 $0x18040  }
.LBB2_15:
0xa9: {  	v38 =	vld [tilespmem:s0+$0xFFFFFFC0];
	_ =	sdelay $0x1  }
0xaa: {  	s21 =	sadd.s32 $0xFFFFFF90, s31  }
0xab: {  	v39 =	vor.u32 s21, v0  }
0xac: {  	vm7 =	vlt.s32 v39, v37  }
0xad: {  	v38 =	vnsel vm7, $0x0, v38  }
0xae: {  	[tilespmem:$0x1C080] =	vst v38  }
0xaf: {  	v38 =	vld [tilespmem:s2+$0xFFFFFFC0];
	_ =	sdelay $0x4  }
0xb0: {  	v38 =	vnsel vm7, $0x0, v38  }
0xb1: {  	v50 =	vshll.u32 v38, $0x2  }
0xb2: {  	v39 =	vand.u32 $0xFFFF0000, v50  }
0xb3: {  	v38 =	vadd.s32 v38, v39  }
0xb4: {  	[tilespmem:$0x1C100] =	vst v38;
	v39 =	vadd.s32 $0x4000, v38  }
0xb5: {  	v51 =	vadd.s32 $0x8000, v38;
	[tilespmem:$0x1C180] =	vst v39  }
0xb6: {  	v52 =	vadd.s32 $0xC000, v38;
	[tilespmem:$0x1C200] =	vst v51  }
0xb7: {  	v38 =	vadd.s32 $0x10000, v38;
	[tilespmem:$0x1C280] =	vst v52  }
0xb8: {  	[tilespmem:$0x1C300] =	vst v38  }
0xb9: {  	v38 =	vld [tilespmem:s0+$0xFFFFFFD0];
	_ =	sdelay $0x1  }
0xba: {  	s21 =	sadd.s32 $0xFFFFFFA0, s31  }
0xbb: {  	v53 =	vor.u32 s21, v0  }
0xbc: {  	vm6 =	vlt.s32 v53, v37  }
0xbd: {  	v38 =	vnsel vm6, $0x0, v38  }
0xbe: {  	[tilespmem:$0x1C090] =	vst v38  }
0xbf: {  	v38 =	vld [tilespmem:s2+$0xFFFFFFD0];
	_ =	sdelay $0x4  }
0xc0: {  	v38 =	vnsel vm6, $0x0, v38  }
0xc1: {  	v54 =	vshll.u32 v38, $0x2  }
0xc2: {  	v39 =	vand.u32 $0xFFFF0000, v54  }
0xc3: {  	v38 =	vadd.s32 v38, v39  }
0xc4: {  	[tilespmem:$0x1C110] =	vst v38;
	v39 =	vadd.s32 $0x4000, v38  }
0xc5: {  	v55 =	vadd.s32 $0x8000, v38;
	[tilespmem:$0x1C190] =	vst v39  }
0xc6: {  	v56 =	vadd.s32 $0xC000, v38;
	[tilespmem:$0x1C210] =	vst v55  }
0xc7: {  	v38 =	vadd.s32 $0x10000, v38;
	[tilespmem:$0x1C290] =	vst v56  }
0xc8: {  	[tilespmem:$0x1C310] =	vst v38  }
0xc9: {  	v38 =	vld [tilespmem:s0+$0xFFFFFFE0];
	_ =	sdelay $0x1  }
0xca: {  	s21 =	sadd.s32 $0xFFFFFFB0, s31  }
0xcb: {  	v57 =	vor.u32 s21, v0  }
0xcc: {  	vm5 =	vlt.s32 v57, v37  }
0xcd: {  	v38 =	vnsel vm5, $0x0, v38  }
0xce: {  	[tilespmem:$0x1C0A0] =	vst v38  }
0xcf: {  	v38 =	vld [tilespmem:s2+$0xFFFFFFE0];
	_ =	sdelay $0x4  }
0xd0: {  	v38 =	vnsel vm5, $0x0, v38  }
0xd1: {  	v58 =	vshll.u32 v38, $0x2  }
0xd2: {  	v39 =	vand.u32 $0xFFFF0000, v58  }
0xd3: {  	v38 =	vadd.s32 v38, v39  }
0xd4: {  	[tilespmem:$0x1C120] =	vst v38;
	v39 =	vadd.s32 $0x4000, v38  }
0xd5: {  	v59 =	vadd.s32 $0x8000, v38;
	[tilespmem:$0x1C1A0] =	vst v39  }
0xd6: {  	v60 =	vadd.s32 $0xC000, v38;
	[tilespmem:$0x1C220] =	vst v59  }
0xd7: {  	v38 =	vadd.s32 $0x10000, v38;
	[tilespmem:$0x1C2A0] =	vst v60  }
0xd8: {  	[tilespmem:$0x1C320] =	vst v38  }
0xd9: {  	v38 =	vld [tilespmem:s0+$0xFFFFFFF0];
	_ =	sdelay $0x1  }
0xda: {  	s21 =	sadd.s32 $0xFFFFFFC0, s31  }
0xdb: {  	v61 =	vor.u32 s21, v0  }
0xdc: {  	vm4 =	vlt.s32 v61, v37  }
0xdd: {  	v38 =	vnsel vm4, $0x0, v38  }
0xde: {  	[tilespmem:$0x1C0B0] =	vst v38  }
0xdf: {  	v38 =	vld [tilespmem:s2+$0xFFFFFFF0];
	_ =	sdelay $0x4  }
0xe0: {  	v38 =	vnsel vm4, $0x0, v38  }
0xe1: {  	v62 =	vshll.u32 v38, $0x2  }
0xe2: {  	v39 =	vand.u32 $0xFFFF0000, v62  }
0xe3: {  	v38 =	vadd.s32 v38, v39  }
0xe4: {  	[tilespmem:$0x1C130] =	vst v38;
	v39 =	vadd.s32 $0x4000, v38  }
0xe5: {  	v63 =	vadd.s32 $0x8000, v38;
	[tilespmem:$0x1C1B0] =	vst v39  }
0xe6: {  	v42 =	vadd.s32 $0xC000, v38;
	[tilespmem:$0x1C230] =	vst v63  }
0xe7: {  	v38 =	vadd.s32 $0x10000, v38;
	[tilespmem:$0x1C2B0] =	vst v42  }
0xe8: {  	[tilespmem:$0x1C330] =	vst v38  }
0xe9: {  	v38 =	vld [tilespmem:s0+$0x0];
	_ =	sdelay $0x1  }
0xea: {  	s21 =	sadd.s32 $0xFFFFFFD0, s31  }
0xeb: {  	v43 =	vor.u32 s21, v0  }
0xec: {  	vm3 =	vlt.s32 v43, v37  }
0xed: {  	v38 =	vnsel vm3, $0x0, v38  }
0xee: {  	[tilespmem:$0x1C0C0] =	vst v38  }
0xef: {  	v38 =	vld [tilespmem:s2+$0x0];
	_ =	sdelay $0x4  }
0xf0: {  	v38 =	vnsel vm3, $0x0, v38  }
0xf1: {  	v44 =	vshll.u32 v38, $0x2  }
0xf2: {  	v39 =	vand.u32 $0xFFFF0000, v44  }
0xf3: {  	v38 =	vadd.s32 v38, v39  }
0xf4: {  	[tilespmem:$0x1C140] =	vst v38;
	v39 =	vadd.s32 $0x4000, v38  }
0xf5: {  	v45 =	vadd.s32 $0x8000, v38;
	[tilespmem:$0x1C1C0] =	vst v39  }
0xf6: {  	v46 =	vadd.s32 $0xC000, v38;
	[tilespmem:$0x1C240] =	vst v45  }
0xf7: {  	v38 =	vadd.s32 $0x10000, v38;
	[tilespmem:$0x1C2C0] =	vst v46  }
0xf8: {  	[tilespmem:$0x1C340] =	vst v38  }
0xf9: {  	v38 =	vld [tilespmem:s0+$0x10];
	_ =	sdelay $0x1  }
0xfa: {  	s21 =	sadd.s32 $0xFFFFFFE0, s31  }
0xfb: {  	v47 =	vor.u32 s21, v0  }
0xfc: {  	vm2 =	vlt.s32 v47, v37  }
0xfd: {  	v38 =	vnsel vm2, $0x0, v38  }
0xfe: {  	[tilespmem:$0x1C0D0] =	vst v38  }
0xff: {  	v38 =	vld [tilespmem:s2+$0x10];
	_ =	sdelay $0x4  }
0x100: {  	v38 =	vnsel vm2, $0x0, v38  }
0x101: {  	v48 =	vshll.u32 v38, $0x2  }
0x102: {  	v39 =	vand.u32 $0xFFFF0000, v48  }
0x103: {  	v38 =	vadd.s32 v38, v39  }
0x104: {  	[tilespmem:$0x1C150] =	vst v38;
	v39 =	vadd.s32 $0x4000, v38  }
0x105: {  	v49 =	vadd.s32 $0x8000, v38;
	[tilespmem:$0x1C1D0] =	vst v39  }
0x106: {  	v50 =	vadd.s32 $0xC000, v38;
	[tilespmem:$0x1C250] =	vst v49  }
0x107: {  	v38 =	vadd.s32 $0x10000, v38;
	[tilespmem:$0x1C2D0] =	vst v50  }
0x108: {  	[tilespmem:$0x1C350] =	vst v38  }
0x109: {  	v38 =	vld [tilespmem:s0+$0x20];
	_ =	sdelay $0x1  }
0x10a: {  	s21 =	sadd.s32 $0xFFFFFFF0, s31  }
0x10b: {  	v51 =	vor.u32 s21, v0  }
0x10c: {  	vm1 =	vlt.s32 v51, v37  }
0x10d: {  	v38 =	vnsel vm1, $0x0, v38  }
0x10e: {  	[tilespmem:$0x1C0E0] =	vst v38  }
0x10f: {  	v38 =	vld [tilespmem:s2+$0x20];
	_ =	sdelay $0x4  }
0x110: {  	v38 =	vnsel vm1, $0x0, v38  }
0x111: {  	v52 =	vshll.u32 v38, $0x2  }
0x112: {  	v39 =	vand.u32 $0xFFFF0000, v52  }
0x113: {  	v38 =	vadd.s32 v38, v39  }
0x114: {  	[tilespmem:$0x1C160] =	vst v38;
	v39 =	vadd.s32 $0x4000, v38  }
0x115: {  	v53 =	vadd.s32 $0x8000, v38;
	[tilespmem:$0x1C1E0] =	vst v39  }
0x116: {  	v54 =	vadd.s32 $0xC000, v38;
	[tilespmem:$0x1C260] =	vst v53  }
0x117: {  	v38 =	vadd.s32 $0x10000, v38;
	[tilespmem:$0x1C2E0] =	vst v54  }
0x118: {  	[tilespmem:$0x1C360] =	vst v38  }
0x119: {  	v38 =	vld [tilespmem:s0+$0x30];
	_ =	sdelay $0x2  }
0x11a: {  	v55 =	vor.u32 s31, v0  }
0x11b: {  	vm0 =	vlt.s32 v55, v37  }
0x11c: {  	v38 =	vnsel vm0, $0x0, v38  }
0x11d: {  	[tilespmem:$0x1C0F0] =	vst v38  }
0x11e: {  	v38 =	vld [tilespmem:s2+$0x30];
	_ =	sdelay $0x4  }
0x11f: {  	v38 =	vnsel vm0, $0x0, v38  }
0x120: {  	v56 =	vshll.u32 v38, $0x2  }
0x121: {  	v39 =	vand.u32 $0xFFFF0000, v56  }
0x122: {  	v38 =	vadd.s32 v38, v39  }
0x123: {  	[tilespmem:$0x1C170] =	vst v38;
	v39 =	vadd.s32 $0x4000, v38  }
0x124: {  	v57 =	vadd.s32 $0x8000, v38;
	[tilespmem:$0x1C1F0] =	vst v39  }
0x125: {  	v58 =	vadd.s32 $0xC000, v38;
	[tilespmem:$0x1C270] =	vst v57  }
0x126: {  	v38 =	vadd.s32 $0x10000, v38;
	[tilespmem:$0x1C2F0] =	vst v58  }
0x127: {  	[tilespmem:$0x1C370] =	vst v38  }
0x128: {  	[tilespmem:s17], [sflag:$0x1] =	stream.indirect.gather [hbm4b:s3+s15], $0x1, s16, s15, $0xb8;
	[tilespmem:$0x1CE00] =	vst v63  }
0x129: {  	_ = 	snop  }
0x12a: {  	[tilespmem:s20], [sflag:$0x1] =	stream.indirect.gather [hbm4b:s1+s18], $0x10, s19, s18, $0xb8;
	[tilespmem:$0x1CE00] =	vst v63  }
0x12b: {  	_ =	swait.ge [sflag:s14], $0x280  }
0x12c: {  	[sflag:s14] =	ssyncset.done $0x0  }
0x12d: {  	[sflag:s14] =	ssyncadd.s32 $0xFFFFFD80  }
0x12e: {  	_ =	swait.ge [sflag:s14], $0x800  }
0x12f: {  	[sflag:s14] =	ssyncset.done $0x0  }
0x130: {  	[sflag:s14] =	ssyncadd.s32 $0xFFFFF800  }
0x131: {  	v59 =	vld [tilespmem:$0x1CD80]  }
0x132: {  	v60 =	vld [tilespmem:$0x1CB80]  }
0x133: {  	v40 =	vld.idx.msk [tilespmem:v5+s20+$0x0], $0xffff  }
0x134: {  	v41 =	vld [tilespmem:$0x1CC00]  }
0x135: {  	v42 =	vld.idx.msk [tilespmem:v6+s20+$0x0], $0xffff  }
0x136: {  	v43 =	vld.idx.msk [tilespmem:v7+s20+$0x0], $0xffff  }
0x137: {  	v44 =	vld.idx.msk [tilespmem:v8+s20+$0x0], $0xffff  }
0x138: {  	v45 =	vld [tilespmem:$0x1CC80]  }
0x139: {  	v46 =	vld [tilespmem:$0x1CD00];
	_ =	sdelay $0x1  }
0x13a: {  	v40 =	vcvt.s32.f32 v40;
	v42 =	vcvt.s32.f32 v42  }
0x13b: {  	v43 =	vcvt.s32.f32 v43;
	v44 =	vcvt.s32.f32 v44  }
0x13c: {  	v47 =	vsel vm7, $0x3F800000, v2;
	v39 =	vsub.f32 v60, v40;
	v61 =	vsub.f32 v41, v42  }
0x13d: {  	v52 =	vld [tilespmem:$0x1C030];
	v48 =	vmul.f32 v59, v47;
	v62 =	vsub.f32 v45, v43;
	v63 =	vsub.f32 v46, v44  }
0x13e: {  	v49 =	vld [tilespmem:$0x1C000];
	v39 =	vmul.f32 v39, v39;
	v40 =	vmul.f32 v61, v61  }
0x13f: {  	v50 =	vld [tilespmem:$0x1C010];
	v41 =	vmul.f32 v62, v62;
	v42 =	vmul.f32 v63, v63  }
0x140: {  	v51 =	vld [tilespmem:$0x1C020];
	v39 =	vadd.f32 v40, v39  }
0x141: {  	v38 =	vmul.f32 v48, v59;
	v41 =	vadd.f32 v42, v41  }
0x142: {  	v53 =	vadd.f32 v52, v47;
	v39 =	vmul.f32 v39, v47  }
0x143: {  	v38 =	vadd.f32 v49, v38;
	v41 =	vmul.f32 v41, v47  }
0x144: {  	[tilespmem:$0x1C030] =	vst v53;
	v39 =	vadd.f32 v50, v39  }
0x145: {  	v54 =	vld [tilespmem:$0x1CD90];
	[tilespmem:$0x1C000] =	vst v38;
	v40 =	vadd.f32 v41, v51  }
0x146: {  	v55 =	vld [tilespmem:$0x1CB90];
	[tilespmem:$0x1C010] =	vst v39  }
0x147: {  	v57 =	vld [tilespmem:$0x1CC10];
	[tilespmem:$0x1C020] =	vst v40  }
0x148: {  	v56 =	vld.idx.msk [tilespmem:v9+s20+$0x0], $0xffff  }
0x149: {  	v58 =	vld.idx.msk [tilespmem:v10+s20+$0x0], $0xffff  }
0x14a: {  	v59 =	vld.idx.msk [tilespmem:v11+s20+$0x0], $0xffff  }
0x14b: {  	v48 =	vld.idx.msk [tilespmem:v12+s20+$0x0], $0xffff  }
0x14c: {  	v49 =	vld [tilespmem:$0x1CC90]  }
0x14d: {  	v50 =	vld [tilespmem:$0x1CD10];
	_ =	sdelay $0x1  }
0x14e: {  	v44 =	vcvt.s32.f32 v56;
	v46 =	vcvt.s32.f32 v58  }
0x14f: {  	v47 =	vcvt.s32.f32 v59;
	v48 =	vcvt.s32.f32 v48  }
0x150: {  	v60 =	vsel vm6, $0x3F800000, v2;
	v43 =	vsub.f32 v55, v44;
	v45 =	vsub.f32 v57, v46  }
0x151: {  	v63 =	vmul.f32 v54, v60;
	v61 =	vsub.f32 v49, v47;
	v62 =	vsub.f32 v50, v48  }
0x152: {  	v43 =	vmul.f32 v43, v43;
	v45 =	vmul.f32 v45, v45  }
0x153: {  	v46 =	vmul.f32 v61, v61;
	v47 =	vmul.f32 v62, v62  }
0x154: {  	v42 =	vmul.f32 v63, v54;
	v43 =	vadd.f32 v45, v43  }
0x155: {  	v50 =	vadd.f32 v47, v46  }
0x156: {  	v38 =	vadd.f32 v42, v38;
	v43 =	vmul.f32 v43, v60  }
0x157: {  	v41 =	vadd.f32 v53, v60;
	v51 =	vmul.f32 v50, v60  }
0x158: {  	[tilespmem:$0x1C000] =	vst v38;
	v39 =	vadd.f32 v43, v39  }
0x159: {  	v52 =	vld [tilespmem:$0x1CBA0];
	[tilespmem:$0x1C030] =	vst v41;
	v40 =	vadd.f32 v51, v40  }
0x15a: {  	v54 =	vld [tilespmem:$0x1CC20];
	[tilespmem:$0x1C010] =	vst v39  }
0x15b: {  	v42 =	vld [tilespmem:$0x1CDA0];
	[tilespmem:$0x1C020] =	vst v40  }
0x15c: {  	v53 =	vld.idx.msk [tilespmem:v13+s20+$0x0], $0xffff  }
0x15d: {  	v55 =	vld.idx.msk [tilespmem:v14+s20+$0x0], $0xffff  }
0x15e: {  	v56 =	vld.idx.msk [tilespmem:v15+s20+$0x0], $0xffff  }
0x15f: {  	v57 =	vld.idx.msk [tilespmem:v16+s20+$0x0], $0xffff  }
0x160: {  	v58 =	vld [tilespmem:$0x1CCA0]  }
0x161: {  	v59 =	vld [tilespmem:$0x1CD20];
	_ =	sdelay $0x1  }
0x162: {  	v44 =	vcvt.s32.f32 v53;
	v46 =	vcvt.s32.f32 v55  }
0x163: {  	v47 =	vcvt.s32.f32 v56;
	v48 =	vcvt.s32.f32 v57  }
0x164: {  	v60 =	vsel vm5, $0x3F800000, v2;
	v43 =	vsub.f32 v52, v44;
	v45 =	vsub.f32 v54, v46  }
0x165: {  	v63 =	vmul.f32 v42, v60;
	v61 =	vsub.f32 v58, v47;
	v62 =	vsub.f32 v59, v48  }
0x166: {  	v43 =	vmul.f32 v43, v43;
	v45 =	vmul.f32 v45, v45  }
0x167: {  	v46 =	vmul.f32 v61, v61;
	v47 =	vmul.f32 v62, v62  }
0x168: {  	v43 =	vadd.f32 v45, v43  }
0x169: {  	v42 =	vmul.f32 v63, v42;
	v50 =	vadd.f32 v47, v46  }
0x16a: {  	v41 =	vadd.f32 v41, v60;
	v43 =	vmul.f32 v43, v60  }
0x16b: {  	v38 =	vadd.f32 v42, v38;
	v51 =	vmul.f32 v50, v60  }
0x16c: {  	[tilespmem:$0x1C030] =	vst v41;
	v39 =	vadd.f32 v43, v39  }
0x16d: {  	v42 =	vld [tilespmem:$0x1CDB0];
	[tilespmem:$0x1C000] =	vst v38;
	v40 =	vadd.f32 v51, v40  }
0x16e: {  	v52 =	vld [tilespmem:$0x1CBB0];
	[tilespmem:$0x1C010] =	vst v39  }
0x16f: {  	v54 =	vld [tilespmem:$0x1CC30];
	[tilespmem:$0x1C020] =	vst v40  }
0x170: {  	v53 =	vld.idx.msk [tilespmem:v17+s20+$0x0], $0xffff  }
0x171: {  	v55 =	vld.idx.msk [tilespmem:v18+s20+$0x0], $0xffff  }
0x172: {  	v56 =	vld.idx.msk [tilespmem:v19+s20+$0x0], $0xffff  }
0x173: {  	v57 =	vld.idx.msk [tilespmem:v20+s20+$0x0], $0xffff  }
0x174: {  	v58 =	vld [tilespmem:$0x1CCB0]  }
0x175: {  	v59 =	vld [tilespmem:$0x1CD30];
	_ =	sdelay $0x1  }
0x176: {  	v44 =	vcvt.s32.f32 v53;
	v46 =	vcvt.s32.f32 v55  }
0x177: {  	v47 =	vcvt.s32.f32 v56;
	v48 =	vcvt.s32.f32 v57  }
0x178: {  	v60 =	vsel vm4, $0x3F800000, v2;
	v43 =	vsub.f32 v52, v44;
	v45 =	vsub.f32 v54, v46  }
0x179: {  	v63 =	vmul.f32 v42, v60;
	v61 =	vsub.f32 v58, v47;
	v62 =	vsub.f32 v59, v48  }
0x17a: {  	v43 =	vmul.f32 v43, v43;
	v45 =	vmul.f32 v45, v45  }
0x17b: {  	v46 =	vmul.f32 v61, v61;
	v47 =	vmul.f32 v62, v62  }
0x17c: {  	v43 =	vadd.f32 v45, v43  }
0x17d: {  	v42 =	vmul.f32 v63, v42;
	v51 =	vadd.f32 v47, v46  }
0x17e: {  	v41 =	vadd.f32 v41, v60;
	v43 =	vmul.f32 v43, v60  }
0x17f: {  	v38 =	vadd.f32 v42, v38;
	v52 =	vmul.f32 v51, v60  }
0x180: {  	[tilespmem:$0x1C030] =	vst v41;
	v39 =	vadd.f32 v43, v39  }
0x181: {  	v42 =	vld [tilespmem:$0x1CDC0];
	[tilespmem:$0x1C000] =	vst v38;
	v40 =	vadd.f32 v52, v40  }
0x182: {  	v53 =	vld [tilespmem:$0x1CBC0];
	[tilespmem:$0x1C010] =	vst v39  }
0x183: {  	v55 =	vld [tilespmem:$0x1CC40];
	[tilespmem:$0x1C020] =	vst v40  }
0x184: {  	v54 =	vld.idx.msk [tilespmem:v21+s20+$0x0], $0xffff  }
0x185: {  	v56 =	vld.idx.msk [tilespmem:v22+s20+$0x0], $0xffff  }
0x186: {  	v57 =	vld.idx.msk [tilespmem:v23+s20+$0x0], $0xffff  }
0x187: {  	v58 =	vld.idx.msk [tilespmem:v24+s20+$0x0], $0xffff  }
0x188: {  	v59 =	vld [tilespmem:$0x1CCC0]  }
0x189: {  	v60 =	vld [tilespmem:$0x1CD40];
	_ =	sdelay $0x1  }
0x18a: {  	v44 =	vcvt.s32.f32 v54;
	v46 =	vcvt.s32.f32 v56  }
0x18b: {  	v47 =	vcvt.s32.f32 v57;
	v48 =	vcvt.s32.f32 v58  }
0x18c: {  	v61 =	vsel vm3, $0x3F800000, v2;
	v43 =	vsub.f32 v53, v44;
	v45 =	vsub.f32 v55, v46  }
0x18d: {  	v52 =	vmul.f32 v42, v61;
	v62 =	vsub.f32 v59, v47;
	v63 =	vsub.f32 v60, v48  }
0x18e: {  	v43 =	vmul.f32 v43, v43;
	v45 =	vmul.f32 v45, v45  }
0x18f: {  	v46 =	vmul.f32 v62, v62;
	v47 =	vmul.f32 v63, v63  }
0x190: {  	v43 =	vadd.f32 v45, v43  }
0x191: {  	v42 =	vmul.f32 v52, v42;
	v53 =	vadd.f32 v47, v46  }
0x192: {  	v41 =	vadd.f32 v41, v61;
	v43 =	vmul.f32 v43, v61  }
0x193: {  	v38 =	vadd.f32 v42, v38;
	v54 =	vmul.f32 v53, v61  }
0x194: {  	[tilespmem:$0x1C030] =	vst v41;
	v39 =	vadd.f32 v43, v39  }
0x195: {  	v42 =	vld [tilespmem:$0x1CDD0];
	[tilespmem:$0x1C000] =	vst v38;
	v40 =	vadd.f32 v54, v40  }
0x196: {  	v57 =	vld [tilespmem:$0x1CC50];
	[tilespmem:$0x1C010] =	vst v39  }
0x197: {  	v55 =	vld [tilespmem:$0x1CBD0];
	[tilespmem:$0x1C020] =	vst v40  }
0x198: {  	v56 =	vld.idx.msk [tilespmem:v25+s20+$0x0], $0xffff  }
0x199: {  	v58 =	vld.idx.msk [tilespmem:v26+s20+$0x0], $0xffff  }
0x19a: {  	v59 =	vld.idx.msk [tilespmem:v27+s20+$0x0], $0xffff  }
0x19b: {  	v60 =	vld.idx.msk [tilespmem:v28+s20+$0x0], $0xffff  }
0x19c: {  	v62 =	vld [tilespmem:$0x1CD50]  }
0x19d: {  	v61 =	vld [tilespmem:$0x1CCD0];
	_ =	sdelay $0x1  }
0x19e: {  	v44 =	vcvt.s32.f32 v56;
	v46 =	vcvt.s32.f32 v58  }
0x19f: {  	v47 =	vcvt.s32.f32 v59;
	v48 =	vcvt.s32.f32 v60  }
0x1a0: {  	v63 =	vsel vm2, $0x3F800000, v2;
	v43 =	vsub.f32 v55, v44;
	v45 =	vsub.f32 v57, v46  }
0x1a1: {  	v54 =	vmul.f32 v42, v63;
	v52 =	vsub.f32 v61, v47;
	v53 =	vsub.f32 v62, v48  }
0x1a2: {  	v43 =	vmul.f32 v43, v43;
	v45 =	vmul.f32 v45, v45  }
0x1a3: {  	v46 =	vmul.f32 v52, v52;
	v47 =	vmul.f32 v53, v53  }
0x1a4: {  	v43 =	vadd.f32 v45, v43  }
0x1a5: {  	v42 =	vmul.f32 v54, v42;
	v55 =	vadd.f32 v47, v46  }
0x1a6: {  	v41 =	vadd.f32 v41, v63;
	v43 =	vmul.f32 v43, v63  }
0x1a7: {  	v38 =	vadd.f32 v42, v38;
	v56 =	vmul.f32 v55, v63  }
0x1a8: {  	[tilespmem:$0x1C030] =	vst v41;
	v39 =	vadd.f32 v43, v39  }
0x1a9: {  	v42 =	vld [tilespmem:$0x1CDE0];
	[tilespmem:$0x1C000] =	vst v38;
	v40 =	vadd.f32 v56, v40  }
0x1aa: {  	v59 =	vld [tilespmem:$0x1CC60];
	[tilespmem:$0x1C010] =	vst v39  }
0x1ab: {  	v57 =	vld [tilespmem:$0x1CBE0];
	[tilespmem:$0x1C020] =	vst v40  }
0x1ac: {  	v58 =	vld.idx.msk [tilespmem:v29+s20+$0x0], $0xffff  }
0x1ad: {  	v60 =	vld.idx.msk [tilespmem:v30+s20+$0x0], $0xffff  }
0x1ae: {  	v61 =	vld.idx.msk [tilespmem:v31+s20+$0x0], $0xffff  }
0x1af: {  	v62 =	vld.idx.msk [tilespmem:v32+s20+$0x0], $0xffff  }
0x1b0: {  	v52 =	vld [tilespmem:$0x1CD60]  }
0x1b1: {  	v63 =	vld [tilespmem:$0x1CCE0];
	_ =	sdelay $0x1  }
0x1b2: {  	v44 =	vcvt.s32.f32 v58;
	v46 =	vcvt.s32.f32 v60  }
0x1b3: {  	v47 =	vcvt.s32.f32 v61;
	v48 =	vcvt.s32.f32 v62  }
0x1b4: {  	v53 =	vsel vm1, $0x3F800000, v2;
	v43 =	vsub.f32 v57, v44;
	v45 =	vsub.f32 v59, v46  }
0x1b5: {  	v56 =	vmul.f32 v42, v53;
	v54 =	vsub.f32 v63, v47;
	v55 =	vsub.f32 v52, v48  }
0x1b6: {  	v43 =	vmul.f32 v43, v43;
	v45 =	vmul.f32 v45, v45  }
0x1b7: {  	v46 =	vmul.f32 v54, v54;
	v47 =	vmul.f32 v55, v55  }
0x1b8: {  	v43 =	vadd.f32 v45, v43  }
0x1b9: {  	v42 =	vmul.f32 v56, v42;
	v57 =	vadd.f32 v47, v46  }
0x1ba: {  	v41 =	vadd.f32 v41, v53;
	v43 =	vmul.f32 v43, v53  }
0x1bb: {  	v38 =	vadd.f32 v42, v38;
	v58 =	vmul.f32 v57, v53  }
0x1bc: {  	[tilespmem:$0x1C030] =	vst v41;
	v39 =	vadd.f32 v43, v39  }
0x1bd: {  	v42 =	vld [tilespmem:$0x1CDF0];
	[tilespmem:$0x1C000] =	vst v38;
	v40 =	vadd.f32 v58, v40  }
0x1be: {  	v61 =	vld [tilespmem:$0x1CC70];
	[tilespmem:$0x1C010] =	vst v39  }
0x1bf: {  	v59 =	vld [tilespmem:$0x1CBF0];
	[tilespmem:$0x1C020] =	vst v40  }
0x1c0: {  	v60 =	vld.idx.msk [tilespmem:v33+s20+$0x0], $0xffff  }
0x1c1: {  	v62 =	vld.idx.msk [tilespmem:v34+s20+$0x0], $0xffff  }
0x1c2: {  	v63 =	vld.idx.msk [tilespmem:v35+s20+$0x0], $0xffff  }
0x1c3: {  	v52 =	vld.idx.msk [tilespmem:v36+s20+$0x0], $0xffff  }
0x1c4: {  	v54 =	vld [tilespmem:$0x1CD70]  }
0x1c5: {  	v53 =	vld [tilespmem:$0x1CCF0];
	_ =	sdelay $0x1  }
0x1c6: {  	v44 =	vcvt.s32.f32 v60;
	v46 =	vcvt.s32.f32 v62  }
0x1c7: {  	v47 =	vcvt.s32.f32 v63;
	v48 =	vcvt.s32.f32 v52  }
0x1c8: {  	v56 =	vsel vm0, $0x3F800000, v2;
	v43 =	vsub.f32 v59, v44;
	v55 =	vsub.f32 v61, v46  }
0x1c9: {  	v57 =	vsub.f32 v53, v47;
	v58 =	vsub.f32 v54, v48;
	v59 =	vmul.f32 v42, v56  }
0x1ca: {  	v43 =	vmul.f32 v43, v43;
	v44 =	vmul.f32 v55, v55  }
0x1cb: {  	v46 =	vmul.f32 v57, v57;
	v47 =	vmul.f32 v58, v58  }
0x1cc: {  	v43 =	vadd.f32 v44, v43  }
0x1cd: {  	v42 =	vmul.f32 v59, v42;
	v60 =	vadd.f32 v47, v46  }
0x1ce: {  	p1 =	sne.s32 s30, $0x1;
	v63 =	vadd.f32 v41, v56;
	v43 =	vmul.f32 v43, v56  }
.Ltmp16:
0x1cf: {  	v38 =	vadd.f32 v42, v38;
	v61 =	vmul.f32 v60, v56;
	(pc) =	sbr.rel @p1 .LBB2_15-.Ltmp16, $4  }
0x1d0: {  	[tilespmem:$0x1C030] =	vst v63;
	v39 =	vadd.f32 v43, v39  }
0x1d1: {  	[tilespmem:$0x1C000] =	vst v38;
	v62 =	vadd.f32 v61, v40  }
0x1d2: {  	s30 =	sadd.s32 $0xFFFFFFFF, s30;
	[tilespmem:$0x1C010] =	vst v39  }
0x1d3: {  	s31 =	sadd.s32 $0x80, s31;
	s0 =	sadd.s32 $0x80, s0;
	s2 =	sadd.s32 $0x80, s2;
	[tilespmem:$0x1C020] =	vst v62  }
.Ltmp17:
0x1d4: {  	_ = 	snop;
	(pc) =	sbr.rel .LBB2_16-.Ltmp17, $1  }
0x1d5: {  	_ =	sdelay $0x3  }
.LBB2_19:
0x1d6: {  	_ =	sfence.sel $0x180000  }
0x1d7: {  	[bflag:$0x0] =	sbarrier.arrive $0xFFFF  }
0x1d8: {  	_ =	strace $0x90000047  }
0x1d9: {  	s0 =	stileid.u32;
	[bflag:$0x2] =	sbarrier.arrive $0xFFFF  }
0x1da: {  	p0 =	sne.s32 s0, $0x0;
	s0 =	rddreg [dreg:$0x2]  }
0x1db: {  	s0 =	sadd.s32 @!p0 $0x100000, s0  }
0x1dc: {  	[sflag:s0] =	ssyncadd.tile.s32 @!p0 $0x1;
	_ =	shalt  }
.Lfunc_end2:
_tile_overlayer_lowered:
.L_overlay_start_2:
0x1dd: {  	(tag) =	ssettag $0x2  }
0x1de: {  	s0 =	rddreg [dreg:$0x0];
	s2 =	stileid.u32  }
0x1df: {  	s1 =	rddreg [dreg:$0x1];
	p0 =	sne.s32 s2, $0x0  }
0x1e0: {  	s3 =	rddreg [dreg:$0x2];
	[bflag:$0x3] =	sbarrier.arrive $0xFFFF;
	s2 =	simm.s32 @!p0 $0x1C02  }
0x1e1: {  	[timem:s3], [sflag:s2] =	dma.local @!p0 [hbm:s0], s1  }
0x1e2: {  	s0 =	simm.s32 @!p0 $0x2  }
0x1e3: {  	_ =	swait.ge @!p0 [sflag:s0], s1  }
0x1e4: {  	s1 =	ssub.s32 @!p0 $0x0, s1;
	[sflag:s0] =	ssyncset.done @!p0 $0x0  }
0x1e5: {  	[sflag:s0] =	ssyncadd.s32 @!p0 s1  }
0x1e6: {  	[bflag:$0x3] =	sbarrier.arrive $0xFFFF  }
0x1e7: {  	_ =	shalt  }

</sc_bundles>
